<compile_context>
chip_gen: v7x
topology: tpu7x:2x2x1
jax: 0.10.2.dev20260603
libtpu: 0.0.44.dev20260713+nightly
codegen_flags: <defaults>
</compile_context>

<pallas_src>
import functools

import jax
import jax.numpy as jnp
from jax import lax
from jax.experimental import pallas as pl
from jax.experimental.pallas import tpu as pltpu
from jax.experimental.pallas import tpu_sc as plsc

_B, _N, _C = 4, 786432, 16
_SUB = 16
_PPS = _N // _SUB
_CH = 24576
_GS = 128
_TAIL = 128
_NPLANES = _B * _C // 2


def _order_map_body(xt_hbm, idx_hbm, out_hbm, plane_sh, idx_v, outb_v,
                    zero_v, sem):
    cid = lax.axis_index("c")
    sid = lax.axis_index("s")

    pltpu.sync_copy(idx_hbm.at[pl.ds(sid * _PPS, _PPS)], idx_v)

    @pl.when(sid == 0)
    def _zero_tail():
        for k in range(_TAIL // 16):
            zero_v[pl.ds(k * 16, 16)] = jnp.zeros((16,), jnp.float32)
        pltpu.sync_copy(zero_v, plane_sh.at[pl.ds(_N, _TAIL)])

    def plane_body(p, _):
        g = cid * _NPLANES + p
        b = g // _C
        c = g % _C

        @pl.when(sid == 0)
        def _load():
            pltpu.sync_copy(xt_hbm.at[b, c], plane_sh.at[pl.ds(0, _N)])

        plsc.subcore_barrier()

        def chunk_body(ci, _):
            hs = [
                pltpu.async_copy(
                    plane_sh.at[idx_v.at[pl.ds(ci * _CH + j * _GS, _GS)]],
                    outb_v.at[pl.ds(j * _GS, _GS)],
                    sem,
                )
                for j in range(_CH // _GS)
            ]
            for h in hs:
                h.wait()
            pltpu.sync_copy(
                outb_v,
                out_hbm.at[b, c, pl.ds(sid * _PPS + ci * _CH, _CH)])
            return _

        lax.fori_loop(0, _PPS // _CH, chunk_body, 0)
        plsc.subcore_barrier()
        return _

    lax.fori_loop(0, _NPLANES, plane_body, 0)


@jax.jit
def kernel(x, indices):
    xt = jnp.transpose(x, (0, 2, 1))
    mesh = plsc.VectorSubcoreMesh(core_axis_name="c", subcore_axis_name="s")
    run = functools.partial(
        pl.kernel,
        mesh=mesh,
        compiler_params=pltpu.CompilerParams(
            needs_layout_passes=False, use_tc_tiling_on_sc=True),
        out_type=jax.ShapeDtypeStruct((_B, _C, _N), jnp.float32),
        scratch_types=[
            pltpu.VMEM_SHARED((_N + _TAIL,), jnp.float32),
            pltpu.VMEM((_PPS,), jnp.int32),
            pltpu.VMEM((_CH,), jnp.float32),
            pltpu.VMEM((_TAIL,), jnp.float32),
            pltpu.SemaphoreType.DMA,
        ],
    )(_order_map_body)
    out_t = run(xt, indices)
    return jnp.transpose(out_t, (0, 2, 1))

# --- scband reference (transcript-rebuilt; emitter-appended) ---
"""Pipeline reference for scband-order-map-30537217474614 (READ-ONLY COPY).

The authoritative reference and input builder live on the scoring server;
editing this copy changes nothing except your own understanding.
"""

import jax, jax.numpy as jnp
import numpy as np

B, N, C = 4, 786432, 16  # HEALPix nside=256 -> 12*256**2 pixels

def setup_inputs(seed: int = 0) -> dict:
    key = jax.random.key(seed)
    kx, ki = jax.random.split(key)
    x = jax.random.normal(kx, (B, N, C), dtype=jnp.float32)
    # indices in [0, N]; value N points at the appended zero-pad row
    indices = jax.random.randint(ki, (N,), 0, N + 1, dtype=jnp.int32)
    return {"x": x, "indices": indices}

def reference(x, indices):
    # tf.to_float
    xf = x.astype(jnp.float32)
    # zero-pad row appended along pixel axis (axis=1)
    zero = jnp.zeros((xf.shape[0], 1, xf.shape[2]), dtype=jnp.float32)
    x1 = jnp.concatenate([xf, zero], axis=1)
    # tf.gather(x1, indices, axis=1)
    reordered = jnp.take(x1, indices, axis=1)
    return reordered

if __name__ == "__main__":
    import jax
    _d = setup_inputs()
    print(jax.jit(kernel)(*tuple(_d.values())))

</pallas_src>

<mosaic_0001>
#map = affine_map<(d0, d1) -> (0, 0, 0)>
#map1 = affine_map<(d0, d1) -> (0)>
module attributes {stable_mosaic.version = 14 : i64} {
  func.func @_order_map_body(%arg0: i32, %arg1: i32, %arg2: memref<4x16x786432xf32, #tpu.memory_space<hbm>>, %arg3: memref<786432xi32, #tpu.memory_space<hbm>>, %arg4: memref<4x16x786432xf32, #tpu.memory_space<hbm>>, %arg5: memref<786560xf32, #tpu.memory_space<vmem_shared>>, %arg6: memref<49152xi32, #tpu.memory_space<vmem>>, %arg7: memref<24576xf32, #tpu.memory_space<vmem>>, %arg8: memref<128xf32, #tpu.memory_space<vmem>>, %arg9: memref<!tpu.dma_semaphore, #tpu.memory_space<semaphore_mem>>) attributes {dimension_semantics = [#tpu.dimension_semantics<core_parallel>, #tpu.dimension_semantics<subcore_parallel>], iteration_bounds = array<i64: 2, 16>, scalar_prefetch = 0 : i64, scratch_operands = 5 : i64, tpu.core_type = #tpu.core_type<sc_vector_subcore>, window_params = [{transform_indices = #map}, {transform_indices = #map1}, {transform_indices = #map}]} {
    %mul3A = arith.constant 49152 : i32
    %mul3A_0 = arith.muli %arg1, %mul3A : i32
    "tpu.region"() ({
      %run_scoped3A = tpu.sem_alloc : memref<!tpu.dma_semaphore, #tpu.memory_space<semaphore_mem>>
      %dma_start3A = tpu.memref_slice %arg3[%mul3A_0] : memref<786432xi32, #tpu.memory_space<hbm>> -> memref<49152xi32, #tpu.memory_space<hbm>>
      %dma_start3A_8 = tpu.memref_slice %arg3[%mul3A_0] : memref<786432xi32, #tpu.memory_space<hbm>> -> memref<49152xi32, #tpu.memory_space<hbm>>
      tpu.enqueue_dma source(%dma_start3A_8 : memref<49152xi32, #tpu.memory_space<hbm>>) target(%arg6 : memref<49152xi32, #tpu.memory_space<vmem>>) target_semaphore(%run_scoped3A : memref<!tpu.dma_semaphore, #tpu.memory_space<semaphore_mem>>)
      %dma_wait3A = tpu.memref_slice %arg3[%mul3A_0] : memref<786432xi32, #tpu.memory_space<hbm>> -> memref<49152xi32, #tpu.memory_space<hbm>>
      %dma_wait3A_9 = tpu.memref_slice %arg3[%mul3A_0] : memref<786432xi32, #tpu.memory_space<hbm>> -> memref<49152xi32, #tpu.memory_space<hbm>>
      tpu.wait_dma2 semaphore(%run_scoped3A : memref<!tpu.dma_semaphore, #tpu.memory_space<semaphore_mem>>) src(%dma_wait3A_9 : memref<49152xi32, #tpu.memory_space<hbm>>) dst(%arg6 : memref<49152xi32, #tpu.memory_space<vmem>>)
      tpu.yield
    }) : () -> ()
    %eq3A = arith.constant 0 : i32
    %eq3A_1 = arith.cmpi eq, %arg1, %eq3A : i32
    %convert_element_type3A = arith.extui %eq3A_1 : i1 to i32
    %cond3A = arith.constant 0 : i32
    %cond3A_2 = arith.cmpi ne, %convert_element_type3A, %cond3A : i32
    scf.if %cond3A_2 {
      %broadcast_in_dim3A = arith.constant 0.000000e+00 : f32
      %broadcast_in_dim3A_8 = vector.broadcast %broadcast_in_dim3A : f32 to vector<16xf32>
      %swap3A = arith.constant 0 : index
      %swap3A_9 = tpu.vector_load %arg8[%swap3A] {strides = array<i32>} : memref<128xf32, #tpu.memory_space<vmem>>, vector<16xf32>,
      tpu.vector_store %arg8[%swap3A], %broadcast_in_dim3A_8 {strides = array<i32>} : memref<128xf32, #tpu.memory_space<vmem>>, vector<16xf32>,
      %broadcast_in_dim3A_10 = arith.constant 0.000000e+00 : f32
      %broadcast_in_dim3A_11 = vector.broadcast %broadcast_in_dim3A_10 : f32 to vector<16xf32>
      %swap3A_12 = arith.constant 16 : index
      %swap3A_13 = tpu.vector_load %arg8[%swap3A_12] {strides = array<i32>} : memref<128xf32, #tpu.memory_space<vmem>>, vector<16xf32>,
      tpu.vector_store %arg8[%swap3A_12], %broadcast_in_dim3A_11 {strides = array<i32>} : memref<128xf32, #tpu.memory_space<vmem>>, vector<16xf32>,
      %broadcast_in_dim3A_14 = arith.constant 0.000000e+00 : f32
      %broadcast_in_dim3A_15 = vector.broadcast %broadcast_in_dim3A_14 : f32 to vector<16xf32>
      %swap3A_16 = arith.constant 32 : index
      %swap3A_17 = tpu.vector_load %arg8[%swap3A_16] {strides = array<i32>} : memref<128xf32, #tpu.memory_space<vmem>>, vector<16xf32>,
      tpu.vector_store %arg8[%swap3A_16], %broadcast_in_dim3A_15 {strides = array<i32>} : memref<128xf32, #tpu.memory_space<vmem>>, vector<16xf32>,
      %broadcast_in_dim3A_18 = arith.constant 0.000000e+00 : f32
      %broadcast_in_dim3A_19 = vector.broadcast %broadcast_in_dim3A_18 : f32 to vector<16xf32>
      %swap3A_20 = arith.constant 48 : index
      %swap3A_21 = tpu.vector_load %arg8[%swap3A_20] {strides = array<i32>} : memref<128xf32, #tpu.memory_space<vmem>>, vector<16xf32>,
      tpu.vector_store %arg8[%swap3A_20], %broadcast_in_dim3A_19 {strides = array<i32>} : memref<128xf32, #tpu.memory_space<vmem>>, vector<16xf32>,
      %broadcast_in_dim3A_22 = arith.constant 0.000000e+00 : f32
      %broadcast_in_dim3A_23 = vector.broadcast %broadcast_in_dim3A_22 : f32 to vector<16xf32>
      %swap3A_24 = arith.constant 64 : index
      %swap3A_25 = tpu.vector_load %arg8[%swap3A_24] {strides = array<i32>} : memref<128xf32, #tpu.memory_space<vmem>>, vector<16xf32>,
      tpu.vector_store %arg8[%swap3A_24], %broadcast_in_dim3A_23 {strides = array<i32>} : memref<128xf32, #tpu.memory_space<vmem>>, vector<16xf32>,
      %broadcast_in_dim3A_26 = arith.constant 0.000000e+00 : f32
      %broadcast_in_dim3A_27 = vector.broadcast %broadcast_in_dim3A_26 : f32 to vector<16xf32>
      %swap3A_28 = arith.constant 80 : index
      %swap3A_29 = tpu.vector_load %arg8[%swap3A_28] {strides = array<i32>} : memref<128xf32, #tpu.memory_space<vmem>>, vector<16xf32>,
      tpu.vector_store %arg8[%swap3A_28], %broadcast_in_dim3A_27 {strides = array<i32>} : memref<128xf32, #tpu.memory_space<vmem>>, vector<16xf32>,
      %broadcast_in_dim3A_30 = arith.constant 0.000000e+00 : f32
      %broadcast_in_dim3A_31 = vector.broadcast %broadcast_in_dim3A_30 : f32 to vector<16xf32>
      %swap3A_32 = arith.constant 96 : index
      %swap3A_33 = tpu.vector_load %arg8[%swap3A_32] {strides = array<i32>} : memref<128xf32, #tpu.memory_space<vmem>>, vector<16xf32>,
      tpu.vector_store %arg8[%swap3A_32], %broadcast_in_dim3A_31 {strides = array<i32>} : memref<128xf32, #tpu.memory_space<vmem>>, vector<16xf32>,
      %broadcast_in_dim3A_34 = arith.constant 0.000000e+00 : f32
      %broadcast_in_dim3A_35 = vector.broadcast %broadcast_in_dim3A_34 : f32 to vector<16xf32>
      %swap3A_36 = arith.constant 112 : index
      %swap3A_37 = tpu.vector_load %arg8[%swap3A_36] {strides = array<i32>} : memref<128xf32, #tpu.memory_space<vmem>>, vector<16xf32>,
      tpu.vector_store %arg8[%swap3A_36], %broadcast_in_dim3A_35 {strides = array<i32>} : memref<128xf32, #tpu.memory_space<vmem>>, vector<16xf32>,
      "tpu.region"() ({
        %run_scoped3A = tpu.sem_alloc : memref<!tpu.dma_semaphore, #tpu.memory_space<semaphore_mem>>
        %dma_start3A = arith.constant 786432 : i32
        %dma_start3A_38 = tpu.memref_slice %arg5[%dma_start3A] : memref<786560xf32, #tpu.memory_space<vmem_shared>> -> memref<128xf32, #tpu.memory_space<vmem_shared>>
        %dma_start3A_39 = arith.constant 786432 : i32
        %dma_start3A_40 = tpu.memref_slice %arg5[%dma_start3A_39] : memref<786560xf32, #tpu.memory_space<vmem_shared>> -> memref<128xf32, #tpu.memory_space<vmem_shared>>
        tpu.enqueue_dma source(%arg8 : memref<128xf32, #tpu.memory_space<vmem>>) target(%dma_start3A_40 : memref<128xf32, #tpu.memory_space<vmem_shared>>) target_semaphore(%run_scoped3A : memref<!tpu.dma_semaphore, #tpu.memory_space<semaphore_mem>>)
        %dma_wait3A = arith.constant 786432 : i32
        %dma_wait3A_41 = tpu.memref_slice %arg5[%dma_wait3A] : memref<786560xf32, #tpu.memory_space<vmem_shared>> -> memref<128xf32, #tpu.memory_space<vmem_shared>>
        %dma_wait3A_42 = arith.constant 786432 : i32
        %dma_wait3A_43 = tpu.memref_slice %arg5[%dma_wait3A_42] : memref<786560xf32, #tpu.memory_space<vmem_shared>> -> memref<128xf32, #tpu.memory_space<vmem_shared>>
        tpu.wait_dma2 semaphore(%run_scoped3A : memref<!tpu.dma_semaphore, #tpu.memory_space<semaphore_mem>>) src(%arg8 : memref<128xf32, #tpu.memory_space<vmem>>) dst(%dma_wait3A_43 : memref<128xf32, #tpu.memory_space<vmem_shared>>)
        tpu.yield
      }) : () -> ()
    } else {
    }
    %scan3A = arith.constant 0 : i32
    %scan3A_3 = arith.constant 0 : i32
    %scan3A_4 = arith.constant 32 : i32
    %scan3A_5 = arith.addi %scan3A_3, %scan3A_4 : i32
    %scan3A_6 = arith.constant 1 : i32
    scf.for %scan3A_8 = %scan3A_3 to %scan3A_5 step %scan3A_6  : i32 {
      %mul3A_9 = arith.constant 32 : i32
      %mul3A_10 = arith.muli %arg0, %mul3A_9 : i32
      %add3A = arith.addi %mul3A_10, %scan3A_8 : i32
      %jit3A = arith.constant 16 : i32
      %div3A = arith.divsi %add3A, %jit3A : i32
      %sign3A = arith.constant 0 : i32
      %sign3A_11 = arith.cmpi sgt, %add3A, %sign3A : i32
      %sign3A_12 = arith.extui %sign3A_11 : i1 to i32
      %sign3A_13 = arith.constant 0 : i32
      %sign3A_14 = arith.cmpi slt, %add3A, %sign3A_13 : i32
      %sign3A_15 = arith.extui %sign3A_14 : i1 to i32
      %sign3A_16 = arith.subi %sign3A_12, %sign3A_15 : i32
      %sign3A_17 = arith.constant 0 : i32
      %sign3A_18 = arith.cmpi sgt, %jit3A, %sign3A_17 : i32
      %sign3A_19 = arith.extui %sign3A_18 : i1 to i32
      %sign3A_20 = arith.constant 0 : i32
      %sign3A_21 = arith.cmpi slt, %jit3A, %sign3A_20 : i32
      %sign3A_22 = arith.extui %sign3A_21 : i1 to i32
      %sign3A_23 = arith.subi %sign3A_19, %sign3A_22 : i32
      %ne3A = arith.cmpi ne, %sign3A_16, %sign3A_23 : i32
      %rem3A = arith.remsi %add3A, %jit3A : i32
      %ne3A_24 = arith.constant 0 : i32
      %ne3A_25 = arith.cmpi ne, %rem3A, %ne3A_24 : i32
      %and3A = arith.andi %ne3A, %ne3A_25 : i1
      %sub3A = arith.constant 1 : i32
      %sub3A_26 = arith.subi %div3A, %sub3A : i32
      %select_n3A = arith.select %and3A, %sub3A_26, %div3A : i32
      %jit3A_27 = arith.constant 16 : i32
      %eq3A_28 = arith.constant 0 : i32
      %eq3A_29 = arith.cmpi eq, %jit3A_27, %eq3A_28 : i32
      %jit3A_30 = arith.constant 1 : i32
      %select_n3A_31 = arith.select %eq3A_29, %jit3A_30, %jit3A_27 : i32
      %rem3A_32 = arith.remsi %add3A, %select_n3A_31 : i32
      %ne3A_33 = arith.constant 0 : i32
      %ne3A_34 = arith.cmpi ne, %rem3A_32, %ne3A_33 : i32
      %lt3A = arith.constant 0 : i32
      %lt3A_35 = arith.cmpi slt, %rem3A_32, %lt3A : i32
      %lt3A_36 = arith.constant 0 : i32
      %lt3A_37 = arith.cmpi slt, %select_n3A_31, %lt3A_36 : i32
      %ne3A_38 = arith.xori %lt3A_35, %lt3A_37 : i1
      %and3A_39 = arith.andi %ne3A_38, %ne3A_34 : i1
      %add3A_40 = arith.addi %rem3A_32, %select_n3A_31 : i32
      %select_n3A_41 = arith.select %and3A_39, %add3A_40, %rem3A_32 : i32
      %eq3A_42 = arith.constant 0 : i32
      %eq3A_43 = arith.cmpi eq, %arg1, %eq3A_42 : i32
      %convert_element_type3A_44 = arith.extui %eq3A_43 : i1 to i32
      %cond3A_45 = arith.constant 0 : i32
      %cond3A_46 = arith.cmpi ne, %convert_element_type3A_44, %cond3A_45 : i32
      scf.if %cond3A_46 {
        "tpu.region"() ({
          %run_scoped3A = tpu.sem_alloc : memref<!tpu.dma_semaphore, #tpu.memory_space<semaphore_mem>>
          %dma_start3A = arith.constant 0 : i32
          %dma_start3A_54 = tpu.memref_slice %arg5[%dma_start3A] : memref<786560xf32, #tpu.memory_space<vmem_shared>> -> memref<786432xf32, #tpu.memory_space<vmem_shared>>
          %dma_start3A_55 = arith.constant 0 : i32
          %dma_start3A_56 = tpu.memref_slice %arg2[%select_n3A, %select_n3A_41, %dma_start3A_55] : memref<4x16x786432xf32, #tpu.memory_space<hbm>> -> memref<1x1x786432xf32, #tpu.memory_space<hbm>>
          %dma_start3A_57 = tpu.memref_squeeze %dma_start3A_56 : memref<1x1x786432xf32, #tpu.memory_space<hbm>> -> memref<786432xf32, #tpu.memory_space<hbm>>
          tpu.enqueue_dma source(%dma_start3A_57 : memref<786432xf32, #tpu.memory_space<hbm>>) target(%dma_start3A_54 : memref<786432xf32, #tpu.memory_space<vmem_shared>>) target_semaphore(%run_scoped3A : memref<!tpu.dma_semaphore, #tpu.memory_space<semaphore_mem>>)
          %dma_wait3A = arith.constant 0 : i32
          %dma_wait3A_58 = tpu.memref_slice %arg5[%dma_wait3A] : memref<786560xf32, #tpu.memory_space<vmem_shared>> -> memref<786432xf32, #tpu.memory_space<vmem_shared>>
          %dma_wait3A_59 = arith.constant 0 : i32
          %dma_wait3A_60 = tpu.memref_slice %arg2[%select_n3A, %select_n3A_41, %dma_wait3A_59] : memref<4x16x786432xf32, #tpu.memory_space<hbm>> -> memref<1x1x786432xf32, #tpu.memory_space<hbm>>
          %dma_wait3A_61 = tpu.memref_squeeze %dma_wait3A_60 : memref<1x1x786432xf32, #tpu.memory_space<hbm>> -> memref<786432xf32, #tpu.memory_space<hbm>>
          tpu.wait_dma2 semaphore(%run_scoped3A : memref<!tpu.dma_semaphore, #tpu.memory_space<semaphore_mem>>) src(%dma_wait3A_61 : memref<786432xf32, #tpu.memory_space<hbm>>) dst(%dma_wait3A_58 : memref<786432xf32, #tpu.memory_space<vmem_shared>>)
          tpu.yield
        }) : () -> ()
      } else {
      }
      %barrier3A = arith.constant 0 : index
      tpu.barrier barrier_id(%barrier3A)
      %scan3A_47 = arith.constant 0 : i32
      %scan3A_48 = arith.constant 0 : i32
      %scan3A_49 = arith.constant 2 : i32
      %scan3A_50 = arith.addi %scan3A_48, %scan3A_49 : i32
      %scan3A_51 = arith.constant 1 : i32
      scf.for %scan3A_54 = %scan3A_48 to %scan3A_50 step %scan3A_51  : i32 {
        %mul3A_55 = arith.constant 24576 : i32
        %mul3A_56 = arith.muli %scan3A_54, %mul3A_55 : i32
        %add3A_57 = arith.constant 0 : i32
        %add3A_58 = arith.addi %mul3A_56, %add3A_57 : i32
        %dma_start3A = arith.constant 0 : i32
        %dma_start3A_59 = tpu.memref_slice %arg7[%dma_start3A] : memref<24576xf32, #tpu.memory_space<vmem>> -> memref<128xf32, #tpu.memory_space<vmem>>
        %dma_start3A_60 = tpu.memref_slice %arg6[%add3A_58] : memref<49152xi32, #tpu.memory_space<vmem>> -> memref<128xi32, #tpu.memory_space<vmem>>
        %dma_start3A_61 = arith.constant 0 : i32
        %dma_start3A_62 = tpu.memref_slice %arg5[%dma_start3A_61] : memref<786560xf32, #tpu.memory_space<vmem_shared>> -> memref<786560xf32, #tpu.memory_space<vmem_shared>>
        tpu.enqueue_indirect_dma source(%dma_start3A_62 : memref<786560xf32, #tpu.memory_space<vmem_shared>>) target(%dma_start3A_59 : memref<128xf32, #tpu.memory_space<vmem>>) offsets(%dma_start3A_60 : memref<128xi32, #tpu.memory_space<vmem>>) semaphore(%arg9 : memref<!tpu.dma_semaphore, #tpu.memory_space<semaphore_mem>>)
        %mul3A_63 = arith.constant 24576 : i32
        %mul3A_64 = arith.muli %scan3A_54, %mul3A_63 : i32
        %add3A_65 = arith.constant 128 : i32
        %add3A_66 = arith.addi %mul3A_64, %add3A_65 : i32
        %dma_start3A_67 = arith.constant 128 : i32
        %dma_start3A_68 = tpu.memref_slice %arg7[%dma_start3A_67] : memref<24576xf32, #tpu.memory_space<vmem>> -> memref<128xf32, #tpu.memory_space<vmem>>
        %dma_start3A_69 = tpu.memref_slice %arg6[%add3A_66] : memref<49152xi32, #tpu.memory_space<vmem>> -> memref<128xi32, #tpu.memory_space<vmem>>
        %dma_start3A_70 = arith.constant 0 : i32
        %dma_start3A_71 = tpu.memref_slice %arg5[%dma_start3A_70] : memref<786560xf32, #tpu.memory_space<vmem_shared>> -> memref<786560xf32, #tpu.memory_space<vmem_shared>>
        tpu.enqueue_indirect_dma source(%dma_start3A_71 : memref<786560xf32, #tpu.memory_space<vmem_shared>>) target(%dma_start3A_68 : memref<128xf32, #tpu.memory_space<vmem>>) offsets(%dma_start3A_69 : memref<128xi32, #tpu.memory_space<vmem>>) semaphore(%arg9 : memref<!tpu.dma_semaphore, #tpu.memory_space<semaphore_mem>>)
        %mul3A_72 = arith.constant 24576 : i32
        %mul3A_73 = arith.muli %scan3A_54, %mul3A_72 : i32
        %add3A_74 = arith.constant 256 : i32
        %add3A_75 = arith.addi %mul3A_73, %add3A_74 : i32
        %dma_start3A_76 = arith.constant 256 : i32
        %dma_start3A_77 = tpu.memref_slice %arg7[%dma_start3A_76] : memref<24576xf32, #tpu.memory_space<vmem>> -> memref<128xf32, #tpu.memory_space<vmem>>
        %dma_start3A_78 = tpu.memref_slice %arg6[%add3A_75] : memref<49152xi32, #tpu.memory_space<vmem>> -> memref<128xi32, #tpu.memory_space<vmem>>
        %dma_start3A_79 = arith.constant 0 : i32
        %dma_start3A_80 = tpu.memref_slice %arg5[%dma_start3A_79] : memref<786560xf32, #tpu.memory_space<vmem_shared>> -> memref<786560xf32, #tpu.memory_space<vmem_shared>>
        tpu.enqueue_indirect_dma source(%dma_start3A_80 : memref<786560xf32, #tpu.memory_space<vmem_shared>>) target(%dma_start3A_77 : memref<128xf32, #tpu.memory_space<vmem>>) offsets(%dma_start3A_78 : memref<128xi32, #tpu.memory_space<vmem>>) semaphore(%arg9 : memref<!tpu.dma_semaphore, #tpu.memory_space<semaphore_mem>>)
        %mul3A_81 = arith.constant 24576 : i32
        %mul3A_82 = arith.muli %scan3A_54, %mul3A_81 : i32
        %add3A_83 = arith.constant 384 : i32
        %add3A_84 = arith.addi %mul3A_82, %add3A_83 : i32
        %dma_start3A_85 = arith.constant 384 : i32
        %dma_start3A_86 = tpu.memref_slice %arg7[%dma_start3A_85] : memref<24576xf32, #tpu.memory_space<vmem>> -> memref<128xf32, #tpu.memory_space<vmem>>
        %dma_start3A_87 = tpu.memref_slice %arg6[%add3A_84] : memref<49152xi32, #tpu.memory_space<vmem>> -> memref<128xi32, #tpu.memory_space<vmem>>
        %dma_start3A_88 = arith.constant 0 : i32
        %dma_start3A_89 = tpu.memref_slice %arg5[%dma_start3A_88] : memref<786560xf32, #tpu.memory_space<vmem_shared>> -> memref<786560xf32, #tpu.memory_space<vmem_shared>>
        tpu.enqueue_indirect_dma source(%dma_start3A_89 : memref<786560xf32, #tpu.memory_space<vmem_shared>>) target(%dma_start3A_86 : memref<128xf32, #tpu.memory_space<vmem>>) offsets(%dma_start3A_87 : memref<128xi32, #tpu.memory_space<vmem>>) semaphore(%arg9 : memref<!tpu.dma_semaphore, #tpu.memory_space<semaphore_mem>>)
        %mul3A_90 = arith.constant 24576 : i32
        %mul3A_91 = arith.muli %scan3A_54, %mul3A_90 : i32
        %add3A_92 = arith.constant 512 : i32
        %add3A_93 = arith.addi %mul3A_91, %add3A_92 : i32
        %dma_start3A_94 = arith.constant 512 : i32
        %dma_start3A_95 = tpu.memref_slice %arg7[%dma_start3A_94] : memref<24576xf32, #tpu.memory_space<vmem>> -> memref<128xf32, #tpu.memory_space<vmem>>
        %dma_start3A_96 = tpu.memref_slice %arg6[%add3A_93] : memref<49152xi32, #tpu.memory_space<vmem>> -> memref<128xi32, #tpu.memory_space<vmem>>
        %dma_start3A_97 = arith.constant 0 : i32
        %dma_start3A_98 = tpu.memref_slice %arg5[%dma_start3A_97] : memref<786560xf32, #tpu.memory_space<vmem_shared>> -> memref<786560xf32, #tpu.memory_space<vmem_shared>>
        tpu.enqueue_indirect_dma source(%dma_start3A_98 : memref<786560xf32, #tpu.memory_space<vmem_shared>>) target(%dma_start3A_95 : memref<128xf32, #tpu.memory_space<vmem>>) offsets(%dma_start3A_96 : memref<128xi32, #tpu.memory_space<vmem>>) semaphore(%arg9 : memref<!tpu.dma_semaphore, #tpu.memory_space<semaphore_mem>>)
        %mul3A_99 = arith.constant 24576 : i32
        %mul3A_100 = arith.muli %scan3A_54, %mul3A_99 : i32
        %add3A_101 = arith.constant 640 : i32
        %add3A_102 = arith.addi %mul3A_100, %add3A_101 : i32
        %dma_start3A_103 = arith.constant 640 : i32
        %dma_start3A_104 = tpu.memref_slice %arg7[%dma_start3A_103] : memref<24576xf32, #tpu.memory_space<vmem>> -> memref<128xf32, #tpu.memory_space<vmem>>
        %dma_start3A_105 = tpu.memref_slice %arg6[%add3A_102] : memref<49152xi32, #tpu.memory_space<vmem>> -> memref<128xi32, #tpu.memory_space<vmem>>
        %dma_start3A_106 = arith.constant 0 : i32
        %dma_start3A_107 = tpu.memref_slice %arg5[%dma_start3A_106] : memref<786560xf32, #tpu.memory_space<vmem_shared>> -> memref<786560xf32, #tpu.memory_space<vmem_shared>>
        tpu.enqueue_indirect_dma source(%dma_start3A_107 : memref<786560xf32, #tpu.memory_space<vmem_shared>>) target(%dma_start3A_104 : memref<128xf32, #tpu.memory_space<vmem>>) offsets(%dma_start3A_105 : memref<128xi32, #tpu.memory_space<vmem>>) semaphore(%arg9 : memref<!tpu.dma_semaphore, #tpu.memory_space<semaphore_mem>>)
        %mul3A_108 = arith.constant 24576 : i32
        %mul3A_109 = arith.muli %scan3A_54, %mul3A_108 : i32
        %add3A_110 = arith.constant 768 : i32
        %add3A_111 = arith.addi %mul3A_109, %add3A_110 : i32
        %dma_start3A_112 = arith.constant 768 : i32
        %dma_start3A_113 = tpu.memref_slice %arg7[%dma_start3A_112] : memref<24576xf32, #tpu.memory_space<vmem>> -> memref<128xf32, #tpu.memory_space<vmem>>
        %dma_start3A_114 = tpu.memref_slice %arg6[%add3A_111] : memref<49152xi32, #tpu.memory_space<vmem>> -> memref<128xi32, #tpu.memory_space<vmem>>
        %dma_start3A_115 = arith.constant 0 : i32
        %dma_start3A_116 = tpu.memref_slice %arg5[%dma_start3A_115] : memref<786560xf32, #tpu.memory_space<vmem_shared>> -> memref<786560xf32, #tpu.memory_space<vmem_shared>>
        tpu.enqueue_indirect_dma source(%dma_start3A_116 : memref<786560xf32, #tpu.memory_space<vmem_shared>>) target(%dma_start3A_113 : memref<128xf32, #tpu.memory_space<vmem>>) offsets(%dma_start3A_114 : memref<128xi32, #tpu.memory_space<vmem>>) semaphore(%arg9 : memref<!tpu.dma_semaphore, #tpu.memory_space<semaphore_mem>>)
        %mul3A_117 = arith.constant 24576 : i32
        %mul3A_118 = arith.muli %scan3A_54, %mul3A_117 : i32
        %add3A_119 = arith.constant 896 : i32
        %add3A_120 = arith.addi %mul3A_118, %add3A_119 : i32
        %dma_start3A_121 = arith.constant 896 : i32
        %dma_start3A_122 = tpu.memref_slice %arg7[%dma_start3A_121] : memref<24576xf32, #tpu.memory_space<vmem>> -> memref<128xf32, #tpu.memory_space<vmem>>
        %dma_start3A_123 = tpu.memref_slice %arg6[%add3A_120] : memref<49152xi32, #tpu.memory_space<vmem>> -> memref<128xi32, #tpu.memory_space<vmem>>
        %dma_start3A_124 = arith.constant 0 : i32
        %dma_start3A_125 = tpu.memref_slice %arg5[%dma_start3A_124] : memref<786560xf32, #tpu.memory_space<vmem_shared>> -> memref<786560xf32, #tpu.memory_space<vmem_shared>>
        tpu.enqueue_indirect_dma source(%dma_start3A_125 : memref<786560xf32, #tpu.memory_space<vmem_shared>>) target(%dma_start3A_122 : memref<128xf32, #tpu.memory_space<vmem>>) offsets(%dma_start3A_123 : memref<128xi32, #tpu.memory_space<vmem>>) semaphore(%arg9 : memref<!tpu.dma_semaphore, #tpu.memory_space<semaphore_mem>>)
        %mul3A_126 = arith.constant 24576 : i32
        %mul3A_127 = arith.muli %scan3A_54, %mul3A_126 : i32
        %add3A_128 = arith.constant 1024 : i32
        %add3A_129 = arith.addi %mul3A_127, %add3A_128 : i32
        %dma_start3A_130 = arith.constant 1024 : i32
        %dma_start3A_131 = tpu.memref_slice %arg7[%dma_start3A_130] : memref<24576xf32, #tpu.memory_space<vmem>> -> memref<128xf32, #tpu.memory_space<vmem>>
        %dma_start3A_132 = tpu.memref_slice %arg6[%add3A_129] : memref<49152xi32, #tpu.memory_space<vmem>> -> memref<128xi32, #tpu.memory_space<vmem>>
        %dma_start3A_133 = arith.constant 0 : i32
        %dma_start3A_134 = tpu.memref_slice %arg5[%dma_start3A_133] : memref<786560xf32, #tpu.memory_space<vmem_shared>> -> memref<786560xf32, #tpu.memory_space<vmem_shared>>
        tpu.enqueue_indirect_dma source(%dma_start3A_134 : memref<786560xf32, #tpu.memory_space<vmem_shared>>) target(%dma_start3A_131 : memref<128xf32, #tpu.memory_space<vmem>>) offsets(%dma_start3A_132 : memref<128xi32, #tpu.memory_space<vmem>>) semaphore(%arg9 : memref<!tpu.dma_semaphore, #tpu.memory_space<semaphore_mem>>)
        %mul3A_135 = arith.constant 24576 : i32
        %mul3A_136 = arith.muli %scan3A_54, %mul3A_135 : i32
        %add3A_137 = arith.constant 1152 : i32
        %add3A_138 = arith.addi %mul3A_136, %add3A_137 : i32
        %dma_start3A_139 = arith.constant 1152 : i32
        %dma_start3A_140 = tpu.memref_slice %arg7[%dma_start3A_139] : memref<24576xf32, #tpu.memory_space<vmem>> -> memref<128xf32, #tpu.memory_space<vmem>>
        %dma_start3A_141 = tpu.memref_slice %arg6[%add3A_138] : memref<49152xi32, #tpu.memory_space<vmem>> -> memref<128xi32, #tpu.memory_space<vmem>>
        %dma_start3A_142 = arith.constant 0 : i32
        %dma_start3A_143 = tpu.memref_slice %arg5[%dma_start3A_142] : memref<786560xf32, #tpu.memory_space<vmem_shared>> -> memref<786560xf32, #tpu.memory_space<vmem_shared>>
        tpu.enqueue_indirect_dma source(%dma_start3A_143 : memref<786560xf32, #tpu.memory_space<vmem_shared>>) target(%dma_start3A_140 : memref<128xf32, #tpu.memory_space<vmem>>) offsets(%dma_start3A_141 : memref<128xi32, #tpu.memory_space<vmem>>) semaphore(%arg9 : memref<!tpu.dma_semaphore, #tpu.memory_space<semaphore_mem>>)
        %mul3A_144 = arith.constant 24576 : i32
        %mul3A_145 = arith.muli %scan3A_54, %mul3A_144 : i32
        %add3A_146 = arith.constant 1280 : i32
        %add3A_147 = arith.addi %mul3A_145, %add3A_146 : i32
        %dma_start3A_148 = arith.constant 1280 : i32
        %dma_start3A_149 = tpu.memref_slice %arg7[%dma_start3A_148] : memref<24576xf32, #tpu.memory_space<vmem>> -> memref<128xf32, #tpu.memory_space<vmem>>
        %dma_start3A_150 = tpu.memref_slice %arg6[%add3A_147] : memref<49152xi32, #tpu.memory_space<vmem>> -> memref<128xi32, #tpu.memory_space<vmem>>
        %dma_start3A_151 = arith.constant 0 : i32
        %dma_start3A_152 = tpu.memref_slice %arg5[%dma_start3A_151] : memref<786560xf32, #tpu.memory_space<vmem_shared>> -> memref<786560xf32, #tpu.memory_space<vmem_shared>>
        tpu.enqueue_indirect_dma source(%dma_start3A_152 : memref<786560xf32, #tpu.memory_space<vmem_shared>>) target(%dma_start3A_149 : memref<128xf32, #tpu.memory_space<vmem>>) offsets(%dma_start3A_150 : memref<128xi32, #tpu.memory_space<vmem>>) semaphore(%arg9 : memref<!tpu.dma_semaphore, #tpu.memory_space<semaphore_mem>>)
        %mul3A_153 = arith.constant 24576 : i32
        %mul3A_154 = arith.muli %scan3A_54, %mul3A_153 : i32
        %add3A_155 = arith.constant 1408 : i32
        %add3A_156 = arith.addi %mul3A_154, %add3A_155 : i32
        %dma_start3A_157 = arith.constant 1408 : i32
        %dma_start3A_158 = tpu.memref_slice %arg7[%dma_start3A_157] : memref<24576xf32, #tpu.memory_space<vmem>> -> memref<128xf32, #tpu.memory_space<vmem>>
        %dma_start3A_159 = tpu.memref_slice %arg6[%add3A_156] : memref<49152xi32, #tpu.memory_space<vmem>> -> memref<128xi32, #tpu.memory_space<vmem>>
        %dma_start3A_160 = arith.constant 0 : i32
        %dma_start3A_161 = tpu.memref_slice %arg5[%dma_start3A_160] : memref<786560xf32, #tpu.memory_space<vmem_shared>> -> memref<786560xf32, #tpu.memory_space<vmem_shared>>
        tpu.enqueue_indirect_dma source(%dma_start3A_161 : memref<786560xf32, #tpu.memory_space<vmem_shared>>) target(%dma_start3A_158 : memref<128xf32, #tpu.memory_space<vmem>>) offsets(%dma_start3A_159 : memref<128xi32, #tpu.memory_space<vmem>>) semaphore(%arg9 : memref<!tpu.dma_semaphore, #tpu.memory_space<semaphore_mem>>)
        %mul3A_162 = arith.constant 24576 : i32
        %mul3A_163 = arith.muli %scan3A_54, %mul3A_162 : i32
        %add3A_164 = arith.constant 1536 : i32
        %add3A_165 = arith.addi %mul3A_163, %add3A_164 : i32
        %dma_start3A_166 = arith.constant 1536 : i32
        %dma_start3A_167 = tpu.memref_slice %arg7[%dma_start3A_166] : memref<24576xf32, #tpu.memory_space<vmem>> -> memref<128xf32, #tpu.memory_space<vmem>>
        %dma_start3A_168 = tpu.memref_slice %arg6[%add3A_165] : memref<49152xi32, #tpu.memory_space<vmem>> -> memref<128xi32, #tpu.memory_space<vmem>>
        %dma_start3A_169 = arith.constant 0 : i32
        %dma_start3A_170 = tpu.memref_slice %arg5[%dma_start3A_169] : memref<786560xf32, #tpu.memory_space<vmem_shared>> -> memref<786560xf32, #tpu.memory_space<vmem_shared>>
        tpu.enqueue_indirect_dma source(%dma_start3A_170 : memref<786560xf32, #tpu.memory_space<vmem_shared>>) target(%dma_start3A_167 : memref<128xf32, #tpu.memory_space<vmem>>) offsets(%dma_start3A_168 : memref<128xi32, #tpu.memory_space<vmem>>) semaphore(%arg9 : memref<!tpu.dma_semaphore, #tpu.memory_space<semaphore_mem>>)
        %mul3A_171 = arith.constant 24576 : i32
        %mul3A_172 = arith.muli %scan3A_54, %mul3A_171 : i32
        %add3A_173 = arith.constant 1664 : i32
        %add3A_174 = arith.addi %mul3A_172, %add3A_173 : i32
        %dma_start3A_175 = arith.constant 1664 : i32
        %dma_start3A_176 = tpu.memref_slice %arg7[%dma_start3A_175] : memref<24576xf32, #tpu.memory_space<vmem>> -> memref<128xf32, #tpu.memory_space<vmem>>
        %dma_start3A_177 = tpu.memref_slice %arg6[%add3A_174] : memref<49152xi32, #tpu.memory_space<vmem>> -> memref<128xi32, #tpu.memory_space<vmem>>
        %dma_start3A_178 = arith.constant 0 : i32
        %dma_start3A_179 = tpu.memref_slice %arg5[%dma_start3A_178] : memref<786560xf32, #tpu.memory_space<vmem_shared>> -> memref<786560xf32, #tpu.memory_space<vmem_shared>>
        tpu.enqueue_indirect_dma source(%dma_start3A_179 : memref<786560xf32, #tpu.memory_space<vmem_shared>>) target(%dma_start3A_176 : memref<128xf32, #tpu.memory_space<vmem>>) offsets(%dma_start3A_177 : memref<128xi32, #tpu.memory_space<vmem>>) semaphore(%arg9 : memref<!tpu.dma_semaphore, #tpu.memory_space<semaphore_mem>>)
        %mul3A_180 = arith.constant 24576 : i32
        %mul3A_181 = arith.muli %scan3A_54, %mul3A_180 : i32
        %add3A_182 = arith.constant 1792 : i32
        %add3A_183 = arith.addi %mul3A_181, %add3A_182 : i32
        %dma_start3A_184 = arith.constant 1792 : i32
        %dma_start3A_185 = tpu.memref_slice %arg7[%dma_start3A_184] : memref<24576xf32, #tpu.memory_space<vmem>> -> memref<128xf32, #tpu.memory_space<vmem>>
        %dma_start3A_186 = tpu.memref_slice %arg6[%add3A_183] : memref<49152xi32, #tpu.memory_space<vmem>> -> memref<128xi32, #tpu.memory_space<vmem>>
        %dma_start3A_187 = arith.constant 0 : i32
        %dma_start3A_188 = tpu.memref_slice %arg5[%dma_start3A_187] : memref<786560xf32, #tpu.memory_space<vmem_shared>> -> memref<786560xf32, #tpu.memory_space<vmem_shared>>
        tpu.enqueue_indirect_dma source(%dma_start3A_188 : memref<786560xf32, #tpu.memory_space<vmem_shared>>) target(%dma_start3A_185 : memref<128xf32, #tpu.memory_space<vmem>>) offsets(%dma_start3A_186 : memref<128xi32, #tpu.memory_space<vmem>>) semaphore(%arg9 : memref<!tpu.dma_semaphore, #tpu.memory_space<semaphore_mem>>)
        %mul3A_189 = arith.constant 24576 : i32
        %mul3A_190 = arith.muli %scan3A_54, %mul3A_189 : i32
        %add3A_191 = arith.constant 1920 : i32
        %add3A_192 = arith.addi %mul3A_190, %add3A_191 : i32
        %dma_start3A_193 = arith.constant 1920 : i32
        %dma_start3A_194 = tpu.memref_slice %arg7[%dma_start3A_193] : memref<24576xf32, #tpu.memory_space<vmem>> -> memref<128xf32, #tpu.memory_space<vmem>>
        %dma_start3A_195 = tpu.memref_slice %arg6[%add3A_192] : memref<49152xi32, #tpu.memory_space<vmem>> -> memref<128xi32, #tpu.memory_space<vmem>>
        %dma_start3A_196 = arith.constant 0 : i32
        %dma_start3A_197 = tpu.memref_slice %arg5[%dma_start3A_196] : memref<786560xf32, #tpu.memory_space<vmem_shared>> -> memref<786560xf32, #tpu.memory_space<vmem_shared>>
        tpu.enqueue_indirect_dma source(%dma_start3A_197 : memref<786560xf32, #tpu.memory_space<vmem_shared>>) target(%dma_start3A_194 : memref<128xf32, #tpu.memory_space<vmem>>) offsets(%dma_start3A_195 : memref<128xi32, #tpu.memory_space<vmem>>) semaphore(%arg9 : memref<!tpu.dma_semaphore, #tpu.memory_space<semaphore_mem>>)
        %mul3A_198 = arith.constant 24576 : i32
        %mul3A_199 = arith.muli %scan3A_54, %mul3A_198 : i32
        %add3A_200 = arith.constant 2048 : i32
        %add3A_201 = arith.addi %mul3A_199, %add3A_200 : i32
        %dma_start3A_202 = arith.constant 2048 : i32
        %dma_start3A_203 = tpu.memref_slice %arg7[%dma_start3A_202] : memref<24576xf32, #tpu.memory_space<vmem>> -> memref<128xf32, #tpu.memory_space<vmem>>
        %dma_start3A_204 = tpu.memref_slice %arg6[%add3A_201] : memref<49152xi32, #tpu.memory_space<vmem>> -> memref<128xi32, #tpu.memory_space<vmem>>
        %dma_start3A_205 = arith.constant 0 : i32
        %dma_start3A_206 = tpu.memref_slice %arg5[%dma_start3A_205] : memref<786560xf32, #tpu.memory_space<vmem_shared>> -> memref<786560xf32, #tpu.memory_space<vmem_shared>>
        tpu.enqueue_indirect_dma source(%dma_start3A_206 : memref<786560xf32, #tpu.memory_space<vmem_shared>>) target(%dma_start3A_203 : memref<128xf32, #tpu.memory_space<vmem>>) offsets(%dma_start3A_204 : memref<128xi32, #tpu.memory_space<vmem>>) semaphore(%arg9 : memref<!tpu.dma_semaphore, #tpu.memory_space<semaphore_mem>>)
        %mul3A_207 = arith.constant 24576 : i32
        %mul3A_208 = arith.muli %scan3A_54, %mul3A_207 : i32
        %add3A_209 = arith.constant 2176 : i32
        %add3A_210 = arith.addi %mul3A_208, %add3A_209 : i32
        %dma_start3A_211 = arith.constant 2176 : i32
        %dma_start3A_212 = tpu.memref_slice %arg7[%dma_start3A_211] : memref<24576xf32, #tpu.memory_space<vmem>> -> memref<128xf32, #tpu.memory_space<vmem>>
        %dma_start3A_213 = tpu.memref_slice %arg6[%add3A_210] : memref<49152xi32, #tpu.memory_space<vmem>> -> memref<128xi32, #tpu.memory_space<vmem>>
        %dma_start3A_214 = arith.constant 0 : i32
        %dma_start3A_215 = tpu.memref_slice %arg5[%dma_start3A_214] : memref<786560xf32, #tpu.memory_space<vmem_shared>> -> memref<786560xf32, #tpu.memory_space<vmem_shared>>
        tpu.enqueue_indirect_dma source(%dma_start3A_215 : memref<786560xf32, #tpu.memory_space<vmem_shared>>) target(%dma_start3A_212 : memref<128xf32, #tpu.memory_space<vmem>>) offsets(%dma_start3A_213 : memref<128xi32, #tpu.memory_space<vmem>>) semaphore(%arg9 : memref<!tpu.dma_semaphore, #tpu.memory_space<semaphore_mem>>)
        %mul3A_216 = arith.constant 24576 : i32
        %mul3A_217 = arith.muli %scan3A_54, %mul3A_216 : i32
        %add3A_218 = arith.constant 2304 : i32
        %add3A_219 = arith.addi %mul3A_217, %add3A_218 : i32
        %dma_start3A_220 = arith.constant 2304 : i32
        %dma_start3A_221 = tpu.memref_slice %arg7[%dma_start3A_220] : memref<24576xf32, #tpu.memory_space<vmem>> -> memref<128xf32, #tpu.memory_space<vmem>>
        %dma_start3A_222 = tpu.memref_slice %arg6[%add3A_219] : memref<49152xi32, #tpu.memory_space<vmem>> -> memref<128xi32, #tpu.memory_space<vmem>>
        %dma_start3A_223 = arith.constant 0 : i32
        %dma_start3A_224 = tpu.memref_slice %arg5[%dma_start3A_223] : memref<786560xf32, #tpu.memory_space<vmem_shared>> -> memref<786560xf32, #tpu.memory_space<vmem_shared>>
        tpu.enqueue_indirect_dma source(%dma_start3A_224 : memref<786560xf32, #tpu.memory_space<vmem_shared>>) target(%dma_start3A_221 : memref<128xf32, #tpu.memory_space<vmem>>) offsets(%dma_start3A_222 : memref<128xi32, #tpu.memory_space<vmem>>) semaphore(%arg9 : memref<!tpu.dma_semaphore, #tpu.memory_space<semaphore_mem>>)
        %mul3A_225 = arith.constant 24576 : i32
        %mul3A_226 = arith.muli %scan3A_54, %mul3A_225 : i32
        %add3A_227 = arith.constant 2432 : i32
        %add3A_228 = arith.addi %mul3A_226, %add3A_227 : i32
        %dma_start3A_229 = arith.constant 2432 : i32
        %dma_start3A_230 = tpu.memref_slice %arg7[%dma_start3A_229] : memref<24576xf32, #tpu.memory_space<vmem>> -> memref<128xf32, #tpu.memory_space<vmem>>
        %dma_start3A_231 = tpu.memref_slice %arg6[%add3A_228] : memref<49152xi32, #tpu.memory_space<vmem>> -> memref<128xi32, #tpu.memory_space<vmem>>
        %dma_start3A_232 = arith.constant 0 : i32
        %dma_start3A_233 = tpu.memref_slice %arg5[%dma_start3A_232] : memref<786560xf32, #tpu.memory_space<vmem_shared>> -> memref<786560xf32, #tpu.memory_space<vmem_shared>>
        tpu.enqueue_indirect_dma source(%dma_start3A_233 : memref<786560xf32, #tpu.memory_space<vmem_shared>>) target(%dma_start3A_230 : memref<128xf32, #tpu.memory_space<vmem>>) offsets(%dma_start3A_231 : memref<128xi32, #tpu.memory_space<vmem>>) semaphore(%arg9 : memref<!tpu.dma_semaphore, #tpu.memory_space<semaphore_mem>>)
        %mul3A_234 = arith.constant 24576 : i32
        %mul3A_235 = arith.muli %scan3A_54, %mul3A_234 : i32
        %add3A_236 = arith.constant 2560 : i32
        %add3A_237 = arith.addi %mul3A_235, %add3A_236 : i32
        %dma_start3A_238 = arith.constant 2560 : i32
        %dma_start3A_239 = tpu.memref_slice %arg7[%dma_start3A_238] : memref<24576xf32, #tpu.memory_space<vmem>> -> memref<128xf32, #tpu.memory_space<vmem>>
        %dma_start3A_240 = tpu.memref_slice %arg6[%add3A_237] : memref<49152xi32, #tpu.memory_space<vmem>> -> memref<128xi32, #tpu.memory_space<vmem>>
        %dma_start3A_241 = arith.constant 0 : i32
        %dma_start3A_242 = tpu.memref_slice %arg5[%dma_start3A_241] : memref<786560xf32, #tpu.memory_space<vmem_shared>> -> memref<786560xf32, #tpu.memory_space<vmem_shared>>
        tpu.enqueue_indirect_dma source(%dma_start3A_242 : memref<786560xf32, #tpu.memory_space<vmem_shared>>) target(%dma_start3A_239 : memref<128xf32, #tpu.memory_space<vmem>>) offsets(%dma_start3A_240 : memref<128xi32, #tpu.memory_space<vmem>>) semaphore(%arg9 : memref<!tpu.dma_semaphore, #tpu.memory_space<semaphore_mem>>)
        %mul3A_243 = arith.constant 24576 : i32
        %mul3A_244 = arith.muli %scan3A_54, %mul3A_243 : i32
        %add3A_245 = arith.constant 2688 : i32
        %add3A_246 = arith.addi %mul3A_244, %add3A_245 : i32
        %dma_start3A_247 = arith.constant 2688 : i32
        %dma_start3A_248 = tpu.memref_slice %arg7[%dma_start3A_247] : memref<24576xf32, #tpu.memory_space<vmem>> -> memref<128xf32, #tpu.memory_space<vmem>>
        %dma_start3A_249 = tpu.memref_slice %arg6[%add3A_246] : memref<49152xi32, #tpu.memory_space<vmem>> -> memref<128xi32, #tpu.memory_space<vmem>>
        %dma_start3A_250 = arith.constant 0 : i32
        %dma_start3A_251 = tpu.memref_slice %arg5[%dma_start3A_250] : memref<786560xf32, #tpu.memory_space<vmem_shared>> -> memref<786560xf32, #tpu.memory_space<vmem_shared>>
        tpu.enqueue_indirect_dma source(%dma_start3A_251 : memref<786560xf32, #tpu.memory_space<vmem_shared>>) target(%dma_start3A_248 : memref<128xf32, #tpu.memory_space<vmem>>) offsets(%dma_start3A_249 : memref<128xi32, #tpu.memory_space<vmem>>) semaphore(%arg9 : memref<!tpu.dma_semaphore, #tpu.memory_space<semaphore_mem>>)
        %mul3A_252 = arith.constant 24576 : i32
        %mul3A_253 = arith.muli %scan3A_54, %mul3A_252 : i32
        %add3A_254 = arith.constant 2816 : i32
        %add3A_255 = arith.addi %mul3A_253, %add3A_254 : i32
        %dma_start3A_256 = arith.constant 2816 : i32
        %dma_start3A_257 = tpu.memref_slice %arg7[%dma_start3A_256] : memref<24576xf32, #tpu.memory_space<vmem>> -> memref<128xf32, #tpu.memory_space<vmem>>
        %dma_start3A_258 = tpu.memref_slice %arg6[%add3A_255] : memref<49152xi32, #tpu.memory_space<vmem>> -> memref<128xi32, #tpu.memory_space<vmem>>
        %dma_start3A_259 = arith.constant 0 : i32
        %dma_start3A_260 = tpu.memref_slice %arg5[%dma_start3A_259] : memref<786560xf32, #tpu.memory_space<vmem_shared>> -> memref<786560xf32, #tpu.memory_space<vmem_shared>>
        tpu.enqueue_indirect_dma source(%dma_start3A_260 : memref<786560xf32, #tpu.memory_space<vmem_shared>>) target(%dma_start3A_257 : memref<128xf32, #tpu.memory_space<vmem>>) offsets(%dma_start3A_258 : memref<128xi32, #tpu.memory_space<vmem>>) semaphore(%arg9 : memref<!tpu.dma_semaphore, #tpu.memory_space<semaphore_mem>>)
        %mul3A_261 = arith.constant 24576 : i32
        %mul3A_262 = arith.muli %scan3A_54, %mul3A_261 : i32
        %add3A_263 = arith.constant 2944 : i32
        %add3A_264 = arith.addi %mul3A_262, %add3A_263 : i32
        %dma_start3A_265 = arith.constant 2944 : i32
        %dma_start3A_266 = tpu.memref_slice %arg7[%dma_start3A_265] : memref<24576xf32, #tpu.memory_space<vmem>> -> memref<128xf32, #tpu.memory_space<vmem>>
        %dma_start3A_267 = tpu.memref_slice %arg6[%add3A_264] : memref<49152xi32, #tpu.memory_space<vmem>> -> memref<128xi32, #tpu.memory_space<vmem>>
        %dma_start3A_268 = arith.constant 0 : i32
        %dma_start3A_269 = tpu.memref_slice %arg5[%dma_start3A_268] : memref<786560xf32, #tpu.memory_space<vmem_shared>> -> memref<786560xf32, #tpu.memory_space<vmem_shared>>
        tpu.enqueue_indirect_dma source(%dma_start3A_269 : memref<786560xf32, #tpu.memory_space<vmem_shared>>) target(%dma_start3A_266 : memref<128xf32, #tpu.memory_space<vmem>>) offsets(%dma_start3A_267 : memref<128xi32, #tpu.memory_space<vmem>>) semaphore(%arg9 : memref<!tpu.dma_semaphore, #tpu.memory_space<semaphore_mem>>)
        %mul3A_270 = arith.constant 24576 : i32
        %mul3A_271 = arith.muli %scan3A_54, %mul3A_270 : i32
        %add3A_272 = arith.constant 3072 : i32
        %add3A_273 = arith.addi %mul3A_271, %add3A_272 : i32
        %dma_start3A_274 = arith.constant 3072 : i32
        %dma_start3A_275 = tpu.memref_slice %arg7[%dma_start3A_274] : memref<24576xf32, #tpu.memory_space<vmem>> -> memref<128xf32, #tpu.memory_space<vmem>>
        %dma_start3A_276 = tpu.memref_slice %arg6[%add3A_273] : memref<49152xi32, #tpu.memory_space<vmem>> -> memref<128xi32, #tpu.memory_space<vmem>>
        %dma_start3A_277 = arith.constant 0 : i32
        %dma_start3A_278 = tpu.memref_slice %arg5[%dma_start3A_277] : memref<786560xf32, #tpu.memory_space<vmem_shared>> -> memref<786560xf32, #tpu.memory_space<vmem_shared>>
        tpu.enqueue_indirect_dma source(%dma_start3A_278 : memref<786560xf32, #tpu.memory_space<vmem_shared>>) target(%dma_start3A_275 : memref<128xf32, #tpu.memory_space<vmem>>) offsets(%dma_start3A_276 : memref<128xi32, #tpu.memory_space<vmem>>) semaphore(%arg9 : memref<!tpu.dma_semaphore, #tpu.memory_space<semaphore_mem>>)
        %mul3A_279 = arith.constant 24576 : i32
        %mul3A_280 = arith.muli %scan3A_54, %mul3A_279 : i32
        %add3A_281 = arith.constant 3200 : i32
        %add3A_282 = arith.addi %mul3A_280, %add3A_281 : i32
        %dma_start3A_283 = arith.constant 3200 : i32
        %dma_start3A_284 = tpu.memref_slice %arg7[%dma_start3A_283] : memref<24576xf32, #tpu.memory_space<vmem>> -> memref<128xf32, #tpu.memory_space<vmem>>
        %dma_start3A_285 = tpu.memref_slice %arg6[%add3A_282] : memref<49152xi32, #tpu.memory_space<vmem>> -> memref<128xi32, #tpu.memory_space<vmem>>
        %dma_start3A_286 = arith.constant 0 : i32
        %dma_start3A_287 = tpu.memref_slice %arg5[%dma_start3A_286] : memref<786560xf32, #tpu.memory_space<vmem_shared>> -> memref<786560xf32, #tpu.memory_space<vmem_shared>>
        tpu.enqueue_indirect_dma source(%dma_start3A_287 : memref<786560xf32, #tpu.memory_space<vmem_shared>>) target(%dma_start3A_284 : memref<128xf32, #tpu.memory_space<vmem>>) offsets(%dma_start3A_285 : memref<128xi32, #tpu.memory_space<vmem>>) semaphore(%arg9 : memref<!tpu.dma_semaphore, #tpu.memory_space<semaphore_mem>>)
        %mul3A_288 = arith.constant 24576 : i32
        %mul3A_289 = arith.muli %scan3A_54, %mul3A_288 : i32
        %add3A_290 = arith.constant 3328 : i32
        %add3A_291 = arith.addi %mul3A_289, %add3A_290 : i32
        %dma_start3A_292 = arith.constant 3328 : i32
        %dma_start3A_293 = tpu.memref_slice %arg7[%dma_start3A_292] : memref<24576xf32, #tpu.memory_space<vmem>> -> memref<128xf32, #tpu.memory_space<vmem>>
        %dma_start3A_294 = tpu.memref_slice %arg6[%add3A_291] : memref<49152xi32, #tpu.memory_space<vmem>> -> memref<128xi32, #tpu.memory_space<vmem>>
        %dma_start3A_295 = arith.constant 0 : i32
        %dma_start3A_296 = tpu.memref_slice %arg5[%dma_start3A_295] : memref<786560xf32, #tpu.memory_space<vmem_shared>> -> memref<786560xf32, #tpu.memory_space<vmem_shared>>
        tpu.enqueue_indirect_dma source(%dma_start3A_296 : memref<786560xf32, #tpu.memory_space<vmem_shared>>) target(%dma_start3A_293 : memref<128xf32, #tpu.memory_space<vmem>>) offsets(%dma_start3A_294 : memref<128xi32, #tpu.memory_space<vmem>>) semaphore(%arg9 : memref<!tpu.dma_semaphore, #tpu.memory_space<semaphore_mem>>)
        %mul3A_297 = arith.constant 24576 : i32
        %mul3A_298 = arith.muli %scan3A_54, %mul3A_297 : i32
        %add3A_299 = arith.constant 3456 : i32
        %add3A_300 = arith.addi %mul3A_298, %add3A_299 : i32
        %dma_start3A_301 = arith.constant 3456 : i32
        %dma_start3A_302 = tpu.memref_slice %arg7[%dma_start3A_301] : memref<24576xf32, #tpu.memory_space<vmem>> -> memref<128xf32, #tpu.memory_space<vmem>>
        %dma_start3A_303 = tpu.memref_slice %arg6[%add3A_300] : memref<49152xi32, #tpu.memory_space<vmem>> -> memref<128xi32, #tpu.memory_space<vmem>>
        %dma_start3A_304 = arith.constant 0 : i32
        %dma_start3A_305 = tpu.memref_slice %arg5[%dma_start3A_304] : memref<786560xf32, #tpu.memory_space<vmem_shared>> -> memref<786560xf32, #tpu.memory_space<vmem_shared>>
        tpu.enqueue_indirect_dma source(%dma_start3A_305 : memref<786560xf32, #tpu.memory_space<vmem_shared>>) target(%dma_start3A_302 : memref<128xf32, #tpu.memory_space<vmem>>) offsets(%dma_start3A_303 : memref<128xi32, #tpu.memory_space<vmem>>) semaphore(%arg9 : memref<!tpu.dma_semaphore, #tpu.memory_space<semaphore_mem>>)
        %mul3A_306 = arith.constant 24576 : i32
        %mul3A_307 = arith.muli %scan3A_54, %mul3A_306 : i32
        %add3A_308 = arith.constant 3584 : i32
        %add3A_309 = arith.addi %mul3A_307, %add3A_308 : i32
        %dma_start3A_310 = arith.constant 3584 : i32
        %dma_start3A_311 = tpu.memref_slice %arg7[%dma_start3A_310] : memref<24576xf32, #tpu.memory_space<vmem>> -> memref<128xf32, #tpu.memory_space<vmem>>
        %dma_start3A_312 = tpu.memref_slice %arg6[%add3A_309] : memref<49152xi32, #tpu.memory_space<vmem>> -> memref<128xi32, #tpu.memory_space<vmem>>
        %dma_start3A_313 = arith.constant 0 : i32
        %dma_start3A_314 = tpu.memref_slice %arg5[%dma_start3A_313] : memref<786560xf32, #tpu.memory_space<vmem_shared>> -> memref<786560xf32, #tpu.memory_space<vmem_shared>>
        tpu.enqueue_indirect_dma source(%dma_start3A_314 : memref<786560xf32, #tpu.memory_space<vmem_shared>>) target(%dma_start3A_311 : memref<128xf32, #tpu.memory_space<vmem>>) offsets(%dma_start3A_312 : memref<128xi32, #tpu.memory_space<vmem>>) semaphore(%arg9 : memref<!tpu.dma_semaphore, #tpu.memory_space<semaphore_mem>>)
        %mul3A_315 = arith.constant 24576 : i32
        %mul3A_316 = arith.muli %scan3A_54, %mul3A_315 : i32
        %add3A_317 = arith.constant 3712 : i32
        %add3A_318 = arith.addi %mul3A_316, %add3A_317 : i32
        %dma_start3A_319 = arith.constant 3712 : i32
        %dma_start3A_320 = tpu.memref_slice %arg7[%dma_start3A_319] : memref<24576xf32, #tpu.memory_space<vmem>> -> memref<128xf32, #tpu.memory_space<vmem>>
        %dma_start3A_321 = tpu.memref_slice %arg6[%add3A_318] : memref<49152xi32, #tpu.memory_space<vmem>> -> memref<128xi32, #tpu.memory_space<vmem>>
        %dma_start3A_322 = arith.constant 0 : i32
        %dma_start3A_323 = tpu.memref_slice %arg5[%dma_start3A_322] : memref<786560xf32, #tpu.memory_space<vmem_shared>> -> memref<786560xf32, #tpu.memory_space<vmem_shared>>
        tpu.enqueue_indirect_dma source(%dma_start3A_323 : memref<786560xf32, #tpu.memory_space<vmem_shared>>) target(%dma_start3A_320 : memref<128xf32, #tpu.memory_space<vmem>>) offsets(%dma_start3A_321 : memref<128xi32, #tpu.memory_space<vmem>>) semaphore(%arg9 : memref<!tpu.dma_semaphore, #tpu.memory_space<semaphore_mem>>)
        %mul3A_324 = arith.constant 24576 : i32
        %mul3A_325 = arith.muli %scan3A_54, %mul3A_324 : i32
        %add3A_326 = arith.constant 3840 : i32
        %add3A_327 = arith.addi %mul3A_325, %add3A_326 : i32
        %dma_start3A_328 = arith.constant 3840 : i32
        %dma_start3A_329 = tpu.memref_slice %arg7[%dma_start3A_328] : memref<24576xf32, #tpu.memory_space<vmem>> -> memref<128xf32, #tpu.memory_space<vmem>>
        %dma_start3A_330 = tpu.memref_slice %arg6[%add3A_327] : memref<49152xi32, #tpu.memory_space<vmem>> -> memref<128xi32, #tpu.memory_space<vmem>>
        %dma_start3A_331 = arith.constant 0 : i32
        %dma_start3A_332 = tpu.memref_slice %arg5[%dma_start3A_331] : memref<786560xf32, #tpu.memory_space<vmem_shared>> -> memref<786560xf32, #tpu.memory_space<vmem_shared>>
        tpu.enqueue_indirect_dma source(%dma_start3A_332 : memref<786560xf32, #tpu.memory_space<vmem_shared>>) target(%dma_start3A_329 : memref<128xf32, #tpu.memory_space<vmem>>) offsets(%dma_start3A_330 : memref<128xi32, #tpu.memory_space<vmem>>) semaphore(%arg9 : memref<!tpu.dma_semaphore, #tpu.memory_space<semaphore_mem>>)
        %mul3A_333 = arith.constant 24576 : i32
        %mul3A_334 = arith.muli %scan3A_54, %mul3A_333 : i32
        %add3A_335 = arith.constant 3968 : i32
        %add3A_336 = arith.addi %mul3A_334, %add3A_335 : i32
        %dma_start3A_337 = arith.constant 3968 : i32
        %dma_start3A_338 = tpu.memref_slice %arg7[%dma_start3A_337] : memref<24576xf32, #tpu.memory_space<vmem>> -> memref<128xf32, #tpu.memory_space<vmem>>
        %dma_start3A_339 = tpu.memref_slice %arg6[%add3A_336] : memref<49152xi32, #tpu.memory_space<vmem>> -> memref<128xi32, #tpu.memory_space<vmem>>
        %dma_start3A_340 = arith.constant 0 : i32
        %dma_start3A_341 = tpu.memref_slice %arg5[%dma_start3A_340] : memref<786560xf32, #tpu.memory_space<vmem_shared>> -> memref<786560xf32, #tpu.memory_space<vmem_shared>>
        tpu.enqueue_indirect_dma source(%dma_start3A_341 : memref<786560xf32, #tpu.memory_space<vmem_shared>>) target(%dma_start3A_338 : memref<128xf32, #tpu.memory_space<vmem>>) offsets(%dma_start3A_339 : memref<128xi32, #tpu.memory_space<vmem>>) semaphore(%arg9 : memref<!tpu.dma_semaphore, #tpu.memory_space<semaphore_mem>>)
        %mul3A_342 = arith.constant 24576 : i32
        %mul3A_343 = arith.muli %scan3A_54, %mul3A_342 : i32
        %add3A_344 = arith.constant 4096 : i32
        %add3A_345 = arith.addi %mul3A_343, %add3A_344 : i32
        %dma_start3A_346 = arith.constant 4096 : i32
        %dma_start3A_347 = tpu.memref_slice %arg7[%dma_start3A_346] : memref<24576xf32, #tpu.memory_space<vmem>> -> memref<128xf32, #tpu.memory_space<vmem>>
        %dma_start3A_348 = tpu.memref_slice %arg6[%add3A_345] : memref<49152xi32, #tpu.memory_space<vmem>> -> memref<128xi32, #tpu.memory_space<vmem>>
        %dma_start3A_349 = arith.constant 0 : i32
        %dma_start3A_350 = tpu.memref_slice %arg5[%dma_start3A_349] : memref<786560xf32, #tpu.memory_space<vmem_shared>> -> memref<786560xf32, #tpu.memory_space<vmem_shared>>
        tpu.enqueue_indirect_dma source(%dma_start3A_350 : memref<786560xf32, #tpu.memory_space<vmem_shared>>) target(%dma_start3A_347 : memref<128xf32, #tpu.memory_space<vmem>>) offsets(%dma_start3A_348 : memref<128xi32, #tpu.memory_space<vmem>>) semaphore(%arg9 : memref<!tpu.dma_semaphore, #tpu.memory_space<semaphore_mem>>)
        %mul3A_351 = arith.constant 24576 : i32
        %mul3A_352 = arith.muli %scan3A_54, %mul3A_351 : i32
        %add3A_353 = arith.constant 4224 : i32
        %add3A_354 = arith.addi %mul3A_352, %add3A_353 : i32
        %dma_start3A_355 = arith.constant 4224 : i32
        %dma_start3A_356 = tpu.memref_slice %arg7[%dma_start3A_355] : memref<24576xf32, #tpu.memory_space<vmem>> -> memref<128xf32, #tpu.memory_space<vmem>>
        %dma_start3A_357 = tpu.memref_slice %arg6[%add3A_354] : memref<49152xi32, #tpu.memory_space<vmem>> -> memref<128xi32, #tpu.memory_space<vmem>>
        %dma_start3A_358 = arith.constant 0 : i32
        %dma_start3A_359 = tpu.memref_slice %arg5[%dma_start3A_358] : memref<786560xf32, #tpu.memory_space<vmem_shared>> -> memref<786560xf32, #tpu.memory_space<vmem_shared>>
        tpu.enqueue_indirect_dma source(%dma_start3A_359 : memref<786560xf32, #tpu.memory_space<vmem_shared>>) target(%dma_start3A_356 : memref<128xf32, #tpu.memory_space<vmem>>) offsets(%dma_start3A_357 : memref<128xi32, #tpu.memory_space<vmem>>) semaphore(%arg9 : memref<!tpu.dma_semaphore, #tpu.memory_space<semaphore_mem>>)
        %mul3A_360 = arith.constant 24576 : i32
        %mul3A_361 = arith.muli %scan3A_54, %mul3A_360 : i32
        %add3A_362 = arith.constant 4352 : i32
        %add3A_363 = arith.addi %mul3A_361, %add3A_362 : i32
        %dma_start3A_364 = arith.constant 4352 : i32
        %dma_start3A_365 = tpu.memref_slice %arg7[%dma_start3A_364] : memref<24576xf32, #tpu.memory_space<vmem>> -> memref<128xf32, #tpu.memory_space<vmem>>
        %dma_start3A_366 = tpu.memref_slice %arg6[%add3A_363] : memref<49152xi32, #tpu.memory_space<vmem>> -> memref<128xi32, #tpu.memory_space<vmem>>
        %dma_start3A_367 = arith.constant 0 : i32
        %dma_start3A_368 = tpu.memref_slice %arg5[%dma_start3A_367] : memref<786560xf32, #tpu.memory_space<vmem_shared>> -> memref<786560xf32, #tpu.memory_space<vmem_shared>>
        tpu.enqueue_indirect_dma source(%dma_start3A_368 : memref<786560xf32, #tpu.memory_space<vmem_shared>>) target(%dma_start3A_365 : memref<128xf32, #tpu.memory_space<vmem>>) offsets(%dma_start3A_366 : memref<128xi32, #tpu.memory_space<vmem>>) semaphore(%arg9 : memref<!tpu.dma_semaphore, #tpu.memory_space<semaphore_mem>>)
        %mul3A_369 = arith.constant 24576 : i32
        %mul3A_370 = arith.muli %scan3A_54, %mul3A_369 : i32
        %add3A_371 = arith.constant 4480 : i32
        %add3A_372 = arith.addi %mul3A_370, %add3A_371 : i32
        %dma_start3A_373 = arith.constant 4480 : i32
        %dma_start3A_374 = tpu.memref_slice %arg7[%dma_start3A_373] : memref<24576xf32, #tpu.memory_space<vmem>> -> memref<128xf32, #tpu.memory_space<vmem>>
        %dma_start3A_375 = tpu.memref_slice %arg6[%add3A_372] : memref<49152xi32, #tpu.memory_space<vmem>> -> memref<128xi32, #tpu.memory_space<vmem>>
        %dma_start3A_376 = arith.constant 0 : i32
        %dma_start3A_377 = tpu.memref_slice %arg5[%dma_start3A_376] : memref<786560xf32, #tpu.memory_space<vmem_shared>> -> memref<786560xf32, #tpu.memory_space<vmem_shared>>
        tpu.enqueue_indirect_dma source(%dma_start3A_377 : memref<786560xf32, #tpu.memory_space<vmem_shared>>) target(%dma_start3A_374 : memref<128xf32, #tpu.memory_space<vmem>>) offsets(%dma_start3A_375 : memref<128xi32, #tpu.memory_space<vmem>>) semaphore(%arg9 : memref<!tpu.dma_semaphore, #tpu.memory_space<semaphore_mem>>)
        %mul3A_378 = arith.constant 24576 : i32
        %mul3A_379 = arith.muli %scan3A_54, %mul3A_378 : i32
        %add3A_380 = arith.constant 4608 : i32
        %add3A_381 = arith.addi %mul3A_379, %add3A_380 : i32
        %dma_start3A_382 = arith.constant 4608 : i32
        %dma_start3A_383 = tpu.memref_slice %arg7[%dma_start3A_382] : memref<24576xf32, #tpu.memory_space<vmem>> -> memref<128xf32, #tpu.memory_space<vmem>>
        %dma_start3A_384 = tpu.memref_slice %arg6[%add3A_381] : memref<49152xi32, #tpu.memory_space<vmem>> -> memref<128xi32, #tpu.memory_space<vmem>>
        %dma_start3A_385 = arith.constant 0 : i32
        %dma_start3A_386 = tpu.memref_slice %arg5[%dma_start3A_385] : memref<786560xf32, #tpu.memory_space<vmem_shared>> -> memref<786560xf32, #tpu.memory_space<vmem_shared>>
        tpu.enqueue_indirect_dma source(%dma_start3A_386 : memref<786560xf32, #tpu.memory_space<vmem_shared>>) target(%dma_start3A_383 : memref<128xf32, #tpu.memory_space<vmem>>) offsets(%dma_start3A_384 : memref<128xi32, #tpu.memory_space<vmem>>) semaphore(%arg9 : memref<!tpu.dma_semaphore, #tpu.memory_space<semaphore_mem>>)
        %mul3A_387 = arith.constant 24576 : i32
        %mul3A_388 = arith.muli %scan3A_54, %mul3A_387 : i32
        %add3A_389 = arith.constant 4736 : i32
        %add3A_390 = arith.addi %mul3A_388, %add3A_389 : i32
        %dma_start3A_391 = arith.constant 4736 : i32
        %dma_start3A_392 = tpu.memref_slice %arg7[%dma_start3A_391] : memref<24576xf32, #tpu.memory_space<vmem>> -> memref<128xf32, #tpu.memory_space<vmem>>
        %dma_start3A_393 = tpu.memref_slice %arg6[%add3A_390] : memref<49152xi32, #tpu.memory_space<vmem>> -> memref<128xi32, #tpu.memory_space<vmem>>
        %dma_start3A_394 = arith.constant 0 : i32
        %dma_start3A_395 = tpu.memref_slice %arg5[%dma_start3A_394] : memref<786560xf32, #tpu.memory_space<vmem_shared>> -> memref<786560xf32, #tpu.memory_space<vmem_shared>>
        tpu.enqueue_indirect_dma source(%dma_start3A_395 : memref<786560xf32, #tpu.memory_space<vmem_shared>>) target(%dma_start3A_392 : memref<128xf32, #tpu.memory_space<vmem>>) offsets(%dma_start3A_393 : memref<128xi32, #tpu.memory_space<vmem>>) semaphore(%arg9 : memref<!tpu.dma_semaphore, #tpu.memory_space<semaphore_mem>>)
        %mul3A_396 = arith.constant 24576 : i32
        %mul3A_397 = arith.muli %scan3A_54, %mul3A_396 : i32
        %add3A_398 = arith.constant 4864 : i32
        %add3A_399 = arith.addi %mul3A_397, %add3A_398 : i32
        %dma_start3A_400 = arith.constant 4864 : i32
        %dma_start3A_401 = tpu.memref_slice %arg7[%dma_start3A_400] : memref<24576xf32, #tpu.memory_space<vmem>> -> memref<128xf32, #tpu.memory_space<vmem>>
        %dma_start3A_402 = tpu.memref_slice %arg6[%add3A_399] : memref<49152xi32, #tpu.memory_space<vmem>> -> memref<128xi32, #tpu.memory_space<vmem>>
        %dma_start3A_403 = arith.constant 0 : i32
        %dma_start3A_404 = tpu.memref_slice %arg5[%dma_start3A_403] : memref<786560xf32, #tpu.memory_space<vmem_shared>> -> memref<786560xf32, #tpu.memory_space<vmem_shared>>
        tpu.enqueue_indirect_dma source(%dma_start3A_404 : memref<786560xf32, #tpu.memory_space<vmem_shared>>) target(%dma_start3A_401 : memref<128xf32, #tpu.memory_space<vmem>>) offsets(%dma_start3A_402 : memref<128xi32, #tpu.memory_space<vmem>>) semaphore(%arg9 : memref<!tpu.dma_semaphore, #tpu.memory_space<semaphore_mem>>)
        %mul3A_405 = arith.constant 24576 : i32
        %mul3A_406 = arith.muli %scan3A_54, %mul3A_405 : i32
        %add3A_407 = arith.constant 4992 : i32
        %add3A_408 = arith.addi %mul3A_406, %add3A_407 : i32
        %dma_start3A_409 = arith.constant 4992 : i32
        %dma_start3A_410 = tpu.memref_slice %arg7[%dma_start3A_409] : memref<24576xf32, #tpu.memory_space<vmem>> -> memref<128xf32, #tpu.memory_space<vmem>>
        %dma_start3A_411 = tpu.memref_slice %arg6[%add3A_408] : memref<49152xi32, #tpu.memory_space<vmem>> -> memref<128xi32, #tpu.memory_space<vmem>>
        %dma_start3A_412 = arith.constant 0 : i32
        %dma_start3A_413 = tpu.memref_slice %arg5[%dma_start3A_412] : memref<786560xf32, #tpu.memory_space<vmem_shared>> -> memref<786560xf32, #tpu.memory_space<vmem_shared>>
        tpu.enqueue_indirect_dma source(%dma_start3A_413 : memref<786560xf32, #tpu.memory_space<vmem_shared>>) target(%dma_start3A_410 : memref<128xf32, #tpu.memory_space<vmem>>) offsets(%dma_start3A_411 : memref<128xi32, #tpu.memory_space<vmem>>) semaphore(%arg9 : memref<!tpu.dma_semaphore, #tpu.memory_space<semaphore_mem>>)
        %mul3A_414 = arith.constant 24576 : i32
        %mul3A_415 = arith.muli %scan3A_54, %mul3A_414 : i32
        %add3A_416 = arith.constant 5120 : i32
        %add3A_417 = arith.addi %mul3A_415, %add3A_416 : i32
        %dma_start3A_418 = arith.constant 5120 : i32
        %dma_start3A_419 = tpu.memref_slice %arg7[%dma_start3A_418] : memref<24576xf32, #tpu.memory_space<vmem>> -> memref<128xf32, #tpu.memory_space<vmem>>
        %dma_start3A_420 = tpu.memref_slice %arg6[%add3A_417] : memref<49152xi32, #tpu.memory_space<vmem>> -> memref<128xi32, #tpu.memory_space<vmem>>
        %dma_start3A_421 = arith.constant 0 : i32
        %dma_start3A_422 = tpu.memref_slice %arg5[%dma_start3A_421] : memref<786560xf32, #tpu.memory_space<vmem_shared>> -> memref<786560xf32, #tpu.memory_space<vmem_shared>>
        tpu.enqueue_indirect_dma source(%dma_start3A_422 : memref<786560xf32, #tpu.memory_space<vmem_shared>>) target(%dma_start3A_419 : memref<128xf32, #tpu.memory_space<vmem>>) offsets(%dma_start3A_420 : memref<128xi32, #tpu.memory_space<vmem>>) semaphore(%arg9 : memref<!tpu.dma_semaphore, #tpu.memory_space<semaphore_mem>>)
        %mul3A_423 = arith.constant 24576 : i32
        %mul3A_424 = arith.muli %scan3A_54, %mul3A_423 : i32
        %add3A_425 = arith.constant 5248 : i32
        %add3A_426 = arith.addi %mul3A_424, %add3A_425 : i32
        %dma_start3A_427 = arith.constant 5248 : i32
        %dma_start3A_428 = tpu.memref_slice %arg7[%dma_start3A_427] : memref<24576xf32, #tpu.memory_space<vmem>> -> memref<128xf32, #tpu.memory_space<vmem>>
        %dma_start3A_429 = tpu.memref_slice %arg6[%add3A_426] : memref<49152xi32, #tpu.memory_space<vmem>> -> memref<128xi32, #tpu.memory_space<vmem>>
        %dma_start3A_430 = arith.constant 0 : i32
        %dma_start3A_431 = tpu.memref_slice %arg5[%dma_start3A_430] : memref<786560xf32, #tpu.memory_space<vmem_shared>> -> memref<786560xf32, #tpu.memory_space<vmem_shared>>
        tpu.enqueue_indirect_dma source(%dma_start3A_431 : memref<786560xf32, #tpu.memory_space<vmem_shared>>) target(%dma_start3A_428 : memref<128xf32, #tpu.memory_space<vmem>>) offsets(%dma_start3A_429 : memref<128xi32, #tpu.memory_space<vmem>>) semaphore(%arg9 : memref<!tpu.dma_semaphore, #tpu.memory_space<semaphore_mem>>)
        %mul3A_432 = arith.constant 24576 : i32
        %mul3A_433 = arith.muli %scan3A_54, %mul3A_432 : i32
        %add3A_434 = arith.constant 5376 : i32
        %add3A_435 = arith.addi %mul3A_433, %add3A_434 : i32
        %dma_start3A_436 = arith.constant 5376 : i32
        %dma_start3A_437 = tpu.memref_slice %arg7[%dma_start3A_436] : memref<24576xf32, #tpu.memory_space<vmem>> -> memref<128xf32, #tpu.memory_space<vmem>>
        %dma_start3A_438 = tpu.memref_slice %arg6[%add3A_435] : memref<49152xi32, #tpu.memory_space<vmem>> -> memref<128xi32, #tpu.memory_space<vmem>>
        %dma_start3A_439 = arith.constant 0 : i32
        %dma_start3A_440 = tpu.memref_slice %arg5[%dma_start3A_439] : memref<786560xf32, #tpu.memory_space<vmem_shared>> -> memref<786560xf32, #tpu.memory_space<vmem_shared>>
        tpu.enqueue_indirect_dma source(%dma_start3A_440 : memref<786560xf32, #tpu.memory_space<vmem_shared>>) target(%dma_start3A_437 : memref<128xf32, #tpu.memory_space<vmem>>) offsets(%dma_start3A_438 : memref<128xi32, #tpu.memory_space<vmem>>) semaphore(%arg9 : memref<!tpu.dma_semaphore, #tpu.memory_space<semaphore_mem>>)
        %mul3A_441 = arith.constant 24576 : i32
        %mul3A_442 = arith.muli %scan3A_54, %mul3A_441 : i32
        %add3A_443 = arith.constant 5504 : i32
        %add3A_444 = arith.addi %mul3A_442, %add3A_443 : i32
        %dma_start3A_445 = arith.constant 5504 : i32
        %dma_start3A_446 = tpu.memref_slice %arg7[%dma_start3A_445] : memref<24576xf32, #tpu.memory_space<vmem>> -> memref<128xf32, #tpu.memory_space<vmem>>
        %dma_start3A_447 = tpu.memref_slice %arg6[%add3A_444] : memref<49152xi32, #tpu.memory_space<vmem>> -> memref<128xi32, #tpu.memory_space<vmem>>
        %dma_start3A_448 = arith.constant 0 : i32
        %dma_start3A_449 = tpu.memref_slice %arg5[%dma_start3A_448] : memref<786560xf32, #tpu.memory_space<vmem_shared>> -> memref<786560xf32, #tpu.memory_space<vmem_shared>>
        tpu.enqueue_indirect_dma source(%dma_start3A_449 : memref<786560xf32, #tpu.memory_space<vmem_shared>>) target(%dma_start3A_446 : memref<128xf32, #tpu.memory_space<vmem>>) offsets(%dma_start3A_447 : memref<128xi32, #tpu.memory_space<vmem>>) semaphore(%arg9 : memref<!tpu.dma_semaphore, #tpu.memory_space<semaphore_mem>>)
        %mul3A_450 = arith.constant 24576 : i32
        %mul3A_451 = arith.muli %scan3A_54, %mul3A_450 : i32
        %add3A_452 = arith.constant 5632 : i32
        %add3A_453 = arith.addi %mul3A_451, %add3A_452 : i32
        %dma_start3A_454 = arith.constant 5632 : i32
        %dma_start3A_455 = tpu.memref_slice %arg7[%dma_start3A_454] : memref<24576xf32, #tpu.memory_space<vmem>> -> memref<128xf32, #tpu.memory_space<vmem>>
        %dma_start3A_456 = tpu.memref_slice %arg6[%add3A_453] : memref<49152xi32, #tpu.memory_space<vmem>> -> memref<128xi32, #tpu.memory_space<vmem>>
        %dma_start3A_457 = arith.constant 0 : i32
        %dma_start3A_458 = tpu.memref_slice %arg5[%dma_start3A_457] : memref<786560xf32, #tpu.memory_space<vmem_shared>> -> memref<786560xf32, #tpu.memory_space<vmem_shared>>
        tpu.enqueue_indirect_dma source(%dma_start3A_458 : memref<786560xf32, #tpu.memory_space<vmem_shared>>) target(%dma_start3A_455 : memref<128xf32, #tpu.memory_space<vmem>>) offsets(%dma_start3A_456 : memref<128xi32, #tpu.memory_space<vmem>>) semaphore(%arg9 : memref<!tpu.dma_semaphore, #tpu.memory_space<semaphore_mem>>)
        %mul3A_459 = arith.constant 24576 : i32
        %mul3A_460 = arith.muli %scan3A_54, %mul3A_459 : i32
        %add3A_461 = arith.constant 5760 : i32
        %add3A_462 = arith.addi %mul3A_460, %add3A_461 : i32
        %dma_start3A_463 = arith.constant 5760 : i32
        %dma_start3A_464 = tpu.memref_slice %arg7[%dma_start3A_463] : memref<24576xf32, #tpu.memory_space<vmem>> -> memref<128xf32, #tpu.memory_space<vmem>>
        %dma_start3A_465 = tpu.memref_slice %arg6[%add3A_462] : memref<49152xi32, #tpu.memory_space<vmem>> -> memref<128xi32, #tpu.memory_space<vmem>>
        %dma_start3A_466 = arith.constant 0 : i32
        %dma_start3A_467 = tpu.memref_slice %arg5[%dma_start3A_466] : memref<786560xf32, #tpu.memory_space<vmem_shared>> -> memref<786560xf32, #tpu.memory_space<vmem_shared>>
        tpu.enqueue_indirect_dma source(%dma_start3A_467 : memref<786560xf32, #tpu.memory_space<vmem_shared>>) target(%dma_start3A_464 : memref<128xf32, #tpu.memory_space<vmem>>) offsets(%dma_start3A_465 : memref<128xi32, #tpu.memory_space<vmem>>) semaphore(%arg9 : memref<!tpu.dma_semaphore, #tpu.memory_space<semaphore_mem>>)
        %mul3A_468 = arith.constant 24576 : i32
        %mul3A_469 = arith.muli %scan3A_54, %mul3A_468 : i32
        %add3A_470 = arith.constant 5888 : i32
        %add3A_471 = arith.addi %mul3A_469, %add3A_470 : i32
        %dma_start3A_472 = arith.constant 5888 : i32
        %dma_start3A_473 = tpu.memref_slice %arg7[%dma_start3A_472] : memref<24576xf32, #tpu.memory_space<vmem>> -> memref<128xf32, #tpu.memory_space<vmem>>
        %dma_start3A_474 = tpu.memref_slice %arg6[%add3A_471] : memref<49152xi32, #tpu.memory_space<vmem>> -> memref<128xi32, #tpu.memory_space<vmem>>
        %dma_start3A_475 = arith.constant 0 : i32
        %dma_start3A_476 = tpu.memref_slice %arg5[%dma_start3A_475] : memref<786560xf32, #tpu.memory_space<vmem_shared>> -> memref<786560xf32, #tpu.memory_space<vmem_shared>>
        tpu.enqueue_indirect_dma source(%dma_start3A_476 : memref<786560xf32, #tpu.memory_space<vmem_shared>>) target(%dma_start3A_473 : memref<128xf32, #tpu.memory_space<vmem>>) offsets(%dma_start3A_474 : memref<128xi32, #tpu.memory_space<vmem>>) semaphore(%arg9 : memref<!tpu.dma_semaphore, #tpu.memory_space<semaphore_mem>>)
        %mul3A_477 = arith.constant 24576 : i32
        %mul3A_478 = arith.muli %scan3A_54, %mul3A_477 : i32
        %add3A_479 = arith.constant 6016 : i32
        %add3A_480 = arith.addi %mul3A_478, %add3A_479 : i32
        %dma_start3A_481 = arith.constant 6016 : i32
        %dma_start3A_482 = tpu.memref_slice %arg7[%dma_start3A_481] : memref<24576xf32, #tpu.memory_space<vmem>> -> memref<128xf32, #tpu.memory_space<vmem>>
        %dma_start3A_483 = tpu.memref_slice %arg6[%add3A_480] : memref<49152xi32, #tpu.memory_space<vmem>> -> memref<128xi32, #tpu.memory_space<vmem>>
        %dma_start3A_484 = arith.constant 0 : i32
        %dma_start3A_485 = tpu.memref_slice %arg5[%dma_start3A_484] : memref<786560xf32, #tpu.memory_space<vmem_shared>> -> memref<786560xf32, #tpu.memory_space<vmem_shared>>
        tpu.enqueue_indirect_dma source(%dma_start3A_485 : memref<786560xf32, #tpu.memory_space<vmem_shared>>) target(%dma_start3A_482 : memref<128xf32, #tpu.memory_space<vmem>>) offsets(%dma_start3A_483 : memref<128xi32, #tpu.memory_space<vmem>>) semaphore(%arg9 : memref<!tpu.dma_semaphore, #tpu.memory_space<semaphore_mem>>)
        %mul3A_486 = arith.constant 24576 : i32
        %mul3A_487 = arith.muli %scan3A_54, %mul3A_486 : i32
        %add3A_488 = arith.constant 6144 : i32
        %add3A_489 = arith.addi %mul3A_487, %add3A_488 : i32
        %dma_start3A_490 = arith.constant 6144 : i32
        %dma_start3A_491 = tpu.memref_slice %arg7[%dma_start3A_490] : memref<24576xf32, #tpu.memory_space<vmem>> -> memref<128xf32, #tpu.memory_space<vmem>>
        %dma_start3A_492 = tpu.memref_slice %arg6[%add3A_489] : memref<49152xi32, #tpu.memory_space<vmem>> -> memref<128xi32, #tpu.memory_space<vmem>>
        %dma_start3A_493 = arith.constant 0 : i32
        %dma_start3A_494 = tpu.memref_slice %arg5[%dma_start3A_493] : memref<786560xf32, #tpu.memory_space<vmem_shared>> -> memref<786560xf32, #tpu.memory_space<vmem_shared>>
        tpu.enqueue_indirect_dma source(%dma_start3A_494 : memref<786560xf32, #tpu.memory_space<vmem_shared>>) target(%dma_start3A_491 : memref<128xf32, #tpu.memory_space<vmem>>) offsets(%dma_start3A_492 : memref<128xi32, #tpu.memory_space<vmem>>) semaphore(%arg9 : memref<!tpu.dma_semaphore, #tpu.memory_space<semaphore_mem>>)
        %mul3A_495 = arith.constant 24576 : i32
        %mul3A_496 = arith.muli %scan3A_54, %mul3A_495 : i32
        %add3A_497 = arith.constant 6272 : i32
        %add3A_498 = arith.addi %mul3A_496, %add3A_497 : i32
        %dma_start3A_499 = arith.constant 6272 : i32
        %dma_start3A_500 = tpu.memref_slice %arg7[%dma_start3A_499] : memref<24576xf32, #tpu.memory_space<vmem>> -> memref<128xf32, #tpu.memory_space<vmem>>
        %dma_start3A_501 = tpu.memref_slice %arg6[%add3A_498] : memref<49152xi32, #tpu.memory_space<vmem>> -> memref<128xi32, #tpu.memory_space<vmem>>
        %dma_start3A_502 = arith.constant 0 : i32
        %dma_start3A_503 = tpu.memref_slice %arg5[%dma_start3A_502] : memref<786560xf32, #tpu.memory_space<vmem_shared>> -> memref<786560xf32, #tpu.memory_space<vmem_shared>>
        tpu.enqueue_indirect_dma source(%dma_start3A_503 : memref<786560xf32, #tpu.memory_space<vmem_shared>>) target(%dma_start3A_500 : memref<128xf32, #tpu.memory_space<vmem>>) offsets(%dma_start3A_501 : memref<128xi32, #tpu.memory_space<vmem>>) semaphore(%arg9 : memref<!tpu.dma_semaphore, #tpu.memory_space<semaphore_mem>>)
        %mul3A_504 = arith.constant 24576 : i32
        %mul3A_505 = arith.muli %scan3A_54, %mul3A_504 : i32
        %add3A_506 = arith.constant 6400 : i32
        %add3A_507 = arith.addi %mul3A_505, %add3A_506 : i32
        %dma_start3A_508 = arith.constant 6400 : i32
        %dma_start3A_509 = tpu.memref_slice %arg7[%dma_start3A_508] : memref<24576xf32, #tpu.memory_space<vmem>> -> memref<128xf32, #tpu.memory_space<vmem>>
        %dma_start3A_510 = tpu.memref_slice %arg6[%add3A_507] : memref<49152xi32, #tpu.memory_space<vmem>> -> memref<128xi32, #tpu.memory_space<vmem>>
        %dma_start3A_511 = arith.constant 0 : i32
        %dma_start3A_512 = tpu.memref_slice %arg5[%dma_start3A_511] : memref<786560xf32, #tpu.memory_space<vmem_shared>> -> memref<786560xf32, #tpu.memory_space<vmem_shared>>
        tpu.enqueue_indirect_dma source(%dma_start3A_512 : memref<786560xf32, #tpu.memory_space<vmem_shared>>) target(%dma_start3A_509 : memref<128xf32, #tpu.memory_space<vmem>>) offsets(%dma_start3A_510 : memref<128xi32, #tpu.memory_space<vmem>>) semaphore(%arg9 : memref<!tpu.dma_semaphore, #tpu.memory_space<semaphore_mem>>)
        %mul3A_513 = arith.constant 24576 : i32
        %mul3A_514 = arith.muli %scan3A_54, %mul3A_513 : i32
        %add3A_515 = arith.constant 6528 : i32
        %add3A_516 = arith.addi %mul3A_514, %add3A_515 : i32
        %dma_start3A_517 = arith.constant 6528 : i32
        %dma_start3A_518 = tpu.memref_slice %arg7[%dma_start3A_517] : memref<24576xf32, #tpu.memory_space<vmem>> -> memref<128xf32, #tpu.memory_space<vmem>>
        %dma_start3A_519 = tpu.memref_slice %arg6[%add3A_516] : memref<49152xi32, #tpu.memory_space<vmem>> -> memref<128xi32, #tpu.memory_space<vmem>>
        %dma_start3A_520 = arith.constant 0 : i32
        %dma_start3A_521 = tpu.memref_slice %arg5[%dma_start3A_520] : memref<786560xf32, #tpu.memory_space<vmem_shared>> -> memref<786560xf32, #tpu.memory_space<vmem_shared>>
        tpu.enqueue_indirect_dma source(%dma_start3A_521 : memref<786560xf32, #tpu.memory_space<vmem_shared>>) target(%dma_start3A_518 : memref<128xf32, #tpu.memory_space<vmem>>) offsets(%dma_start3A_519 : memref<128xi32, #tpu.memory_space<vmem>>) semaphore(%arg9 : memref<!tpu.dma_semaphore, #tpu.memory_space<semaphore_mem>>)
        %mul3A_522 = arith.constant 24576 : i32
        %mul3A_523 = arith.muli %scan3A_54, %mul3A_522 : i32
        %add3A_524 = arith.constant 6656 : i32
        %add3A_525 = arith.addi %mul3A_523, %add3A_524 : i32
        %dma_start3A_526 = arith.constant 6656 : i32
        %dma_start3A_527 = tpu.memref_slice %arg7[%dma_start3A_526] : memref<24576xf32, #tpu.memory_space<vmem>> -> memref<128xf32, #tpu.memory_space<vmem>>
        %dma_start3A_528 = tpu.memref_slice %arg6[%add3A_525] : memref<49152xi32, #tpu.memory_space<vmem>> -> memref<128xi32, #tpu.memory_space<vmem>>
        %dma_start3A_529 = arith.constant 0 : i32
        %dma_start3A_530 = tpu.memref_slice %arg5[%dma_start3A_529] : memref<786560xf32, #tpu.memory_space<vmem_shared>> -> memref<786560xf32, #tpu.memory_space<vmem_shared>>
        tpu.enqueue_indirect_dma source(%dma_start3A_530 : memref<786560xf32, #tpu.memory_space<vmem_shared>>) target(%dma_start3A_527 : memref<128xf32, #tpu.memory_space<vmem>>) offsets(%dma_start3A_528 : memref<128xi32, #tpu.memory_space<vmem>>) semaphore(%arg9 : memref<!tpu.dma_semaphore, #tpu.memory_space<semaphore_mem>>)
        %mul3A_531 = arith.constant 24576 : i32
        %mul3A_532 = arith.muli %scan3A_54, %mul3A_531 : i32
        %add3A_533 = arith.constant 6784 : i32
        %add3A_534 = arith.addi %mul3A_532, %add3A_533 : i32
        %dma_start3A_535 = arith.constant 6784 : i32
        %dma_start3A_536 = tpu.memref_slice %arg7[%dma_start3A_535] : memref<24576xf32, #tpu.memory_space<vmem>> -> memref<128xf32, #tpu.memory_space<vmem>>
        %dma_start3A_537 = tpu.memref_slice %arg6[%add3A_534] : memref<49152xi32, #tpu.memory_space<vmem>> -> memref<128xi32, #tpu.memory_space<vmem>>
        %dma_start3A_538 = arith.constant 0 : i32
        %dma_start3A_539 = tpu.memref_slice %arg5[%dma_start3A_538] : memref<786560xf32, #tpu.memory_space<vmem_shared>> -> memref<786560xf32, #tpu.memory_space<vmem_shared>>
        tpu.enqueue_indirect_dma source(%dma_start3A_539 : memref<786560xf32, #tpu.memory_space<vmem_shared>>) target(%dma_start3A_536 : memref<128xf32, #tpu.memory_space<vmem>>) offsets(%dma_start3A_537 : memref<128xi32, #tpu.memory_space<vmem>>) semaphore(%arg9 : memref<!tpu.dma_semaphore, #tpu.memory_space<semaphore_mem>>)
        %mul3A_540 = arith.constant 24576 : i32
        %mul3A_541 = arith.muli %scan3A_54, %mul3A_540 : i32
        %add3A_542 = arith.constant 6912 : i32
        %add3A_543 = arith.addi %mul3A_541, %add3A_542 : i32
        %dma_start3A_544 = arith.constant 6912 : i32
        %dma_start3A_545 = tpu.memref_slice %arg7[%dma_start3A_544] : memref<24576xf32, #tpu.memory_space<vmem>> -> memref<128xf32, #tpu.memory_space<vmem>>
        %dma_start3A_546 = tpu.memref_slice %arg6[%add3A_543] : memref<49152xi32, #tpu.memory_space<vmem>> -> memref<128xi32, #tpu.memory_space<vmem>>
        %dma_start3A_547 = arith.constant 0 : i32
        %dma_start3A_548 = tpu.memref_slice %arg5[%dma_start3A_547] : memref<786560xf32, #tpu.memory_space<vmem_shared>> -> memref<786560xf32, #tpu.memory_space<vmem_shared>>
        tpu.enqueue_indirect_dma source(%dma_start3A_548 : memref<786560xf32, #tpu.memory_space<vmem_shared>>) target(%dma_start3A_545 : memref<128xf32, #tpu.memory_space<vmem>>) offsets(%dma_start3A_546 : memref<128xi32, #tpu.memory_space<vmem>>) semaphore(%arg9 : memref<!tpu.dma_semaphore, #tpu.memory_space<semaphore_mem>>)
        %mul3A_549 = arith.constant 24576 : i32
        %mul3A_550 = arith.muli %scan3A_54, %mul3A_549 : i32
        %add3A_551 = arith.constant 7040 : i32
        %add3A_552 = arith.addi %mul3A_550, %add3A_551 : i32
        %dma_start3A_553 = arith.constant 7040 : i32
        %dma_start3A_554 = tpu.memref_slice %arg7[%dma_start3A_553] : memref<24576xf32, #tpu.memory_space<vmem>> -> memref<128xf32, #tpu.memory_space<vmem>>
        %dma_start3A_555 = tpu.memref_slice %arg6[%add3A_552] : memref<49152xi32, #tpu.memory_space<vmem>> -> memref<128xi32, #tpu.memory_space<vmem>>
        %dma_start3A_556 = arith.constant 0 : i32
        %dma_start3A_557 = tpu.memref_slice %arg5[%dma_start3A_556] : memref<786560xf32, #tpu.memory_space<vmem_shared>> -> memref<786560xf32, #tpu.memory_space<vmem_shared>>
        tpu.enqueue_indirect_dma source(%dma_start3A_557 : memref<786560xf32, #tpu.memory_space<vmem_shared>>) target(%dma_start3A_554 : memref<128xf32, #tpu.memory_space<vmem>>) offsets(%dma_start3A_555 : memref<128xi32, #tpu.memory_space<vmem>>) semaphore(%arg9 : memref<!tpu.dma_semaphore, #tpu.memory_space<semaphore_mem>>)
        %mul3A_558 = arith.constant 24576 : i32
        %mul3A_559 = arith.muli %scan3A_54, %mul3A_558 : i32
        %add3A_560 = arith.constant 7168 : i32
        %add3A_561 = arith.addi %mul3A_559, %add3A_560 : i32
        %dma_start3A_562 = arith.constant 7168 : i32
        %dma_start3A_563 = tpu.memref_slice %arg7[%dma_start3A_562] : memref<24576xf32, #tpu.memory_space<vmem>> -> memref<128xf32, #tpu.memory_space<vmem>>
        %dma_start3A_564 = tpu.memref_slice %arg6[%add3A_561] : memref<49152xi32, #tpu.memory_space<vmem>> -> memref<128xi32, #tpu.memory_space<vmem>>
        %dma_start3A_565 = arith.constant 0 : i32
        %dma_start3A_566 = tpu.memref_slice %arg5[%dma_start3A_565] : memref<786560xf32, #tpu.memory_space<vmem_shared>> -> memref<786560xf32, #tpu.memory_space<vmem_shared>>
        tpu.enqueue_indirect_dma source(%dma_start3A_566 : memref<786560xf32, #tpu.memory_space<vmem_shared>>) target(%dma_start3A_563 : memref<128xf32, #tpu.memory_space<vmem>>) offsets(%dma_start3A_564 : memref<128xi32, #tpu.memory_space<vmem>>) semaphore(%arg9 : memref<!tpu.dma_semaphore, #tpu.memory_space<semaphore_mem>>)
        %mul3A_567 = arith.constant 24576 : i32
        %mul3A_568 = arith.muli %scan3A_54, %mul3A_567 : i32
        %add3A_569 = arith.constant 7296 : i32
        %add3A_570 = arith.addi %mul3A_568, %add3A_569 : i32
        %dma_start3A_571 = arith.constant 7296 : i32
        %dma_start3A_572 = tpu.memref_slice %arg7[%dma_start3A_571] : memref<24576xf32, #tpu.memory_space<vmem>> -> memref<128xf32, #tpu.memory_space<vmem>>
        %dma_start3A_573 = tpu.memref_slice %arg6[%add3A_570] : memref<49152xi32, #tpu.memory_space<vmem>> -> memref<128xi32, #tpu.memory_space<vmem>>
        %dma_start3A_574 = arith.constant 0 : i32
        %dma_start3A_575 = tpu.memref_slice %arg5[%dma_start3A_574] : memref<786560xf32, #tpu.memory_space<vmem_shared>> -> memref<786560xf32, #tpu.memory_space<vmem_shared>>
        tpu.enqueue_indirect_dma source(%dma_start3A_575 : memref<786560xf32, #tpu.memory_space<vmem_shared>>) target(%dma_start3A_572 : memref<128xf32, #tpu.memory_space<vmem>>) offsets(%dma_start3A_573 : memref<128xi32, #tpu.memory_space<vmem>>) semaphore(%arg9 : memref<!tpu.dma_semaphore, #tpu.memory_space<semaphore_mem>>)
        %mul3A_576 = arith.constant 24576 : i32
        %mul3A_577 = arith.muli %scan3A_54, %mul3A_576 : i32
        %add3A_578 = arith.constant 7424 : i32
        %add3A_579 = arith.addi %mul3A_577, %add3A_578 : i32
        %dma_start3A_580 = arith.constant 7424 : i32
        %dma_start3A_581 = tpu.memref_slice %arg7[%dma_start3A_580] : memref<24576xf32, #tpu.memory_space<vmem>> -> memref<128xf32, #tpu.memory_space<vmem>>
        %dma_start3A_582 = tpu.memref_slice %arg6[%add3A_579] : memref<49152xi32, #tpu.memory_space<vmem>> -> memref<128xi32, #tpu.memory_space<vmem>>
        %dma_start3A_583 = arith.constant 0 : i32
        %dma_start3A_584 = tpu.memref_slice %arg5[%dma_start3A_583] : memref<786560xf32, #tpu.memory_space<vmem_shared>> -> memref<786560xf32, #tpu.memory_space<vmem_shared>>
        tpu.enqueue_indirect_dma source(%dma_start3A_584 : memref<786560xf32, #tpu.memory_space<vmem_shared>>) target(%dma_start3A_581 : memref<128xf32, #tpu.memory_space<vmem>>) offsets(%dma_start3A_582 : memref<128xi32, #tpu.memory_space<vmem>>) semaphore(%arg9 : memref<!tpu.dma_semaphore, #tpu.memory_space<semaphore_mem>>)
        %mul3A_585 = arith.constant 24576 : i32
        %mul3A_586 = arith.muli %scan3A_54, %mul3A_585 : i32
        %add3A_587 = arith.constant 7552 : i32
        %add3A_588 = arith.addi %mul3A_586, %add3A_587 : i32
        %dma_start3A_589 = arith.constant 7552 : i32
        %dma_start3A_590 = tpu.memref_slice %arg7[%dma_start3A_589] : memref<24576xf32, #tpu.memory_space<vmem>> -> memref<128xf32, #tpu.memory_space<vmem>>
        %dma_start3A_591 = tpu.memref_slice %arg6[%add3A_588] : memref<49152xi32, #tpu.memory_space<vmem>> -> memref<128xi32, #tpu.memory_space<vmem>>
        %dma_start3A_592 = arith.constant 0 : i32
        %dma_start3A_593 = tpu.memref_slice %arg5[%dma_start3A_592] : memref<786560xf32, #tpu.memory_space<vmem_shared>> -> memref<786560xf32, #tpu.memory_space<vmem_shared>>
        tpu.enqueue_indirect_dma source(%dma_start3A_593 : memref<786560xf32, #tpu.memory_space<vmem_shared>>) target(%dma_start3A_590 : memref<128xf32, #tpu.memory_space<vmem>>) offsets(%dma_start3A_591 : memref<128xi32, #tpu.memory_space<vmem>>) semaphore(%arg9 : memref<!tpu.dma_semaphore, #tpu.memory_space<semaphore_mem>>)
        %mul3A_594 = arith.constant 24576 : i32
        %mul3A_595 = arith.muli %scan3A_54, %mul3A_594 : i32
        %add3A_596 = arith.constant 7680 : i32
        %add3A_597 = arith.addi %mul3A_595, %add3A_596 : i32
        %dma_start3A_598 = arith.constant 7680 : i32
        %dma_start3A_599 = tpu.memref_slice %arg7[%dma_start3A_598] : memref<24576xf32, #tpu.memory_space<vmem>> -> memref<128xf32, #tpu.memory_space<vmem>>
        %dma_start3A_600 = tpu.memref_slice %arg6[%add3A_597] : memref<49152xi32, #tpu.memory_space<vmem>> -> memref<128xi32, #tpu.memory_space<vmem>>
        %dma_start3A_601 = arith.constant 0 : i32
        %dma_start3A_602 = tpu.memref_slice %arg5[%dma_start3A_601] : memref<786560xf32, #tpu.memory_space<vmem_shared>> -> memref<786560xf32, #tpu.memory_space<vmem_shared>>
        tpu.enqueue_indirect_dma source(%dma_start3A_602 : memref<786560xf32, #tpu.memory_space<vmem_shared>>) target(%dma_start3A_599 : memref<128xf32, #tpu.memory_space<vmem>>) offsets(%dma_start3A_600 : memref<128xi32, #tpu.memory_space<vmem>>) semaphore(%arg9 : memref<!tpu.dma_semaphore, #tpu.memory_space<semaphore_mem>>)
        %mul3A_603 = arith.constant 24576 : i32
        %mul3A_604 = arith.muli %scan3A_54, %mul3A_603 : i32
        %add3A_605 = arith.constant 7808 : i32
        %add3A_606 = arith.addi %mul3A_604, %add3A_605 : i32
        %dma_start3A_607 = arith.constant 7808 : i32
        %dma_start3A_608 = tpu.memref_slice %arg7[%dma_start3A_607] : memref<24576xf32, #tpu.memory_space<vmem>> -> memref<128xf32, #tpu.memory_space<vmem>>
        %dma_start3A_609 = tpu.memref_slice %arg6[%add3A_606] : memref<49152xi32, #tpu.memory_space<vmem>> -> memref<128xi32, #tpu.memory_space<vmem>>
        %dma_start3A_610 = arith.constant 0 : i32
        %dma_start3A_611 = tpu.memref_slice %arg5[%dma_start3A_610] : memref<786560xf32, #tpu.memory_space<vmem_shared>> -> memref<786560xf32, #tpu.memory_space<vmem_shared>>
        tpu.enqueue_indirect_dma source(%dma_start3A_611 : memref<786560xf32, #tpu.memory_space<vmem_shared>>) target(%dma_start3A_608 : memref<128xf32, #tpu.memory_space<vmem>>) offsets(%dma_start3A_609 : memref<128xi32, #tpu.memory_space<vmem>>) semaphore(%arg9 : memref<!tpu.dma_semaphore, #tpu.memory_space<semaphore_mem>>)
        %mul3A_612 = arith.constant 24576 : i32
        %mul3A_613 = arith.muli %scan3A_54, %mul3A_612 : i32
        %add3A_614 = arith.constant 7936 : i32
        %add3A_615 = arith.addi %mul3A_613, %add3A_614 : i32
        %dma_start3A_616 = arith.constant 7936 : i32
        %dma_start3A_617 = tpu.memref_slice %arg7[%dma_start3A_616] : memref<24576xf32, #tpu.memory_space<vmem>> -> memref<128xf32, #tpu.memory_space<vmem>>
        %dma_start3A_618 = tpu.memref_slice %arg6[%add3A_615] : memref<49152xi32, #tpu.memory_space<vmem>> -> memref<128xi32, #tpu.memory_space<vmem>>
        %dma_start3A_619 = arith.constant 0 : i32
        %dma_start3A_620 = tpu.memref_slice %arg5[%dma_start3A_619] : memref<786560xf32, #tpu.memory_space<vmem_shared>> -> memref<786560xf32, #tpu.memory_space<vmem_shared>>
        tpu.enqueue_indirect_dma source(%dma_start3A_620 : memref<786560xf32, #tpu.memory_space<vmem_shared>>) target(%dma_start3A_617 : memref<128xf32, #tpu.memory_space<vmem>>) offsets(%dma_start3A_618 : memref<128xi32, #tpu.memory_space<vmem>>) semaphore(%arg9 : memref<!tpu.dma_semaphore, #tpu.memory_space<semaphore_mem>>)
        %mul3A_621 = arith.constant 24576 : i32
        %mul3A_622 = arith.muli %scan3A_54, %mul3A_621 : i32
        %add3A_623 = arith.constant 8064 : i32
        %add3A_624 = arith.addi %mul3A_622, %add3A_623 : i32
        %dma_start3A_625 = arith.constant 8064 : i32
        %dma_start3A_626 = tpu.memref_slice %arg7[%dma_start3A_625] : memref<24576xf32, #tpu.memory_space<vmem>> -> memref<128xf32, #tpu.memory_space<vmem>>
        %dma_start3A_627 = tpu.memref_slice %arg6[%add3A_624] : memref<49152xi32, #tpu.memory_space<vmem>> -> memref<128xi32, #tpu.memory_space<vmem>>
        %dma_start3A_628 = arith.constant 0 : i32
        %dma_start3A_629 = tpu.memref_slice %arg5[%dma_start3A_628] : memref<786560xf32, #tpu.memory_space<vmem_shared>> -> memref<786560xf32, #tpu.memory_space<vmem_shared>>
        tpu.enqueue_indirect_dma source(%dma_start3A_629 : memref<786560xf32, #tpu.memory_space<vmem_shared>>) target(%dma_start3A_626 : memref<128xf32, #tpu.memory_space<vmem>>) offsets(%dma_start3A_627 : memref<128xi32, #tpu.memory_space<vmem>>) semaphore(%arg9 : memref<!tpu.dma_semaphore, #tpu.memory_space<semaphore_mem>>)
        %mul3A_630 = arith.constant 24576 : i32
        %mul3A_631 = arith.muli %scan3A_54, %mul3A_630 : i32
        %add3A_632 = arith.constant 8192 : i32
        %add3A_633 = arith.addi %mul3A_631, %add3A_632 : i32
        %dma_start3A_634 = arith.constant 8192 : i32
        %dma_start3A_635 = tpu.memref_slice %arg7[%dma_start3A_634] : memref<24576xf32, #tpu.memory_space<vmem>> -> memref<128xf32, #tpu.memory_space<vmem>>
        %dma_start3A_636 = tpu.memref_slice %arg6[%add3A_633] : memref<49152xi32, #tpu.memory_space<vmem>> -> memref<128xi32, #tpu.memory_space<vmem>>
        %dma_start3A_637 = arith.constant 0 : i32
        %dma_start3A_638 = tpu.memref_slice %arg5[%dma_start3A_637] : memref<786560xf32, #tpu.memory_space<vmem_shared>> -> memref<786560xf32, #tpu.memory_space<vmem_shared>>
        tpu.enqueue_indirect_dma source(%dma_start3A_638 : memref<786560xf32, #tpu.memory_space<vmem_shared>>) target(%dma_start3A_635 : memref<128xf32, #tpu.memory_space<vmem>>) offsets(%dma_start3A_636 : memref<128xi32, #tpu.memory_space<vmem>>) semaphore(%arg9 : memref<!tpu.dma_semaphore, #tpu.memory_space<semaphore_mem>>)
        %mul3A_639 = arith.constant 24576 : i32
        %mul3A_640 = arith.muli %scan3A_54, %mul3A_639 : i32
        %add3A_641 = arith.constant 8320 : i32
        %add3A_642 = arith.addi %mul3A_640, %add3A_641 : i32
        %dma_start3A_643 = arith.constant 8320 : i32
        %dma_start3A_644 = tpu.memref_slice %arg7[%dma_start3A_643] : memref<24576xf32, #tpu.memory_space<vmem>> -> memref<128xf32, #tpu.memory_space<vmem>>
        %dma_start3A_645 = tpu.memref_slice %arg6[%add3A_642] : memref<49152xi32, #tpu.memory_space<vmem>> -> memref<128xi32, #tpu.memory_space<vmem>>
        %dma_start3A_646 = arith.constant 0 : i32
        %dma_start3A_647 = tpu.memref_slice %arg5[%dma_start3A_646] : memref<786560xf32, #tpu.memory_space<vmem_shared>> -> memref<786560xf32, #tpu.memory_space<vmem_shared>>
        tpu.enqueue_indirect_dma source(%dma_start3A_647 : memref<786560xf32, #tpu.memory_space<vmem_shared>>) target(%dma_start3A_644 : memref<128xf32, #tpu.memory_space<vmem>>) offsets(%dma_start3A_645 : memref<128xi32, #tpu.memory_space<vmem>>) semaphore(%arg9 : memref<!tpu.dma_semaphore, #tpu.memory_space<semaphore_mem>>)
        %mul3A_648 = arith.constant 24576 : i32
        %mul3A_649 = arith.muli %scan3A_54, %mul3A_648 : i32
        %add3A_650 = arith.constant 8448 : i32
        %add3A_651 = arith.addi %mul3A_649, %add3A_650 : i32
        %dma_start3A_652 = arith.constant 8448 : i32
        %dma_start3A_653 = tpu.memref_slice %arg7[%dma_start3A_652] : memref<24576xf32, #tpu.memory_space<vmem>> -> memref<128xf32, #tpu.memory_space<vmem>>
        %dma_start3A_654 = tpu.memref_slice %arg6[%add3A_651] : memref<49152xi32, #tpu.memory_space<vmem>> -> memref<128xi32, #tpu.memory_space<vmem>>
        %dma_start3A_655 = arith.constant 0 : i32
        %dma_start3A_656 = tpu.memref_slice %arg5[%dma_start3A_655] : memref<786560xf32, #tpu.memory_space<vmem_shared>> -> memref<786560xf32, #tpu.memory_space<vmem_shared>>
        tpu.enqueue_indirect_dma source(%dma_start3A_656 : memref<786560xf32, #tpu.memory_space<vmem_shared>>) target(%dma_start3A_653 : memref<128xf32, #tpu.memory_space<vmem>>) offsets(%dma_start3A_654 : memref<128xi32, #tpu.memory_space<vmem>>) semaphore(%arg9 : memref<!tpu.dma_semaphore, #tpu.memory_space<semaphore_mem>>)
        %mul3A_657 = arith.constant 24576 : i32
        %mul3A_658 = arith.muli %scan3A_54, %mul3A_657 : i32
        %add3A_659 = arith.constant 8576 : i32
        %add3A_660 = arith.addi %mul3A_658, %add3A_659 : i32
        %dma_start3A_661 = arith.constant 8576 : i32
        %dma_start3A_662 = tpu.memref_slice %arg7[%dma_start3A_661] : memref<24576xf32, #tpu.memory_space<vmem>> -> memref<128xf32, #tpu.memory_space<vmem>>
        %dma_start3A_663 = tpu.memref_slice %arg6[%add3A_660] : memref<49152xi32, #tpu.memory_space<vmem>> -> memref<128xi32, #tpu.memory_space<vmem>>
        %dma_start3A_664 = arith.constant 0 : i32
        %dma_start3A_665 = tpu.memref_slice %arg5[%dma_start3A_664] : memref<786560xf32, #tpu.memory_space<vmem_shared>> -> memref<786560xf32, #tpu.memory_space<vmem_shared>>
        tpu.enqueue_indirect_dma source(%dma_start3A_665 : memref<786560xf32, #tpu.memory_space<vmem_shared>>) target(%dma_start3A_662 : memref<128xf32, #tpu.memory_space<vmem>>) offsets(%dma_start3A_663 : memref<128xi32, #tpu.memory_space<vmem>>) semaphore(%arg9 : memref<!tpu.dma_semaphore, #tpu.memory_space<semaphore_mem>>)
        %mul3A_666 = arith.constant 24576 : i32
        %mul3A_667 = arith.muli %scan3A_54, %mul3A_666 : i32
        %add3A_668 = arith.constant 8704 : i32
        %add3A_669 = arith.addi %mul3A_667, %add3A_668 : i32
        %dma_start3A_670 = arith.constant 8704 : i32
        %dma_start3A_671 = tpu.memref_slice %arg7[%dma_start3A_670] : memref<24576xf32, #tpu.memory_space<vmem>> -> memref<128xf32, #tpu.memory_space<vmem>>
        %dma_start3A_672 = tpu.memref_slice %arg6[%add3A_669] : memref<49152xi32, #tpu.memory_space<vmem>> -> memref<128xi32, #tpu.memory_space<vmem>>
        %dma_start3A_673 = arith.constant 0 : i32
        %dma_start3A_674 = tpu.memref_slice %arg5[%dma_start3A_673] : memref<786560xf32, #tpu.memory_space<vmem_shared>> -> memref<786560xf32, #tpu.memory_space<vmem_shared>>
        tpu.enqueue_indirect_dma source(%dma_start3A_674 : memref<786560xf32, #tpu.memory_space<vmem_shared>>) target(%dma_start3A_671 : memref<128xf32, #tpu.memory_space<vmem>>) offsets(%dma_start3A_672 : memref<128xi32, #tpu.memory_space<vmem>>) semaphore(%arg9 : memref<!tpu.dma_semaphore, #tpu.memory_space<semaphore_mem>>)
        %mul3A_675 = arith.constant 24576 : i32
        %mul3A_676 = arith.muli %scan3A_54, %mul3A_675 : i32
        %add3A_677 = arith.constant 8832 : i32
        %add3A_678 = arith.addi %mul3A_676, %add3A_677 : i32
        %dma_start3A_679 = arith.constant 8832 : i32
        %dma_start3A_680 = tpu.memref_slice %arg7[%dma_start3A_679] : memref<24576xf32, #tpu.memory_space<vmem>> -> memref<128xf32, #tpu.memory_space<vmem>>
        %dma_start3A_681 = tpu.memref_slice %arg6[%add3A_678] : memref<49152xi32, #tpu.memory_space<vmem>> -> memref<128xi32, #tpu.memory_space<vmem>>
        %dma_start3A_682 = arith.constant 0 : i32
        %dma_start3A_683 = tpu.memref_slice %arg5[%dma_start3A_682] : memref<786560xf32, #tpu.memory_space<vmem_shared>> -> memref<786560xf32, #tpu.memory_space<vmem_shared>>
        tpu.enqueue_indirect_dma source(%dma_start3A_683 : memref<786560xf32, #tpu.memory_space<vmem_shared>>) target(%dma_start3A_680 : memref<128xf32, #tpu.memory_space<vmem>>) offsets(%dma_start3A_681 : memref<128xi32, #tpu.memory_space<vmem>>) semaphore(%arg9 : memref<!tpu.dma_semaphore, #tpu.memory_space<semaphore_mem>>)
        %mul3A_684 = arith.constant 24576 : i32
        %mul3A_685 = arith.muli %scan3A_54, %mul3A_684 : i32
        %add3A_686 = arith.constant 8960 : i32
        %add3A_687 = arith.addi %mul3A_685, %add3A_686 : i32
        %dma_start3A_688 = arith.constant 8960 : i32
        %dma_start3A_689 = tpu.memref_slice %arg7[%dma_start3A_688] : memref<24576xf32, #tpu.memory_space<vmem>> -> memref<128xf32, #tpu.memory_space<vmem>>
        %dma_start3A_690 = tpu.memref_slice %arg6[%add3A_687] : memref<49152xi32, #tpu.memory_space<vmem>> -> memref<128xi32, #tpu.memory_space<vmem>>
        %dma_start3A_691 = arith.constant 0 : i32
        %dma_start3A_692 = tpu.memref_slice %arg5[%dma_start3A_691] : memref<786560xf32, #tpu.memory_space<vmem_shared>> -> memref<786560xf32, #tpu.memory_space<vmem_shared>>
        tpu.enqueue_indirect_dma source(%dma_start3A_692 : memref<786560xf32, #tpu.memory_space<vmem_shared>>) target(%dma_start3A_689 : memref<128xf32, #tpu.memory_space<vmem>>) offsets(%dma_start3A_690 : memref<128xi32, #tpu.memory_space<vmem>>) semaphore(%arg9 : memref<!tpu.dma_semaphore, #tpu.memory_space<semaphore_mem>>)
        %mul3A_693 = arith.constant 24576 : i32
        %mul3A_694 = arith.muli %scan3A_54, %mul3A_693 : i32
        %add3A_695 = arith.constant 9088 : i32
        %add3A_696 = arith.addi %mul3A_694, %add3A_695 : i32
        %dma_start3A_697 = arith.constant 9088 : i32
        %dma_start3A_698 = tpu.memref_slice %arg7[%dma_start3A_697] : memref<24576xf32, #tpu.memory_space<vmem>> -> memref<128xf32, #tpu.memory_space<vmem>>
        %dma_start3A_699 = tpu.memref_slice %arg6[%add3A_696] : memref<49152xi32, #tpu.memory_space<vmem>> -> memref<128xi32, #tpu.memory_space<vmem>>
        %dma_start3A_700 = arith.constant 0 : i32
        %dma_start3A_701 = tpu.memref_slice %arg5[%dma_start3A_700] : memref<786560xf32, #tpu.memory_space<vmem_shared>> -> memref<786560xf32, #tpu.memory_space<vmem_shared>>
        tpu.enqueue_indirect_dma source(%dma_start3A_701 : memref<786560xf32, #tpu.memory_space<vmem_shared>>) target(%dma_start3A_698 : memref<128xf32, #tpu.memory_space<vmem>>) offsets(%dma_start3A_699 : memref<128xi32, #tpu.memory_space<vmem>>) semaphore(%arg9 : memref<!tpu.dma_semaphore, #tpu.memory_space<semaphore_mem>>)
        %mul3A_702 = arith.constant 24576 : i32
        %mul3A_703 = arith.muli %scan3A_54, %mul3A_702 : i32
        %add3A_704 = arith.constant 9216 : i32
        %add3A_705 = arith.addi %mul3A_703, %add3A_704 : i32
        %dma_start3A_706 = arith.constant 9216 : i32
        %dma_start3A_707 = tpu.memref_slice %arg7[%dma_start3A_706] : memref<24576xf32, #tpu.memory_space<vmem>> -> memref<128xf32, #tpu.memory_space<vmem>>
        %dma_start3A_708 = tpu.memref_slice %arg6[%add3A_705] : memref<49152xi32, #tpu.memory_space<vmem>> -> memref<128xi32, #tpu.memory_space<vmem>>
        %dma_start3A_709 = arith.constant 0 : i32
        %dma_start3A_710 = tpu.memref_slice %arg5[%dma_start3A_709] : memref<786560xf32, #tpu.memory_space<vmem_shared>> -> memref<786560xf32, #tpu.memory_space<vmem_shared>>
        tpu.enqueue_indirect_dma source(%dma_start3A_710 : memref<786560xf32, #tpu.memory_space<vmem_shared>>) target(%dma_start3A_707 : memref<128xf32, #tpu.memory_space<vmem>>) offsets(%dma_start3A_708 : memref<128xi32, #tpu.memory_space<vmem>>) semaphore(%arg9 : memref<!tpu.dma_semaphore, #tpu.memory_space<semaphore_mem>>)
        %mul3A_711 = arith.constant 24576 : i32
        %mul3A_712 = arith.muli %scan3A_54, %mul3A_711 : i32
        %add3A_713 = arith.constant 9344 : i32
        %add3A_714 = arith.addi %mul3A_712, %add3A_713 : i32
        %dma_start3A_715 = arith.constant 9344 : i32
        %dma_start3A_716 = tpu.memref_slice %arg7[%dma_start3A_715] : memref<24576xf32, #tpu.memory_space<vmem>> -> memref<128xf32, #tpu.memory_space<vmem>>
        %dma_start3A_717 = tpu.memref_slice %arg6[%add3A_714] : memref<49152xi32, #tpu.memory_space<vmem>> -> memref<128xi32, #tpu.memory_space<vmem>>
        %dma_start3A_718 = arith.constant 0 : i32
        %dma_start3A_719 = tpu.memref_slice %arg5[%dma_start3A_718] : memref<786560xf32, #tpu.memory_space<vmem_shared>> -> memref<786560xf32, #tpu.memory_space<vmem_shared>>
        tpu.enqueue_indirect_dma source(%dma_start3A_719 : memref<786560xf32, #tpu.memory_space<vmem_shared>>) target(%dma_start3A_716 : memref<128xf32, #tpu.memory_space<vmem>>) offsets(%dma_start3A_717 : memref<128xi32, #tpu.memory_space<vmem>>) semaphore(%arg9 : memref<!tpu.dma_semaphore, #tpu.memory_space<semaphore_mem>>)
        %mul3A_720 = arith.constant 24576 : i32
        %mul3A_721 = arith.muli %scan3A_54, %mul3A_720 : i32
        %add3A_722 = arith.constant 9472 : i32
        %add3A_723 = arith.addi %mul3A_721, %add3A_722 : i32
        %dma_start3A_724 = arith.constant 9472 : i32
        %dma_start3A_725 = tpu.memref_slice %arg7[%dma_start3A_724] : memref<24576xf32, #tpu.memory_space<vmem>> -> memref<128xf32, #tpu.memory_space<vmem>>
        %dma_start3A_726 = tpu.memref_slice %arg6[%add3A_723] : memref<49152xi32, #tpu.memory_space<vmem>> -> memref<128xi32, #tpu.memory_space<vmem>>
        %dma_start3A_727 = arith.constant 0 : i32
        %dma_start3A_728 = tpu.memref_slice %arg5[%dma_start3A_727] : memref<786560xf32, #tpu.memory_space<vmem_shared>> -> memref<786560xf32, #tpu.memory_space<vmem_shared>>
        tpu.enqueue_indirect_dma source(%dma_start3A_728 : memref<786560xf32, #tpu.memory_space<vmem_shared>>) target(%dma_start3A_725 : memref<128xf32, #tpu.memory_space<vmem>>) offsets(%dma_start3A_726 : memref<128xi32, #tpu.memory_space<vmem>>) semaphore(%arg9 : memref<!tpu.dma_semaphore, #tpu.memory_space<semaphore_mem>>)
        %mul3A_729 = arith.constant 24576 : i32
        %mul3A_730 = arith.muli %scan3A_54, %mul3A_729 : i32
        %add3A_731 = arith.constant 9600 : i32
        %add3A_732 = arith.addi %mul3A_730, %add3A_731 : i32
        %dma_start3A_733 = arith.constant 9600 : i32
        %dma_start3A_734 = tpu.memref_slice %arg7[%dma_start3A_733] : memref<24576xf32, #tpu.memory_space<vmem>> -> memref<128xf32, #tpu.memory_space<vmem>>
        %dma_start3A_735 = tpu.memref_slice %arg6[%add3A_732] : memref<49152xi32, #tpu.memory_space<vmem>> -> memref<128xi32, #tpu.memory_space<vmem>>
        %dma_start3A_736 = arith.constant 0 : i32
        %dma_start3A_737 = tpu.memref_slice %arg5[%dma_start3A_736] : memref<786560xf32, #tpu.memory_space<vmem_shared>> -> memref<786560xf32, #tpu.memory_space<vmem_shared>>
        tpu.enqueue_indirect_dma source(%dma_start3A_737 : memref<786560xf32, #tpu.memory_space<vmem_shared>>) target(%dma_start3A_734 : memref<128xf32, #tpu.memory_space<vmem>>) offsets(%dma_start3A_735 : memref<128xi32, #tpu.memory_space<vmem>>) semaphore(%arg9 : memref<!tpu.dma_semaphore, #tpu.memory_space<semaphore_mem>>)
        %mul3A_738 = arith.constant 24576 : i32
        %mul3A_739 = arith.muli %scan3A_54, %mul3A_738 : i32
        %add3A_740 = arith.constant 9728 : i32
        %add3A_741 = arith.addi %mul3A_739, %add3A_740 : i32
        %dma_start3A_742 = arith.constant 9728 : i32
        %dma_start3A_743 = tpu.memref_slice %arg7[%dma_start3A_742] : memref<24576xf32, #tpu.memory_space<vmem>> -> memref<128xf32, #tpu.memory_space<vmem>>
        %dma_start3A_744 = tpu.memref_slice %arg6[%add3A_741] : memref<49152xi32, #tpu.memory_space<vmem>> -> memref<128xi32, #tpu.memory_space<vmem>>
        %dma_start3A_745 = arith.constant 0 : i32
        %dma_start3A_746 = tpu.memref_slice %arg5[%dma_start3A_745] : memref<786560xf32, #tpu.memory_space<vmem_shared>> -> memref<786560xf32, #tpu.memory_space<vmem_shared>>
        tpu.enqueue_indirect_dma source(%dma_start3A_746 : memref<786560xf32, #tpu.memory_space<vmem_shared>>) target(%dma_start3A_743 : memref<128xf32, #tpu.memory_space<vmem>>) offsets(%dma_start3A_744 : memref<128xi32, #tpu.memory_space<vmem>>) semaphore(%arg9 : memref<!tpu.dma_semaphore, #tpu.memory_space<semaphore_mem>>)
        %mul3A_747 = arith.constant 24576 : i32
        %mul3A_748 = arith.muli %scan3A_54, %mul3A_747 : i32
        %add3A_749 = arith.constant 9856 : i32
        %add3A_750 = arith.addi %mul3A_748, %add3A_749 : i32
        %dma_start3A_751 = arith.constant 9856 : i32
        %dma_start3A_752 = tpu.memref_slice %arg7[%dma_start3A_751] : memref<24576xf32, #tpu.memory_space<vmem>> -> memref<128xf32, #tpu.memory_space<vmem>>
        %dma_start3A_753 = tpu.memref_slice %arg6[%add3A_750] : memref<49152xi32, #tpu.memory_space<vmem>> -> memref<128xi32, #tpu.memory_space<vmem>>
        %dma_start3A_754 = arith.constant 0 : i32
        %dma_start3A_755 = tpu.memref_slice %arg5[%dma_start3A_754] : memref<786560xf32, #tpu.memory_space<vmem_shared>> -> memref<786560xf32, #tpu.memory_space<vmem_shared>>
        tpu.enqueue_indirect_dma source(%dma_start3A_755 : memref<786560xf32, #tpu.memory_space<vmem_shared>>) target(%dma_start3A_752 : memref<128xf32, #tpu.memory_space<vmem>>) offsets(%dma_start3A_753 : memref<128xi32, #tpu.memory_space<vmem>>) semaphore(%arg9 : memref<!tpu.dma_semaphore, #tpu.memory_space<semaphore_mem>>)
        %mul3A_756 = arith.constant 24576 : i32
        %mul3A_757 = arith.muli %scan3A_54, %mul3A_756 : i32
        %add3A_758 = arith.constant 9984 : i32
        %add3A_759 = arith.addi %mul3A_757, %add3A_758 : i32
        %dma_start3A_760 = arith.constant 9984 : i32
        %dma_start3A_761 = tpu.memref_slice %arg7[%dma_start3A_760] : memref<24576xf32, #tpu.memory_space<vmem>> -> memref<128xf32, #tpu.memory_space<vmem>>
        %dma_start3A_762 = tpu.memref_slice %arg6[%add3A_759] : memref<49152xi32, #tpu.memory_space<vmem>> -> memref<128xi32, #tpu.memory_space<vmem>>
        %dma_start3A_763 = arith.constant 0 : i32
        %dma_start3A_764 = tpu.memref_slice %arg5[%dma_start3A_763] : memref<786560xf32, #tpu.memory_space<vmem_shared>> -> memref<786560xf32, #tpu.memory_space<vmem_shared>>
        tpu.enqueue_indirect_dma source(%dma_start3A_764 : memref<786560xf32, #tpu.memory_space<vmem_shared>>) target(%dma_start3A_761 : memref<128xf32, #tpu.memory_space<vmem>>) offsets(%dma_start3A_762 : memref<128xi32, #tpu.memory_space<vmem>>) semaphore(%arg9 : memref<!tpu.dma_semaphore, #tpu.memory_space<semaphore_mem>>)
        %mul3A_765 = arith.constant 24576 : i32
        %mul3A_766 = arith.muli %scan3A_54, %mul3A_765 : i32
        %add3A_767 = arith.constant 10112 : i32
        %add3A_768 = arith.addi %mul3A_766, %add3A_767 : i32
        %dma_start3A_769 = arith.constant 10112 : i32
        %dma_start3A_770 = tpu.memref_slice %arg7[%dma_start3A_769] : memref<24576xf32, #tpu.memory_space<vmem>> -> memref<128xf32, #tpu.memory_space<vmem>>
        %dma_start3A_771 = tpu.memref_slice %arg6[%add3A_768] : memref<49152xi32, #tpu.memory_space<vmem>> -> memref<128xi32, #tpu.memory_space<vmem>>
        %dma_start3A_772 = arith.constant 0 : i32
        %dma_start3A_773 = tpu.memref_slice %arg5[%dma_start3A_772] : memref<786560xf32, #tpu.memory_space<vmem_shared>> -> memref<786560xf32, #tpu.memory_space<vmem_shared>>
        tpu.enqueue_indirect_dma source(%dma_start3A_773 : memref<786560xf32, #tpu.memory_space<vmem_shared>>) target(%dma_start3A_770 : memref<128xf32, #tpu.memory_space<vmem>>) offsets(%dma_start3A_771 : memref<128xi32, #tpu.memory_space<vmem>>) semaphore(%arg9 : memref<!tpu.dma_semaphore, #tpu.memory_space<semaphore_mem>>)
        %mul3A_774 = arith.constant 24576 : i32
        %mul3A_775 = arith.muli %scan3A_54, %mul3A_774 : i32
        %add3A_776 = arith.constant 10240 : i32
        %add3A_777 = arith.addi %mul3A_775, %add3A_776 : i32
        %dma_start3A_778 = arith.constant 10240 : i32
        %dma_start3A_779 = tpu.memref_slice %arg7[%dma_start3A_778] : memref<24576xf32, #tpu.memory_space<vmem>> -> memref<128xf32, #tpu.memory_space<vmem>>
        %dma_start3A_780 = tpu.memref_slice %arg6[%add3A_777] : memref<49152xi32, #tpu.memory_space<vmem>> -> memref<128xi32, #tpu.memory_space<vmem>>
        %dma_start3A_781 = arith.constant 0 : i32
        %dma_start3A_782 = tpu.memref_slice %arg5[%dma_start3A_781] : memref<786560xf32, #tpu.memory_space<vmem_shared>> -> memref<786560xf32, #tpu.memory_space<vmem_shared>>
        tpu.enqueue_indirect_dma source(%dma_start3A_782 : memref<786560xf32, #tpu.memory_space<vmem_shared>>) target(%dma_start3A_779 : memref<128xf32, #tpu.memory_space<vmem>>) offsets(%dma_start3A_780 : memref<128xi32, #tpu.memory_space<vmem>>) semaphore(%arg9 : memref<!tpu.dma_semaphore, #tpu.memory_space<semaphore_mem>>)
        %mul3A_783 = arith.constant 24576 : i32
        %mul3A_784 = arith.muli %scan3A_54, %mul3A_783 : i32
        %add3A_785 = arith.constant 10368 : i32
        %add3A_786 = arith.addi %mul3A_784, %add3A_785 : i32
        %dma_start3A_787 = arith.constant 10368 : i32
        %dma_start3A_788 = tpu.memref_slice %arg7[%dma_start3A_787] : memref<24576xf32, #tpu.memory_space<vmem>> -> memref<128xf32, #tpu.memory_space<vmem>>
        %dma_start3A_789 = tpu.memref_slice %arg6[%add3A_786] : memref<49152xi32, #tpu.memory_space<vmem>> -> memref<128xi32, #tpu.memory_space<vmem>>
        %dma_start3A_790 = arith.constant 0 : i32
        %dma_start3A_791 = tpu.memref_slice %arg5[%dma_start3A_790] : memref<786560xf32, #tpu.memory_space<vmem_shared>> -> memref<786560xf32, #tpu.memory_space<vmem_shared>>
        tpu.enqueue_indirect_dma source(%dma_start3A_791 : memref<786560xf32, #tpu.memory_space<vmem_shared>>) target(%dma_start3A_788 : memref<128xf32, #tpu.memory_space<vmem>>) offsets(%dma_start3A_789 : memref<128xi32, #tpu.memory_space<vmem>>) semaphore(%arg9 : memref<!tpu.dma_semaphore, #tpu.memory_space<semaphore_mem>>)
        %mul3A_792 = arith.constant 24576 : i32
        %mul3A_793 = arith.muli %scan3A_54, %mul3A_792 : i32
        %add3A_794 = arith.constant 10496 : i32
        %add3A_795 = arith.addi %mul3A_793, %add3A_794 : i32
        %dma_start3A_796 = arith.constant 10496 : i32
        %dma_start3A_797 = tpu.memref_slice %arg7[%dma_start3A_796] : memref<24576xf32, #tpu.memory_space<vmem>> -> memref<128xf32, #tpu.memory_space<vmem>>
        %dma_start3A_798 = tpu.memref_slice %arg6[%add3A_795] : memref<49152xi32, #tpu.memory_space<vmem>> -> memref<128xi32, #tpu.memory_space<vmem>>
        %dma_start3A_799 = arith.constant 0 : i32
        %dma_start3A_800 = tpu.memref_slice %arg5[%dma_start3A_799] : memref<786560xf32, #tpu.memory_space<vmem_shared>> -> memref<786560xf32, #tpu.memory_space<vmem_shared>>
        tpu.enqueue_indirect_dma source(%dma_start3A_800 : memref<786560xf32, #tpu.memory_space<vmem_shared>>) target(%dma_start3A_797 : memref<128xf32, #tpu.memory_space<vmem>>) offsets(%dma_start3A_798 : memref<128xi32, #tpu.memory_space<vmem>>) semaphore(%arg9 : memref<!tpu.dma_semaphore, #tpu.memory_space<semaphore_mem>>)
        %mul3A_801 = arith.constant 24576 : i32
        %mul3A_802 = arith.muli %scan3A_54, %mul3A_801 : i32
        %add3A_803 = arith.constant 10624 : i32
        %add3A_804 = arith.addi %mul3A_802, %add3A_803 : i32
        %dma_start3A_805 = arith.constant 10624 : i32
        %dma_start3A_806 = tpu.memref_slice %arg7[%dma_start3A_805] : memref<24576xf32, #tpu.memory_space<vmem>> -> memref<128xf32, #tpu.memory_space<vmem>>
        %dma_start3A_807 = tpu.memref_slice %arg6[%add3A_804] : memref<49152xi32, #tpu.memory_space<vmem>> -> memref<128xi32, #tpu.memory_space<vmem>>
        %dma_start3A_808 = arith.constant 0 : i32
        %dma_start3A_809 = tpu.memref_slice %arg5[%dma_start3A_808] : memref<786560xf32, #tpu.memory_space<vmem_shared>> -> memref<786560xf32, #tpu.memory_space<vmem_shared>>
        tpu.enqueue_indirect_dma source(%dma_start3A_809 : memref<786560xf32, #tpu.memory_space<vmem_shared>>) target(%dma_start3A_806 : memref<128xf32, #tpu.memory_space<vmem>>) offsets(%dma_start3A_807 : memref<128xi32, #tpu.memory_space<vmem>>) semaphore(%arg9 : memref<!tpu.dma_semaphore, #tpu.memory_space<semaphore_mem>>)
        %mul3A_810 = arith.constant 24576 : i32
        %mul3A_811 = arith.muli %scan3A_54, %mul3A_810 : i32
        %add3A_812 = arith.constant 10752 : i32
        %add3A_813 = arith.addi %mul3A_811, %add3A_812 : i32
        %dma_start3A_814 = arith.constant 10752 : i32
        %dma_start3A_815 = tpu.memref_slice %arg7[%dma_start3A_814] : memref<24576xf32, #tpu.memory_space<vmem>> -> memref<128xf32, #tpu.memory_space<vmem>>
        %dma_start3A_816 = tpu.memref_slice %arg6[%add3A_813] : memref<49152xi32, #tpu.memory_space<vmem>> -> memref<128xi32, #tpu.memory_space<vmem>>
        %dma_start3A_817 = arith.constant 0 : i32
        %dma_start3A_818 = tpu.memref_slice %arg5[%dma_start3A_817] : memref<786560xf32, #tpu.memory_space<vmem_shared>> -> memref<786560xf32, #tpu.memory_space<vmem_shared>>
        tpu.enqueue_indirect_dma source(%dma_start3A_818 : memref<786560xf32, #tpu.memory_space<vmem_shared>>) target(%dma_start3A_815 : memref<128xf32, #tpu.memory_space<vmem>>) offsets(%dma_start3A_816 : memref<128xi32, #tpu.memory_space<vmem>>) semaphore(%arg9 : memref<!tpu.dma_semaphore, #tpu.memory_space<semaphore_mem>>)
        %mul3A_819 = arith.constant 24576 : i32
        %mul3A_820 = arith.muli %scan3A_54, %mul3A_819 : i32
        %add3A_821 = arith.constant 10880 : i32
        %add3A_822 = arith.addi %mul3A_820, %add3A_821 : i32
        %dma_start3A_823 = arith.constant 10880 : i32
        %dma_start3A_824 = tpu.memref_slice %arg7[%dma_start3A_823] : memref<24576xf32, #tpu.memory_space<vmem>> -> memref<128xf32, #tpu.memory_space<vmem>>
        %dma_start3A_825 = tpu.memref_slice %arg6[%add3A_822] : memref<49152xi32, #tpu.memory_space<vmem>> -> memref<128xi32, #tpu.memory_space<vmem>>
        %dma_start3A_826 = arith.constant 0 : i32
        %dma_start3A_827 = tpu.memref_slice %arg5[%dma_start3A_826] : memref<786560xf32, #tpu.memory_space<vmem_shared>> -> memref<786560xf32, #tpu.memory_space<vmem_shared>>
        tpu.enqueue_indirect_dma source(%dma_start3A_827 : memref<786560xf32, #tpu.memory_space<vmem_shared>>) target(%dma_start3A_824 : memref<128xf32, #tpu.memory_space<vmem>>) offsets(%dma_start3A_825 : memref<128xi32, #tpu.memory_space<vmem>>) semaphore(%arg9 : memref<!tpu.dma_semaphore, #tpu.memory_space<semaphore_mem>>)
        %mul3A_828 = arith.constant 24576 : i32
        %mul3A_829 = arith.muli %scan3A_54, %mul3A_828 : i32
        %add3A_830 = arith.constant 11008 : i32
        %add3A_831 = arith.addi %mul3A_829, %add3A_830 : i32
        %dma_start3A_832 = arith.constant 11008 : i32
        %dma_start3A_833 = tpu.memref_slice %arg7[%dma_start3A_832] : memref<24576xf32, #tpu.memory_space<vmem>> -> memref<128xf32, #tpu.memory_space<vmem>>
        %dma_start3A_834 = tpu.memref_slice %arg6[%add3A_831] : memref<49152xi32, #tpu.memory_space<vmem>> -> memref<128xi32, #tpu.memory_space<vmem>>
        %dma_start3A_835 = arith.constant 0 : i32
        %dma_start3A_836 = tpu.memref_slice %arg5[%dma_start3A_835] : memref<786560xf32, #tpu.memory_space<vmem_shared>> -> memref<786560xf32, #tpu.memory_space<vmem_shared>>
        tpu.enqueue_indirect_dma source(%dma_start3A_836 : memref<786560xf32, #tpu.memory_space<vmem_shared>>) target(%dma_start3A_833 : memref<128xf32, #tpu.memory_space<vmem>>) offsets(%dma_start3A_834 : memref<128xi32, #tpu.memory_space<vmem>>) semaphore(%arg9 : memref<!tpu.dma_semaphore, #tpu.memory_space<semaphore_mem>>)
        %mul3A_837 = arith.constant 24576 : i32
        %mul3A_838 = arith.muli %scan3A_54, %mul3A_837 : i32
        %add3A_839 = arith.constant 11136 : i32
        %add3A_840 = arith.addi %mul3A_838, %add3A_839 : i32
        %dma_start3A_841 = arith.constant 11136 : i32
        %dma_start3A_842 = tpu.memref_slice %arg7[%dma_start3A_841] : memref<24576xf32, #tpu.memory_space<vmem>> -> memref<128xf32, #tpu.memory_space<vmem>>
        %dma_start3A_843 = tpu.memref_slice %arg6[%add3A_840] : memref<49152xi32, #tpu.memory_space<vmem>> -> memref<128xi32, #tpu.memory_space<vmem>>
        %dma_start3A_844 = arith.constant 0 : i32
        %dma_start3A_845 = tpu.memref_slice %arg5[%dma_start3A_844] : memref<786560xf32, #tpu.memory_space<vmem_shared>> -> memref<786560xf32, #tpu.memory_space<vmem_shared>>
        tpu.enqueue_indirect_dma source(%dma_start3A_845 : memref<786560xf32, #tpu.memory_space<vmem_shared>>) target(%dma_start3A_842 : memref<128xf32, #tpu.memory_space<vmem>>) offsets(%dma_start3A_843 : memref<128xi32, #tpu.memory_space<vmem>>) semaphore(%arg9 : memref<!tpu.dma_semaphore, #tpu.memory_space<semaphore_mem>>)
        %mul3A_846 = arith.constant 24576 : i32
        %mul3A_847 = arith.muli %scan3A_54, %mul3A_846 : i32
        %add3A_848 = arith.constant 11264 : i32
        %add3A_849 = arith.addi %mul3A_847, %add3A_848 : i32
        %dma_start3A_850 = arith.constant 11264 : i32
        %dma_start3A_851 = tpu.memref_slice %arg7[%dma_start3A_850] : memref<24576xf32, #tpu.memory_space<vmem>> -> memref<128xf32, #tpu.memory_space<vmem>>
        %dma_start3A_852 = tpu.memref_slice %arg6[%add3A_849] : memref<49152xi32, #tpu.memory_space<vmem>> -> memref<128xi32, #tpu.memory_space<vmem>>
        %dma_start3A_853 = arith.constant 0 : i32
        %dma_start3A_854 = tpu.memref_slice %arg5[%dma_start3A_853] : memref<786560xf32, #tpu.memory_space<vmem_shared>> -> memref<786560xf32, #tpu.memory_space<vmem_shared>>
        tpu.enqueue_indirect_dma source(%dma_start3A_854 : memref<786560xf32, #tpu.memory_space<vmem_shared>>) target(%dma_start3A_851 : memref<128xf32, #tpu.memory_space<vmem>>) offsets(%dma_start3A_852 : memref<128xi32, #tpu.memory_space<vmem>>) semaphore(%arg9 : memref<!tpu.dma_semaphore, #tpu.memory_space<semaphore_mem>>)
        %mul3A_855 = arith.constant 24576 : i32
        %mul3A_856 = arith.muli %scan3A_54, %mul3A_855 : i32
        %add3A_857 = arith.constant 11392 : i32
        %add3A_858 = arith.addi %mul3A_856, %add3A_857 : i32
        %dma_start3A_859 = arith.constant 11392 : i32
        %dma_start3A_860 = tpu.memref_slice %arg7[%dma_start3A_859] : memref<24576xf32, #tpu.memory_space<vmem>> -> memref<128xf32, #tpu.memory_space<vmem>>
        %dma_start3A_861 = tpu.memref_slice %arg6[%add3A_858] : memref<49152xi32, #tpu.memory_space<vmem>> -> memref<128xi32, #tpu.memory_space<vmem>>
        %dma_start3A_862 = arith.constant 0 : i32
        %dma_start3A_863 = tpu.memref_slice %arg5[%dma_start3A_862] : memref<786560xf32, #tpu.memory_space<vmem_shared>> -> memref<786560xf32, #tpu.memory_space<vmem_shared>>
        tpu.enqueue_indirect_dma source(%dma_start3A_863 : memref<786560xf32, #tpu.memory_space<vmem_shared>>) target(%dma_start3A_860 : memref<128xf32, #tpu.memory_space<vmem>>) offsets(%dma_start3A_861 : memref<128xi32, #tpu.memory_space<vmem>>) semaphore(%arg9 : memref<!tpu.dma_semaphore, #tpu.memory_space<semaphore_mem>>)
        %mul3A_864 = arith.constant 24576 : i32
        %mul3A_865 = arith.muli %scan3A_54, %mul3A_864 : i32
        %add3A_866 = arith.constant 11520 : i32
        %add3A_867 = arith.addi %mul3A_865, %add3A_866 : i32
        %dma_start3A_868 = arith.constant 11520 : i32
        %dma_start3A_869 = tpu.memref_slice %arg7[%dma_start3A_868] : memref<24576xf32, #tpu.memory_space<vmem>> -> memref<128xf32, #tpu.memory_space<vmem>>
        %dma_start3A_870 = tpu.memref_slice %arg6[%add3A_867] : memref<49152xi32, #tpu.memory_space<vmem>> -> memref<128xi32, #tpu.memory_space<vmem>>
        %dma_start3A_871 = arith.constant 0 : i32
        %dma_start3A_872 = tpu.memref_slice %arg5[%dma_start3A_871] : memref<786560xf32, #tpu.memory_space<vmem_shared>> -> memref<786560xf32, #tpu.memory_space<vmem_shared>>
        tpu.enqueue_indirect_dma source(%dma_start3A_872 : memref<786560xf32, #tpu.memory_space<vmem_shared>>) target(%dma_start3A_869 : memref<128xf32, #tpu.memory_space<vmem>>) offsets(%dma_start3A_870 : memref<128xi32, #tpu.memory_space<vmem>>) semaphore(%arg9 : memref<!tpu.dma_semaphore, #tpu.memory_space<semaphore_mem>>)
        %mul3A_873 = arith.constant 24576 : i32
        %mul3A_874 = arith.muli %scan3A_54, %mul3A_873 : i32
        %add3A_875 = arith.constant 11648 : i32
        %add3A_876 = arith.addi %mul3A_874, %add3A_875 : i32
        %dma_start3A_877 = arith.constant 11648 : i32
        %dma_start3A_878 = tpu.memref_slice %arg7[%dma_start3A_877] : memref<24576xf32, #tpu.memory_space<vmem>> -> memref<128xf32, #tpu.memory_space<vmem>>
        %dma_start3A_879 = tpu.memref_slice %arg6[%add3A_876] : memref<49152xi32, #tpu.memory_space<vmem>> -> memref<128xi32, #tpu.memory_space<vmem>>
        %dma_start3A_880 = arith.constant 0 : i32
        %dma_start3A_881 = tpu.memref_slice %arg5[%dma_start3A_880] : memref<786560xf32, #tpu.memory_space<vmem_shared>> -> memref<786560xf32, #tpu.memory_space<vmem_shared>>
        tpu.enqueue_indirect_dma source(%dma_start3A_881 : memref<786560xf32, #tpu.memory_space<vmem_shared>>) target(%dma_start3A_878 : memref<128xf32, #tpu.memory_space<vmem>>) offsets(%dma_start3A_879 : memref<128xi32, #tpu.memory_space<vmem>>) semaphore(%arg9 : memref<!tpu.dma_semaphore, #tpu.memory_space<semaphore_mem>>)
        %mul3A_882 = arith.constant 24576 : i32
        %mul3A_883 = arith.muli %scan3A_54, %mul3A_882 : i32
        %add3A_884 = arith.constant 11776 : i32
        %add3A_885 = arith.addi %mul3A_883, %add3A_884 : i32
        %dma_start3A_886 = arith.constant 11776 : i32
        %dma_start3A_887 = tpu.memref_slice %arg7[%dma_start3A_886] : memref<24576xf32, #tpu.memory_space<vmem>> -> memref<128xf32, #tpu.memory_space<vmem>>
        %dma_start3A_888 = tpu.memref_slice %arg6[%add3A_885] : memref<49152xi32, #tpu.memory_space<vmem>> -> memref<128xi32, #tpu.memory_space<vmem>>
        %dma_start3A_889 = arith.constant 0 : i32
        %dma_start3A_890 = tpu.memref_slice %arg5[%dma_start3A_889] : memref<786560xf32, #tpu.memory_space<vmem_shared>> -> memref<786560xf32, #tpu.memory_space<vmem_shared>>
        tpu.enqueue_indirect_dma source(%dma_start3A_890 : memref<786560xf32, #tpu.memory_space<vmem_shared>>) target(%dma_start3A_887 : memref<128xf32, #tpu.memory_space<vmem>>) offsets(%dma_start3A_888 : memref<128xi32, #tpu.memory_space<vmem>>) semaphore(%arg9 : memref<!tpu.dma_semaphore, #tpu.memory_space<semaphore_mem>>)
        %mul3A_891 = arith.constant 24576 : i32
        %mul3A_892 = arith.muli %scan3A_54, %mul3A_891 : i32
        %add3A_893 = arith.constant 11904 : i32
        %add3A_894 = arith.addi %mul3A_892, %add3A_893 : i32
        %dma_start3A_895 = arith.constant 11904 : i32
        %dma_start3A_896 = tpu.memref_slice %arg7[%dma_start3A_895] : memref<24576xf32, #tpu.memory_space<vmem>> -> memref<128xf32, #tpu.memory_space<vmem>>
        %dma_start3A_897 = tpu.memref_slice %arg6[%add3A_894] : memref<49152xi32, #tpu.memory_space<vmem>> -> memref<128xi32, #tpu.memory_space<vmem>>
        %dma_start3A_898 = arith.constant 0 : i32
        %dma_start3A_899 = tpu.memref_slice %arg5[%dma_start3A_898] : memref<786560xf32, #tpu.memory_space<vmem_shared>> -> memref<786560xf32, #tpu.memory_space<vmem_shared>>
        tpu.enqueue_indirect_dma source(%dma_start3A_899 : memref<786560xf32, #tpu.memory_space<vmem_shared>>) target(%dma_start3A_896 : memref<128xf32, #tpu.memory_space<vmem>>) offsets(%dma_start3A_897 : memref<128xi32, #tpu.memory_space<vmem>>) semaphore(%arg9 : memref<!tpu.dma_semaphore, #tpu.memory_space<semaphore_mem>>)
        %mul3A_900 = arith.constant 24576 : i32
        %mul3A_901 = arith.muli %scan3A_54, %mul3A_900 : i32
        %add3A_902 = arith.constant 12032 : i32
        %add3A_903 = arith.addi %mul3A_901, %add3A_902 : i32
        %dma_start3A_904 = arith.constant 12032 : i32
        %dma_start3A_905 = tpu.memref_slice %arg7[%dma_start3A_904] : memref<24576xf32, #tpu.memory_space<vmem>> -> memref<128xf32, #tpu.memory_space<vmem>>
        %dma_start3A_906 = tpu.memref_slice %arg6[%add3A_903] : memref<49152xi32, #tpu.memory_space<vmem>> -> memref<128xi32, #tpu.memory_space<vmem>>
        %dma_start3A_907 = arith.constant 0 : i32
        %dma_start3A_908 = tpu.memref_slice %arg5[%dma_start3A_907] : memref<786560xf32, #tpu.memory_space<vmem_shared>> -> memref<786560xf32, #tpu.memory_space<vmem_shared>>
        tpu.enqueue_indirect_dma source(%dma_start3A_908 : memref<786560xf32, #tpu.memory_space<vmem_shared>>) target(%dma_start3A_905 : memref<128xf32, #tpu.memory_space<vmem>>) offsets(%dma_start3A_906 : memref<128xi32, #tpu.memory_space<vmem>>) semaphore(%arg9 : memref<!tpu.dma_semaphore, #tpu.memory_space<semaphore_mem>>)
        %mul3A_909 = arith.constant 24576 : i32
        %mul3A_910 = arith.muli %scan3A_54, %mul3A_909 : i32
        %add3A_911 = arith.constant 12160 : i32
        %add3A_912 = arith.addi %mul3A_910, %add3A_911 : i32
        %dma_start3A_913 = arith.constant 12160 : i32
        %dma_start3A_914 = tpu.memref_slice %arg7[%dma_start3A_913] : memref<24576xf32, #tpu.memory_space<vmem>> -> memref<128xf32, #tpu.memory_space<vmem>>
        %dma_start3A_915 = tpu.memref_slice %arg6[%add3A_912] : memref<49152xi32, #tpu.memory_space<vmem>> -> memref<128xi32, #tpu.memory_space<vmem>>
        %dma_start3A_916 = arith.constant 0 : i32
        %dma_start3A_917 = tpu.memref_slice %arg5[%dma_start3A_916] : memref<786560xf32, #tpu.memory_space<vmem_shared>> -> memref<786560xf32, #tpu.memory_space<vmem_shared>>
        tpu.enqueue_indirect_dma source(%dma_start3A_917 : memref<786560xf32, #tpu.memory_space<vmem_shared>>) target(%dma_start3A_914 : memref<128xf32, #tpu.memory_space<vmem>>) offsets(%dma_start3A_915 : memref<128xi32, #tpu.memory_space<vmem>>) semaphore(%arg9 : memref<!tpu.dma_semaphore, #tpu.memory_space<semaphore_mem>>)
        %mul3A_918 = arith.constant 24576 : i32
        %mul3A_919 = arith.muli %scan3A_54, %mul3A_918 : i32
        %add3A_920 = arith.constant 12288 : i32
        %add3A_921 = arith.addi %mul3A_919, %add3A_920 : i32
        %dma_start3A_922 = arith.constant 12288 : i32
        %dma_start3A_923 = tpu.memref_slice %arg7[%dma_start3A_922] : memref<24576xf32, #tpu.memory_space<vmem>> -> memref<128xf32, #tpu.memory_space<vmem>>
        %dma_start3A_924 = tpu.memref_slice %arg6[%add3A_921] : memref<49152xi32, #tpu.memory_space<vmem>> -> memref<128xi32, #tpu.memory_space<vmem>>
        %dma_start3A_925 = arith.constant 0 : i32
        %dma_start3A_926 = tpu.memref_slice %arg5[%dma_start3A_925] : memref<786560xf32, #tpu.memory_space<vmem_shared>> -> memref<786560xf32, #tpu.memory_space<vmem_shared>>
        tpu.enqueue_indirect_dma source(%dma_start3A_926 : memref<786560xf32, #tpu.memory_space<vmem_shared>>) target(%dma_start3A_923 : memref<128xf32, #tpu.memory_space<vmem>>) offsets(%dma_start3A_924 : memref<128xi32, #tpu.memory_space<vmem>>) semaphore(%arg9 : memref<!tpu.dma_semaphore, #tpu.memory_space<semaphore_mem>>)
        %mul3A_927 = arith.constant 24576 : i32
        %mul3A_928 = arith.muli %scan3A_54, %mul3A_927 : i32
        %add3A_929 = arith.constant 12416 : i32
        %add3A_930 = arith.addi %mul3A_928, %add3A_929 : i32
        %dma_start3A_931 = arith.constant 12416 : i32
        %dma_start3A_932 = tpu.memref_slice %arg7[%dma_start3A_931] : memref<24576xf32, #tpu.memory_space<vmem>> -> memref<128xf32, #tpu.memory_space<vmem>>
        %dma_start3A_933 = tpu.memref_slice %arg6[%add3A_930] : memref<49152xi32, #tpu.memory_space<vmem>> -> memref<128xi32, #tpu.memory_space<vmem>>
        %dma_start3A_934 = arith.constant 0 : i32
        %dma_start3A_935 = tpu.memref_slice %arg5[%dma_start3A_934] : memref<786560xf32, #tpu.memory_space<vmem_shared>> -> memref<786560xf32, #tpu.memory_space<vmem_shared>>
        tpu.enqueue_indirect_dma source(%dma_start3A_935 : memref<786560xf32, #tpu.memory_space<vmem_shared>>) target(%dma_start3A_932 : memref<128xf32, #tpu.memory_space<vmem>>) offsets(%dma_start3A_933 : memref<128xi32, #tpu.memory_space<vmem>>) semaphore(%arg9 : memref<!tpu.dma_semaphore, #tpu.memory_space<semaphore_mem>>)
        %mul3A_936 = arith.constant 24576 : i32
        %mul3A_937 = arith.muli %scan3A_54, %mul3A_936 : i32
        %add3A_938 = arith.constant 12544 : i32
        %add3A_939 = arith.addi %mul3A_937, %add3A_938 : i32
        %dma_start3A_940 = arith.constant 12544 : i32
        %dma_start3A_941 = tpu.memref_slice %arg7[%dma_start3A_940] : memref<24576xf32, #tpu.memory_space<vmem>> -> memref<128xf32, #tpu.memory_space<vmem>>
        %dma_start3A_942 = tpu.memref_slice %arg6[%add3A_939] : memref<49152xi32, #tpu.memory_space<vmem>> -> memref<128xi32, #tpu.memory_space<vmem>>
        %dma_start3A_943 = arith.constant 0 : i32
        %dma_start3A_944 = tpu.memref_slice %arg5[%dma_start3A_943] : memref<786560xf32, #tpu.memory_space<vmem_shared>> -> memref<786560xf32, #tpu.memory_space<vmem_shared>>
        tpu.enqueue_indirect_dma source(%dma_start3A_944 : memref<786560xf32, #tpu.memory_space<vmem_shared>>) target(%dma_start3A_941 : memref<128xf32, #tpu.memory_space<vmem>>) offsets(%dma_start3A_942 : memref<128xi32, #tpu.memory_space<vmem>>) semaphore(%arg9 : memref<!tpu.dma_semaphore, #tpu.memory_space<semaphore_mem>>)
        %mul3A_945 = arith.constant 24576 : i32
        %mul3A_946 = arith.muli %scan3A_54, %mul3A_945 : i32
        %add3A_947 = arith.constant 12672 : i32
        %add3A_948 = arith.addi %mul3A_946, %add3A_947 : i32
        %dma_start3A_949 = arith.constant 12672 : i32
        %dma_start3A_950 = tpu.memref_slice %arg7[%dma_start3A_949] : memref<24576xf32, #tpu.memory_space<vmem>> -> memref<128xf32, #tpu.memory_space<vmem>>
        %dma_start3A_951 = tpu.memref_slice %arg6[%add3A_948] : memref<49152xi32, #tpu.memory_space<vmem>> -> memref<128xi32, #tpu.memory_space<vmem>>
        %dma_start3A_952 = arith.constant 0 : i32
        %dma_start3A_953 = tpu.memref_slice %arg5[%dma_start3A_952] : memref<786560xf32, #tpu.memory_space<vmem_shared>> -> memref<786560xf32, #tpu.memory_space<vmem_shared>>
        tpu.enqueue_indirect_dma source(%dma_start3A_953 : memref<786560xf32, #tpu.memory_space<vmem_shared>>) target(%dma_start3A_950 : memref<128xf32, #tpu.memory_space<vmem>>) offsets(%dma_start3A_951 : memref<128xi32, #tpu.memory_space<vmem>>) semaphore(%arg9 : memref<!tpu.dma_semaphore, #tpu.memory_space<semaphore_mem>>)
        %mul3A_954 = arith.constant 24576 : i32
        %mul3A_955 = arith.muli %scan3A_54, %mul3A_954 : i32
        %add3A_956 = arith.constant 12800 : i32
        %add3A_957 = arith.addi %mul3A_955, %add3A_956 : i32
        %dma_start3A_958 = arith.constant 12800 : i32
        %dma_start3A_959 = tpu.memref_slice %arg7[%dma_start3A_958] : memref<24576xf32, #tpu.memory_space<vmem>> -> memref<128xf32, #tpu.memory_space<vmem>>
        %dma_start3A_960 = tpu.memref_slice %arg6[%add3A_957] : memref<49152xi32, #tpu.memory_space<vmem>> -> memref<128xi32, #tpu.memory_space<vmem>>
        %dma_start3A_961 = arith.constant 0 : i32
        %dma_start3A_962 = tpu.memref_slice %arg5[%dma_start3A_961] : memref<786560xf32, #tpu.memory_space<vmem_shared>> -> memref<786560xf32, #tpu.memory_space<vmem_shared>>
        tpu.enqueue_indirect_dma source(%dma_start3A_962 : memref<786560xf32, #tpu.memory_space<vmem_shared>>) target(%dma_start3A_959 : memref<128xf32, #tpu.memory_space<vmem>>) offsets(%dma_start3A_960 : memref<128xi32, #tpu.memory_space<vmem>>) semaphore(%arg9 : memref<!tpu.dma_semaphore, #tpu.memory_space<semaphore_mem>>)
        %mul3A_963 = arith.constant 24576 : i32
        %mul3A_964 = arith.muli %scan3A_54, %mul3A_963 : i32
        %add3A_965 = arith.constant 12928 : i32
        %add3A_966 = arith.addi %mul3A_964, %add3A_965 : i32
        %dma_start3A_967 = arith.constant 12928 : i32
        %dma_start3A_968 = tpu.memref_slice %arg7[%dma_start3A_967] : memref<24576xf32, #tpu.memory_space<vmem>> -> memref<128xf32, #tpu.memory_space<vmem>>
        %dma_start3A_969 = tpu.memref_slice %arg6[%add3A_966] : memref<49152xi32, #tpu.memory_space<vmem>> -> memref<128xi32, #tpu.memory_space<vmem>>
        %dma_start3A_970 = arith.constant 0 : i32
        %dma_start3A_971 = tpu.memref_slice %arg5[%dma_start3A_970] : memref<786560xf32, #tpu.memory_space<vmem_shared>> -> memref<786560xf32, #tpu.memory_space<vmem_shared>>
        tpu.enqueue_indirect_dma source(%dma_start3A_971 : memref<786560xf32, #tpu.memory_space<vmem_shared>>) target(%dma_start3A_968 : memref<128xf32, #tpu.memory_space<vmem>>) offsets(%dma_start3A_969 : memref<128xi32, #tpu.memory_space<vmem>>) semaphore(%arg9 : memref<!tpu.dma_semaphore, #tpu.memory_space<semaphore_mem>>)
        %mul3A_972 = arith.constant 24576 : i32
        %mul3A_973 = arith.muli %scan3A_54, %mul3A_972 : i32
        %add3A_974 = arith.constant 13056 : i32
        %add3A_975 = arith.addi %mul3A_973, %add3A_974 : i32
        %dma_start3A_976 = arith.constant 13056 : i32
        %dma_start3A_977 = tpu.memref_slice %arg7[%dma_start3A_976] : memref<24576xf32, #tpu.memory_space<vmem>> -> memref<128xf32, #tpu.memory_space<vmem>>
        %dma_start3A_978 = tpu.memref_slice %arg6[%add3A_975] : memref<49152xi32, #tpu.memory_space<vmem>> -> memref<128xi32, #tpu.memory_space<vmem>>
        %dma_start3A_979 = arith.constant 0 : i32
        %dma_start3A_980 = tpu.memref_slice %arg5[%dma_start3A_979] : memref<786560xf32, #tpu.memory_space<vmem_shared>> -> memref<786560xf32, #tpu.memory_space<vmem_shared>>
        tpu.enqueue_indirect_dma source(%dma_start3A_980 : memref<786560xf32, #tpu.memory_space<vmem_shared>>) target(%dma_start3A_977 : memref<128xf32, #tpu.memory_space<vmem>>) offsets(%dma_start3A_978 : memref<128xi32, #tpu.memory_space<vmem>>) semaphore(%arg9 : memref<!tpu.dma_semaphore, #tpu.memory_space<semaphore_mem>>)
        %mul3A_981 = arith.constant 24576 : i32
        %mul3A_982 = arith.muli %scan3A_54, %mul3A_981 : i32
        %add3A_983 = arith.constant 13184 : i32
        %add3A_984 = arith.addi %mul3A_982, %add3A_983 : i32
        %dma_start3A_985 = arith.constant 13184 : i32
        %dma_start3A_986 = tpu.memref_slice %arg7[%dma_start3A_985] : memref<24576xf32, #tpu.memory_space<vmem>> -> memref<128xf32, #tpu.memory_space<vmem>>
        %dma_start3A_987 = tpu.memref_slice %arg6[%add3A_984] : memref<49152xi32, #tpu.memory_space<vmem>> -> memref<128xi32, #tpu.memory_space<vmem>>
        %dma_start3A_988 = arith.constant 0 : i32
        %dma_start3A_989 = tpu.memref_slice %arg5[%dma_start3A_988] : memref<786560xf32, #tpu.memory_space<vmem_shared>> -> memref<786560xf32, #tpu.memory_space<vmem_shared>>
        tpu.enqueue_indirect_dma source(%dma_start3A_989 : memref<786560xf32, #tpu.memory_space<vmem_shared>>) target(%dma_start3A_986 : memref<128xf32, #tpu.memory_space<vmem>>) offsets(%dma_start3A_987 : memref<128xi32, #tpu.memory_space<vmem>>) semaphore(%arg9 : memref<!tpu.dma_semaphore, #tpu.memory_space<semaphore_mem>>)
        %mul3A_990 = arith.constant 24576 : i32
        %mul3A_991 = arith.muli %scan3A_54, %mul3A_990 : i32
        %add3A_992 = arith.constant 13312 : i32
        %add3A_993 = arith.addi %mul3A_991, %add3A_992 : i32
        %dma_start3A_994 = arith.constant 13312 : i32
        %dma_start3A_995 = tpu.memref_slice %arg7[%dma_start3A_994] : memref<24576xf32, #tpu.memory_space<vmem>> -> memref<128xf32, #tpu.memory_space<vmem>>
        %dma_start3A_996 = tpu.memref_slice %arg6[%add3A_993] : memref<49152xi32, #tpu.memory_space<vmem>> -> memref<128xi32, #tpu.memory_space<vmem>>
        %dma_start3A_997 = arith.constant 0 : i32
        %dma_start3A_998 = tpu.memref_slice %arg5[%dma_start3A_997] : memref<786560xf32, #tpu.memory_space<vmem_shared>> -> memref<786560xf32, #tpu.memory_space<vmem_shared>>
        tpu.enqueue_indirect_dma source(%dma_start3A_998 : memref<786560xf32, #tpu.memory_space<vmem_shared>>) target(%dma_start3A_995 : memref<128xf32, #tpu.memory_space<vmem>>) offsets(%dma_start3A_996 : memref<128xi32, #tpu.memory_space<vmem>>) semaphore(%arg9 : memref<!tpu.dma_semaphore, #tpu.memory_space<semaphore_mem>>)
        %mul3A_999 = arith.constant 24576 : i32
        %mul3A_1000 = arith.muli %scan3A_54, %mul3A_999 : i32
        %add3A_1001 = arith.constant 13440 : i32
        %add3A_1002 = arith.addi %mul3A_1000, %add3A_1001 : i32
        %dma_start3A_1003 = arith.constant 13440 : i32
        %dma_start3A_1004 = tpu.memref_slice %arg7[%dma_start3A_1003] : memref<24576xf32, #tpu.memory_space<vmem>> -> memref<128xf32, #tpu.memory_space<vmem>>
        %dma_start3A_1005 = tpu.memref_slice %arg6[%add3A_1002] : memref<49152xi32, #tpu.memory_space<vmem>> -> memref<128xi32, #tpu.memory_space<vmem>>
        %dma_start3A_1006 = arith.constant 0 : i32
        %dma_start3A_1007 = tpu.memref_slice %arg5[%dma_start3A_1006] : memref<786560xf32, #tpu.memory_space<vmem_shared>> -> memref<786560xf32, #tpu.memory_space<vmem_shared>>
        tpu.enqueue_indirect_dma source(%dma_start3A_1007 : memref<786560xf32, #tpu.memory_space<vmem_shared>>) target(%dma_start3A_1004 : memref<128xf32, #tpu.memory_space<vmem>>) offsets(%dma_start3A_1005 : memref<128xi32, #tpu.memory_space<vmem>>) semaphore(%arg9 : memref<!tpu.dma_semaphore, #tpu.memory_space<semaphore_mem>>)
        %mul3A_1008 = arith.constant 24576 : i32
        %mul3A_1009 = arith.muli %scan3A_54, %mul3A_1008 : i32
        %add3A_1010 = arith.constant 13568 : i32
        %add3A_1011 = arith.addi %mul3A_1009, %add3A_1010 : i32
        %dma_start3A_1012 = arith.constant 13568 : i32
        %dma_start3A_1013 = tpu.memref_slice %arg7[%dma_start3A_1012] : memref<24576xf32, #tpu.memory_space<vmem>> -> memref<128xf32, #tpu.memory_space<vmem>>
        %dma_start3A_1014 = tpu.memref_slice %arg6[%add3A_1011] : memref<49152xi32, #tpu.memory_space<vmem>> -> memref<128xi32, #tpu.memory_space<vmem>>
        %dma_start3A_1015 = arith.constant 0 : i32
        %dma_start3A_1016 = tpu.memref_slice %arg5[%dma_start3A_1015] : memref<786560xf32, #tpu.memory_space<vmem_shared>> -> memref<786560xf32, #tpu.memory_space<vmem_shared>>
        tpu.enqueue_indirect_dma source(%dma_start3A_1016 : memref<786560xf32, #tpu.memory_space<vmem_shared>>) target(%dma_start3A_1013 : memref<128xf32, #tpu.memory_space<vmem>>) offsets(%dma_start3A_1014 : memref<128xi32, #tpu.memory_space<vmem>>) semaphore(%arg9 : memref<!tpu.dma_semaphore, #tpu.memory_space<semaphore_mem>>)
        %mul3A_1017 = arith.constant 24576 : i32
        %mul3A_1018 = arith.muli %scan3A_54, %mul3A_1017 : i32
        %add3A_1019 = arith.constant 13696 : i32
        %add3A_1020 = arith.addi %mul3A_1018, %add3A_1019 : i32
        %dma_start3A_1021 = arith.constant 13696 : i32
        %dma_start3A_1022 = tpu.memref_slice %arg7[%dma_start3A_1021] : memref<24576xf32, #tpu.memory_space<vmem>> -> memref<128xf32, #tpu.memory_space<vmem>>
        %dma_start3A_1023 = tpu.memref_slice %arg6[%add3A_1020] : memref<49152xi32, #tpu.memory_space<vmem>> -> memref<128xi32, #tpu.memory_space<vmem>>
        %dma_start3A_1024 = arith.constant 0 : i32
        %dma_start3A_1025 = tpu.memref_slice %arg5[%dma_start3A_1024] : memref<786560xf32, #tpu.memory_space<vmem_shared>> -> memref<786560xf32, #tpu.memory_space<vmem_shared>>
        tpu.enqueue_indirect_dma source(%dma_start3A_1025 : memref<786560xf32, #tpu.memory_space<vmem_shared>>) target(%dma_start3A_1022 : memref<128xf32, #tpu.memory_space<vmem>>) offsets(%dma_start3A_1023 : memref<128xi32, #tpu.memory_space<vmem>>) semaphore(%arg9 : memref<!tpu.dma_semaphore, #tpu.memory_space<semaphore_mem>>)
        %mul3A_1026 = arith.constant 24576 : i32
        %mul3A_1027 = arith.muli %scan3A_54, %mul3A_1026 : i32
        %add3A_1028 = arith.constant 13824 : i32
        %add3A_1029 = arith.addi %mul3A_1027, %add3A_1028 : i32
        %dma_start3A_1030 = arith.constant 13824 : i32
        %dma_start3A_1031 = tpu.memref_slice %arg7[%dma_start3A_1030] : memref<24576xf32, #tpu.memory_space<vmem>> -> memref<128xf32, #tpu.memory_space<vmem>>
        %dma_start3A_1032 = tpu.memref_slice %arg6[%add3A_1029] : memref<49152xi32, #tpu.memory_space<vmem>> -> memref<128xi32, #tpu.memory_space<vmem>>
        %dma_start3A_1033 = arith.constant 0 : i32
        %dma_start3A_1034 = tpu.memref_slice %arg5[%dma_start3A_1033] : memref<786560xf32, #tpu.memory_space<vmem_shared>> -> memref<786560xf32, #tpu.memory_space<vmem_shared>>
        tpu.enqueue_indirect_dma source(%dma_start3A_1034 : memref<786560xf32, #tpu.memory_space<vmem_shared>>) target(%dma_start3A_1031 : memref<128xf32, #tpu.memory_space<vmem>>) offsets(%dma_start3A_1032 : memref<128xi32, #tpu.memory_space<vmem>>) semaphore(%arg9 : memref<!tpu.dma_semaphore, #tpu.memory_space<semaphore_mem>>)
        %mul3A_1035 = arith.constant 24576 : i32
        %mul3A_1036 = arith.muli %scan3A_54, %mul3A_1035 : i32
        %add3A_1037 = arith.constant 13952 : i32
        %add3A_1038 = arith.addi %mul3A_1036, %add3A_1037 : i32
        %dma_start3A_1039 = arith.constant 13952 : i32
        %dma_start3A_1040 = tpu.memref_slice %arg7[%dma_start3A_1039] : memref<24576xf32, #tpu.memory_space<vmem>> -> memref<128xf32, #tpu.memory_space<vmem>>
        %dma_start3A_1041 = tpu.memref_slice %arg6[%add3A_1038] : memref<49152xi32, #tpu.memory_space<vmem>> -> memref<128xi32, #tpu.memory_space<vmem>>
        %dma_start3A_1042 = arith.constant 0 : i32
        %dma_start3A_1043 = tpu.memref_slice %arg5[%dma_start3A_1042] : memref<786560xf32, #tpu.memory_space<vmem_shared>> -> memref<786560xf32, #tpu.memory_space<vmem_shared>>
        tpu.enqueue_indirect_dma source(%dma_start3A_1043 : memref<786560xf32, #tpu.memory_space<vmem_shared>>) target(%dma_start3A_1040 : memref<128xf32, #tpu.memory_space<vmem>>) offsets(%dma_start3A_1041 : memref<128xi32, #tpu.memory_space<vmem>>) semaphore(%arg9 : memref<!tpu.dma_semaphore, #tpu.memory_space<semaphore_mem>>)
        %mul3A_1044 = arith.constant 24576 : i32
        %mul3A_1045 = arith.muli %scan3A_54, %mul3A_1044 : i32
        %add3A_1046 = arith.constant 14080 : i32
        %add3A_1047 = arith.addi %mul3A_1045, %add3A_1046 : i32
        %dma_start3A_1048 = arith.constant 14080 : i32
        %dma_start3A_1049 = tpu.memref_slice %arg7[%dma_start3A_1048] : memref<24576xf32, #tpu.memory_space<vmem>> -> memref<128xf32, #tpu.memory_space<vmem>>
        %dma_start3A_1050 = tpu.memref_slice %arg6[%add3A_1047] : memref<49152xi32, #tpu.memory_space<vmem>> -> memref<128xi32, #tpu.memory_space<vmem>>
        %dma_start3A_1051 = arith.constant 0 : i32
        %dma_start3A_1052 = tpu.memref_slice %arg5[%dma_start3A_1051] : memref<786560xf32, #tpu.memory_space<vmem_shared>> -> memref<786560xf32, #tpu.memory_space<vmem_shared>>
        tpu.enqueue_indirect_dma source(%dma_start3A_1052 : memref<786560xf32, #tpu.memory_space<vmem_shared>>) target(%dma_start3A_1049 : memref<128xf32, #tpu.memory_space<vmem>>) offsets(%dma_start3A_1050 : memref<128xi32, #tpu.memory_space<vmem>>) semaphore(%arg9 : memref<!tpu.dma_semaphore, #tpu.memory_space<semaphore_mem>>)
        %mul3A_1053 = arith.constant 24576 : i32
        %mul3A_1054 = arith.muli %scan3A_54, %mul3A_1053 : i32
        %add3A_1055 = arith.constant 14208 : i32
        %add3A_1056 = arith.addi %mul3A_1054, %add3A_1055 : i32
        %dma_start3A_1057 = arith.constant 14208 : i32
        %dma_start3A_1058 = tpu.memref_slice %arg7[%dma_start3A_1057] : memref<24576xf32, #tpu.memory_space<vmem>> -> memref<128xf32, #tpu.memory_space<vmem>>
        %dma_start3A_1059 = tpu.memref_slice %arg6[%add3A_1056] : memref<49152xi32, #tpu.memory_space<vmem>> -> memref<128xi32, #tpu.memory_space<vmem>>
        %dma_start3A_1060 = arith.constant 0 : i32
        %dma_start3A_1061 = tpu.memref_slice %arg5[%dma_start3A_1060] : memref<786560xf32, #tpu.memory_space<vmem_shared>> -> memref<786560xf32, #tpu.memory_space<vmem_shared>>
        tpu.enqueue_indirect_dma source(%dma_start3A_1061 : memref<786560xf32, #tpu.memory_space<vmem_shared>>) target(%dma_start3A_1058 : memref<128xf32, #tpu.memory_space<vmem>>) offsets(%dma_start3A_1059 : memref<128xi32, #tpu.memory_space<vmem>>) semaphore(%arg9 : memref<!tpu.dma_semaphore, #tpu.memory_space<semaphore_mem>>)
        %mul3A_1062 = arith.constant 24576 : i32
        %mul3A_1063 = arith.muli %scan3A_54, %mul3A_1062 : i32
        %add3A_1064 = arith.constant 14336 : i32
        %add3A_1065 = arith.addi %mul3A_1063, %add3A_1064 : i32
        %dma_start3A_1066 = arith.constant 14336 : i32
        %dma_start3A_1067 = tpu.memref_slice %arg7[%dma_start3A_1066] : memref<24576xf32, #tpu.memory_space<vmem>> -> memref<128xf32, #tpu.memory_space<vmem>>
        %dma_start3A_1068 = tpu.memref_slice %arg6[%add3A_1065] : memref<49152xi32, #tpu.memory_space<vmem>> -> memref<128xi32, #tpu.memory_space<vmem>>
        %dma_start3A_1069 = arith.constant 0 : i32
        %dma_start3A_1070 = tpu.memref_slice %arg5[%dma_start3A_1069] : memref<786560xf32, #tpu.memory_space<vmem_shared>> -> memref<786560xf32, #tpu.memory_space<vmem_shared>>
        tpu.enqueue_indirect_dma source(%dma_start3A_1070 : memref<786560xf32, #tpu.memory_space<vmem_shared>>) target(%dma_start3A_1067 : memref<128xf32, #tpu.memory_space<vmem>>) offsets(%dma_start3A_1068 : memref<128xi32, #tpu.memory_space<vmem>>) semaphore(%arg9 : memref<!tpu.dma_semaphore, #tpu.memory_space<semaphore_mem>>)
        %mul3A_1071 = arith.constant 24576 : i32
        %mul3A_1072 = arith.muli %scan3A_54, %mul3A_1071 : i32
        %add3A_1073 = arith.constant 14464 : i32
        %add3A_1074 = arith.addi %mul3A_1072, %add3A_1073 : i32
        %dma_start3A_1075 = arith.constant 14464 : i32
        %dma_start3A_1076 = tpu.memref_slice %arg7[%dma_start3A_1075] : memref<24576xf32, #tpu.memory_space<vmem>> -> memref<128xf32, #tpu.memory_space<vmem>>
        %dma_start3A_1077 = tpu.memref_slice %arg6[%add3A_1074] : memref<49152xi32, #tpu.memory_space<vmem>> -> memref<128xi32, #tpu.memory_space<vmem>>
        %dma_start3A_1078 = arith.constant 0 : i32
        %dma_start3A_1079 = tpu.memref_slice %arg5[%dma_start3A_1078] : memref<786560xf32, #tpu.memory_space<vmem_shared>> -> memref<786560xf32, #tpu.memory_space<vmem_shared>>
        tpu.enqueue_indirect_dma source(%dma_start3A_1079 : memref<786560xf32, #tpu.memory_space<vmem_shared>>) target(%dma_start3A_1076 : memref<128xf32, #tpu.memory_space<vmem>>) offsets(%dma_start3A_1077 : memref<128xi32, #tpu.memory_space<vmem>>) semaphore(%arg9 : memref<!tpu.dma_semaphore, #tpu.memory_space<semaphore_mem>>)
        %mul3A_1080 = arith.constant 24576 : i32
        %mul3A_1081 = arith.muli %scan3A_54, %mul3A_1080 : i32
        %add3A_1082 = arith.constant 14592 : i32
        %add3A_1083 = arith.addi %mul3A_1081, %add3A_1082 : i32
        %dma_start3A_1084 = arith.constant 14592 : i32
        %dma_start3A_1085 = tpu.memref_slice %arg7[%dma_start3A_1084] : memref<24576xf32, #tpu.memory_space<vmem>> -> memref<128xf32, #tpu.memory_space<vmem>>
        %dma_start3A_1086 = tpu.memref_slice %arg6[%add3A_1083] : memref<49152xi32, #tpu.memory_space<vmem>> -> memref<128xi32, #tpu.memory_space<vmem>>
        %dma_start3A_1087 = arith.constant 0 : i32
        %dma_start3A_1088 = tpu.memref_slice %arg5[%dma_start3A_1087] : memref<786560xf32, #tpu.memory_space<vmem_shared>> -> memref<786560xf32, #tpu.memory_space<vmem_shared>>
        tpu.enqueue_indirect_dma source(%dma_start3A_1088 : memref<786560xf32, #tpu.memory_space<vmem_shared>>) target(%dma_start3A_1085 : memref<128xf32, #tpu.memory_space<vmem>>) offsets(%dma_start3A_1086 : memref<128xi32, #tpu.memory_space<vmem>>) semaphore(%arg9 : memref<!tpu.dma_semaphore, #tpu.memory_space<semaphore_mem>>)
        %mul3A_1089 = arith.constant 24576 : i32
        %mul3A_1090 = arith.muli %scan3A_54, %mul3A_1089 : i32
        %add3A_1091 = arith.constant 14720 : i32
        %add3A_1092 = arith.addi %mul3A_1090, %add3A_1091 : i32
        %dma_start3A_1093 = arith.constant 14720 : i32
        %dma_start3A_1094 = tpu.memref_slice %arg7[%dma_start3A_1093] : memref<24576xf32, #tpu.memory_space<vmem>> -> memref<128xf32, #tpu.memory_space<vmem>>
        %dma_start3A_1095 = tpu.memref_slice %arg6[%add3A_1092] : memref<49152xi32, #tpu.memory_space<vmem>> -> memref<128xi32, #tpu.memory_space<vmem>>
        %dma_start3A_1096 = arith.constant 0 : i32
        %dma_start3A_1097 = tpu.memref_slice %arg5[%dma_start3A_1096] : memref<786560xf32, #tpu.memory_space<vmem_shared>> -> memref<786560xf32, #tpu.memory_space<vmem_shared>>
        tpu.enqueue_indirect_dma source(%dma_start3A_1097 : memref<786560xf32, #tpu.memory_space<vmem_shared>>) target(%dma_start3A_1094 : memref<128xf32, #tpu.memory_space<vmem>>) offsets(%dma_start3A_1095 : memref<128xi32, #tpu.memory_space<vmem>>) semaphore(%arg9 : memref<!tpu.dma_semaphore, #tpu.memory_space<semaphore_mem>>)
        %mul3A_1098 = arith.constant 24576 : i32
        %mul3A_1099 = arith.muli %scan3A_54, %mul3A_1098 : i32
        %add3A_1100 = arith.constant 14848 : i32
        %add3A_1101 = arith.addi %mul3A_1099, %add3A_1100 : i32
        %dma_start3A_1102 = arith.constant 14848 : i32
        %dma_start3A_1103 = tpu.memref_slice %arg7[%dma_start3A_1102] : memref<24576xf32, #tpu.memory_space<vmem>> -> memref<128xf32, #tpu.memory_space<vmem>>
        %dma_start3A_1104 = tpu.memref_slice %arg6[%add3A_1101] : memref<49152xi32, #tpu.memory_space<vmem>> -> memref<128xi32, #tpu.memory_space<vmem>>
        %dma_start3A_1105 = arith.constant 0 : i32
        %dma_start3A_1106 = tpu.memref_slice %arg5[%dma_start3A_1105] : memref<786560xf32, #tpu.memory_space<vmem_shared>> -> memref<786560xf32, #tpu.memory_space<vmem_shared>>
        tpu.enqueue_indirect_dma source(%dma_start3A_1106 : memref<786560xf32, #tpu.memory_space<vmem_shared>>) target(%dma_start3A_1103 : memref<128xf32, #tpu.memory_space<vmem>>) offsets(%dma_start3A_1104 : memref<128xi32, #tpu.memory_space<vmem>>) semaphore(%arg9 : memref<!tpu.dma_semaphore, #tpu.memory_space<semaphore_mem>>)
        %mul3A_1107 = arith.constant 24576 : i32
        %mul3A_1108 = arith.muli %scan3A_54, %mul3A_1107 : i32
        %add3A_1109 = arith.constant 14976 : i32
        %add3A_1110 = arith.addi %mul3A_1108, %add3A_1109 : i32
        %dma_start3A_1111 = arith.constant 14976 : i32
        %dma_start3A_1112 = tpu.memref_slice %arg7[%dma_start3A_1111] : memref<24576xf32, #tpu.memory_space<vmem>> -> memref<128xf32, #tpu.memory_space<vmem>>
        %dma_start3A_1113 = tpu.memref_slice %arg6[%add3A_1110] : memref<49152xi32, #tpu.memory_space<vmem>> -> memref<128xi32, #tpu.memory_space<vmem>>
        %dma_start3A_1114 = arith.constant 0 : i32
        %dma_start3A_1115 = tpu.memref_slice %arg5[%dma_start3A_1114] : memref<786560xf32, #tpu.memory_space<vmem_shared>> -> memref<786560xf32, #tpu.memory_space<vmem_shared>>
        tpu.enqueue_indirect_dma source(%dma_start3A_1115 : memref<786560xf32, #tpu.memory_space<vmem_shared>>) target(%dma_start3A_1112 : memref<128xf32, #tpu.memory_space<vmem>>) offsets(%dma_start3A_1113 : memref<128xi32, #tpu.memory_space<vmem>>) semaphore(%arg9 : memref<!tpu.dma_semaphore, #tpu.memory_space<semaphore_mem>>)
        %mul3A_1116 = arith.constant 24576 : i32
        %mul3A_1117 = arith.muli %scan3A_54, %mul3A_1116 : i32
        %add3A_1118 = arith.constant 15104 : i32
        %add3A_1119 = arith.addi %mul3A_1117, %add3A_1118 : i32
        %dma_start3A_1120 = arith.constant 15104 : i32
        %dma_start3A_1121 = tpu.memref_slice %arg7[%dma_start3A_1120] : memref<24576xf32, #tpu.memory_space<vmem>> -> memref<128xf32, #tpu.memory_space<vmem>>
        %dma_start3A_1122 = tpu.memref_slice %arg6[%add3A_1119] : memref<49152xi32, #tpu.memory_space<vmem>> -> memref<128xi32, #tpu.memory_space<vmem>>
        %dma_start3A_1123 = arith.constant 0 : i32
        %dma_start3A_1124 = tpu.memref_slice %arg5[%dma_start3A_1123] : memref<786560xf32, #tpu.memory_space<vmem_shared>> -> memref<786560xf32, #tpu.memory_space<vmem_shared>>
        tpu.enqueue_indirect_dma source(%dma_start3A_1124 : memref<786560xf32, #tpu.memory_space<vmem_shared>>) target(%dma_start3A_1121 : memref<128xf32, #tpu.memory_space<vmem>>) offsets(%dma_start3A_1122 : memref<128xi32, #tpu.memory_space<vmem>>) semaphore(%arg9 : memref<!tpu.dma_semaphore, #tpu.memory_space<semaphore_mem>>)
        %mul3A_1125 = arith.constant 24576 : i32
        %mul3A_1126 = arith.muli %scan3A_54, %mul3A_1125 : i32
        %add3A_1127 = arith.constant 15232 : i32
        %add3A_1128 = arith.addi %mul3A_1126, %add3A_1127 : i32
        %dma_start3A_1129 = arith.constant 15232 : i32
        %dma_start3A_1130 = tpu.memref_slice %arg7[%dma_start3A_1129] : memref<24576xf32, #tpu.memory_space<vmem>> -> memref<128xf32, #tpu.memory_space<vmem>>
        %dma_start3A_1131 = tpu.memref_slice %arg6[%add3A_1128] : memref<49152xi32, #tpu.memory_space<vmem>> -> memref<128xi32, #tpu.memory_space<vmem>>
        %dma_start3A_1132 = arith.constant 0 : i32
        %dma_start3A_1133 = tpu.memref_slice %arg5[%dma_start3A_1132] : memref<786560xf32, #tpu.memory_space<vmem_shared>> -> memref<786560xf32, #tpu.memory_space<vmem_shared>>
        tpu.enqueue_indirect_dma source(%dma_start3A_1133 : memref<786560xf32, #tpu.memory_space<vmem_shared>>) target(%dma_start3A_1130 : memref<128xf32, #tpu.memory_space<vmem>>) offsets(%dma_start3A_1131 : memref<128xi32, #tpu.memory_space<vmem>>) semaphore(%arg9 : memref<!tpu.dma_semaphore, #tpu.memory_space<semaphore_mem>>)
        %mul3A_1134 = arith.constant 24576 : i32
        %mul3A_1135 = arith.muli %scan3A_54, %mul3A_1134 : i32
        %add3A_1136 = arith.constant 15360 : i32
        %add3A_1137 = arith.addi %mul3A_1135, %add3A_1136 : i32
        %dma_start3A_1138 = arith.constant 15360 : i32
        %dma_start3A_1139 = tpu.memref_slice %arg7[%dma_start3A_1138] : memref<24576xf32, #tpu.memory_space<vmem>> -> memref<128xf32, #tpu.memory_space<vmem>>
        %dma_start3A_1140 = tpu.memref_slice %arg6[%add3A_1137] : memref<49152xi32, #tpu.memory_space<vmem>> -> memref<128xi32, #tpu.memory_space<vmem>>
        %dma_start3A_1141 = arith.constant 0 : i32
        %dma_start3A_1142 = tpu.memref_slice %arg5[%dma_start3A_1141] : memref<786560xf32, #tpu.memory_space<vmem_shared>> -> memref<786560xf32, #tpu.memory_space<vmem_shared>>
        tpu.enqueue_indirect_dma source(%dma_start3A_1142 : memref<786560xf32, #tpu.memory_space<vmem_shared>>) target(%dma_start3A_1139 : memref<128xf32, #tpu.memory_space<vmem>>) offsets(%dma_start3A_1140 : memref<128xi32, #tpu.memory_space<vmem>>) semaphore(%arg9 : memref<!tpu.dma_semaphore, #tpu.memory_space<semaphore_mem>>)
        %mul3A_1143 = arith.constant 24576 : i32
        %mul3A_1144 = arith.muli %scan3A_54, %mul3A_1143 : i32
        %add3A_1145 = arith.constant 15488 : i32
        %add3A_1146 = arith.addi %mul3A_1144, %add3A_1145 : i32
        %dma_start3A_1147 = arith.constant 15488 : i32
        %dma_start3A_1148 = tpu.memref_slice %arg7[%dma_start3A_1147] : memref<24576xf32, #tpu.memory_space<vmem>> -> memref<128xf32, #tpu.memory_space<vmem>>
        %dma_start3A_1149 = tpu.memref_slice %arg6[%add3A_1146] : memref<49152xi32, #tpu.memory_space<vmem>> -> memref<128xi32, #tpu.memory_space<vmem>>
        %dma_start3A_1150 = arith.constant 0 : i32
        %dma_start3A_1151 = tpu.memref_slice %arg5[%dma_start3A_1150] : memref<786560xf32, #tpu.memory_space<vmem_shared>> -> memref<786560xf32, #tpu.memory_space<vmem_shared>>
        tpu.enqueue_indirect_dma source(%dma_start3A_1151 : memref<786560xf32, #tpu.memory_space<vmem_shared>>) target(%dma_start3A_1148 : memref<128xf32, #tpu.memory_space<vmem>>) offsets(%dma_start3A_1149 : memref<128xi32, #tpu.memory_space<vmem>>) semaphore(%arg9 : memref<!tpu.dma_semaphore, #tpu.memory_space<semaphore_mem>>)
        %mul3A_1152 = arith.constant 24576 : i32
        %mul3A_1153 = arith.muli %scan3A_54, %mul3A_1152 : i32
        %add3A_1154 = arith.constant 15616 : i32
        %add3A_1155 = arith.addi %mul3A_1153, %add3A_1154 : i32
        %dma_start3A_1156 = arith.constant 15616 : i32
        %dma_start3A_1157 = tpu.memref_slice %arg7[%dma_start3A_1156] : memref<24576xf32, #tpu.memory_space<vmem>> -> memref<128xf32, #tpu.memory_space<vmem>>
        %dma_start3A_1158 = tpu.memref_slice %arg6[%add3A_1155] : memref<49152xi32, #tpu.memory_space<vmem>> -> memref<128xi32, #tpu.memory_space<vmem>>
        %dma_start3A_1159 = arith.constant 0 : i32
        %dma_start3A_1160 = tpu.memref_slice %arg5[%dma_start3A_1159] : memref<786560xf32, #tpu.memory_space<vmem_shared>> -> memref<786560xf32, #tpu.memory_space<vmem_shared>>
        tpu.enqueue_indirect_dma source(%dma_start3A_1160 : memref<786560xf32, #tpu.memory_space<vmem_shared>>) target(%dma_start3A_1157 : memref<128xf32, #tpu.memory_space<vmem>>) offsets(%dma_start3A_1158 : memref<128xi32, #tpu.memory_space<vmem>>) semaphore(%arg9 : memref<!tpu.dma_semaphore, #tpu.memory_space<semaphore_mem>>)
        %mul3A_1161 = arith.constant 24576 : i32
        %mul3A_1162 = arith.muli %scan3A_54, %mul3A_1161 : i32
        %add3A_1163 = arith.constant 15744 : i32
        %add3A_1164 = arith.addi %mul3A_1162, %add3A_1163 : i32
        %dma_start3A_1165 = arith.constant 15744 : i32
        %dma_start3A_1166 = tpu.memref_slice %arg7[%dma_start3A_1165] : memref<24576xf32, #tpu.memory_space<vmem>> -> memref<128xf32, #tpu.memory_space<vmem>>
        %dma_start3A_1167 = tpu.memref_slice %arg6[%add3A_1164] : memref<49152xi32, #tpu.memory_space<vmem>> -> memref<128xi32, #tpu.memory_space<vmem>>
        %dma_start3A_1168 = arith.constant 0 : i32
        %dma_start3A_1169 = tpu.memref_slice %arg5[%dma_start3A_1168] : memref<786560xf32, #tpu.memory_space<vmem_shared>> -> memref<786560xf32, #tpu.memory_space<vmem_shared>>
        tpu.enqueue_indirect_dma source(%dma_start3A_1169 : memref<786560xf32, #tpu.memory_space<vmem_shared>>) target(%dma_start3A_1166 : memref<128xf32, #tpu.memory_space<vmem>>) offsets(%dma_start3A_1167 : memref<128xi32, #tpu.memory_space<vmem>>) semaphore(%arg9 : memref<!tpu.dma_semaphore, #tpu.memory_space<semaphore_mem>>)
        %mul3A_1170 = arith.constant 24576 : i32
        %mul3A_1171 = arith.muli %scan3A_54, %mul3A_1170 : i32
        %add3A_1172 = arith.constant 15872 : i32
        %add3A_1173 = arith.addi %mul3A_1171, %add3A_1172 : i32
        %dma_start3A_1174 = arith.constant 15872 : i32
        %dma_start3A_1175 = tpu.memref_slice %arg7[%dma_start3A_1174] : memref<24576xf32, #tpu.memory_space<vmem>> -> memref<128xf32, #tpu.memory_space<vmem>>
        %dma_start3A_1176 = tpu.memref_slice %arg6[%add3A_1173] : memref<49152xi32, #tpu.memory_space<vmem>> -> memref<128xi32, #tpu.memory_space<vmem>>
        %dma_start3A_1177 = arith.constant 0 : i32
        %dma_start3A_1178 = tpu.memref_slice %arg5[%dma_start3A_1177] : memref<786560xf32, #tpu.memory_space<vmem_shared>> -> memref<786560xf32, #tpu.memory_space<vmem_shared>>
        tpu.enqueue_indirect_dma source(%dma_start3A_1178 : memref<786560xf32, #tpu.memory_space<vmem_shared>>) target(%dma_start3A_1175 : memref<128xf32, #tpu.memory_space<vmem>>) offsets(%dma_start3A_1176 : memref<128xi32, #tpu.memory_space<vmem>>) semaphore(%arg9 : memref<!tpu.dma_semaphore, #tpu.memory_space<semaphore_mem>>)
        %mul3A_1179 = arith.constant 24576 : i32
        %mul3A_1180 = arith.muli %scan3A_54, %mul3A_1179 : i32
        %add3A_1181 = arith.constant 16000 : i32
        %add3A_1182 = arith.addi %mul3A_1180, %add3A_1181 : i32
        %dma_start3A_1183 = arith.constant 16000 : i32
        %dma_start3A_1184 = tpu.memref_slice %arg7[%dma_start3A_1183] : memref<24576xf32, #tpu.memory_space<vmem>> -> memref<128xf32, #tpu.memory_space<vmem>>
        %dma_start3A_1185 = tpu.memref_slice %arg6[%add3A_1182] : memref<49152xi32, #tpu.memory_space<vmem>> -> memref<128xi32, #tpu.memory_space<vmem>>
        %dma_start3A_1186 = arith.constant 0 : i32
        %dma_start3A_1187 = tpu.memref_slice %arg5[%dma_start3A_1186] : memref<786560xf32, #tpu.memory_space<vmem_shared>> -> memref<786560xf32, #tpu.memory_space<vmem_shared>>
        tpu.enqueue_indirect_dma source(%dma_start3A_1187 : memref<786560xf32, #tpu.memory_space<vmem_shared>>) target(%dma_start3A_1184 : memref<128xf32, #tpu.memory_space<vmem>>) offsets(%dma_start3A_1185 : memref<128xi32, #tpu.memory_space<vmem>>) semaphore(%arg9 : memref<!tpu.dma_semaphore, #tpu.memory_space<semaphore_mem>>)
        %mul3A_1188 = arith.constant 24576 : i32
        %mul3A_1189 = arith.muli %scan3A_54, %mul3A_1188 : i32
        %add3A_1190 = arith.constant 16128 : i32
        %add3A_1191 = arith.addi %mul3A_1189, %add3A_1190 : i32
        %dma_start3A_1192 = arith.constant 16128 : i32
        %dma_start3A_1193 = tpu.memref_slice %arg7[%dma_start3A_1192] : memref<24576xf32, #tpu.memory_space<vmem>> -> memref<128xf32, #tpu.memory_space<vmem>>
        %dma_start3A_1194 = tpu.memref_slice %arg6[%add3A_1191] : memref<49152xi32, #tpu.memory_space<vmem>> -> memref<128xi32, #tpu.memory_space<vmem>>
        %dma_start3A_1195 = arith.constant 0 : i32
        %dma_start3A_1196 = tpu.memref_slice %arg5[%dma_start3A_1195] : memref<786560xf32, #tpu.memory_space<vmem_shared>> -> memref<786560xf32, #tpu.memory_space<vmem_shared>>
        tpu.enqueue_indirect_dma source(%dma_start3A_1196 : memref<786560xf32, #tpu.memory_space<vmem_shared>>) target(%dma_start3A_1193 : memref<128xf32, #tpu.memory_space<vmem>>) offsets(%dma_start3A_1194 : memref<128xi32, #tpu.memory_space<vmem>>) semaphore(%arg9 : memref<!tpu.dma_semaphore, #tpu.memory_space<semaphore_mem>>)
        %mul3A_1197 = arith.constant 24576 : i32
        %mul3A_1198 = arith.muli %scan3A_54, %mul3A_1197 : i32
        %add3A_1199 = arith.constant 16256 : i32
        %add3A_1200 = arith.addi %mul3A_1198, %add3A_1199 : i32
        %dma_start3A_1201 = arith.constant 16256 : i32
        %dma_start3A_1202 = tpu.memref_slice %arg7[%dma_start3A_1201] : memref<24576xf32, #tpu.memory_space<vmem>> -> memref<128xf32, #tpu.memory_space<vmem>>
        %dma_start3A_1203 = tpu.memref_slice %arg6[%add3A_1200] : memref<49152xi32, #tpu.memory_space<vmem>> -> memref<128xi32, #tpu.memory_space<vmem>>
        %dma_start3A_1204 = arith.constant 0 : i32
        %dma_start3A_1205 = tpu.memref_slice %arg5[%dma_start3A_1204] : memref<786560xf32, #tpu.memory_space<vmem_shared>> -> memref<786560xf32, #tpu.memory_space<vmem_shared>>
        tpu.enqueue_indirect_dma source(%dma_start3A_1205 : memref<786560xf32, #tpu.memory_space<vmem_shared>>) target(%dma_start3A_1202 : memref<128xf32, #tpu.memory_space<vmem>>) offsets(%dma_start3A_1203 : memref<128xi32, #tpu.memory_space<vmem>>) semaphore(%arg9 : memref<!tpu.dma_semaphore, #tpu.memory_space<semaphore_mem>>)
        %mul3A_1206 = arith.constant 24576 : i32
        %mul3A_1207 = arith.muli %scan3A_54, %mul3A_1206 : i32
        %add3A_1208 = arith.constant 16384 : i32
        %add3A_1209 = arith.addi %mul3A_1207, %add3A_1208 : i32
        %dma_start3A_1210 = arith.constant 16384 : i32
        %dma_start3A_1211 = tpu.memref_slice %arg7[%dma_start3A_1210] : memref<24576xf32, #tpu.memory_space<vmem>> -> memref<128xf32, #tpu.memory_space<vmem>>
        %dma_start3A_1212 = tpu.memref_slice %arg6[%add3A_1209] : memref<49152xi32, #tpu.memory_space<vmem>> -> memref<128xi32, #tpu.memory_space<vmem>>
        %dma_start3A_1213 = arith.constant 0 : i32
        %dma_start3A_1214 = tpu.memref_slice %arg5[%dma_start3A_1213] : memref<786560xf32, #tpu.memory_space<vmem_shared>> -> memref<786560xf32, #tpu.memory_space<vmem_shared>>
        tpu.enqueue_indirect_dma source(%dma_start3A_1214 : memref<786560xf32, #tpu.memory_space<vmem_shared>>) target(%dma_start3A_1211 : memref<128xf32, #tpu.memory_space<vmem>>) offsets(%dma_start3A_1212 : memref<128xi32, #tpu.memory_space<vmem>>) semaphore(%arg9 : memref<!tpu.dma_semaphore, #tpu.memory_space<semaphore_mem>>)
        %mul3A_1215 = arith.constant 24576 : i32
        %mul3A_1216 = arith.muli %scan3A_54, %mul3A_1215 : i32
        %add3A_1217 = arith.constant 16512 : i32
        %add3A_1218 = arith.addi %mul3A_1216, %add3A_1217 : i32
        %dma_start3A_1219 = arith.constant 16512 : i32
        %dma_start3A_1220 = tpu.memref_slice %arg7[%dma_start3A_1219] : memref<24576xf32, #tpu.memory_space<vmem>> -> memref<128xf32, #tpu.memory_space<vmem>>
        %dma_start3A_1221 = tpu.memref_slice %arg6[%add3A_1218] : memref<49152xi32, #tpu.memory_space<vmem>> -> memref<128xi32, #tpu.memory_space<vmem>>
        %dma_start3A_1222 = arith.constant 0 : i32
        %dma_start3A_1223 = tpu.memref_slice %arg5[%dma_start3A_1222] : memref<786560xf32, #tpu.memory_space<vmem_shared>> -> memref<786560xf32, #tpu.memory_space<vmem_shared>>
        tpu.enqueue_indirect_dma source(%dma_start3A_1223 : memref<786560xf32, #tpu.memory_space<vmem_shared>>) target(%dma_start3A_1220 : memref<128xf32, #tpu.memory_space<vmem>>) offsets(%dma_start3A_1221 : memref<128xi32, #tpu.memory_space<vmem>>) semaphore(%arg9 : memref<!tpu.dma_semaphore, #tpu.memory_space<semaphore_mem>>)
        %mul3A_1224 = arith.constant 24576 : i32
        %mul3A_1225 = arith.muli %scan3A_54, %mul3A_1224 : i32
        %add3A_1226 = arith.constant 16640 : i32
        %add3A_1227 = arith.addi %mul3A_1225, %add3A_1226 : i32
        %dma_start3A_1228 = arith.constant 16640 : i32
        %dma_start3A_1229 = tpu.memref_slice %arg7[%dma_start3A_1228] : memref<24576xf32, #tpu.memory_space<vmem>> -> memref<128xf32, #tpu.memory_space<vmem>>
        %dma_start3A_1230 = tpu.memref_slice %arg6[%add3A_1227] : memref<49152xi32, #tpu.memory_space<vmem>> -> memref<128xi32, #tpu.memory_space<vmem>>
        %dma_start3A_1231 = arith.constant 0 : i32
        %dma_start3A_1232 = tpu.memref_slice %arg5[%dma_start3A_1231] : memref<786560xf32, #tpu.memory_space<vmem_shared>> -> memref<786560xf32, #tpu.memory_space<vmem_shared>>
        tpu.enqueue_indirect_dma source(%dma_start3A_1232 : memref<786560xf32, #tpu.memory_space<vmem_shared>>) target(%dma_start3A_1229 : memref<128xf32, #tpu.memory_space<vmem>>) offsets(%dma_start3A_1230 : memref<128xi32, #tpu.memory_space<vmem>>) semaphore(%arg9 : memref<!tpu.dma_semaphore, #tpu.memory_space<semaphore_mem>>)
        %mul3A_1233 = arith.constant 24576 : i32
        %mul3A_1234 = arith.muli %scan3A_54, %mul3A_1233 : i32
        %add3A_1235 = arith.constant 16768 : i32
        %add3A_1236 = arith.addi %mul3A_1234, %add3A_1235 : i32
        %dma_start3A_1237 = arith.constant 16768 : i32
        %dma_start3A_1238 = tpu.memref_slice %arg7[%dma_start3A_1237] : memref<24576xf32, #tpu.memory_space<vmem>> -> memref<128xf32, #tpu.memory_space<vmem>>
        %dma_start3A_1239 = tpu.memref_slice %arg6[%add3A_1236] : memref<49152xi32, #tpu.memory_space<vmem>> -> memref<128xi32, #tpu.memory_space<vmem>>
        %dma_start3A_1240 = arith.constant 0 : i32
        %dma_start3A_1241 = tpu.memref_slice %arg5[%dma_start3A_1240] : memref<786560xf32, #tpu.memory_space<vmem_shared>> -> memref<786560xf32, #tpu.memory_space<vmem_shared>>
        tpu.enqueue_indirect_dma source(%dma_start3A_1241 : memref<786560xf32, #tpu.memory_space<vmem_shared>>) target(%dma_start3A_1238 : memref<128xf32, #tpu.memory_space<vmem>>) offsets(%dma_start3A_1239 : memref<128xi32, #tpu.memory_space<vmem>>) semaphore(%arg9 : memref<!tpu.dma_semaphore, #tpu.memory_space<semaphore_mem>>)
        %mul3A_1242 = arith.constant 24576 : i32
        %mul3A_1243 = arith.muli %scan3A_54, %mul3A_1242 : i32
        %add3A_1244 = arith.constant 16896 : i32
        %add3A_1245 = arith.addi %mul3A_1243, %add3A_1244 : i32
        %dma_start3A_1246 = arith.constant 16896 : i32
        %dma_start3A_1247 = tpu.memref_slice %arg7[%dma_start3A_1246] : memref<24576xf32, #tpu.memory_space<vmem>> -> memref<128xf32, #tpu.memory_space<vmem>>
        %dma_start3A_1248 = tpu.memref_slice %arg6[%add3A_1245] : memref<49152xi32, #tpu.memory_space<vmem>> -> memref<128xi32, #tpu.memory_space<vmem>>
        %dma_start3A_1249 = arith.constant 0 : i32
        %dma_start3A_1250 = tpu.memref_slice %arg5[%dma_start3A_1249] : memref<786560xf32, #tpu.memory_space<vmem_shared>> -> memref<786560xf32, #tpu.memory_space<vmem_shared>>
        tpu.enqueue_indirect_dma source(%dma_start3A_1250 : memref<786560xf32, #tpu.memory_space<vmem_shared>>) target(%dma_start3A_1247 : memref<128xf32, #tpu.memory_space<vmem>>) offsets(%dma_start3A_1248 : memref<128xi32, #tpu.memory_space<vmem>>) semaphore(%arg9 : memref<!tpu.dma_semaphore, #tpu.memory_space<semaphore_mem>>)
        %mul3A_1251 = arith.constant 24576 : i32
        %mul3A_1252 = arith.muli %scan3A_54, %mul3A_1251 : i32
        %add3A_1253 = arith.constant 17024 : i32
        %add3A_1254 = arith.addi %mul3A_1252, %add3A_1253 : i32
        %dma_start3A_1255 = arith.constant 17024 : i32
        %dma_start3A_1256 = tpu.memref_slice %arg7[%dma_start3A_1255] : memref<24576xf32, #tpu.memory_space<vmem>> -> memref<128xf32, #tpu.memory_space<vmem>>
        %dma_start3A_1257 = tpu.memref_slice %arg6[%add3A_1254] : memref<49152xi32, #tpu.memory_space<vmem>> -> memref<128xi32, #tpu.memory_space<vmem>>
        %dma_start3A_1258 = arith.constant 0 : i32
        %dma_start3A_1259 = tpu.memref_slice %arg5[%dma_start3A_1258] : memref<786560xf32, #tpu.memory_space<vmem_shared>> -> memref<786560xf32, #tpu.memory_space<vmem_shared>>
        tpu.enqueue_indirect_dma source(%dma_start3A_1259 : memref<786560xf32, #tpu.memory_space<vmem_shared>>) target(%dma_start3A_1256 : memref<128xf32, #tpu.memory_space<vmem>>) offsets(%dma_start3A_1257 : memref<128xi32, #tpu.memory_space<vmem>>) semaphore(%arg9 : memref<!tpu.dma_semaphore, #tpu.memory_space<semaphore_mem>>)
        %mul3A_1260 = arith.constant 24576 : i32
        %mul3A_1261 = arith.muli %scan3A_54, %mul3A_1260 : i32
        %add3A_1262 = arith.constant 17152 : i32
        %add3A_1263 = arith.addi %mul3A_1261, %add3A_1262 : i32
        %dma_start3A_1264 = arith.constant 17152 : i32
        %dma_start3A_1265 = tpu.memref_slice %arg7[%dma_start3A_1264] : memref<24576xf32, #tpu.memory_space<vmem>> -> memref<128xf32, #tpu.memory_space<vmem>>
        %dma_start3A_1266 = tpu.memref_slice %arg6[%add3A_1263] : memref<49152xi32, #tpu.memory_space<vmem>> -> memref<128xi32, #tpu.memory_space<vmem>>
        %dma_start3A_1267 = arith.constant 0 : i32
        %dma_start3A_1268 = tpu.memref_slice %arg5[%dma_start3A_1267] : memref<786560xf32, #tpu.memory_space<vmem_shared>> -> memref<786560xf32, #tpu.memory_space<vmem_shared>>
        tpu.enqueue_indirect_dma source(%dma_start3A_1268 : memref<786560xf32, #tpu.memory_space<vmem_shared>>) target(%dma_start3A_1265 : memref<128xf32, #tpu.memory_space<vmem>>) offsets(%dma_start3A_1266 : memref<128xi32, #tpu.memory_space<vmem>>) semaphore(%arg9 : memref<!tpu.dma_semaphore, #tpu.memory_space<semaphore_mem>>)
        %mul3A_1269 = arith.constant 24576 : i32
        %mul3A_1270 = arith.muli %scan3A_54, %mul3A_1269 : i32
        %add3A_1271 = arith.constant 17280 : i32
        %add3A_1272 = arith.addi %mul3A_1270, %add3A_1271 : i32
        %dma_start3A_1273 = arith.constant 17280 : i32
        %dma_start3A_1274 = tpu.memref_slice %arg7[%dma_start3A_1273] : memref<24576xf32, #tpu.memory_space<vmem>> -> memref<128xf32, #tpu.memory_space<vmem>>
        %dma_start3A_1275 = tpu.memref_slice %arg6[%add3A_1272] : memref<49152xi32, #tpu.memory_space<vmem>> -> memref<128xi32, #tpu.memory_space<vmem>>
        %dma_start3A_1276 = arith.constant 0 : i32
        %dma_start3A_1277 = tpu.memref_slice %arg5[%dma_start3A_1276] : memref<786560xf32, #tpu.memory_space<vmem_shared>> -> memref<786560xf32, #tpu.memory_space<vmem_shared>>
        tpu.enqueue_indirect_dma source(%dma_start3A_1277 : memref<786560xf32, #tpu.memory_space<vmem_shared>>) target(%dma_start3A_1274 : memref<128xf32, #tpu.memory_space<vmem>>) offsets(%dma_start3A_1275 : memref<128xi32, #tpu.memory_space<vmem>>) semaphore(%arg9 : memref<!tpu.dma_semaphore, #tpu.memory_space<semaphore_mem>>)
        %mul3A_1278 = arith.constant 24576 : i32
        %mul3A_1279 = arith.muli %scan3A_54, %mul3A_1278 : i32
        %add3A_1280 = arith.constant 17408 : i32
        %add3A_1281 = arith.addi %mul3A_1279, %add3A_1280 : i32
        %dma_start3A_1282 = arith.constant 17408 : i32
        %dma_start3A_1283 = tpu.memref_slice %arg7[%dma_start3A_1282] : memref<24576xf32, #tpu.memory_space<vmem>> -> memref<128xf32, #tpu.memory_space<vmem>>
        %dma_start3A_1284 = tpu.memref_slice %arg6[%add3A_1281] : memref<49152xi32, #tpu.memory_space<vmem>> -> memref<128xi32, #tpu.memory_space<vmem>>
        %dma_start3A_1285 = arith.constant 0 : i32
        %dma_start3A_1286 = tpu.memref_slice %arg5[%dma_start3A_1285] : memref<786560xf32, #tpu.memory_space<vmem_shared>> -> memref<786560xf32, #tpu.memory_space<vmem_shared>>
        tpu.enqueue_indirect_dma source(%dma_start3A_1286 : memref<786560xf32, #tpu.memory_space<vmem_shared>>) target(%dma_start3A_1283 : memref<128xf32, #tpu.memory_space<vmem>>) offsets(%dma_start3A_1284 : memref<128xi32, #tpu.memory_space<vmem>>) semaphore(%arg9 : memref<!tpu.dma_semaphore, #tpu.memory_space<semaphore_mem>>)
        %mul3A_1287 = arith.constant 24576 : i32
        %mul3A_1288 = arith.muli %scan3A_54, %mul3A_1287 : i32
        %add3A_1289 = arith.constant 17536 : i32
        %add3A_1290 = arith.addi %mul3A_1288, %add3A_1289 : i32
        %dma_start3A_1291 = arith.constant 17536 : i32
        %dma_start3A_1292 = tpu.memref_slice %arg7[%dma_start3A_1291] : memref<24576xf32, #tpu.memory_space<vmem>> -> memref<128xf32, #tpu.memory_space<vmem>>
        %dma_start3A_1293 = tpu.memref_slice %arg6[%add3A_1290] : memref<49152xi32, #tpu.memory_space<vmem>> -> memref<128xi32, #tpu.memory_space<vmem>>
        %dma_start3A_1294 = arith.constant 0 : i32
        %dma_start3A_1295 = tpu.memref_slice %arg5[%dma_start3A_1294] : memref<786560xf32, #tpu.memory_space<vmem_shared>> -> memref<786560xf32, #tpu.memory_space<vmem_shared>>
        tpu.enqueue_indirect_dma source(%dma_start3A_1295 : memref<786560xf32, #tpu.memory_space<vmem_shared>>) target(%dma_start3A_1292 : memref<128xf32, #tpu.memory_space<vmem>>) offsets(%dma_start3A_1293 : memref<128xi32, #tpu.memory_space<vmem>>) semaphore(%arg9 : memref<!tpu.dma_semaphore, #tpu.memory_space<semaphore_mem>>)
        %mul3A_1296 = arith.constant 24576 : i32
        %mul3A_1297 = arith.muli %scan3A_54, %mul3A_1296 : i32
        %add3A_1298 = arith.constant 17664 : i32
        %add3A_1299 = arith.addi %mul3A_1297, %add3A_1298 : i32
        %dma_start3A_1300 = arith.constant 17664 : i32
        %dma_start3A_1301 = tpu.memref_slice %arg7[%dma_start3A_1300] : memref<24576xf32, #tpu.memory_space<vmem>> -> memref<128xf32, #tpu.memory_space<vmem>>
        %dma_start3A_1302 = tpu.memref_slice %arg6[%add3A_1299] : memref<49152xi32, #tpu.memory_space<vmem>> -> memref<128xi32, #tpu.memory_space<vmem>>
        %dma_start3A_1303 = arith.constant 0 : i32
        %dma_start3A_1304 = tpu.memref_slice %arg5[%dma_start3A_1303] : memref<786560xf32, #tpu.memory_space<vmem_shared>> -> memref<786560xf32, #tpu.memory_space<vmem_shared>>
        tpu.enqueue_indirect_dma source(%dma_start3A_1304 : memref<786560xf32, #tpu.memory_space<vmem_shared>>) target(%dma_start3A_1301 : memref<128xf32, #tpu.memory_space<vmem>>) offsets(%dma_start3A_1302 : memref<128xi32, #tpu.memory_space<vmem>>) semaphore(%arg9 : memref<!tpu.dma_semaphore, #tpu.memory_space<semaphore_mem>>)
        %mul3A_1305 = arith.constant 24576 : i32
        %mul3A_1306 = arith.muli %scan3A_54, %mul3A_1305 : i32
        %add3A_1307 = arith.constant 17792 : i32
        %add3A_1308 = arith.addi %mul3A_1306, %add3A_1307 : i32
        %dma_start3A_1309 = arith.constant 17792 : i32
        %dma_start3A_1310 = tpu.memref_slice %arg7[%dma_start3A_1309] : memref<24576xf32, #tpu.memory_space<vmem>> -> memref<128xf32, #tpu.memory_space<vmem>>
        %dma_start3A_1311 = tpu.memref_slice %arg6[%add3A_1308] : memref<49152xi32, #tpu.memory_space<vmem>> -> memref<128xi32, #tpu.memory_space<vmem>>
        %dma_start3A_1312 = arith.constant 0 : i32
        %dma_start3A_1313 = tpu.memref_slice %arg5[%dma_start3A_1312] : memref<786560xf32, #tpu.memory_space<vmem_shared>> -> memref<786560xf32, #tpu.memory_space<vmem_shared>>
        tpu.enqueue_indirect_dma source(%dma_start3A_1313 : memref<786560xf32, #tpu.memory_space<vmem_shared>>) target(%dma_start3A_1310 : memref<128xf32, #tpu.memory_space<vmem>>) offsets(%dma_start3A_1311 : memref<128xi32, #tpu.memory_space<vmem>>) semaphore(%arg9 : memref<!tpu.dma_semaphore, #tpu.memory_space<semaphore_mem>>)
        %mul3A_1314 = arith.constant 24576 : i32
        %mul3A_1315 = arith.muli %scan3A_54, %mul3A_1314 : i32
        %add3A_1316 = arith.constant 17920 : i32
        %add3A_1317 = arith.addi %mul3A_1315, %add3A_1316 : i32
        %dma_start3A_1318 = arith.constant 17920 : i32
        %dma_start3A_1319 = tpu.memref_slice %arg7[%dma_start3A_1318] : memref<24576xf32, #tpu.memory_space<vmem>> -> memref<128xf32, #tpu.memory_space<vmem>>
        %dma_start3A_1320 = tpu.memref_slice %arg6[%add3A_1317] : memref<49152xi32, #tpu.memory_space<vmem>> -> memref<128xi32, #tpu.memory_space<vmem>>
        %dma_start3A_1321 = arith.constant 0 : i32
        %dma_start3A_1322 = tpu.memref_slice %arg5[%dma_start3A_1321] : memref<786560xf32, #tpu.memory_space<vmem_shared>> -> memref<786560xf32, #tpu.memory_space<vmem_shared>>
        tpu.enqueue_indirect_dma source(%dma_start3A_1322 : memref<786560xf32, #tpu.memory_space<vmem_shared>>) target(%dma_start3A_1319 : memref<128xf32, #tpu.memory_space<vmem>>) offsets(%dma_start3A_1320 : memref<128xi32, #tpu.memory_space<vmem>>) semaphore(%arg9 : memref<!tpu.dma_semaphore, #tpu.memory_space<semaphore_mem>>)
        %mul3A_1323 = arith.constant 24576 : i32
        %mul3A_1324 = arith.muli %scan3A_54, %mul3A_1323 : i32
        %add3A_1325 = arith.constant 18048 : i32
        %add3A_1326 = arith.addi %mul3A_1324, %add3A_1325 : i32
        %dma_start3A_1327 = arith.constant 18048 : i32
        %dma_start3A_1328 = tpu.memref_slice %arg7[%dma_start3A_1327] : memref<24576xf32, #tpu.memory_space<vmem>> -> memref<128xf32, #tpu.memory_space<vmem>>
        %dma_start3A_1329 = tpu.memref_slice %arg6[%add3A_1326] : memref<49152xi32, #tpu.memory_space<vmem>> -> memref<128xi32, #tpu.memory_space<vmem>>
        %dma_start3A_1330 = arith.constant 0 : i32
        %dma_start3A_1331 = tpu.memref_slice %arg5[%dma_start3A_1330] : memref<786560xf32, #tpu.memory_space<vmem_shared>> -> memref<786560xf32, #tpu.memory_space<vmem_shared>>
        tpu.enqueue_indirect_dma source(%dma_start3A_1331 : memref<786560xf32, #tpu.memory_space<vmem_shared>>) target(%dma_start3A_1328 : memref<128xf32, #tpu.memory_space<vmem>>) offsets(%dma_start3A_1329 : memref<128xi32, #tpu.memory_space<vmem>>) semaphore(%arg9 : memref<!tpu.dma_semaphore, #tpu.memory_space<semaphore_mem>>)
        %mul3A_1332 = arith.constant 24576 : i32
        %mul3A_1333 = arith.muli %scan3A_54, %mul3A_1332 : i32
        %add3A_1334 = arith.constant 18176 : i32
        %add3A_1335 = arith.addi %mul3A_1333, %add3A_1334 : i32
        %dma_start3A_1336 = arith.constant 18176 : i32
        %dma_start3A_1337 = tpu.memref_slice %arg7[%dma_start3A_1336] : memref<24576xf32, #tpu.memory_space<vmem>> -> memref<128xf32, #tpu.memory_space<vmem>>
        %dma_start3A_1338 = tpu.memref_slice %arg6[%add3A_1335] : memref<49152xi32, #tpu.memory_space<vmem>> -> memref<128xi32, #tpu.memory_space<vmem>>
        %dma_start3A_1339 = arith.constant 0 : i32
        %dma_start3A_1340 = tpu.memref_slice %arg5[%dma_start3A_1339] : memref<786560xf32, #tpu.memory_space<vmem_shared>> -> memref<786560xf32, #tpu.memory_space<vmem_shared>>
        tpu.enqueue_indirect_dma source(%dma_start3A_1340 : memref<786560xf32, #tpu.memory_space<vmem_shared>>) target(%dma_start3A_1337 : memref<128xf32, #tpu.memory_space<vmem>>) offsets(%dma_start3A_1338 : memref<128xi32, #tpu.memory_space<vmem>>) semaphore(%arg9 : memref<!tpu.dma_semaphore, #tpu.memory_space<semaphore_mem>>)
        %mul3A_1341 = arith.constant 24576 : i32
        %mul3A_1342 = arith.muli %scan3A_54, %mul3A_1341 : i32
        %add3A_1343 = arith.constant 18304 : i32
        %add3A_1344 = arith.addi %mul3A_1342, %add3A_1343 : i32
        %dma_start3A_1345 = arith.constant 18304 : i32
        %dma_start3A_1346 = tpu.memref_slice %arg7[%dma_start3A_1345] : memref<24576xf32, #tpu.memory_space<vmem>> -> memref<128xf32, #tpu.memory_space<vmem>>
        %dma_start3A_1347 = tpu.memref_slice %arg6[%add3A_1344] : memref<49152xi32, #tpu.memory_space<vmem>> -> memref<128xi32, #tpu.memory_space<vmem>>
        %dma_start3A_1348 = arith.constant 0 : i32
        %dma_start3A_1349 = tpu.memref_slice %arg5[%dma_start3A_1348] : memref<786560xf32, #tpu.memory_space<vmem_shared>> -> memref<786560xf32, #tpu.memory_space<vmem_shared>>
        tpu.enqueue_indirect_dma source(%dma_start3A_1349 : memref<786560xf32, #tpu.memory_space<vmem_shared>>) target(%dma_start3A_1346 : memref<128xf32, #tpu.memory_space<vmem>>) offsets(%dma_start3A_1347 : memref<128xi32, #tpu.memory_space<vmem>>) semaphore(%arg9 : memref<!tpu.dma_semaphore, #tpu.memory_space<semaphore_mem>>)
        %mul3A_1350 = arith.constant 24576 : i32
        %mul3A_1351 = arith.muli %scan3A_54, %mul3A_1350 : i32
        %add3A_1352 = arith.constant 18432 : i32
        %add3A_1353 = arith.addi %mul3A_1351, %add3A_1352 : i32
        %dma_start3A_1354 = arith.constant 18432 : i32
        %dma_start3A_1355 = tpu.memref_slice %arg7[%dma_start3A_1354] : memref<24576xf32, #tpu.memory_space<vmem>> -> memref<128xf32, #tpu.memory_space<vmem>>
        %dma_start3A_1356 = tpu.memref_slice %arg6[%add3A_1353] : memref<49152xi32, #tpu.memory_space<vmem>> -> memref<128xi32, #tpu.memory_space<vmem>>
        %dma_start3A_1357 = arith.constant 0 : i32
        %dma_start3A_1358 = tpu.memref_slice %arg5[%dma_start3A_1357] : memref<786560xf32, #tpu.memory_space<vmem_shared>> -> memref<786560xf32, #tpu.memory_space<vmem_shared>>
        tpu.enqueue_indirect_dma source(%dma_start3A_1358 : memref<786560xf32, #tpu.memory_space<vmem_shared>>) target(%dma_start3A_1355 : memref<128xf32, #tpu.memory_space<vmem>>) offsets(%dma_start3A_1356 : memref<128xi32, #tpu.memory_space<vmem>>) semaphore(%arg9 : memref<!tpu.dma_semaphore, #tpu.memory_space<semaphore_mem>>)
        %mul3A_1359 = arith.constant 24576 : i32
        %mul3A_1360 = arith.muli %scan3A_54, %mul3A_1359 : i32
        %add3A_1361 = arith.constant 18560 : i32
        %add3A_1362 = arith.addi %mul3A_1360, %add3A_1361 : i32
        %dma_start3A_1363 = arith.constant 18560 : i32
        %dma_start3A_1364 = tpu.memref_slice %arg7[%dma_start3A_1363] : memref<24576xf32, #tpu.memory_space<vmem>> -> memref<128xf32, #tpu.memory_space<vmem>>
        %dma_start3A_1365 = tpu.memref_slice %arg6[%add3A_1362] : memref<49152xi32, #tpu.memory_space<vmem>> -> memref<128xi32, #tpu.memory_space<vmem>>
        %dma_start3A_1366 = arith.constant 0 : i32
        %dma_start3A_1367 = tpu.memref_slice %arg5[%dma_start3A_1366] : memref<786560xf32, #tpu.memory_space<vmem_shared>> -> memref<786560xf32, #tpu.memory_space<vmem_shared>>
        tpu.enqueue_indirect_dma source(%dma_start3A_1367 : memref<786560xf32, #tpu.memory_space<vmem_shared>>) target(%dma_start3A_1364 : memref<128xf32, #tpu.memory_space<vmem>>) offsets(%dma_start3A_1365 : memref<128xi32, #tpu.memory_space<vmem>>) semaphore(%arg9 : memref<!tpu.dma_semaphore, #tpu.memory_space<semaphore_mem>>)
        %mul3A_1368 = arith.constant 24576 : i32
        %mul3A_1369 = arith.muli %scan3A_54, %mul3A_1368 : i32
        %add3A_1370 = arith.constant 18688 : i32
        %add3A_1371 = arith.addi %mul3A_1369, %add3A_1370 : i32
        %dma_start3A_1372 = arith.constant 18688 : i32
        %dma_start3A_1373 = tpu.memref_slice %arg7[%dma_start3A_1372] : memref<24576xf32, #tpu.memory_space<vmem>> -> memref<128xf32, #tpu.memory_space<vmem>>
        %dma_start3A_1374 = tpu.memref_slice %arg6[%add3A_1371] : memref<49152xi32, #tpu.memory_space<vmem>> -> memref<128xi32, #tpu.memory_space<vmem>>
        %dma_start3A_1375 = arith.constant 0 : i32
        %dma_start3A_1376 = tpu.memref_slice %arg5[%dma_start3A_1375] : memref<786560xf32, #tpu.memory_space<vmem_shared>> -> memref<786560xf32, #tpu.memory_space<vmem_shared>>
        tpu.enqueue_indirect_dma source(%dma_start3A_1376 : memref<786560xf32, #tpu.memory_space<vmem_shared>>) target(%dma_start3A_1373 : memref<128xf32, #tpu.memory_space<vmem>>) offsets(%dma_start3A_1374 : memref<128xi32, #tpu.memory_space<vmem>>) semaphore(%arg9 : memref<!tpu.dma_semaphore, #tpu.memory_space<semaphore_mem>>)
        %mul3A_1377 = arith.constant 24576 : i32
        %mul3A_1378 = arith.muli %scan3A_54, %mul3A_1377 : i32
        %add3A_1379 = arith.constant 18816 : i32
        %add3A_1380 = arith.addi %mul3A_1378, %add3A_1379 : i32
        %dma_start3A_1381 = arith.constant 18816 : i32
        %dma_start3A_1382 = tpu.memref_slice %arg7[%dma_start3A_1381] : memref<24576xf32, #tpu.memory_space<vmem>> -> memref<128xf32, #tpu.memory_space<vmem>>
        %dma_start3A_1383 = tpu.memref_slice %arg6[%add3A_1380] : memref<49152xi32, #tpu.memory_space<vmem>> -> memref<128xi32, #tpu.memory_space<vmem>>
        %dma_start3A_1384 = arith.constant 0 : i32
        %dma_start3A_1385 = tpu.memref_slice %arg5[%dma_start3A_1384] : memref<786560xf32, #tpu.memory_space<vmem_shared>> -> memref<786560xf32, #tpu.memory_space<vmem_shared>>
        tpu.enqueue_indirect_dma source(%dma_start3A_1385 : memref<786560xf32, #tpu.memory_space<vmem_shared>>) target(%dma_start3A_1382 : memref<128xf32, #tpu.memory_space<vmem>>) offsets(%dma_start3A_1383 : memref<128xi32, #tpu.memory_space<vmem>>) semaphore(%arg9 : memref<!tpu.dma_semaphore, #tpu.memory_space<semaphore_mem>>)
        %mul3A_1386 = arith.constant 24576 : i32
        %mul3A_1387 = arith.muli %scan3A_54, %mul3A_1386 : i32
        %add3A_1388 = arith.constant 18944 : i32
        %add3A_1389 = arith.addi %mul3A_1387, %add3A_1388 : i32
        %dma_start3A_1390 = arith.constant 18944 : i32
        %dma_start3A_1391 = tpu.memref_slice %arg7[%dma_start3A_1390] : memref<24576xf32, #tpu.memory_space<vmem>> -> memref<128xf32, #tpu.memory_space<vmem>>
        %dma_start3A_1392 = tpu.memref_slice %arg6[%add3A_1389] : memref<49152xi32, #tpu.memory_space<vmem>> -> memref<128xi32, #tpu.memory_space<vmem>>
        %dma_start3A_1393 = arith.constant 0 : i32
        %dma_start3A_1394 = tpu.memref_slice %arg5[%dma_start3A_1393] : memref<786560xf32, #tpu.memory_space<vmem_shared>> -> memref<786560xf32, #tpu.memory_space<vmem_shared>>
        tpu.enqueue_indirect_dma source(%dma_start3A_1394 : memref<786560xf32, #tpu.memory_space<vmem_shared>>) target(%dma_start3A_1391 : memref<128xf32, #tpu.memory_space<vmem>>) offsets(%dma_start3A_1392 : memref<128xi32, #tpu.memory_space<vmem>>) semaphore(%arg9 : memref<!tpu.dma_semaphore, #tpu.memory_space<semaphore_mem>>)
        %mul3A_1395 = arith.constant 24576 : i32
        %mul3A_1396 = arith.muli %scan3A_54, %mul3A_1395 : i32
        %add3A_1397 = arith.constant 19072 : i32
        %add3A_1398 = arith.addi %mul3A_1396, %add3A_1397 : i32
        %dma_start3A_1399 = arith.constant 19072 : i32
        %dma_start3A_1400 = tpu.memref_slice %arg7[%dma_start3A_1399] : memref<24576xf32, #tpu.memory_space<vmem>> -> memref<128xf32, #tpu.memory_space<vmem>>
        %dma_start3A_1401 = tpu.memref_slice %arg6[%add3A_1398] : memref<49152xi32, #tpu.memory_space<vmem>> -> memref<128xi32, #tpu.memory_space<vmem>>
        %dma_start3A_1402 = arith.constant 0 : i32
        %dma_start3A_1403 = tpu.memref_slice %arg5[%dma_start3A_1402] : memref<786560xf32, #tpu.memory_space<vmem_shared>> -> memref<786560xf32, #tpu.memory_space<vmem_shared>>
        tpu.enqueue_indirect_dma source(%dma_start3A_1403 : memref<786560xf32, #tpu.memory_space<vmem_shared>>) target(%dma_start3A_1400 : memref<128xf32, #tpu.memory_space<vmem>>) offsets(%dma_start3A_1401 : memref<128xi32, #tpu.memory_space<vmem>>) semaphore(%arg9 : memref<!tpu.dma_semaphore, #tpu.memory_space<semaphore_mem>>)
        %mul3A_1404 = arith.constant 24576 : i32
        %mul3A_1405 = arith.muli %scan3A_54, %mul3A_1404 : i32
        %add3A_1406 = arith.constant 19200 : i32
        %add3A_1407 = arith.addi %mul3A_1405, %add3A_1406 : i32
        %dma_start3A_1408 = arith.constant 19200 : i32
        %dma_start3A_1409 = tpu.memref_slice %arg7[%dma_start3A_1408] : memref<24576xf32, #tpu.memory_space<vmem>> -> memref<128xf32, #tpu.memory_space<vmem>>
        %dma_start3A_1410 = tpu.memref_slice %arg6[%add3A_1407] : memref<49152xi32, #tpu.memory_space<vmem>> -> memref<128xi32, #tpu.memory_space<vmem>>
        %dma_start3A_1411 = arith.constant 0 : i32
        %dma_start3A_1412 = tpu.memref_slice %arg5[%dma_start3A_1411] : memref<786560xf32, #tpu.memory_space<vmem_shared>> -> memref<786560xf32, #tpu.memory_space<vmem_shared>>
        tpu.enqueue_indirect_dma source(%dma_start3A_1412 : memref<786560xf32, #tpu.memory_space<vmem_shared>>) target(%dma_start3A_1409 : memref<128xf32, #tpu.memory_space<vmem>>) offsets(%dma_start3A_1410 : memref<128xi32, #tpu.memory_space<vmem>>) semaphore(%arg9 : memref<!tpu.dma_semaphore, #tpu.memory_space<semaphore_mem>>)
        %mul3A_1413 = arith.constant 24576 : i32
        %mul3A_1414 = arith.muli %scan3A_54, %mul3A_1413 : i32
        %add3A_1415 = arith.constant 19328 : i32
        %add3A_1416 = arith.addi %mul3A_1414, %add3A_1415 : i32
        %dma_start3A_1417 = arith.constant 19328 : i32
        %dma_start3A_1418 = tpu.memref_slice %arg7[%dma_start3A_1417] : memref<24576xf32, #tpu.memory_space<vmem>> -> memref<128xf32, #tpu.memory_space<vmem>>
        %dma_start3A_1419 = tpu.memref_slice %arg6[%add3A_1416] : memref<49152xi32, #tpu.memory_space<vmem>> -> memref<128xi32, #tpu.memory_space<vmem>>
        %dma_start3A_1420 = arith.constant 0 : i32
        %dma_start3A_1421 = tpu.memref_slice %arg5[%dma_start3A_1420] : memref<786560xf32, #tpu.memory_space<vmem_shared>> -> memref<786560xf32, #tpu.memory_space<vmem_shared>>
        tpu.enqueue_indirect_dma source(%dma_start3A_1421 : memref<786560xf32, #tpu.memory_space<vmem_shared>>) target(%dma_start3A_1418 : memref<128xf32, #tpu.memory_space<vmem>>) offsets(%dma_start3A_1419 : memref<128xi32, #tpu.memory_space<vmem>>) semaphore(%arg9 : memref<!tpu.dma_semaphore, #tpu.memory_space<semaphore_mem>>)
        %mul3A_1422 = arith.constant 24576 : i32
        %mul3A_1423 = arith.muli %scan3A_54, %mul3A_1422 : i32
        %add3A_1424 = arith.constant 19456 : i32
        %add3A_1425 = arith.addi %mul3A_1423, %add3A_1424 : i32
        %dma_start3A_1426 = arith.constant 19456 : i32
        %dma_start3A_1427 = tpu.memref_slice %arg7[%dma_start3A_1426] : memref<24576xf32, #tpu.memory_space<vmem>> -> memref<128xf32, #tpu.memory_space<vmem>>
        %dma_start3A_1428 = tpu.memref_slice %arg6[%add3A_1425] : memref<49152xi32, #tpu.memory_space<vmem>> -> memref<128xi32, #tpu.memory_space<vmem>>
        %dma_start3A_1429 = arith.constant 0 : i32
        %dma_start3A_1430 = tpu.memref_slice %arg5[%dma_start3A_1429] : memref<786560xf32, #tpu.memory_space<vmem_shared>> -> memref<786560xf32, #tpu.memory_space<vmem_shared>>
        tpu.enqueue_indirect_dma source(%dma_start3A_1430 : memref<786560xf32, #tpu.memory_space<vmem_shared>>) target(%dma_start3A_1427 : memref<128xf32, #tpu.memory_space<vmem>>) offsets(%dma_start3A_1428 : memref<128xi32, #tpu.memory_space<vmem>>) semaphore(%arg9 : memref<!tpu.dma_semaphore, #tpu.memory_space<semaphore_mem>>)
        %mul3A_1431 = arith.constant 24576 : i32
        %mul3A_1432 = arith.muli %scan3A_54, %mul3A_1431 : i32
        %add3A_1433 = arith.constant 19584 : i32
        %add3A_1434 = arith.addi %mul3A_1432, %add3A_1433 : i32
        %dma_start3A_1435 = arith.constant 19584 : i32
        %dma_start3A_1436 = tpu.memref_slice %arg7[%dma_start3A_1435] : memref<24576xf32, #tpu.memory_space<vmem>> -> memref<128xf32, #tpu.memory_space<vmem>>
        %dma_start3A_1437 = tpu.memref_slice %arg6[%add3A_1434] : memref<49152xi32, #tpu.memory_space<vmem>> -> memref<128xi32, #tpu.memory_space<vmem>>
        %dma_start3A_1438 = arith.constant 0 : i32
        %dma_start3A_1439 = tpu.memref_slice %arg5[%dma_start3A_1438] : memref<786560xf32, #tpu.memory_space<vmem_shared>> -> memref<786560xf32, #tpu.memory_space<vmem_shared>>
        tpu.enqueue_indirect_dma source(%dma_start3A_1439 : memref<786560xf32, #tpu.memory_space<vmem_shared>>) target(%dma_start3A_1436 : memref<128xf32, #tpu.memory_space<vmem>>) offsets(%dma_start3A_1437 : memref<128xi32, #tpu.memory_space<vmem>>) semaphore(%arg9 : memref<!tpu.dma_semaphore, #tpu.memory_space<semaphore_mem>>)
        %mul3A_1440 = arith.constant 24576 : i32
        %mul3A_1441 = arith.muli %scan3A_54, %mul3A_1440 : i32
        %add3A_1442 = arith.constant 19712 : i32
        %add3A_1443 = arith.addi %mul3A_1441, %add3A_1442 : i32
        %dma_start3A_1444 = arith.constant 19712 : i32
        %dma_start3A_1445 = tpu.memref_slice %arg7[%dma_start3A_1444] : memref<24576xf32, #tpu.memory_space<vmem>> -> memref<128xf32, #tpu.memory_space<vmem>>
        %dma_start3A_1446 = tpu.memref_slice %arg6[%add3A_1443] : memref<49152xi32, #tpu.memory_space<vmem>> -> memref<128xi32, #tpu.memory_space<vmem>>
        %dma_start3A_1447 = arith.constant 0 : i32
        %dma_start3A_1448 = tpu.memref_slice %arg5[%dma_start3A_1447] : memref<786560xf32, #tpu.memory_space<vmem_shared>> -> memref<786560xf32, #tpu.memory_space<vmem_shared>>
        tpu.enqueue_indirect_dma source(%dma_start3A_1448 : memref<786560xf32, #tpu.memory_space<vmem_shared>>) target(%dma_start3A_1445 : memref<128xf32, #tpu.memory_space<vmem>>) offsets(%dma_start3A_1446 : memref<128xi32, #tpu.memory_space<vmem>>) semaphore(%arg9 : memref<!tpu.dma_semaphore, #tpu.memory_space<semaphore_mem>>)
        %mul3A_1449 = arith.constant 24576 : i32
        %mul3A_1450 = arith.muli %scan3A_54, %mul3A_1449 : i32
        %add3A_1451 = arith.constant 19840 : i32
        %add3A_1452 = arith.addi %mul3A_1450, %add3A_1451 : i32
        %dma_start3A_1453 = arith.constant 19840 : i32
        %dma_start3A_1454 = tpu.memref_slice %arg7[%dma_start3A_1453] : memref<24576xf32, #tpu.memory_space<vmem>> -> memref<128xf32, #tpu.memory_space<vmem>>
        %dma_start3A_1455 = tpu.memref_slice %arg6[%add3A_1452] : memref<49152xi32, #tpu.memory_space<vmem>> -> memref<128xi32, #tpu.memory_space<vmem>>
        %dma_start3A_1456 = arith.constant 0 : i32
        %dma_start3A_1457 = tpu.memref_slice %arg5[%dma_start3A_1456] : memref<786560xf32, #tpu.memory_space<vmem_shared>> -> memref<786560xf32, #tpu.memory_space<vmem_shared>>
        tpu.enqueue_indirect_dma source(%dma_start3A_1457 : memref<786560xf32, #tpu.memory_space<vmem_shared>>) target(%dma_start3A_1454 : memref<128xf32, #tpu.memory_space<vmem>>) offsets(%dma_start3A_1455 : memref<128xi32, #tpu.memory_space<vmem>>) semaphore(%arg9 : memref<!tpu.dma_semaphore, #tpu.memory_space<semaphore_mem>>)
        %mul3A_1458 = arith.constant 24576 : i32
        %mul3A_1459 = arith.muli %scan3A_54, %mul3A_1458 : i32
        %add3A_1460 = arith.constant 19968 : i32
        %add3A_1461 = arith.addi %mul3A_1459, %add3A_1460 : i32
        %dma_start3A_1462 = arith.constant 19968 : i32
        %dma_start3A_1463 = tpu.memref_slice %arg7[%dma_start3A_1462] : memref<24576xf32, #tpu.memory_space<vmem>> -> memref<128xf32, #tpu.memory_space<vmem>>
        %dma_start3A_1464 = tpu.memref_slice %arg6[%add3A_1461] : memref<49152xi32, #tpu.memory_space<vmem>> -> memref<128xi32, #tpu.memory_space<vmem>>
        %dma_start3A_1465 = arith.constant 0 : i32
        %dma_start3A_1466 = tpu.memref_slice %arg5[%dma_start3A_1465] : memref<786560xf32, #tpu.memory_space<vmem_shared>> -> memref<786560xf32, #tpu.memory_space<vmem_shared>>
        tpu.enqueue_indirect_dma source(%dma_start3A_1466 : memref<786560xf32, #tpu.memory_space<vmem_shared>>) target(%dma_start3A_1463 : memref<128xf32, #tpu.memory_space<vmem>>) offsets(%dma_start3A_1464 : memref<128xi32, #tpu.memory_space<vmem>>) semaphore(%arg9 : memref<!tpu.dma_semaphore, #tpu.memory_space<semaphore_mem>>)
        %mul3A_1467 = arith.constant 24576 : i32
        %mul3A_1468 = arith.muli %scan3A_54, %mul3A_1467 : i32
        %add3A_1469 = arith.constant 20096 : i32
        %add3A_1470 = arith.addi %mul3A_1468, %add3A_1469 : i32
        %dma_start3A_1471 = arith.constant 20096 : i32
        %dma_start3A_1472 = tpu.memref_slice %arg7[%dma_start3A_1471] : memref<24576xf32, #tpu.memory_space<vmem>> -> memref<128xf32, #tpu.memory_space<vmem>>
        %dma_start3A_1473 = tpu.memref_slice %arg6[%add3A_1470] : memref<49152xi32, #tpu.memory_space<vmem>> -> memref<128xi32, #tpu.memory_space<vmem>>
        %dma_start3A_1474 = arith.constant 0 : i32
        %dma_start3A_1475 = tpu.memref_slice %arg5[%dma_start3A_1474] : memref<786560xf32, #tpu.memory_space<vmem_shared>> -> memref<786560xf32, #tpu.memory_space<vmem_shared>>
        tpu.enqueue_indirect_dma source(%dma_start3A_1475 : memref<786560xf32, #tpu.memory_space<vmem_shared>>) target(%dma_start3A_1472 : memref<128xf32, #tpu.memory_space<vmem>>) offsets(%dma_start3A_1473 : memref<128xi32, #tpu.memory_space<vmem>>) semaphore(%arg9 : memref<!tpu.dma_semaphore, #tpu.memory_space<semaphore_mem>>)
        %mul3A_1476 = arith.constant 24576 : i32
        %mul3A_1477 = arith.muli %scan3A_54, %mul3A_1476 : i32
        %add3A_1478 = arith.constant 20224 : i32
        %add3A_1479 = arith.addi %mul3A_1477, %add3A_1478 : i32
        %dma_start3A_1480 = arith.constant 20224 : i32
        %dma_start3A_1481 = tpu.memref_slice %arg7[%dma_start3A_1480] : memref<24576xf32, #tpu.memory_space<vmem>> -> memref<128xf32, #tpu.memory_space<vmem>>
        %dma_start3A_1482 = tpu.memref_slice %arg6[%add3A_1479] : memref<49152xi32, #tpu.memory_space<vmem>> -> memref<128xi32, #tpu.memory_space<vmem>>
        %dma_start3A_1483 = arith.constant 0 : i32
        %dma_start3A_1484 = tpu.memref_slice %arg5[%dma_start3A_1483] : memref<786560xf32, #tpu.memory_space<vmem_shared>> -> memref<786560xf32, #tpu.memory_space<vmem_shared>>
        tpu.enqueue_indirect_dma source(%dma_start3A_1484 : memref<786560xf32, #tpu.memory_space<vmem_shared>>) target(%dma_start3A_1481 : memref<128xf32, #tpu.memory_space<vmem>>) offsets(%dma_start3A_1482 : memref<128xi32, #tpu.memory_space<vmem>>) semaphore(%arg9 : memref<!tpu.dma_semaphore, #tpu.memory_space<semaphore_mem>>)
        %mul3A_1485 = arith.constant 24576 : i32
        %mul3A_1486 = arith.muli %scan3A_54, %mul3A_1485 : i32
        %add3A_1487 = arith.constant 20352 : i32
        %add3A_1488 = arith.addi %mul3A_1486, %add3A_1487 : i32
        %dma_start3A_1489 = arith.constant 20352 : i32
        %dma_start3A_1490 = tpu.memref_slice %arg7[%dma_start3A_1489] : memref<24576xf32, #tpu.memory_space<vmem>> -> memref<128xf32, #tpu.memory_space<vmem>>
        %dma_start3A_1491 = tpu.memref_slice %arg6[%add3A_1488] : memref<49152xi32, #tpu.memory_space<vmem>> -> memref<128xi32, #tpu.memory_space<vmem>>
        %dma_start3A_1492 = arith.constant 0 : i32
        %dma_start3A_1493 = tpu.memref_slice %arg5[%dma_start3A_1492] : memref<786560xf32, #tpu.memory_space<vmem_shared>> -> memref<786560xf32, #tpu.memory_space<vmem_shared>>
        tpu.enqueue_indirect_dma source(%dma_start3A_1493 : memref<786560xf32, #tpu.memory_space<vmem_shared>>) target(%dma_start3A_1490 : memref<128xf32, #tpu.memory_space<vmem>>) offsets(%dma_start3A_1491 : memref<128xi32, #tpu.memory_space<vmem>>) semaphore(%arg9 : memref<!tpu.dma_semaphore, #tpu.memory_space<semaphore_mem>>)
        %mul3A_1494 = arith.constant 24576 : i32
        %mul3A_1495 = arith.muli %scan3A_54, %mul3A_1494 : i32
        %add3A_1496 = arith.constant 20480 : i32
        %add3A_1497 = arith.addi %mul3A_1495, %add3A_1496 : i32
        %dma_start3A_1498 = arith.constant 20480 : i32
        %dma_start3A_1499 = tpu.memref_slice %arg7[%dma_start3A_1498] : memref<24576xf32, #tpu.memory_space<vmem>> -> memref<128xf32, #tpu.memory_space<vmem>>
        %dma_start3A_1500 = tpu.memref_slice %arg6[%add3A_1497] : memref<49152xi32, #tpu.memory_space<vmem>> -> memref<128xi32, #tpu.memory_space<vmem>>
        %dma_start3A_1501 = arith.constant 0 : i32
        %dma_start3A_1502 = tpu.memref_slice %arg5[%dma_start3A_1501] : memref<786560xf32, #tpu.memory_space<vmem_shared>> -> memref<786560xf32, #tpu.memory_space<vmem_shared>>
        tpu.enqueue_indirect_dma source(%dma_start3A_1502 : memref<786560xf32, #tpu.memory_space<vmem_shared>>) target(%dma_start3A_1499 : memref<128xf32, #tpu.memory_space<vmem>>) offsets(%dma_start3A_1500 : memref<128xi32, #tpu.memory_space<vmem>>) semaphore(%arg9 : memref<!tpu.dma_semaphore, #tpu.memory_space<semaphore_mem>>)
        %mul3A_1503 = arith.constant 24576 : i32
        %mul3A_1504 = arith.muli %scan3A_54, %mul3A_1503 : i32
        %add3A_1505 = arith.constant 20608 : i32
        %add3A_1506 = arith.addi %mul3A_1504, %add3A_1505 : i32
        %dma_start3A_1507 = arith.constant 20608 : i32
        %dma_start3A_1508 = tpu.memref_slice %arg7[%dma_start3A_1507] : memref<24576xf32, #tpu.memory_space<vmem>> -> memref<128xf32, #tpu.memory_space<vmem>>
        %dma_start3A_1509 = tpu.memref_slice %arg6[%add3A_1506] : memref<49152xi32, #tpu.memory_space<vmem>> -> memref<128xi32, #tpu.memory_space<vmem>>
        %dma_start3A_1510 = arith.constant 0 : i32
        %dma_start3A_1511 = tpu.memref_slice %arg5[%dma_start3A_1510] : memref<786560xf32, #tpu.memory_space<vmem_shared>> -> memref<786560xf32, #tpu.memory_space<vmem_shared>>
        tpu.enqueue_indirect_dma source(%dma_start3A_1511 : memref<786560xf32, #tpu.memory_space<vmem_shared>>) target(%dma_start3A_1508 : memref<128xf32, #tpu.memory_space<vmem>>) offsets(%dma_start3A_1509 : memref<128xi32, #tpu.memory_space<vmem>>) semaphore(%arg9 : memref<!tpu.dma_semaphore, #tpu.memory_space<semaphore_mem>>)
        %mul3A_1512 = arith.constant 24576 : i32
        %mul3A_1513 = arith.muli %scan3A_54, %mul3A_1512 : i32
        %add3A_1514 = arith.constant 20736 : i32
        %add3A_1515 = arith.addi %mul3A_1513, %add3A_1514 : i32
        %dma_start3A_1516 = arith.constant 20736 : i32
        %dma_start3A_1517 = tpu.memref_slice %arg7[%dma_start3A_1516] : memref<24576xf32, #tpu.memory_space<vmem>> -> memref<128xf32, #tpu.memory_space<vmem>>
        %dma_start3A_1518 = tpu.memref_slice %arg6[%add3A_1515] : memref<49152xi32, #tpu.memory_space<vmem>> -> memref<128xi32, #tpu.memory_space<vmem>>
        %dma_start3A_1519 = arith.constant 0 : i32
        %dma_start3A_1520 = tpu.memref_slice %arg5[%dma_start3A_1519] : memref<786560xf32, #tpu.memory_space<vmem_shared>> -> memref<786560xf32, #tpu.memory_space<vmem_shared>>
        tpu.enqueue_indirect_dma source(%dma_start3A_1520 : memref<786560xf32, #tpu.memory_space<vmem_shared>>) target(%dma_start3A_1517 : memref<128xf32, #tpu.memory_space<vmem>>) offsets(%dma_start3A_1518 : memref<128xi32, #tpu.memory_space<vmem>>) semaphore(%arg9 : memref<!tpu.dma_semaphore, #tpu.memory_space<semaphore_mem>>)
        %mul3A_1521 = arith.constant 24576 : i32
        %mul3A_1522 = arith.muli %scan3A_54, %mul3A_1521 : i32
        %add3A_1523 = arith.constant 20864 : i32
        %add3A_1524 = arith.addi %mul3A_1522, %add3A_1523 : i32
        %dma_start3A_1525 = arith.constant 20864 : i32
        %dma_start3A_1526 = tpu.memref_slice %arg7[%dma_start3A_1525] : memref<24576xf32, #tpu.memory_space<vmem>> -> memref<128xf32, #tpu.memory_space<vmem>>
        %dma_start3A_1527 = tpu.memref_slice %arg6[%add3A_1524] : memref<49152xi32, #tpu.memory_space<vmem>> -> memref<128xi32, #tpu.memory_space<vmem>>
        %dma_start3A_1528 = arith.constant 0 : i32
        %dma_start3A_1529 = tpu.memref_slice %arg5[%dma_start3A_1528] : memref<786560xf32, #tpu.memory_space<vmem_shared>> -> memref<786560xf32, #tpu.memory_space<vmem_shared>>
        tpu.enqueue_indirect_dma source(%dma_start3A_1529 : memref<786560xf32, #tpu.memory_space<vmem_shared>>) target(%dma_start3A_1526 : memref<128xf32, #tpu.memory_space<vmem>>) offsets(%dma_start3A_1527 : memref<128xi32, #tpu.memory_space<vmem>>) semaphore(%arg9 : memref<!tpu.dma_semaphore, #tpu.memory_space<semaphore_mem>>)
        %mul3A_1530 = arith.constant 24576 : i32
        %mul3A_1531 = arith.muli %scan3A_54, %mul3A_1530 : i32
        %add3A_1532 = arith.constant 20992 : i32
        %add3A_1533 = arith.addi %mul3A_1531, %add3A_1532 : i32
        %dma_start3A_1534 = arith.constant 20992 : i32
        %dma_start3A_1535 = tpu.memref_slice %arg7[%dma_start3A_1534] : memref<24576xf32, #tpu.memory_space<vmem>> -> memref<128xf32, #tpu.memory_space<vmem>>
        %dma_start3A_1536 = tpu.memref_slice %arg6[%add3A_1533] : memref<49152xi32, #tpu.memory_space<vmem>> -> memref<128xi32, #tpu.memory_space<vmem>>
        %dma_start3A_1537 = arith.constant 0 : i32
        %dma_start3A_1538 = tpu.memref_slice %arg5[%dma_start3A_1537] : memref<786560xf32, #tpu.memory_space<vmem_shared>> -> memref<786560xf32, #tpu.memory_space<vmem_shared>>
        tpu.enqueue_indirect_dma source(%dma_start3A_1538 : memref<786560xf32, #tpu.memory_space<vmem_shared>>) target(%dma_start3A_1535 : memref<128xf32, #tpu.memory_space<vmem>>) offsets(%dma_start3A_1536 : memref<128xi32, #tpu.memory_space<vmem>>) semaphore(%arg9 : memref<!tpu.dma_semaphore, #tpu.memory_space<semaphore_mem>>)
        %mul3A_1539 = arith.constant 24576 : i32
        %mul3A_1540 = arith.muli %scan3A_54, %mul3A_1539 : i32
        %add3A_1541 = arith.constant 21120 : i32
        %add3A_1542 = arith.addi %mul3A_1540, %add3A_1541 : i32
        %dma_start3A_1543 = arith.constant 21120 : i32
        %dma_start3A_1544 = tpu.memref_slice %arg7[%dma_start3A_1543] : memref<24576xf32, #tpu.memory_space<vmem>> -> memref<128xf32, #tpu.memory_space<vmem>>
        %dma_start3A_1545 = tpu.memref_slice %arg6[%add3A_1542] : memref<49152xi32, #tpu.memory_space<vmem>> -> memref<128xi32, #tpu.memory_space<vmem>>
        %dma_start3A_1546 = arith.constant 0 : i32
        %dma_start3A_1547 = tpu.memref_slice %arg5[%dma_start3A_1546] : memref<786560xf32, #tpu.memory_space<vmem_shared>> -> memref<786560xf32, #tpu.memory_space<vmem_shared>>
        tpu.enqueue_indirect_dma source(%dma_start3A_1547 : memref<786560xf32, #tpu.memory_space<vmem_shared>>) target(%dma_start3A_1544 : memref<128xf32, #tpu.memory_space<vmem>>) offsets(%dma_start3A_1545 : memref<128xi32, #tpu.memory_space<vmem>>) semaphore(%arg9 : memref<!tpu.dma_semaphore, #tpu.memory_space<semaphore_mem>>)
        %mul3A_1548 = arith.constant 24576 : i32
        %mul3A_1549 = arith.muli %scan3A_54, %mul3A_1548 : i32
        %add3A_1550 = arith.constant 21248 : i32
        %add3A_1551 = arith.addi %mul3A_1549, %add3A_1550 : i32
        %dma_start3A_1552 = arith.constant 21248 : i32
        %dma_start3A_1553 = tpu.memref_slice %arg7[%dma_start3A_1552] : memref<24576xf32, #tpu.memory_space<vmem>> -> memref<128xf32, #tpu.memory_space<vmem>>
        %dma_start3A_1554 = tpu.memref_slice %arg6[%add3A_1551] : memref<49152xi32, #tpu.memory_space<vmem>> -> memref<128xi32, #tpu.memory_space<vmem>>
        %dma_start3A_1555 = arith.constant 0 : i32
        %dma_start3A_1556 = tpu.memref_slice %arg5[%dma_start3A_1555] : memref<786560xf32, #tpu.memory_space<vmem_shared>> -> memref<786560xf32, #tpu.memory_space<vmem_shared>>
        tpu.enqueue_indirect_dma source(%dma_start3A_1556 : memref<786560xf32, #tpu.memory_space<vmem_shared>>) target(%dma_start3A_1553 : memref<128xf32, #tpu.memory_space<vmem>>) offsets(%dma_start3A_1554 : memref<128xi32, #tpu.memory_space<vmem>>) semaphore(%arg9 : memref<!tpu.dma_semaphore, #tpu.memory_space<semaphore_mem>>)
        %mul3A_1557 = arith.constant 24576 : i32
        %mul3A_1558 = arith.muli %scan3A_54, %mul3A_1557 : i32
        %add3A_1559 = arith.constant 21376 : i32
        %add3A_1560 = arith.addi %mul3A_1558, %add3A_1559 : i32
        %dma_start3A_1561 = arith.constant 21376 : i32
        %dma_start3A_1562 = tpu.memref_slice %arg7[%dma_start3A_1561] : memref<24576xf32, #tpu.memory_space<vmem>> -> memref<128xf32, #tpu.memory_space<vmem>>
        %dma_start3A_1563 = tpu.memref_slice %arg6[%add3A_1560] : memref<49152xi32, #tpu.memory_space<vmem>> -> memref<128xi32, #tpu.memory_space<vmem>>
        %dma_start3A_1564 = arith.constant 0 : i32
        %dma_start3A_1565 = tpu.memref_slice %arg5[%dma_start3A_1564] : memref<786560xf32, #tpu.memory_space<vmem_shared>> -> memref<786560xf32, #tpu.memory_space<vmem_shared>>
        tpu.enqueue_indirect_dma source(%dma_start3A_1565 : memref<786560xf32, #tpu.memory_space<vmem_shared>>) target(%dma_start3A_1562 : memref<128xf32, #tpu.memory_space<vmem>>) offsets(%dma_start3A_1563 : memref<128xi32, #tpu.memory_space<vmem>>) semaphore(%arg9 : memref<!tpu.dma_semaphore, #tpu.memory_space<semaphore_mem>>)
        %mul3A_1566 = arith.constant 24576 : i32
        %mul3A_1567 = arith.muli %scan3A_54, %mul3A_1566 : i32
        %add3A_1568 = arith.constant 21504 : i32
        %add3A_1569 = arith.addi %mul3A_1567, %add3A_1568 : i32
        %dma_start3A_1570 = arith.constant 21504 : i32
        %dma_start3A_1571 = tpu.memref_slice %arg7[%dma_start3A_1570] : memref<24576xf32, #tpu.memory_space<vmem>> -> memref<128xf32, #tpu.memory_space<vmem>>
        %dma_start3A_1572 = tpu.memref_slice %arg6[%add3A_1569] : memref<49152xi32, #tpu.memory_space<vmem>> -> memref<128xi32, #tpu.memory_space<vmem>>
        %dma_start3A_1573 = arith.constant 0 : i32
        %dma_start3A_1574 = tpu.memref_slice %arg5[%dma_start3A_1573] : memref<786560xf32, #tpu.memory_space<vmem_shared>> -> memref<786560xf32, #tpu.memory_space<vmem_shared>>
        tpu.enqueue_indirect_dma source(%dma_start3A_1574 : memref<786560xf32, #tpu.memory_space<vmem_shared>>) target(%dma_start3A_1571 : memref<128xf32, #tpu.memory_space<vmem>>) offsets(%dma_start3A_1572 : memref<128xi32, #tpu.memory_space<vmem>>) semaphore(%arg9 : memref<!tpu.dma_semaphore, #tpu.memory_space<semaphore_mem>>)
        %mul3A_1575 = arith.constant 24576 : i32
        %mul3A_1576 = arith.muli %scan3A_54, %mul3A_1575 : i32
        %add3A_1577 = arith.constant 21632 : i32
        %add3A_1578 = arith.addi %mul3A_1576, %add3A_1577 : i32
        %dma_start3A_1579 = arith.constant 21632 : i32
        %dma_start3A_1580 = tpu.memref_slice %arg7[%dma_start3A_1579] : memref<24576xf32, #tpu.memory_space<vmem>> -> memref<128xf32, #tpu.memory_space<vmem>>
        %dma_start3A_1581 = tpu.memref_slice %arg6[%add3A_1578] : memref<49152xi32, #tpu.memory_space<vmem>> -> memref<128xi32, #tpu.memory_space<vmem>>
        %dma_start3A_1582 = arith.constant 0 : i32
        %dma_start3A_1583 = tpu.memref_slice %arg5[%dma_start3A_1582] : memref<786560xf32, #tpu.memory_space<vmem_shared>> -> memref<786560xf32, #tpu.memory_space<vmem_shared>>
        tpu.enqueue_indirect_dma source(%dma_start3A_1583 : memref<786560xf32, #tpu.memory_space<vmem_shared>>) target(%dma_start3A_1580 : memref<128xf32, #tpu.memory_space<vmem>>) offsets(%dma_start3A_1581 : memref<128xi32, #tpu.memory_space<vmem>>) semaphore(%arg9 : memref<!tpu.dma_semaphore, #tpu.memory_space<semaphore_mem>>)
        %mul3A_1584 = arith.constant 24576 : i32
        %mul3A_1585 = arith.muli %scan3A_54, %mul3A_1584 : i32
        %add3A_1586 = arith.constant 21760 : i32
        %add3A_1587 = arith.addi %mul3A_1585, %add3A_1586 : i32
        %dma_start3A_1588 = arith.constant 21760 : i32
        %dma_start3A_1589 = tpu.memref_slice %arg7[%dma_start3A_1588] : memref<24576xf32, #tpu.memory_space<vmem>> -> memref<128xf32, #tpu.memory_space<vmem>>
        %dma_start3A_1590 = tpu.memref_slice %arg6[%add3A_1587] : memref<49152xi32, #tpu.memory_space<vmem>> -> memref<128xi32, #tpu.memory_space<vmem>>
        %dma_start3A_1591 = arith.constant 0 : i32
        %dma_start3A_1592 = tpu.memref_slice %arg5[%dma_start3A_1591] : memref<786560xf32, #tpu.memory_space<vmem_shared>> -> memref<786560xf32, #tpu.memory_space<vmem_shared>>
        tpu.enqueue_indirect_dma source(%dma_start3A_1592 : memref<786560xf32, #tpu.memory_space<vmem_shared>>) target(%dma_start3A_1589 : memref<128xf32, #tpu.memory_space<vmem>>) offsets(%dma_start3A_1590 : memref<128xi32, #tpu.memory_space<vmem>>) semaphore(%arg9 : memref<!tpu.dma_semaphore, #tpu.memory_space<semaphore_mem>>)
        %mul3A_1593 = arith.constant 24576 : i32
        %mul3A_1594 = arith.muli %scan3A_54, %mul3A_1593 : i32
        %add3A_1595 = arith.constant 21888 : i32
        %add3A_1596 = arith.addi %mul3A_1594, %add3A_1595 : i32
        %dma_start3A_1597 = arith.constant 21888 : i32
        %dma_start3A_1598 = tpu.memref_slice %arg7[%dma_start3A_1597] : memref<24576xf32, #tpu.memory_space<vmem>> -> memref<128xf32, #tpu.memory_space<vmem>>
        %dma_start3A_1599 = tpu.memref_slice %arg6[%add3A_1596] : memref<49152xi32, #tpu.memory_space<vmem>> -> memref<128xi32, #tpu.memory_space<vmem>>
        %dma_start3A_1600 = arith.constant 0 : i32
        %dma_start3A_1601 = tpu.memref_slice %arg5[%dma_start3A_1600] : memref<786560xf32, #tpu.memory_space<vmem_shared>> -> memref<786560xf32, #tpu.memory_space<vmem_shared>>
        tpu.enqueue_indirect_dma source(%dma_start3A_1601 : memref<786560xf32, #tpu.memory_space<vmem_shared>>) target(%dma_start3A_1598 : memref<128xf32, #tpu.memory_space<vmem>>) offsets(%dma_start3A_1599 : memref<128xi32, #tpu.memory_space<vmem>>) semaphore(%arg9 : memref<!tpu.dma_semaphore, #tpu.memory_space<semaphore_mem>>)
        %mul3A_1602 = arith.constant 24576 : i32
        %mul3A_1603 = arith.muli %scan3A_54, %mul3A_1602 : i32
        %add3A_1604 = arith.constant 22016 : i32
        %add3A_1605 = arith.addi %mul3A_1603, %add3A_1604 : i32
        %dma_start3A_1606 = arith.constant 22016 : i32
        %dma_start3A_1607 = tpu.memref_slice %arg7[%dma_start3A_1606] : memref<24576xf32, #tpu.memory_space<vmem>> -> memref<128xf32, #tpu.memory_space<vmem>>
        %dma_start3A_1608 = tpu.memref_slice %arg6[%add3A_1605] : memref<49152xi32, #tpu.memory_space<vmem>> -> memref<128xi32, #tpu.memory_space<vmem>>
        %dma_start3A_1609 = arith.constant 0 : i32
        %dma_start3A_1610 = tpu.memref_slice %arg5[%dma_start3A_1609] : memref<786560xf32, #tpu.memory_space<vmem_shared>> -> memref<786560xf32, #tpu.memory_space<vmem_shared>>
        tpu.enqueue_indirect_dma source(%dma_start3A_1610 : memref<786560xf32, #tpu.memory_space<vmem_shared>>) target(%dma_start3A_1607 : memref<128xf32, #tpu.memory_space<vmem>>) offsets(%dma_start3A_1608 : memref<128xi32, #tpu.memory_space<vmem>>) semaphore(%arg9 : memref<!tpu.dma_semaphore, #tpu.memory_space<semaphore_mem>>)
        %mul3A_1611 = arith.constant 24576 : i32
        %mul3A_1612 = arith.muli %scan3A_54, %mul3A_1611 : i32
        %add3A_1613 = arith.constant 22144 : i32
        %add3A_1614 = arith.addi %mul3A_1612, %add3A_1613 : i32
        %dma_start3A_1615 = arith.constant 22144 : i32
        %dma_start3A_1616 = tpu.memref_slice %arg7[%dma_start3A_1615] : memref<24576xf32, #tpu.memory_space<vmem>> -> memref<128xf32, #tpu.memory_space<vmem>>
        %dma_start3A_1617 = tpu.memref_slice %arg6[%add3A_1614] : memref<49152xi32, #tpu.memory_space<vmem>> -> memref<128xi32, #tpu.memory_space<vmem>>
        %dma_start3A_1618 = arith.constant 0 : i32
        %dma_start3A_1619 = tpu.memref_slice %arg5[%dma_start3A_1618] : memref<786560xf32, #tpu.memory_space<vmem_shared>> -> memref<786560xf32, #tpu.memory_space<vmem_shared>>
        tpu.enqueue_indirect_dma source(%dma_start3A_1619 : memref<786560xf32, #tpu.memory_space<vmem_shared>>) target(%dma_start3A_1616 : memref<128xf32, #tpu.memory_space<vmem>>) offsets(%dma_start3A_1617 : memref<128xi32, #tpu.memory_space<vmem>>) semaphore(%arg9 : memref<!tpu.dma_semaphore, #tpu.memory_space<semaphore_mem>>)
        %mul3A_1620 = arith.constant 24576 : i32
        %mul3A_1621 = arith.muli %scan3A_54, %mul3A_1620 : i32
        %add3A_1622 = arith.constant 22272 : i32
        %add3A_1623 = arith.addi %mul3A_1621, %add3A_1622 : i32
        %dma_start3A_1624 = arith.constant 22272 : i32
        %dma_start3A_1625 = tpu.memref_slice %arg7[%dma_start3A_1624] : memref<24576xf32, #tpu.memory_space<vmem>> -> memref<128xf32, #tpu.memory_space<vmem>>
        %dma_start3A_1626 = tpu.memref_slice %arg6[%add3A_1623] : memref<49152xi32, #tpu.memory_space<vmem>> -> memref<128xi32, #tpu.memory_space<vmem>>
        %dma_start3A_1627 = arith.constant 0 : i32
        %dma_start3A_1628 = tpu.memref_slice %arg5[%dma_start3A_1627] : memref<786560xf32, #tpu.memory_space<vmem_shared>> -> memref<786560xf32, #tpu.memory_space<vmem_shared>>
        tpu.enqueue_indirect_dma source(%dma_start3A_1628 : memref<786560xf32, #tpu.memory_space<vmem_shared>>) target(%dma_start3A_1625 : memref<128xf32, #tpu.memory_space<vmem>>) offsets(%dma_start3A_1626 : memref<128xi32, #tpu.memory_space<vmem>>) semaphore(%arg9 : memref<!tpu.dma_semaphore, #tpu.memory_space<semaphore_mem>>)
        %mul3A_1629 = arith.constant 24576 : i32
        %mul3A_1630 = arith.muli %scan3A_54, %mul3A_1629 : i32
        %add3A_1631 = arith.constant 22400 : i32
        %add3A_1632 = arith.addi %mul3A_1630, %add3A_1631 : i32
        %dma_start3A_1633 = arith.constant 22400 : i32
        %dma_start3A_1634 = tpu.memref_slice %arg7[%dma_start3A_1633] : memref<24576xf32, #tpu.memory_space<vmem>> -> memref<128xf32, #tpu.memory_space<vmem>>
        %dma_start3A_1635 = tpu.memref_slice %arg6[%add3A_1632] : memref<49152xi32, #tpu.memory_space<vmem>> -> memref<128xi32, #tpu.memory_space<vmem>>
        %dma_start3A_1636 = arith.constant 0 : i32
        %dma_start3A_1637 = tpu.memref_slice %arg5[%dma_start3A_1636] : memref<786560xf32, #tpu.memory_space<vmem_shared>> -> memref<786560xf32, #tpu.memory_space<vmem_shared>>
        tpu.enqueue_indirect_dma source(%dma_start3A_1637 : memref<786560xf32, #tpu.memory_space<vmem_shared>>) target(%dma_start3A_1634 : memref<128xf32, #tpu.memory_space<vmem>>) offsets(%dma_start3A_1635 : memref<128xi32, #tpu.memory_space<vmem>>) semaphore(%arg9 : memref<!tpu.dma_semaphore, #tpu.memory_space<semaphore_mem>>)
        %mul3A_1638 = arith.constant 24576 : i32
        %mul3A_1639 = arith.muli %scan3A_54, %mul3A_1638 : i32
        %add3A_1640 = arith.constant 22528 : i32
        %add3A_1641 = arith.addi %mul3A_1639, %add3A_1640 : i32
        %dma_start3A_1642 = arith.constant 22528 : i32
        %dma_start3A_1643 = tpu.memref_slice %arg7[%dma_start3A_1642] : memref<24576xf32, #tpu.memory_space<vmem>> -> memref<128xf32, #tpu.memory_space<vmem>>
        %dma_start3A_1644 = tpu.memref_slice %arg6[%add3A_1641] : memref<49152xi32, #tpu.memory_space<vmem>> -> memref<128xi32, #tpu.memory_space<vmem>>
        %dma_start3A_1645 = arith.constant 0 : i32
        %dma_start3A_1646 = tpu.memref_slice %arg5[%dma_start3A_1645] : memref<786560xf32, #tpu.memory_space<vmem_shared>> -> memref<786560xf32, #tpu.memory_space<vmem_shared>>
        tpu.enqueue_indirect_dma source(%dma_start3A_1646 : memref<786560xf32, #tpu.memory_space<vmem_shared>>) target(%dma_start3A_1643 : memref<128xf32, #tpu.memory_space<vmem>>) offsets(%dma_start3A_1644 : memref<128xi32, #tpu.memory_space<vmem>>) semaphore(%arg9 : memref<!tpu.dma_semaphore, #tpu.memory_space<semaphore_mem>>)
        %mul3A_1647 = arith.constant 24576 : i32
        %mul3A_1648 = arith.muli %scan3A_54, %mul3A_1647 : i32
        %add3A_1649 = arith.constant 22656 : i32
        %add3A_1650 = arith.addi %mul3A_1648, %add3A_1649 : i32
        %dma_start3A_1651 = arith.constant 22656 : i32
        %dma_start3A_1652 = tpu.memref_slice %arg7[%dma_start3A_1651] : memref<24576xf32, #tpu.memory_space<vmem>> -> memref<128xf32, #tpu.memory_space<vmem>>
        %dma_start3A_1653 = tpu.memref_slice %arg6[%add3A_1650] : memref<49152xi32, #tpu.memory_space<vmem>> -> memref<128xi32, #tpu.memory_space<vmem>>
        %dma_start3A_1654 = arith.constant 0 : i32
        %dma_start3A_1655 = tpu.memref_slice %arg5[%dma_start3A_1654] : memref<786560xf32, #tpu.memory_space<vmem_shared>> -> memref<786560xf32, #tpu.memory_space<vmem_shared>>
        tpu.enqueue_indirect_dma source(%dma_start3A_1655 : memref<786560xf32, #tpu.memory_space<vmem_shared>>) target(%dma_start3A_1652 : memref<128xf32, #tpu.memory_space<vmem>>) offsets(%dma_start3A_1653 : memref<128xi32, #tpu.memory_space<vmem>>) semaphore(%arg9 : memref<!tpu.dma_semaphore, #tpu.memory_space<semaphore_mem>>)
        %mul3A_1656 = arith.constant 24576 : i32
        %mul3A_1657 = arith.muli %scan3A_54, %mul3A_1656 : i32
        %add3A_1658 = arith.constant 22784 : i32
        %add3A_1659 = arith.addi %mul3A_1657, %add3A_1658 : i32
        %dma_start3A_1660 = arith.constant 22784 : i32
        %dma_start3A_1661 = tpu.memref_slice %arg7[%dma_start3A_1660] : memref<24576xf32, #tpu.memory_space<vmem>> -> memref<128xf32, #tpu.memory_space<vmem>>
        %dma_start3A_1662 = tpu.memref_slice %arg6[%add3A_1659] : memref<49152xi32, #tpu.memory_space<vmem>> -> memref<128xi32, #tpu.memory_space<vmem>>
        %dma_start3A_1663 = arith.constant 0 : i32
        %dma_start3A_1664 = tpu.memref_slice %arg5[%dma_start3A_1663] : memref<786560xf32, #tpu.memory_space<vmem_shared>> -> memref<786560xf32, #tpu.memory_space<vmem_shared>>
        tpu.enqueue_indirect_dma source(%dma_start3A_1664 : memref<786560xf32, #tpu.memory_space<vmem_shared>>) target(%dma_start3A_1661 : memref<128xf32, #tpu.memory_space<vmem>>) offsets(%dma_start3A_1662 : memref<128xi32, #tpu.memory_space<vmem>>) semaphore(%arg9 : memref<!tpu.dma_semaphore, #tpu.memory_space<semaphore_mem>>)
        %mul3A_1665 = arith.constant 24576 : i32
        %mul3A_1666 = arith.muli %scan3A_54, %mul3A_1665 : i32
        %add3A_1667 = arith.constant 22912 : i32
        %add3A_1668 = arith.addi %mul3A_1666, %add3A_1667 : i32
        %dma_start3A_1669 = arith.constant 22912 : i32
        %dma_start3A_1670 = tpu.memref_slice %arg7[%dma_start3A_1669] : memref<24576xf32, #tpu.memory_space<vmem>> -> memref<128xf32, #tpu.memory_space<vmem>>
        %dma_start3A_1671 = tpu.memref_slice %arg6[%add3A_1668] : memref<49152xi32, #tpu.memory_space<vmem>> -> memref<128xi32, #tpu.memory_space<vmem>>
        %dma_start3A_1672 = arith.constant 0 : i32
        %dma_start3A_1673 = tpu.memref_slice %arg5[%dma_start3A_1672] : memref<786560xf32, #tpu.memory_space<vmem_shared>> -> memref<786560xf32, #tpu.memory_space<vmem_shared>>
        tpu.enqueue_indirect_dma source(%dma_start3A_1673 : memref<786560xf32, #tpu.memory_space<vmem_shared>>) target(%dma_start3A_1670 : memref<128xf32, #tpu.memory_space<vmem>>) offsets(%dma_start3A_1671 : memref<128xi32, #tpu.memory_space<vmem>>) semaphore(%arg9 : memref<!tpu.dma_semaphore, #tpu.memory_space<semaphore_mem>>)
        %mul3A_1674 = arith.constant 24576 : i32
        %mul3A_1675 = arith.muli %scan3A_54, %mul3A_1674 : i32
        %add3A_1676 = arith.constant 23040 : i32
        %add3A_1677 = arith.addi %mul3A_1675, %add3A_1676 : i32
        %dma_start3A_1678 = arith.constant 23040 : i32
        %dma_start3A_1679 = tpu.memref_slice %arg7[%dma_start3A_1678] : memref<24576xf32, #tpu.memory_space<vmem>> -> memref<128xf32, #tpu.memory_space<vmem>>
        %dma_start3A_1680 = tpu.memref_slice %arg6[%add3A_1677] : memref<49152xi32, #tpu.memory_space<vmem>> -> memref<128xi32, #tpu.memory_space<vmem>>
        %dma_start3A_1681 = arith.constant 0 : i32
        %dma_start3A_1682 = tpu.memref_slice %arg5[%dma_start3A_1681] : memref<786560xf32, #tpu.memory_space<vmem_shared>> -> memref<786560xf32, #tpu.memory_space<vmem_shared>>
        tpu.enqueue_indirect_dma source(%dma_start3A_1682 : memref<786560xf32, #tpu.memory_space<vmem_shared>>) target(%dma_start3A_1679 : memref<128xf32, #tpu.memory_space<vmem>>) offsets(%dma_start3A_1680 : memref<128xi32, #tpu.memory_space<vmem>>) semaphore(%arg9 : memref<!tpu.dma_semaphore, #tpu.memory_space<semaphore_mem>>)
        %mul3A_1683 = arith.constant 24576 : i32
        %mul3A_1684 = arith.muli %scan3A_54, %mul3A_1683 : i32
        %add3A_1685 = arith.constant 23168 : i32
        %add3A_1686 = arith.addi %mul3A_1684, %add3A_1685 : i32
        %dma_start3A_1687 = arith.constant 23168 : i32
        %dma_start3A_1688 = tpu.memref_slice %arg7[%dma_start3A_1687] : memref<24576xf32, #tpu.memory_space<vmem>> -> memref<128xf32, #tpu.memory_space<vmem>>
        %dma_start3A_1689 = tpu.memref_slice %arg6[%add3A_1686] : memref<49152xi32, #tpu.memory_space<vmem>> -> memref<128xi32, #tpu.memory_space<vmem>>
        %dma_start3A_1690 = arith.constant 0 : i32
        %dma_start3A_1691 = tpu.memref_slice %arg5[%dma_start3A_1690] : memref<786560xf32, #tpu.memory_space<vmem_shared>> -> memref<786560xf32, #tpu.memory_space<vmem_shared>>
        tpu.enqueue_indirect_dma source(%dma_start3A_1691 : memref<786560xf32, #tpu.memory_space<vmem_shared>>) target(%dma_start3A_1688 : memref<128xf32, #tpu.memory_space<vmem>>) offsets(%dma_start3A_1689 : memref<128xi32, #tpu.memory_space<vmem>>) semaphore(%arg9 : memref<!tpu.dma_semaphore, #tpu.memory_space<semaphore_mem>>)
        %mul3A_1692 = arith.constant 24576 : i32
        %mul3A_1693 = arith.muli %scan3A_54, %mul3A_1692 : i32
        %add3A_1694 = arith.constant 23296 : i32
        %add3A_1695 = arith.addi %mul3A_1693, %add3A_1694 : i32
        %dma_start3A_1696 = arith.constant 23296 : i32
        %dma_start3A_1697 = tpu.memref_slice %arg7[%dma_start3A_1696] : memref<24576xf32, #tpu.memory_space<vmem>> -> memref<128xf32, #tpu.memory_space<vmem>>
        %dma_start3A_1698 = tpu.memref_slice %arg6[%add3A_1695] : memref<49152xi32, #tpu.memory_space<vmem>> -> memref<128xi32, #tpu.memory_space<vmem>>
        %dma_start3A_1699 = arith.constant 0 : i32
        %dma_start3A_1700 = tpu.memref_slice %arg5[%dma_start3A_1699] : memref<786560xf32, #tpu.memory_space<vmem_shared>> -> memref<786560xf32, #tpu.memory_space<vmem_shared>>
        tpu.enqueue_indirect_dma source(%dma_start3A_1700 : memref<786560xf32, #tpu.memory_space<vmem_shared>>) target(%dma_start3A_1697 : memref<128xf32, #tpu.memory_space<vmem>>) offsets(%dma_start3A_1698 : memref<128xi32, #tpu.memory_space<vmem>>) semaphore(%arg9 : memref<!tpu.dma_semaphore, #tpu.memory_space<semaphore_mem>>)
        %mul3A_1701 = arith.constant 24576 : i32
        %mul3A_1702 = arith.muli %scan3A_54, %mul3A_1701 : i32
        %add3A_1703 = arith.constant 23424 : i32
        %add3A_1704 = arith.addi %mul3A_1702, %add3A_1703 : i32
        %dma_start3A_1705 = arith.constant 23424 : i32
        %dma_start3A_1706 = tpu.memref_slice %arg7[%dma_start3A_1705] : memref<24576xf32, #tpu.memory_space<vmem>> -> memref<128xf32, #tpu.memory_space<vmem>>
        %dma_start3A_1707 = tpu.memref_slice %arg6[%add3A_1704] : memref<49152xi32, #tpu.memory_space<vmem>> -> memref<128xi32, #tpu.memory_space<vmem>>
        %dma_start3A_1708 = arith.constant 0 : i32
        %dma_start3A_1709 = tpu.memref_slice %arg5[%dma_start3A_1708] : memref<786560xf32, #tpu.memory_space<vmem_shared>> -> memref<786560xf32, #tpu.memory_space<vmem_shared>>
        tpu.enqueue_indirect_dma source(%dma_start3A_1709 : memref<786560xf32, #tpu.memory_space<vmem_shared>>) target(%dma_start3A_1706 : memref<128xf32, #tpu.memory_space<vmem>>) offsets(%dma_start3A_1707 : memref<128xi32, #tpu.memory_space<vmem>>) semaphore(%arg9 : memref<!tpu.dma_semaphore, #tpu.memory_space<semaphore_mem>>)
        %mul3A_1710 = arith.constant 24576 : i32
        %mul3A_1711 = arith.muli %scan3A_54, %mul3A_1710 : i32
        %add3A_1712 = arith.constant 23552 : i32
        %add3A_1713 = arith.addi %mul3A_1711, %add3A_1712 : i32
        %dma_start3A_1714 = arith.constant 23552 : i32
        %dma_start3A_1715 = tpu.memref_slice %arg7[%dma_start3A_1714] : memref<24576xf32, #tpu.memory_space<vmem>> -> memref<128xf32, #tpu.memory_space<vmem>>
        %dma_start3A_1716 = tpu.memref_slice %arg6[%add3A_1713] : memref<49152xi32, #tpu.memory_space<vmem>> -> memref<128xi32, #tpu.memory_space<vmem>>
        %dma_start3A_1717 = arith.constant 0 : i32
        %dma_start3A_1718 = tpu.memref_slice %arg5[%dma_start3A_1717] : memref<786560xf32, #tpu.memory_space<vmem_shared>> -> memref<786560xf32, #tpu.memory_space<vmem_shared>>
        tpu.enqueue_indirect_dma source(%dma_start3A_1718 : memref<786560xf32, #tpu.memory_space<vmem_shared>>) target(%dma_start3A_1715 : memref<128xf32, #tpu.memory_space<vmem>>) offsets(%dma_start3A_1716 : memref<128xi32, #tpu.memory_space<vmem>>) semaphore(%arg9 : memref<!tpu.dma_semaphore, #tpu.memory_space<semaphore_mem>>)
        %mul3A_1719 = arith.constant 24576 : i32
        %mul3A_1720 = arith.muli %scan3A_54, %mul3A_1719 : i32
        %add3A_1721 = arith.constant 23680 : i32
        %add3A_1722 = arith.addi %mul3A_1720, %add3A_1721 : i32
        %dma_start3A_1723 = arith.constant 23680 : i32
        %dma_start3A_1724 = tpu.memref_slice %arg7[%dma_start3A_1723] : memref<24576xf32, #tpu.memory_space<vmem>> -> memref<128xf32, #tpu.memory_space<vmem>>
        %dma_start3A_1725 = tpu.memref_slice %arg6[%add3A_1722] : memref<49152xi32, #tpu.memory_space<vmem>> -> memref<128xi32, #tpu.memory_space<vmem>>
        %dma_start3A_1726 = arith.constant 0 : i32
        %dma_start3A_1727 = tpu.memref_slice %arg5[%dma_start3A_1726] : memref<786560xf32, #tpu.memory_space<vmem_shared>> -> memref<786560xf32, #tpu.memory_space<vmem_shared>>
        tpu.enqueue_indirect_dma source(%dma_start3A_1727 : memref<786560xf32, #tpu.memory_space<vmem_shared>>) target(%dma_start3A_1724 : memref<128xf32, #tpu.memory_space<vmem>>) offsets(%dma_start3A_1725 : memref<128xi32, #tpu.memory_space<vmem>>) semaphore(%arg9 : memref<!tpu.dma_semaphore, #tpu.memory_space<semaphore_mem>>)
        %mul3A_1728 = arith.constant 24576 : i32
        %mul3A_1729 = arith.muli %scan3A_54, %mul3A_1728 : i32
        %add3A_1730 = arith.constant 23808 : i32
        %add3A_1731 = arith.addi %mul3A_1729, %add3A_1730 : i32
        %dma_start3A_1732 = arith.constant 23808 : i32
        %dma_start3A_1733 = tpu.memref_slice %arg7[%dma_start3A_1732] : memref<24576xf32, #tpu.memory_space<vmem>> -> memref<128xf32, #tpu.memory_space<vmem>>
        %dma_start3A_1734 = tpu.memref_slice %arg6[%add3A_1731] : memref<49152xi32, #tpu.memory_space<vmem>> -> memref<128xi32, #tpu.memory_space<vmem>>
        %dma_start3A_1735 = arith.constant 0 : i32
        %dma_start3A_1736 = tpu.memref_slice %arg5[%dma_start3A_1735] : memref<786560xf32, #tpu.memory_space<vmem_shared>> -> memref<786560xf32, #tpu.memory_space<vmem_shared>>
        tpu.enqueue_indirect_dma source(%dma_start3A_1736 : memref<786560xf32, #tpu.memory_space<vmem_shared>>) target(%dma_start3A_1733 : memref<128xf32, #tpu.memory_space<vmem>>) offsets(%dma_start3A_1734 : memref<128xi32, #tpu.memory_space<vmem>>) semaphore(%arg9 : memref<!tpu.dma_semaphore, #tpu.memory_space<semaphore_mem>>)
        %mul3A_1737 = arith.constant 24576 : i32
        %mul3A_1738 = arith.muli %scan3A_54, %mul3A_1737 : i32
        %add3A_1739 = arith.constant 23936 : i32
        %add3A_1740 = arith.addi %mul3A_1738, %add3A_1739 : i32
        %dma_start3A_1741 = arith.constant 23936 : i32
        %dma_start3A_1742 = tpu.memref_slice %arg7[%dma_start3A_1741] : memref<24576xf32, #tpu.memory_space<vmem>> -> memref<128xf32, #tpu.memory_space<vmem>>
        %dma_start3A_1743 = tpu.memref_slice %arg6[%add3A_1740] : memref<49152xi32, #tpu.memory_space<vmem>> -> memref<128xi32, #tpu.memory_space<vmem>>
        %dma_start3A_1744 = arith.constant 0 : i32
        %dma_start3A_1745 = tpu.memref_slice %arg5[%dma_start3A_1744] : memref<786560xf32, #tpu.memory_space<vmem_shared>> -> memref<786560xf32, #tpu.memory_space<vmem_shared>>
        tpu.enqueue_indirect_dma source(%dma_start3A_1745 : memref<786560xf32, #tpu.memory_space<vmem_shared>>) target(%dma_start3A_1742 : memref<128xf32, #tpu.memory_space<vmem>>) offsets(%dma_start3A_1743 : memref<128xi32, #tpu.memory_space<vmem>>) semaphore(%arg9 : memref<!tpu.dma_semaphore, #tpu.memory_space<semaphore_mem>>)
        %mul3A_1746 = arith.constant 24576 : i32
        %mul3A_1747 = arith.muli %scan3A_54, %mul3A_1746 : i32
        %add3A_1748 = arith.constant 24064 : i32
        %add3A_1749 = arith.addi %mul3A_1747, %add3A_1748 : i32
        %dma_start3A_1750 = arith.constant 24064 : i32
        %dma_start3A_1751 = tpu.memref_slice %arg7[%dma_start3A_1750] : memref<24576xf32, #tpu.memory_space<vmem>> -> memref<128xf32, #tpu.memory_space<vmem>>
        %dma_start3A_1752 = tpu.memref_slice %arg6[%add3A_1749] : memref<49152xi32, #tpu.memory_space<vmem>> -> memref<128xi32, #tpu.memory_space<vmem>>
        %dma_start3A_1753 = arith.constant 0 : i32
        %dma_start3A_1754 = tpu.memref_slice %arg5[%dma_start3A_1753] : memref<786560xf32, #tpu.memory_space<vmem_shared>> -> memref<786560xf32, #tpu.memory_space<vmem_shared>>
        tpu.enqueue_indirect_dma source(%dma_start3A_1754 : memref<786560xf32, #tpu.memory_space<vmem_shared>>) target(%dma_start3A_1751 : memref<128xf32, #tpu.memory_space<vmem>>) offsets(%dma_start3A_1752 : memref<128xi32, #tpu.memory_space<vmem>>) semaphore(%arg9 : memref<!tpu.dma_semaphore, #tpu.memory_space<semaphore_mem>>)
        %mul3A_1755 = arith.constant 24576 : i32
        %mul3A_1756 = arith.muli %scan3A_54, %mul3A_1755 : i32
        %add3A_1757 = arith.constant 24192 : i32
        %add3A_1758 = arith.addi %mul3A_1756, %add3A_1757 : i32
        %dma_start3A_1759 = arith.constant 24192 : i32
        %dma_start3A_1760 = tpu.memref_slice %arg7[%dma_start3A_1759] : memref<24576xf32, #tpu.memory_space<vmem>> -> memref<128xf32, #tpu.memory_space<vmem>>
        %dma_start3A_1761 = tpu.memref_slice %arg6[%add3A_1758] : memref<49152xi32, #tpu.memory_space<vmem>> -> memref<128xi32, #tpu.memory_space<vmem>>
        %dma_start3A_1762 = arith.constant 0 : i32
        %dma_start3A_1763 = tpu.memref_slice %arg5[%dma_start3A_1762] : memref<786560xf32, #tpu.memory_space<vmem_shared>> -> memref<786560xf32, #tpu.memory_space<vmem_shared>>
        tpu.enqueue_indirect_dma source(%dma_start3A_1763 : memref<786560xf32, #tpu.memory_space<vmem_shared>>) target(%dma_start3A_1760 : memref<128xf32, #tpu.memory_space<vmem>>) offsets(%dma_start3A_1761 : memref<128xi32, #tpu.memory_space<vmem>>) semaphore(%arg9 : memref<!tpu.dma_semaphore, #tpu.memory_space<semaphore_mem>>)
        %mul3A_1764 = arith.constant 24576 : i32
        %mul3A_1765 = arith.muli %scan3A_54, %mul3A_1764 : i32
        %add3A_1766 = arith.constant 24320 : i32
        %add3A_1767 = arith.addi %mul3A_1765, %add3A_1766 : i32
        %dma_start3A_1768 = arith.constant 24320 : i32
        %dma_start3A_1769 = tpu.memref_slice %arg7[%dma_start3A_1768] : memref<24576xf32, #tpu.memory_space<vmem>> -> memref<128xf32, #tpu.memory_space<vmem>>
        %dma_start3A_1770 = tpu.memref_slice %arg6[%add3A_1767] : memref<49152xi32, #tpu.memory_space<vmem>> -> memref<128xi32, #tpu.memory_space<vmem>>
        %dma_start3A_1771 = arith.constant 0 : i32
        %dma_start3A_1772 = tpu.memref_slice %arg5[%dma_start3A_1771] : memref<786560xf32, #tpu.memory_space<vmem_shared>> -> memref<786560xf32, #tpu.memory_space<vmem_shared>>
        tpu.enqueue_indirect_dma source(%dma_start3A_1772 : memref<786560xf32, #tpu.memory_space<vmem_shared>>) target(%dma_start3A_1769 : memref<128xf32, #tpu.memory_space<vmem>>) offsets(%dma_start3A_1770 : memref<128xi32, #tpu.memory_space<vmem>>) semaphore(%arg9 : memref<!tpu.dma_semaphore, #tpu.memory_space<semaphore_mem>>)
        %mul3A_1773 = arith.constant 24576 : i32
        %mul3A_1774 = arith.muli %scan3A_54, %mul3A_1773 : i32
        %add3A_1775 = arith.constant 24448 : i32
        %add3A_1776 = arith.addi %mul3A_1774, %add3A_1775 : i32
        %dma_start3A_1777 = arith.constant 24448 : i32
        %dma_start3A_1778 = tpu.memref_slice %arg7[%dma_start3A_1777] : memref<24576xf32, #tpu.memory_space<vmem>> -> memref<128xf32, #tpu.memory_space<vmem>>
        %dma_start3A_1779 = tpu.memref_slice %arg6[%add3A_1776] : memref<49152xi32, #tpu.memory_space<vmem>> -> memref<128xi32, #tpu.memory_space<vmem>>
        %dma_start3A_1780 = arith.constant 0 : i32
        %dma_start3A_1781 = tpu.memref_slice %arg5[%dma_start3A_1780] : memref<786560xf32, #tpu.memory_space<vmem_shared>> -> memref<786560xf32, #tpu.memory_space<vmem_shared>>
        tpu.enqueue_indirect_dma source(%dma_start3A_1781 : memref<786560xf32, #tpu.memory_space<vmem_shared>>) target(%dma_start3A_1778 : memref<128xf32, #tpu.memory_space<vmem>>) offsets(%dma_start3A_1779 : memref<128xi32, #tpu.memory_space<vmem>>) semaphore(%arg9 : memref<!tpu.dma_semaphore, #tpu.memory_space<semaphore_mem>>)
        %dma_wait3A = arith.constant 0 : i32
        %dma_wait3A_1782 = tpu.memref_slice %arg7[%dma_wait3A] : memref<24576xf32, #tpu.memory_space<vmem>> -> memref<128xf32, #tpu.memory_space<vmem>>
        %dma_wait3A_1783 = tpu.memref_slice %arg6[%add3A_58] : memref<49152xi32, #tpu.memory_space<vmem>> -> memref<128xi32, #tpu.memory_space<vmem>>
        %dma_wait3A_1784 = arith.constant 0 : i32
        %dma_wait3A_1785 = tpu.memref_slice %arg5[%dma_wait3A_1784] : memref<786560xf32, #tpu.memory_space<vmem_shared>> -> memref<786560xf32, #tpu.memory_space<vmem_shared>>
        tpu.wait_indirect_dma semaphore(%arg9 : memref<!tpu.dma_semaphore, #tpu.memory_space<semaphore_mem>>) src(%dma_wait3A_1785 : memref<786560xf32, #tpu.memory_space<vmem_shared>>) dst(%dma_wait3A_1782 : memref<128xf32, #tpu.memory_space<vmem>>)
        %dma_wait3A_1786 = arith.constant 128 : i32
        %dma_wait3A_1787 = tpu.memref_slice %arg7[%dma_wait3A_1786] : memref<24576xf32, #tpu.memory_space<vmem>> -> memref<128xf32, #tpu.memory_space<vmem>>
        %dma_wait3A_1788 = tpu.memref_slice %arg6[%add3A_66] : memref<49152xi32, #tpu.memory_space<vmem>> -> memref<128xi32, #tpu.memory_space<vmem>>
        %dma_wait3A_1789 = arith.constant 0 : i32
        %dma_wait3A_1790 = tpu.memref_slice %arg5[%dma_wait3A_1789] : memref<786560xf32, #tpu.memory_space<vmem_shared>> -> memref<786560xf32, #tpu.memory_space<vmem_shared>>
        tpu.wait_indirect_dma semaphore(%arg9 : memref<!tpu.dma_semaphore, #tpu.memory_space<semaphore_mem>>) src(%dma_wait3A_1790 : memref<786560xf32, #tpu.memory_space<vmem_shared>>) dst(%dma_wait3A_1787 : memref<128xf32, #tpu.memory_space<vmem>>)
        %dma_wait3A_1791 = arith.constant 256 : i32
        %dma_wait3A_1792 = tpu.memref_slice %arg7[%dma_wait3A_1791] : memref<24576xf32, #tpu.memory_space<vmem>> -> memref<128xf32, #tpu.memory_space<vmem>>
        %dma_wait3A_1793 = tpu.memref_slice %arg6[%add3A_75] : memref<49152xi32, #tpu.memory_space<vmem>> -> memref<128xi32, #tpu.memory_space<vmem>>
        %dma_wait3A_1794 = arith.constant 0 : i32
        %dma_wait3A_1795 = tpu.memref_slice %arg5[%dma_wait3A_1794] : memref<786560xf32, #tpu.memory_space<vmem_shared>> -> memref<786560xf32, #tpu.memory_space<vmem_shared>>
        tpu.wait_indirect_dma semaphore(%arg9 : memref<!tpu.dma_semaphore, #tpu.memory_space<semaphore_mem>>) src(%dma_wait3A_1795 : memref<786560xf32, #tpu.memory_space<vmem_shared>>) dst(%dma_wait3A_1792 : memref<128xf32, #tpu.memory_space<vmem>>)
        %dma_wait3A_1796 = arith.constant 384 : i32
        %dma_wait3A_1797 = tpu.memref_slice %arg7[%dma_wait3A_1796] : memref<24576xf32, #tpu.memory_space<vmem>> -> memref<128xf32, #tpu.memory_space<vmem>>
        %dma_wait3A_1798 = tpu.memref_slice %arg6[%add3A_84] : memref<49152xi32, #tpu.memory_space<vmem>> -> memref<128xi32, #tpu.memory_space<vmem>>
        %dma_wait3A_1799 = arith.constant 0 : i32
        %dma_wait3A_1800 = tpu.memref_slice %arg5[%dma_wait3A_1799] : memref<786560xf32, #tpu.memory_space<vmem_shared>> -> memref<786560xf32, #tpu.memory_space<vmem_shared>>
        tpu.wait_indirect_dma semaphore(%arg9 : memref<!tpu.dma_semaphore, #tpu.memory_space<semaphore_mem>>) src(%dma_wait3A_1800 : memref<786560xf32, #tpu.memory_space<vmem_shared>>) dst(%dma_wait3A_1797 : memref<128xf32, #tpu.memory_space<vmem>>)
        %dma_wait3A_1801 = arith.constant 512 : i32
        %dma_wait3A_1802 = tpu.memref_slice %arg7[%dma_wait3A_1801] : memref<24576xf32, #tpu.memory_space<vmem>> -> memref<128xf32, #tpu.memory_space<vmem>>
        %dma_wait3A_1803 = tpu.memref_slice %arg6[%add3A_93] : memref<49152xi32, #tpu.memory_space<vmem>> -> memref<128xi32, #tpu.memory_space<vmem>>
        %dma_wait3A_1804 = arith.constant 0 : i32
        %dma_wait3A_1805 = tpu.memref_slice %arg5[%dma_wait3A_1804] : memref<786560xf32, #tpu.memory_space<vmem_shared>> -> memref<786560xf32, #tpu.memory_space<vmem_shared>>
        tpu.wait_indirect_dma semaphore(%arg9 : memref<!tpu.dma_semaphore, #tpu.memory_space<semaphore_mem>>) src(%dma_wait3A_1805 : memref<786560xf32, #tpu.memory_space<vmem_shared>>) dst(%dma_wait3A_1802 : memref<128xf32, #tpu.memory_space<vmem>>)
        %dma_wait3A_1806 = arith.constant 640 : i32
        %dma_wait3A_1807 = tpu.memref_slice %arg7[%dma_wait3A_1806] : memref<24576xf32, #tpu.memory_space<vmem>> -> memref<128xf32, #tpu.memory_space<vmem>>
        %dma_wait3A_1808 = tpu.memref_slice %arg6[%add3A_102] : memref<49152xi32, #tpu.memory_space<vmem>> -> memref<128xi32, #tpu.memory_space<vmem>>
        %dma_wait3A_1809 = arith.constant 0 : i32
        %dma_wait3A_1810 = tpu.memref_slice %arg5[%dma_wait3A_1809] : memref<786560xf32, #tpu.memory_space<vmem_shared>> -> memref<786560xf32, #tpu.memory_space<vmem_shared>>
        tpu.wait_indirect_dma semaphore(%arg9 : memref<!tpu.dma_semaphore, #tpu.memory_space<semaphore_mem>>) src(%dma_wait3A_1810 : memref<786560xf32, #tpu.memory_space<vmem_shared>>) dst(%dma_wait3A_1807 : memref<128xf32, #tpu.memory_space<vmem>>)
        %dma_wait3A_1811 = arith.constant 768 : i32
        %dma_wait3A_1812 = tpu.memref_slice %arg7[%dma_wait3A_1811] : memref<24576xf32, #tpu.memory_space<vmem>> -> memref<128xf32, #tpu.memory_space<vmem>>
        %dma_wait3A_1813 = tpu.memref_slice %arg6[%add3A_111] : memref<49152xi32, #tpu.memory_space<vmem>> -> memref<128xi32, #tpu.memory_space<vmem>>
        %dma_wait3A_1814 = arith.constant 0 : i32
        %dma_wait3A_1815 = tpu.memref_slice %arg5[%dma_wait3A_1814] : memref<786560xf32, #tpu.memory_space<vmem_shared>> -> memref<786560xf32, #tpu.memory_space<vmem_shared>>
        tpu.wait_indirect_dma semaphore(%arg9 : memref<!tpu.dma_semaphore, #tpu.memory_space<semaphore_mem>>) src(%dma_wait3A_1815 : memref<786560xf32, #tpu.memory_space<vmem_shared>>) dst(%dma_wait3A_1812 : memref<128xf32, #tpu.memory_space<vmem>>)
        %dma_wait3A_1816 = arith.constant 896 : i32
        %dma_wait3A_1817 = tpu.memref_slice %arg7[%dma_wait3A_1816] : memref<24576xf32, #tpu.memory_space<vmem>> -> memref<128xf32, #tpu.memory_space<vmem>>
        %dma_wait3A_1818 = tpu.memref_slice %arg6[%add3A_120] : memref<49152xi32, #tpu.memory_space<vmem>> -> memref<128xi32, #tpu.memory_space<vmem>>
        %dma_wait3A_1819 = arith.constant 0 : i32
        %dma_wait3A_1820 = tpu.memref_slice %arg5[%dma_wait3A_1819] : memref<786560xf32, #tpu.memory_space<vmem_shared>> -> memref<786560xf32, #tpu.memory_space<vmem_shared>>
        tpu.wait_indirect_dma semaphore(%arg9 : memref<!tpu.dma_semaphore, #tpu.memory_space<semaphore_mem>>) src(%dma_wait3A_1820 : memref<786560xf32, #tpu.memory_space<vmem_shared>>) dst(%dma_wait3A_1817 : memref<128xf32, #tpu.memory_space<vmem>>)
        %dma_wait3A_1821 = arith.constant 1024 : i32
        %dma_wait3A_1822 = tpu.memref_slice %arg7[%dma_wait3A_1821] : memref<24576xf32, #tpu.memory_space<vmem>> -> memref<128xf32, #tpu.memory_space<vmem>>
        %dma_wait3A_1823 = tpu.memref_slice %arg6[%add3A_129] : memref<49152xi32, #tpu.memory_space<vmem>> -> memref<128xi32, #tpu.memory_space<vmem>>
        %dma_wait3A_1824 = arith.constant 0 : i32
        %dma_wait3A_1825 = tpu.memref_slice %arg5[%dma_wait3A_1824] : memref<786560xf32, #tpu.memory_space<vmem_shared>> -> memref<786560xf32, #tpu.memory_space<vmem_shared>>
        tpu.wait_indirect_dma semaphore(%arg9 : memref<!tpu.dma_semaphore, #tpu.memory_space<semaphore_mem>>) src(%dma_wait3A_1825 : memref<786560xf32, #tpu.memory_space<vmem_shared>>) dst(%dma_wait3A_1822 : memref<128xf32, #tpu.memory_space<vmem>>)
        %dma_wait3A_1826 = arith.constant 1152 : i32
        %dma_wait3A_1827 = tpu.memref_slice %arg7[%dma_wait3A_1826] : memref<24576xf32, #tpu.memory_space<vmem>> -> memref<128xf32, #tpu.memory_space<vmem>>
        %dma_wait3A_1828 = tpu.memref_slice %arg6[%add3A_138] : memref<49152xi32, #tpu.memory_space<vmem>> -> memref<128xi32, #tpu.memory_space<vmem>>
        %dma_wait3A_1829 = arith.constant 0 : i32
        %dma_wait3A_1830 = tpu.memref_slice %arg5[%dma_wait3A_1829] : memref<786560xf32, #tpu.memory_space<vmem_shared>> -> memref<786560xf32, #tpu.memory_space<vmem_shared>>
        tpu.wait_indirect_dma semaphore(%arg9 : memref<!tpu.dma_semaphore, #tpu.memory_space<semaphore_mem>>) src(%dma_wait3A_1830 : memref<786560xf32, #tpu.memory_space<vmem_shared>>) dst(%dma_wait3A_1827 : memref<128xf32, #tpu.memory_space<vmem>>)
        %dma_wait3A_1831 = arith.constant 1280 : i32
        %dma_wait3A_1832 = tpu.memref_slice %arg7[%dma_wait3A_1831] : memref<24576xf32, #tpu.memory_space<vmem>> -> memref<128xf32, #tpu.memory_space<vmem>>
        %dma_wait3A_1833 = tpu.memref_slice %arg6[%add3A_147] : memref<49152xi32, #tpu.memory_space<vmem>> -> memref<128xi32, #tpu.memory_space<vmem>>
        %dma_wait3A_1834 = arith.constant 0 : i32
        %dma_wait3A_1835 = tpu.memref_slice %arg5[%dma_wait3A_1834] : memref<786560xf32, #tpu.memory_space<vmem_shared>> -> memref<786560xf32, #tpu.memory_space<vmem_shared>>
        tpu.wait_indirect_dma semaphore(%arg9 : memref<!tpu.dma_semaphore, #tpu.memory_space<semaphore_mem>>) src(%dma_wait3A_1835 : memref<786560xf32, #tpu.memory_space<vmem_shared>>) dst(%dma_wait3A_1832 : memref<128xf32, #tpu.memory_space<vmem>>)
        %dma_wait3A_1836 = arith.constant 1408 : i32
        %dma_wait3A_1837 = tpu.memref_slice %arg7[%dma_wait3A_1836] : memref<24576xf32, #tpu.memory_space<vmem>> -> memref<128xf32, #tpu.memory_space<vmem>>
        %dma_wait3A_1838 = tpu.memref_slice %arg6[%add3A_156] : memref<49152xi32, #tpu.memory_space<vmem>> -> memref<128xi32, #tpu.memory_space<vmem>>
        %dma_wait3A_1839 = arith.constant 0 : i32
        %dma_wait3A_1840 = tpu.memref_slice %arg5[%dma_wait3A_1839] : memref<786560xf32, #tpu.memory_space<vmem_shared>> -> memref<786560xf32, #tpu.memory_space<vmem_shared>>
        tpu.wait_indirect_dma semaphore(%arg9 : memref<!tpu.dma_semaphore, #tpu.memory_space<semaphore_mem>>) src(%dma_wait3A_1840 : memref<786560xf32, #tpu.memory_space<vmem_shared>>) dst(%dma_wait3A_1837 : memref<128xf32, #tpu.memory_space<vmem>>)
        %dma_wait3A_1841 = arith.constant 1536 : i32
        %dma_wait3A_1842 = tpu.memref_slice %arg7[%dma_wait3A_1841] : memref<24576xf32, #tpu.memory_space<vmem>> -> memref<128xf32, #tpu.memory_space<vmem>>
        %dma_wait3A_1843 = tpu.memref_slice %arg6[%add3A_165] : memref<49152xi32, #tpu.memory_space<vmem>> -> memref<128xi32, #tpu.memory_space<vmem>>
        %dma_wait3A_1844 = arith.constant 0 : i32
        %dma_wait3A_1845 = tpu.memref_slice %arg5[%dma_wait3A_1844] : memref<786560xf32, #tpu.memory_space<vmem_shared>> -> memref<786560xf32, #tpu.memory_space<vmem_shared>>
        tpu.wait_indirect_dma semaphore(%arg9 : memref<!tpu.dma_semaphore, #tpu.memory_space<semaphore_mem>>) src(%dma_wait3A_1845 : memref<786560xf32, #tpu.memory_space<vmem_shared>>) dst(%dma_wait3A_1842 : memref<128xf32, #tpu.memory_space<vmem>>)
        %dma_wait3A_1846 = arith.constant 1664 : i32
        %dma_wait3A_1847 = tpu.memref_slice %arg7[%dma_wait3A_1846] : memref<24576xf32, #tpu.memory_space<vmem>> -> memref<128xf32, #tpu.memory_space<vmem>>
        %dma_wait3A_1848 = tpu.memref_slice %arg6[%add3A_174] : memref<49152xi32, #tpu.memory_space<vmem>> -> memref<128xi32, #tpu.memory_space<vmem>>
        %dma_wait3A_1849 = arith.constant 0 : i32
        %dma_wait3A_1850 = tpu.memref_slice %arg5[%dma_wait3A_1849] : memref<786560xf32, #tpu.memory_space<vmem_shared>> -> memref<786560xf32, #tpu.memory_space<vmem_shared>>
        tpu.wait_indirect_dma semaphore(%arg9 : memref<!tpu.dma_semaphore, #tpu.memory_space<semaphore_mem>>) src(%dma_wait3A_1850 : memref<786560xf32, #tpu.memory_space<vmem_shared>>) dst(%dma_wait3A_1847 : memref<128xf32, #tpu.memory_space<vmem>>)
        %dma_wait3A_1851 = arith.constant 1792 : i32
        %dma_wait3A_1852 = tpu.memref_slice %arg7[%dma_wait3A_1851] : memref<24576xf32, #tpu.memory_space<vmem>> -> memref<128xf32, #tpu.memory_space<vmem>>
        %dma_wait3A_1853 = tpu.memref_slice %arg6[%add3A_183] : memref<49152xi32, #tpu.memory_space<vmem>> -> memref<128xi32, #tpu.memory_space<vmem>>
        %dma_wait3A_1854 = arith.constant 0 : i32
        %dma_wait3A_1855 = tpu.memref_slice %arg5[%dma_wait3A_1854] : memref<786560xf32, #tpu.memory_space<vmem_shared>> -> memref<786560xf32, #tpu.memory_space<vmem_shared>>
        tpu.wait_indirect_dma semaphore(%arg9 : memref<!tpu.dma_semaphore, #tpu.memory_space<semaphore_mem>>) src(%dma_wait3A_1855 : memref<786560xf32, #tpu.memory_space<vmem_shared>>) dst(%dma_wait3A_1852 : memref<128xf32, #tpu.memory_space<vmem>>)
        %dma_wait3A_1856 = arith.constant 1920 : i32
        %dma_wait3A_1857 = tpu.memref_slice %arg7[%dma_wait3A_1856] : memref<24576xf32, #tpu.memory_space<vmem>> -> memref<128xf32, #tpu.memory_space<vmem>>
        %dma_wait3A_1858 = tpu.memref_slice %arg6[%add3A_192] : memref<49152xi32, #tpu.memory_space<vmem>> -> memref<128xi32, #tpu.memory_space<vmem>>
        %dma_wait3A_1859 = arith.constant 0 : i32
        %dma_wait3A_1860 = tpu.memref_slice %arg5[%dma_wait3A_1859] : memref<786560xf32, #tpu.memory_space<vmem_shared>> -> memref<786560xf32, #tpu.memory_space<vmem_shared>>
        tpu.wait_indirect_dma semaphore(%arg9 : memref<!tpu.dma_semaphore, #tpu.memory_space<semaphore_mem>>) src(%dma_wait3A_1860 : memref<786560xf32, #tpu.memory_space<vmem_shared>>) dst(%dma_wait3A_1857 : memref<128xf32, #tpu.memory_space<vmem>>)
        %dma_wait3A_1861 = arith.constant 2048 : i32
        %dma_wait3A_1862 = tpu.memref_slice %arg7[%dma_wait3A_1861] : memref<24576xf32, #tpu.memory_space<vmem>> -> memref<128xf32, #tpu.memory_space<vmem>>
        %dma_wait3A_1863 = tpu.memref_slice %arg6[%add3A_201] : memref<49152xi32, #tpu.memory_space<vmem>> -> memref<128xi32, #tpu.memory_space<vmem>>
        %dma_wait3A_1864 = arith.constant 0 : i32
        %dma_wait3A_1865 = tpu.memref_slice %arg5[%dma_wait3A_1864] : memref<786560xf32, #tpu.memory_space<vmem_shared>> -> memref<786560xf32, #tpu.memory_space<vmem_shared>>
        tpu.wait_indirect_dma semaphore(%arg9 : memref<!tpu.dma_semaphore, #tpu.memory_space<semaphore_mem>>) src(%dma_wait3A_1865 : memref<786560xf32, #tpu.memory_space<vmem_shared>>) dst(%dma_wait3A_1862 : memref<128xf32, #tpu.memory_space<vmem>>)
        %dma_wait3A_1866 = arith.constant 2176 : i32
        %dma_wait3A_1867 = tpu.memref_slice %arg7[%dma_wait3A_1866] : memref<24576xf32, #tpu.memory_space<vmem>> -> memref<128xf32, #tpu.memory_space<vmem>>
        %dma_wait3A_1868 = tpu.memref_slice %arg6[%add3A_210] : memref<49152xi32, #tpu.memory_space<vmem>> -> memref<128xi32, #tpu.memory_space<vmem>>
        %dma_wait3A_1869 = arith.constant 0 : i32
        %dma_wait3A_1870 = tpu.memref_slice %arg5[%dma_wait3A_1869] : memref<786560xf32, #tpu.memory_space<vmem_shared>> -> memref<786560xf32, #tpu.memory_space<vmem_shared>>
        tpu.wait_indirect_dma semaphore(%arg9 : memref<!tpu.dma_semaphore, #tpu.memory_space<semaphore_mem>>) src(%dma_wait3A_1870 : memref<786560xf32, #tpu.memory_space<vmem_shared>>) dst(%dma_wait3A_1867 : memref<128xf32, #tpu.memory_space<vmem>>)
        %dma_wait3A_1871 = arith.constant 2304 : i32
        %dma_wait3A_1872 = tpu.memref_slice %arg7[%dma_wait3A_1871] : memref<24576xf32, #tpu.memory_space<vmem>> -> memref<128xf32, #tpu.memory_space<vmem>>
        %dma_wait3A_1873 = tpu.memref_slice %arg6[%add3A_219] : memref<49152xi32, #tpu.memory_space<vmem>> -> memref<128xi32, #tpu.memory_space<vmem>>
        %dma_wait3A_1874 = arith.constant 0 : i32
        %dma_wait3A_1875 = tpu.memref_slice %arg5[%dma_wait3A_1874] : memref<786560xf32, #tpu.memory_space<vmem_shared>> -> memref<786560xf32, #tpu.memory_space<vmem_shared>>
        tpu.wait_indirect_dma semaphore(%arg9 : memref<!tpu.dma_semaphore, #tpu.memory_space<semaphore_mem>>) src(%dma_wait3A_1875 : memref<786560xf32, #tpu.memory_space<vmem_shared>>) dst(%dma_wait3A_1872 : memref<128xf32, #tpu.memory_space<vmem>>)
        %dma_wait3A_1876 = arith.constant 2432 : i32
        %dma_wait3A_1877 = tpu.memref_slice %arg7[%dma_wait3A_1876] : memref<24576xf32, #tpu.memory_space<vmem>> -> memref<128xf32, #tpu.memory_space<vmem>>
        %dma_wait3A_1878 = tpu.memref_slice %arg6[%add3A_228] : memref<49152xi32, #tpu.memory_space<vmem>> -> memref<128xi32, #tpu.memory_space<vmem>>
        %dma_wait3A_1879 = arith.constant 0 : i32
        %dma_wait3A_1880 = tpu.memref_slice %arg5[%dma_wait3A_1879] : memref<786560xf32, #tpu.memory_space<vmem_shared>> -> memref<786560xf32, #tpu.memory_space<vmem_shared>>
        tpu.wait_indirect_dma semaphore(%arg9 : memref<!tpu.dma_semaphore, #tpu.memory_space<semaphore_mem>>) src(%dma_wait3A_1880 : memref<786560xf32, #tpu.memory_space<vmem_shared>>) dst(%dma_wait3A_1877 : memref<128xf32, #tpu.memory_space<vmem>>)
        %dma_wait3A_1881 = arith.constant 2560 : i32
        %dma_wait3A_1882 = tpu.memref_slice %arg7[%dma_wait3A_1881] : memref<24576xf32, #tpu.memory_space<vmem>> -> memref<128xf32, #tpu.memory_space<vmem>>
        %dma_wait3A_1883 = tpu.memref_slice %arg6[%add3A_237] : memref<49152xi32, #tpu.memory_space<vmem>> -> memref<128xi32, #tpu.memory_space<vmem>>
        %dma_wait3A_1884 = arith.constant 0 : i32
        %dma_wait3A_1885 = tpu.memref_slice %arg5[%dma_wait3A_1884] : memref<786560xf32, #tpu.memory_space<vmem_shared>> -> memref<786560xf32, #tpu.memory_space<vmem_shared>>
        tpu.wait_indirect_dma semaphore(%arg9 : memref<!tpu.dma_semaphore, #tpu.memory_space<semaphore_mem>>) src(%dma_wait3A_1885 : memref<786560xf32, #tpu.memory_space<vmem_shared>>) dst(%dma_wait3A_1882 : memref<128xf32, #tpu.memory_space<vmem>>)
        %dma_wait3A_1886 = arith.constant 2688 : i32
        %dma_wait3A_1887 = tpu.memref_slice %arg7[%dma_wait3A_1886] : memref<24576xf32, #tpu.memory_space<vmem>> -> memref<128xf32, #tpu.memory_space<vmem>>
        %dma_wait3A_1888 = tpu.memref_slice %arg6[%add3A_246] : memref<49152xi32, #tpu.memory_space<vmem>> -> memref<128xi32, #tpu.memory_space<vmem>>
        %dma_wait3A_1889 = arith.constant 0 : i32
        %dma_wait3A_1890 = tpu.memref_slice %arg5[%dma_wait3A_1889] : memref<786560xf32, #tpu.memory_space<vmem_shared>> -> memref<786560xf32, #tpu.memory_space<vmem_shared>>
        tpu.wait_indirect_dma semaphore(%arg9 : memref<!tpu.dma_semaphore, #tpu.memory_space<semaphore_mem>>) src(%dma_wait3A_1890 : memref<786560xf32, #tpu.memory_space<vmem_shared>>) dst(%dma_wait3A_1887 : memref<128xf32, #tpu.memory_space<vmem>>)
        %dma_wait3A_1891 = arith.constant 2816 : i32
        %dma_wait3A_1892 = tpu.memref_slice %arg7[%dma_wait3A_1891] : memref<24576xf32, #tpu.memory_space<vmem>> -> memref<128xf32, #tpu.memory_space<vmem>>
        %dma_wait3A_1893 = tpu.memref_slice %arg6[%add3A_255] : memref<49152xi32, #tpu.memory_space<vmem>> -> memref<128xi32, #tpu.memory_space<vmem>>
        %dma_wait3A_1894 = arith.constant 0 : i32
        %dma_wait3A_1895 = tpu.memref_slice %arg5[%dma_wait3A_1894] : memref<786560xf32, #tpu.memory_space<vmem_shared>> -> memref<786560xf32, #tpu.memory_space<vmem_shared>>
        tpu.wait_indirect_dma semaphore(%arg9 : memref<!tpu.dma_semaphore, #tpu.memory_space<semaphore_mem>>) src(%dma_wait3A_1895 : memref<786560xf32, #tpu.memory_space<vmem_shared>>) dst(%dma_wait3A_1892 : memref<128xf32, #tpu.memory_space<vmem>>)
        %dma_wait3A_1896 = arith.constant 2944 : i32
        %dma_wait3A_1897 = tpu.memref_slice %arg7[%dma_wait3A_1896] : memref<24576xf32, #tpu.memory_space<vmem>> -> memref<128xf32, #tpu.memory_space<vmem>>
        %dma_wait3A_1898 = tpu.memref_slice %arg6[%add3A_264] : memref<49152xi32, #tpu.memory_space<vmem>> -> memref<128xi32, #tpu.memory_space<vmem>>
        %dma_wait3A_1899 = arith.constant 0 : i32
        %dma_wait3A_1900 = tpu.memref_slice %arg5[%dma_wait3A_1899] : memref<786560xf32, #tpu.memory_space<vmem_shared>> -> memref<786560xf32, #tpu.memory_space<vmem_shared>>
        tpu.wait_indirect_dma semaphore(%arg9 : memref<!tpu.dma_semaphore, #tpu.memory_space<semaphore_mem>>) src(%dma_wait3A_1900 : memref<786560xf32, #tpu.memory_space<vmem_shared>>) dst(%dma_wait3A_1897 : memref<128xf32, #tpu.memory_space<vmem>>)
        %dma_wait3A_1901 = arith.constant 3072 : i32
        %dma_wait3A_1902 = tpu.memref_slice %arg7[%dma_wait3A_1901] : memref<24576xf32, #tpu.memory_space<vmem>> -> memref<128xf32, #tpu.memory_space<vmem>>
        %dma_wait3A_1903 = tpu.memref_slice %arg6[%add3A_273] : memref<49152xi32, #tpu.memory_space<vmem>> -> memref<128xi32, #tpu.memory_space<vmem>>
        %dma_wait3A_1904 = arith.constant 0 : i32
        %dma_wait3A_1905 = tpu.memref_slice %arg5[%dma_wait3A_1904] : memref<786560xf32, #tpu.memory_space<vmem_shared>> -> memref<786560xf32, #tpu.memory_space<vmem_shared>>
        tpu.wait_indirect_dma semaphore(%arg9 : memref<!tpu.dma_semaphore, #tpu.memory_space<semaphore_mem>>) src(%dma_wait3A_1905 : memref<786560xf32, #tpu.memory_space<vmem_shared>>) dst(%dma_wait3A_1902 : memref<128xf32, #tpu.memory_space<vmem>>)
        %dma_wait3A_1906 = arith.constant 3200 : i32
        %dma_wait3A_1907 = tpu.memref_slice %arg7[%dma_wait3A_1906] : memref<24576xf32, #tpu.memory_space<vmem>> -> memref<128xf32, #tpu.memory_space<vmem>>
        %dma_wait3A_1908 = tpu.memref_slice %arg6[%add3A_282] : memref<49152xi32, #tpu.memory_space<vmem>> -> memref<128xi32, #tpu.memory_space<vmem>>
        %dma_wait3A_1909 = arith.constant 0 : i32
        %dma_wait3A_1910 = tpu.memref_slice %arg5[%dma_wait3A_1909] : memref<786560xf32, #tpu.memory_space<vmem_shared>> -> memref<786560xf32, #tpu.memory_space<vmem_shared>>
        tpu.wait_indirect_dma semaphore(%arg9 : memref<!tpu.dma_semaphore, #tpu.memory_space<semaphore_mem>>) src(%dma_wait3A_1910 : memref<786560xf32, #tpu.memory_space<vmem_shared>>) dst(%dma_wait3A_1907 : memref<128xf32, #tpu.memory_space<vmem>>)
        %dma_wait3A_1911 = arith.constant 3328 : i32
        %dma_wait3A_1912 = tpu.memref_slice %arg7[%dma_wait3A_1911] : memref<24576xf32, #tpu.memory_space<vmem>> -> memref<128xf32, #tpu.memory_space<vmem>>
        %dma_wait3A_1913 = tpu.memref_slice %arg6[%add3A_291] : memref<49152xi32, #tpu.memory_space<vmem>> -> memref<128xi32, #tpu.memory_space<vmem>>
        %dma_wait3A_1914 = arith.constant 0 : i32
        %dma_wait3A_1915 = tpu.memref_slice %arg5[%dma_wait3A_1914] : memref<786560xf32, #tpu.memory_space<vmem_shared>> -> memref<786560xf32, #tpu.memory_space<vmem_shared>>
        tpu.wait_indirect_dma semaphore(%arg9 : memref<!tpu.dma_semaphore, #tpu.memory_space<semaphore_mem>>) src(%dma_wait3A_1915 : memref<786560xf32, #tpu.memory_space<vmem_shared>>) dst(%dma_wait3A_1912 : memref<128xf32, #tpu.memory_space<vmem>>)
        %dma_wait3A_1916 = arith.constant 3456 : i32
        %dma_wait3A_1917 = tpu.memref_slice %arg7[%dma_wait3A_1916] : memref<24576xf32, #tpu.memory_space<vmem>> -> memref<128xf32, #tpu.memory_space<vmem>>
        %dma_wait3A_1918 = tpu.memref_slice %arg6[%add3A_300] : memref<49152xi32, #tpu.memory_space<vmem>> -> memref<128xi32, #tpu.memory_space<vmem>>
        %dma_wait3A_1919 = arith.constant 0 : i32
        %dma_wait3A_1920 = tpu.memref_slice %arg5[%dma_wait3A_1919] : memref<786560xf32, #tpu.memory_space<vmem_shared>> -> memref<786560xf32, #tpu.memory_space<vmem_shared>>
        tpu.wait_indirect_dma semaphore(%arg9 : memref<!tpu.dma_semaphore, #tpu.memory_space<semaphore_mem>>) src(%dma_wait3A_1920 : memref<786560xf32, #tpu.memory_space<vmem_shared>>) dst(%dma_wait3A_1917 : memref<128xf32, #tpu.memory_space<vmem>>)
        %dma_wait3A_1921 = arith.constant 3584 : i32
        %dma_wait3A_1922 = tpu.memref_slice %arg7[%dma_wait3A_1921] : memref<24576xf32, #tpu.memory_space<vmem>> -> memref<128xf32, #tpu.memory_space<vmem>>
        %dma_wait3A_1923 = tpu.memref_slice %arg6[%add3A_309] : memref<49152xi32, #tpu.memory_space<vmem>> -> memref<128xi32, #tpu.memory_space<vmem>>
        %dma_wait3A_1924 = arith.constant 0 : i32
        %dma_wait3A_1925 = tpu.memref_slice %arg5[%dma_wait3A_1924] : memref<786560xf32, #tpu.memory_space<vmem_shared>> -> memref<786560xf32, #tpu.memory_space<vmem_shared>>
        tpu.wait_indirect_dma semaphore(%arg9 : memref<!tpu.dma_semaphore, #tpu.memory_space<semaphore_mem>>) src(%dma_wait3A_1925 : memref<786560xf32, #tpu.memory_space<vmem_shared>>) dst(%dma_wait3A_1922 : memref<128xf32, #tpu.memory_space<vmem>>)
        %dma_wait3A_1926 = arith.constant 3712 : i32
        %dma_wait3A_1927 = tpu.memref_slice %arg7[%dma_wait3A_1926] : memref<24576xf32, #tpu.memory_space<vmem>> -> memref<128xf32, #tpu.memory_space<vmem>>
        %dma_wait3A_1928 = tpu.memref_slice %arg6[%add3A_318] : memref<49152xi32, #tpu.memory_space<vmem>> -> memref<128xi32, #tpu.memory_space<vmem>>
        %dma_wait3A_1929 = arith.constant 0 : i32
        %dma_wait3A_1930 = tpu.memref_slice %arg5[%dma_wait3A_1929] : memref<786560xf32, #tpu.memory_space<vmem_shared>> -> memref<786560xf32, #tpu.memory_space<vmem_shared>>
        tpu.wait_indirect_dma semaphore(%arg9 : memref<!tpu.dma_semaphore, #tpu.memory_space<semaphore_mem>>) src(%dma_wait3A_1930 : memref<786560xf32, #tpu.memory_space<vmem_shared>>) dst(%dma_wait3A_1927 : memref<128xf32, #tpu.memory_space<vmem>>)
        %dma_wait3A_1931 = arith.constant 3840 : i32
        %dma_wait3A_1932 = tpu.memref_slice %arg7[%dma_wait3A_1931] : memref<24576xf32, #tpu.memory_space<vmem>> -> memref<128xf32, #tpu.memory_space<vmem>>
        %dma_wait3A_1933 = tpu.memref_slice %arg6[%add3A_327] : memref<49152xi32, #tpu.memory_space<vmem>> -> memref<128xi32, #tpu.memory_space<vmem>>
        %dma_wait3A_1934 = arith.constant 0 : i32
        %dma_wait3A_1935 = tpu.memref_slice %arg5[%dma_wait3A_1934] : memref<786560xf32, #tpu.memory_space<vmem_shared>> -> memref<786560xf32, #tpu.memory_space<vmem_shared>>
        tpu.wait_indirect_dma semaphore(%arg9 : memref<!tpu.dma_semaphore, #tpu.memory_space<semaphore_mem>>) src(%dma_wait3A_1935 : memref<786560xf32, #tpu.memory_space<vmem_shared>>) dst(%dma_wait3A_1932 : memref<128xf32, #tpu.memory_space<vmem>>)
        %dma_wait3A_1936 = arith.constant 3968 : i32
        %dma_wait3A_1937 = tpu.memref_slice %arg7[%dma_wait3A_1936] : memref<24576xf32, #tpu.memory_space<vmem>> -> memref<128xf32, #tpu.memory_space<vmem>>
        %dma_wait3A_1938 = tpu.memref_slice %arg6[%add3A_336] : memref<49152xi32, #tpu.memory_space<vmem>> -> memref<128xi32, #tpu.memory_space<vmem>>
        %dma_wait3A_1939 = arith.constant 0 : i32
        %dma_wait3A_1940 = tpu.memref_slice %arg5[%dma_wait3A_1939] : memref<786560xf32, #tpu.memory_space<vmem_shared>> -> memref<786560xf32, #tpu.memory_space<vmem_shared>>
        tpu.wait_indirect_dma semaphore(%arg9 : memref<!tpu.dma_semaphore, #tpu.memory_space<semaphore_mem>>) src(%dma_wait3A_1940 : memref<786560xf32, #tpu.memory_space<vmem_shared>>) dst(%dma_wait3A_1937 : memref<128xf32, #tpu.memory_space<vmem>>)
        %dma_wait3A_1941 = arith.constant 4096 : i32
        %dma_wait3A_1942 = tpu.memref_slice %arg7[%dma_wait3A_1941] : memref<24576xf32, #tpu.memory_space<vmem>> -> memref<128xf32, #tpu.memory_space<vmem>>
        %dma_wait3A_1943 = tpu.memref_slice %arg6[%add3A_345] : memref<49152xi32, #tpu.memory_space<vmem>> -> memref<128xi32, #tpu.memory_space<vmem>>
        %dma_wait3A_1944 = arith.constant 0 : i32
        %dma_wait3A_1945 = tpu.memref_slice %arg5[%dma_wait3A_1944] : memref<786560xf32, #tpu.memory_space<vmem_shared>> -> memref<786560xf32, #tpu.memory_space<vmem_shared>>
        tpu.wait_indirect_dma semaphore(%arg9 : memref<!tpu.dma_semaphore, #tpu.memory_space<semaphore_mem>>) src(%dma_wait3A_1945 : memref<786560xf32, #tpu.memory_space<vmem_shared>>) dst(%dma_wait3A_1942 : memref<128xf32, #tpu.memory_space<vmem>>)
        %dma_wait3A_1946 = arith.constant 4224 : i32
        %dma_wait3A_1947 = tpu.memref_slice %arg7[%dma_wait3A_1946] : memref<24576xf32, #tpu.memory_space<vmem>> -> memref<128xf32, #tpu.memory_space<vmem>>
        %dma_wait3A_1948 = tpu.memref_slice %arg6[%add3A_354] : memref<49152xi32, #tpu.memory_space<vmem>> -> memref<128xi32, #tpu.memory_space<vmem>>
        %dma_wait3A_1949 = arith.constant 0 : i32
        %dma_wait3A_1950 = tpu.memref_slice %arg5[%dma_wait3A_1949] : memref<786560xf32, #tpu.memory_space<vmem_shared>> -> memref<786560xf32, #tpu.memory_space<vmem_shared>>
        tpu.wait_indirect_dma semaphore(%arg9 : memref<!tpu.dma_semaphore, #tpu.memory_space<semaphore_mem>>) src(%dma_wait3A_1950 : memref<786560xf32, #tpu.memory_space<vmem_shared>>) dst(%dma_wait3A_1947 : memref<128xf32, #tpu.memory_space<vmem>>)
        %dma_wait3A_1951 = arith.constant 4352 : i32
        %dma_wait3A_1952 = tpu.memref_slice %arg7[%dma_wait3A_1951] : memref<24576xf32, #tpu.memory_space<vmem>> -> memref<128xf32, #tpu.memory_space<vmem>>
        %dma_wait3A_1953 = tpu.memref_slice %arg6[%add3A_363] : memref<49152xi32, #tpu.memory_space<vmem>> -> memref<128xi32, #tpu.memory_space<vmem>>
        %dma_wait3A_1954 = arith.constant 0 : i32
        %dma_wait3A_1955 = tpu.memref_slice %arg5[%dma_wait3A_1954] : memref<786560xf32, #tpu.memory_space<vmem_shared>> -> memref<786560xf32, #tpu.memory_space<vmem_shared>>
        tpu.wait_indirect_dma semaphore(%arg9 : memref<!tpu.dma_semaphore, #tpu.memory_space<semaphore_mem>>) src(%dma_wait3A_1955 : memref<786560xf32, #tpu.memory_space<vmem_shared>>) dst(%dma_wait3A_1952 : memref<128xf32, #tpu.memory_space<vmem>>)
        %dma_wait3A_1956 = arith.constant 4480 : i32
        %dma_wait3A_1957 = tpu.memref_slice %arg7[%dma_wait3A_1956] : memref<24576xf32, #tpu.memory_space<vmem>> -> memref<128xf32, #tpu.memory_space<vmem>>
        %dma_wait3A_1958 = tpu.memref_slice %arg6[%add3A_372] : memref<49152xi32, #tpu.memory_space<vmem>> -> memref<128xi32, #tpu.memory_space<vmem>>
        %dma_wait3A_1959 = arith.constant 0 : i32
        %dma_wait3A_1960 = tpu.memref_slice %arg5[%dma_wait3A_1959] : memref<786560xf32, #tpu.memory_space<vmem_shared>> -> memref<786560xf32, #tpu.memory_space<vmem_shared>>
        tpu.wait_indirect_dma semaphore(%arg9 : memref<!tpu.dma_semaphore, #tpu.memory_space<semaphore_mem>>) src(%dma_wait3A_1960 : memref<786560xf32, #tpu.memory_space<vmem_shared>>) dst(%dma_wait3A_1957 : memref<128xf32, #tpu.memory_space<vmem>>)
        %dma_wait3A_1961 = arith.constant 4608 : i32
        %dma_wait3A_1962 = tpu.memref_slice %arg7[%dma_wait3A_1961] : memref<24576xf32, #tpu.memory_space<vmem>> -> memref<128xf32, #tpu.memory_space<vmem>>
        %dma_wait3A_1963 = tpu.memref_slice %arg6[%add3A_381] : memref<49152xi32, #tpu.memory_space<vmem>> -> memref<128xi32, #tpu.memory_space<vmem>>
        %dma_wait3A_1964 = arith.constant 0 : i32
        %dma_wait3A_1965 = tpu.memref_slice %arg5[%dma_wait3A_1964] : memref<786560xf32, #tpu.memory_space<vmem_shared>> -> memref<786560xf32, #tpu.memory_space<vmem_shared>>
        tpu.wait_indirect_dma semaphore(%arg9 : memref<!tpu.dma_semaphore, #tpu.memory_space<semaphore_mem>>) src(%dma_wait3A_1965 : memref<786560xf32, #tpu.memory_space<vmem_shared>>) dst(%dma_wait3A_1962 : memref<128xf32, #tpu.memory_space<vmem>>)
        %dma_wait3A_1966 = arith.constant 4736 : i32
        %dma_wait3A_1967 = tpu.memref_slice %arg7[%dma_wait3A_1966] : memref<24576xf32, #tpu.memory_space<vmem>> -> memref<128xf32, #tpu.memory_space<vmem>>
        %dma_wait3A_1968 = tpu.memref_slice %arg6[%add3A_390] : memref<49152xi32, #tpu.memory_space<vmem>> -> memref<128xi32, #tpu.memory_space<vmem>>
        %dma_wait3A_1969 = arith.constant 0 : i32
        %dma_wait3A_1970 = tpu.memref_slice %arg5[%dma_wait3A_1969] : memref<786560xf32, #tpu.memory_space<vmem_shared>> -> memref<786560xf32, #tpu.memory_space<vmem_shared>>
        tpu.wait_indirect_dma semaphore(%arg9 : memref<!tpu.dma_semaphore, #tpu.memory_space<semaphore_mem>>) src(%dma_wait3A_1970 : memref<786560xf32, #tpu.memory_space<vmem_shared>>) dst(%dma_wait3A_1967 : memref<128xf32, #tpu.memory_space<vmem>>)
        %dma_wait3A_1971 = arith.constant 4864 : i32
        %dma_wait3A_1972 = tpu.memref_slice %arg7[%dma_wait3A_1971] : memref<24576xf32, #tpu.memory_space<vmem>> -> memref<128xf32, #tpu.memory_space<vmem>>
        %dma_wait3A_1973 = tpu.memref_slice %arg6[%add3A_399] : memref<49152xi32, #tpu.memory_space<vmem>> -> memref<128xi32, #tpu.memory_space<vmem>>
        %dma_wait3A_1974 = arith.constant 0 : i32
        %dma_wait3A_1975 = tpu.memref_slice %arg5[%dma_wait3A_1974] : memref<786560xf32, #tpu.memory_space<vmem_shared>> -> memref<786560xf32, #tpu.memory_space<vmem_shared>>
        tpu.wait_indirect_dma semaphore(%arg9 : memref<!tpu.dma_semaphore, #tpu.memory_space<semaphore_mem>>) src(%dma_wait3A_1975 : memref<786560xf32, #tpu.memory_space<vmem_shared>>) dst(%dma_wait3A_1972 : memref<128xf32, #tpu.memory_space<vmem>>)
        %dma_wait3A_1976 = arith.constant 4992 : i32
        %dma_wait3A_1977 = tpu.memref_slice %arg7[%dma_wait3A_1976] : memref<24576xf32, #tpu.memory_space<vmem>> -> memref<128xf32, #tpu.memory_space<vmem>>
        %dma_wait3A_1978 = tpu.memref_slice %arg6[%add3A_408] : memref<49152xi32, #tpu.memory_space<vmem>> -> memref<128xi32, #tpu.memory_space<vmem>>
        %dma_wait3A_1979 = arith.constant 0 : i32
        %dma_wait3A_1980 = tpu.memref_slice %arg5[%dma_wait3A_1979] : memref<786560xf32, #tpu.memory_space<vmem_shared>> -> memref<786560xf32, #tpu.memory_space<vmem_shared>>
        tpu.wait_indirect_dma semaphore(%arg9 : memref<!tpu.dma_semaphore, #tpu.memory_space<semaphore_mem>>) src(%dma_wait3A_1980 : memref<786560xf32, #tpu.memory_space<vmem_shared>>) dst(%dma_wait3A_1977 : memref<128xf32, #tpu.memory_space<vmem>>)
        %dma_wait3A_1981 = arith.constant 5120 : i32
        %dma_wait3A_1982 = tpu.memref_slice %arg7[%dma_wait3A_1981] : memref<24576xf32, #tpu.memory_space<vmem>> -> memref<128xf32, #tpu.memory_space<vmem>>
        %dma_wait3A_1983 = tpu.memref_slice %arg6[%add3A_417] : memref<49152xi32, #tpu.memory_space<vmem>> -> memref<128xi32, #tpu.memory_space<vmem>>
        %dma_wait3A_1984 = arith.constant 0 : i32
        %dma_wait3A_1985 = tpu.memref_slice %arg5[%dma_wait3A_1984] : memref<786560xf32, #tpu.memory_space<vmem_shared>> -> memref<786560xf32, #tpu.memory_space<vmem_shared>>
        tpu.wait_indirect_dma semaphore(%arg9 : memref<!tpu.dma_semaphore, #tpu.memory_space<semaphore_mem>>) src(%dma_wait3A_1985 : memref<786560xf32, #tpu.memory_space<vmem_shared>>) dst(%dma_wait3A_1982 : memref<128xf32, #tpu.memory_space<vmem>>)
        %dma_wait3A_1986 = arith.constant 5248 : i32
        %dma_wait3A_1987 = tpu.memref_slice %arg7[%dma_wait3A_1986] : memref<24576xf32, #tpu.memory_space<vmem>> -> memref<128xf32, #tpu.memory_space<vmem>>
        %dma_wait3A_1988 = tpu.memref_slice %arg6[%add3A_426] : memref<49152xi32, #tpu.memory_space<vmem>> -> memref<128xi32, #tpu.memory_space<vmem>>
        %dma_wait3A_1989 = arith.constant 0 : i32
        %dma_wait3A_1990 = tpu.memref_slice %arg5[%dma_wait3A_1989] : memref<786560xf32, #tpu.memory_space<vmem_shared>> -> memref<786560xf32, #tpu.memory_space<vmem_shared>>
        tpu.wait_indirect_dma semaphore(%arg9 : memref<!tpu.dma_semaphore, #tpu.memory_space<semaphore_mem>>) src(%dma_wait3A_1990 : memref<786560xf32, #tpu.memory_space<vmem_shared>>) dst(%dma_wait3A_1987 : memref<128xf32, #tpu.memory_space<vmem>>)
        %dma_wait3A_1991 = arith.constant 5376 : i32
        %dma_wait3A_1992 = tpu.memref_slice %arg7[%dma_wait3A_1991] : memref<24576xf32, #tpu.memory_space<vmem>> -> memref<128xf32, #tpu.memory_space<vmem>>
        %dma_wait3A_1993 = tpu.memref_slice %arg6[%add3A_435] : memref<49152xi32, #tpu.memory_space<vmem>> -> memref<128xi32, #tpu.memory_space<vmem>>
        %dma_wait3A_1994 = arith.constant 0 : i32
        %dma_wait3A_1995 = tpu.memref_slice %arg5[%dma_wait3A_1994] : memref<786560xf32, #tpu.memory_space<vmem_shared>> -> memref<786560xf32, #tpu.memory_space<vmem_shared>>
        tpu.wait_indirect_dma semaphore(%arg9 : memref<!tpu.dma_semaphore, #tpu.memory_space<semaphore_mem>>) src(%dma_wait3A_1995 : memref<786560xf32, #tpu.memory_space<vmem_shared>>) dst(%dma_wait3A_1992 : memref<128xf32, #tpu.memory_space<vmem>>)
        %dma_wait3A_1996 = arith.constant 5504 : i32
        %dma_wait3A_1997 = tpu.memref_slice %arg7[%dma_wait3A_1996] : memref<24576xf32, #tpu.memory_space<vmem>> -> memref<128xf32, #tpu.memory_space<vmem>>
        %dma_wait3A_1998 = tpu.memref_slice %arg6[%add3A_444] : memref<49152xi32, #tpu.memory_space<vmem>> -> memref<128xi32, #tpu.memory_space<vmem>>
        %dma_wait3A_1999 = arith.constant 0 : i32
        %dma_wait3A_2000 = tpu.memref_slice %arg5[%dma_wait3A_1999] : memref<786560xf32, #tpu.memory_space<vmem_shared>> -> memref<786560xf32, #tpu.memory_space<vmem_shared>>
        tpu.wait_indirect_dma semaphore(%arg9 : memref<!tpu.dma_semaphore, #tpu.memory_space<semaphore_mem>>) src(%dma_wait3A_2000 : memref<786560xf32, #tpu.memory_space<vmem_shared>>) dst(%dma_wait3A_1997 : memref<128xf32, #tpu.memory_space<vmem>>)
        %dma_wait3A_2001 = arith.constant 5632 : i32
        %dma_wait3A_2002 = tpu.memref_slice %arg7[%dma_wait3A_2001] : memref<24576xf32, #tpu.memory_space<vmem>> -> memref<128xf32, #tpu.memory_space<vmem>>
        %dma_wait3A_2003 = tpu.memref_slice %arg6[%add3A_453] : memref<49152xi32, #tpu.memory_space<vmem>> -> memref<128xi32, #tpu.memory_space<vmem>>
        %dma_wait3A_2004 = arith.constant 0 : i32
        %dma_wait3A_2005 = tpu.memref_slice %arg5[%dma_wait3A_2004] : memref<786560xf32, #tpu.memory_space<vmem_shared>> -> memref<786560xf32, #tpu.memory_space<vmem_shared>>
        tpu.wait_indirect_dma semaphore(%arg9 : memref<!tpu.dma_semaphore, #tpu.memory_space<semaphore_mem>>) src(%dma_wait3A_2005 : memref<786560xf32, #tpu.memory_space<vmem_shared>>) dst(%dma_wait3A_2002 : memref<128xf32, #tpu.memory_space<vmem>>)
        %dma_wait3A_2006 = arith.constant 5760 : i32
        %dma_wait3A_2007 = tpu.memref_slice %arg7[%dma_wait3A_2006] : memref<24576xf32, #tpu.memory_space<vmem>> -> memref<128xf32, #tpu.memory_space<vmem>>
        %dma_wait3A_2008 = tpu.memref_slice %arg6[%add3A_462] : memref<49152xi32, #tpu.memory_space<vmem>> -> memref<128xi32, #tpu.memory_space<vmem>>
        %dma_wait3A_2009 = arith.constant 0 : i32
        %dma_wait3A_2010 = tpu.memref_slice %arg5[%dma_wait3A_2009] : memref<786560xf32, #tpu.memory_space<vmem_shared>> -> memref<786560xf32, #tpu.memory_space<vmem_shared>>
        tpu.wait_indirect_dma semaphore(%arg9 : memref<!tpu.dma_semaphore, #tpu.memory_space<semaphore_mem>>) src(%dma_wait3A_2010 : memref<786560xf32, #tpu.memory_space<vmem_shared>>) dst(%dma_wait3A_2007 : memref<128xf32, #tpu.memory_space<vmem>>)
        %dma_wait3A_2011 = arith.constant 5888 : i32
        %dma_wait3A_2012 = tpu.memref_slice %arg7[%dma_wait3A_2011] : memref<24576xf32, #tpu.memory_space<vmem>> -> memref<128xf32, #tpu.memory_space<vmem>>
        %dma_wait3A_2013 = tpu.memref_slice %arg6[%add3A_471] : memref<49152xi32, #tpu.memory_space<vmem>> -> memref<128xi32, #tpu.memory_space<vmem>>
        %dma_wait3A_2014 = arith.constant 0 : i32
        %dma_wait3A_2015 = tpu.memref_slice %arg5[%dma_wait3A_2014] : memref<786560xf32, #tpu.memory_space<vmem_shared>> -> memref<786560xf32, #tpu.memory_space<vmem_shared>>
        tpu.wait_indirect_dma semaphore(%arg9 : memref<!tpu.dma_semaphore, #tpu.memory_space<semaphore_mem>>) src(%dma_wait3A_2015 : memref<786560xf32, #tpu.memory_space<vmem_shared>>) dst(%dma_wait3A_2012 : memref<128xf32, #tpu.memory_space<vmem>>)
        %dma_wait3A_2016 = arith.constant 6016 : i32
        %dma_wait3A_2017 = tpu.memref_slice %arg7[%dma_wait3A_2016] : memref<24576xf32, #tpu.memory_space<vmem>> -> memref<128xf32, #tpu.memory_space<vmem>>
        %dma_wait3A_2018 = tpu.memref_slice %arg6[%add3A_480] : memref<49152xi32, #tpu.memory_space<vmem>> -> memref<128xi32, #tpu.memory_space<vmem>>
        %dma_wait3A_2019 = arith.constant 0 : i32
        %dma_wait3A_2020 = tpu.memref_slice %arg5[%dma_wait3A_2019] : memref<786560xf32, #tpu.memory_space<vmem_shared>> -> memref<786560xf32, #tpu.memory_space<vmem_shared>>
        tpu.wait_indirect_dma semaphore(%arg9 : memref<!tpu.dma_semaphore, #tpu.memory_space<semaphore_mem>>) src(%dma_wait3A_2020 : memref<786560xf32, #tpu.memory_space<vmem_shared>>) dst(%dma_wait3A_2017 : memref<128xf32, #tpu.memory_space<vmem>>)
        %dma_wait3A_2021 = arith.constant 6144 : i32
        %dma_wait3A_2022 = tpu.memref_slice %arg7[%dma_wait3A_2021] : memref<24576xf32, #tpu.memory_space<vmem>> -> memref<128xf32, #tpu.memory_space<vmem>>
        %dma_wait3A_2023 = tpu.memref_slice %arg6[%add3A_489] : memref<49152xi32, #tpu.memory_space<vmem>> -> memref<128xi32, #tpu.memory_space<vmem>>
        %dma_wait3A_2024 = arith.constant 0 : i32
        %dma_wait3A_2025 = tpu.memref_slice %arg5[%dma_wait3A_2024] : memref<786560xf32, #tpu.memory_space<vmem_shared>> -> memref<786560xf32, #tpu.memory_space<vmem_shared>>
        tpu.wait_indirect_dma semaphore(%arg9 : memref<!tpu.dma_semaphore, #tpu.memory_space<semaphore_mem>>) src(%dma_wait3A_2025 : memref<786560xf32, #tpu.memory_space<vmem_shared>>) dst(%dma_wait3A_2022 : memref<128xf32, #tpu.memory_space<vmem>>)
        %dma_wait3A_2026 = arith.constant 6272 : i32
        %dma_wait3A_2027 = tpu.memref_slice %arg7[%dma_wait3A_2026] : memref<24576xf32, #tpu.memory_space<vmem>> -> memref<128xf32, #tpu.memory_space<vmem>>
        %dma_wait3A_2028 = tpu.memref_slice %arg6[%add3A_498] : memref<49152xi32, #tpu.memory_space<vmem>> -> memref<128xi32, #tpu.memory_space<vmem>>
        %dma_wait3A_2029 = arith.constant 0 : i32
        %dma_wait3A_2030 = tpu.memref_slice %arg5[%dma_wait3A_2029] : memref<786560xf32, #tpu.memory_space<vmem_shared>> -> memref<786560xf32, #tpu.memory_space<vmem_shared>>
        tpu.wait_indirect_dma semaphore(%arg9 : memref<!tpu.dma_semaphore, #tpu.memory_space<semaphore_mem>>) src(%dma_wait3A_2030 : memref<786560xf32, #tpu.memory_space<vmem_shared>>) dst(%dma_wait3A_2027 : memref<128xf32, #tpu.memory_space<vmem>>)
        %dma_wait3A_2031 = arith.constant 6400 : i32
        %dma_wait3A_2032 = tpu.memref_slice %arg7[%dma_wait3A_2031] : memref<24576xf32, #tpu.memory_space<vmem>> -> memref<128xf32, #tpu.memory_space<vmem>>
        %dma_wait3A_2033 = tpu.memref_slice %arg6[%add3A_507] : memref<49152xi32, #tpu.memory_space<vmem>> -> memref<128xi32, #tpu.memory_space<vmem>>
        %dma_wait3A_2034 = arith.constant 0 : i32
        %dma_wait3A_2035 = tpu.memref_slice %arg5[%dma_wait3A_2034] : memref<786560xf32, #tpu.memory_space<vmem_shared>> -> memref<786560xf32, #tpu.memory_space<vmem_shared>>
        tpu.wait_indirect_dma semaphore(%arg9 : memref<!tpu.dma_semaphore, #tpu.memory_space<semaphore_mem>>) src(%dma_wait3A_2035 : memref<786560xf32, #tpu.memory_space<vmem_shared>>) dst(%dma_wait3A_2032 : memref<128xf32, #tpu.memory_space<vmem>>)
        %dma_wait3A_2036 = arith.constant 6528 : i32
        %dma_wait3A_2037 = tpu.memref_slice %arg7[%dma_wait3A_2036] : memref<24576xf32, #tpu.memory_space<vmem>> -> memref<128xf32, #tpu.memory_space<vmem>>
        %dma_wait3A_2038 = tpu.memref_slice %arg6[%add3A_516] : memref<49152xi32, #tpu.memory_space<vmem>> -> memref<128xi32, #tpu.memory_space<vmem>>
        %dma_wait3A_2039 = arith.constant 0 : i32
        %dma_wait3A_2040 = tpu.memref_slice %arg5[%dma_wait3A_2039] : memref<786560xf32, #tpu.memory_space<vmem_shared>> -> memref<786560xf32, #tpu.memory_space<vmem_shared>>
        tpu.wait_indirect_dma semaphore(%arg9 : memref<!tpu.dma_semaphore, #tpu.memory_space<semaphore_mem>>) src(%dma_wait3A_2040 : memref<786560xf32, #tpu.memory_space<vmem_shared>>) dst(%dma_wait3A_2037 : memref<128xf32, #tpu.memory_space<vmem>>)
        %dma_wait3A_2041 = arith.constant 6656 : i32
        %dma_wait3A_2042 = tpu.memref_slice %arg7[%dma_wait3A_2041] : memref<24576xf32, #tpu.memory_space<vmem>> -> memref<128xf32, #tpu.memory_space<vmem>>
        %dma_wait3A_2043 = tpu.memref_slice %arg6[%add3A_525] : memref<49152xi32, #tpu.memory_space<vmem>> -> memref<128xi32, #tpu.memory_space<vmem>>
        %dma_wait3A_2044 = arith.constant 0 : i32
        %dma_wait3A_2045 = tpu.memref_slice %arg5[%dma_wait3A_2044] : memref<786560xf32, #tpu.memory_space<vmem_shared>> -> memref<786560xf32, #tpu.memory_space<vmem_shared>>
        tpu.wait_indirect_dma semaphore(%arg9 : memref<!tpu.dma_semaphore, #tpu.memory_space<semaphore_mem>>) src(%dma_wait3A_2045 : memref<786560xf32, #tpu.memory_space<vmem_shared>>) dst(%dma_wait3A_2042 : memref<128xf32, #tpu.memory_space<vmem>>)
        %dma_wait3A_2046 = arith.constant 6784 : i32
        %dma_wait3A_2047 = tpu.memref_slice %arg7[%dma_wait3A_2046] : memref<24576xf32, #tpu.memory_space<vmem>> -> memref<128xf32, #tpu.memory_space<vmem>>
        %dma_wait3A_2048 = tpu.memref_slice %arg6[%add3A_534] : memref<49152xi32, #tpu.memory_space<vmem>> -> memref<128xi32, #tpu.memory_space<vmem>>
        %dma_wait3A_2049 = arith.constant 0 : i32
        %dma_wait3A_2050 = tpu.memref_slice %arg5[%dma_wait3A_2049] : memref<786560xf32, #tpu.memory_space<vmem_shared>> -> memref<786560xf32, #tpu.memory_space<vmem_shared>>
        tpu.wait_indirect_dma semaphore(%arg9 : memref<!tpu.dma_semaphore, #tpu.memory_space<semaphore_mem>>) src(%dma_wait3A_2050 : memref<786560xf32, #tpu.memory_space<vmem_shared>>) dst(%dma_wait3A_2047 : memref<128xf32, #tpu.memory_space<vmem>>)
        %dma_wait3A_2051 = arith.constant 6912 : i32
        %dma_wait3A_2052 = tpu.memref_slice %arg7[%dma_wait3A_2051] : memref<24576xf32, #tpu.memory_space<vmem>> -> memref<128xf32, #tpu.memory_space<vmem>>
        %dma_wait3A_2053 = tpu.memref_slice %arg6[%add3A_543] : memref<49152xi32, #tpu.memory_space<vmem>> -> memref<128xi32, #tpu.memory_space<vmem>>
        %dma_wait3A_2054 = arith.constant 0 : i32
        %dma_wait3A_2055 = tpu.memref_slice %arg5[%dma_wait3A_2054] : memref<786560xf32, #tpu.memory_space<vmem_shared>> -> memref<786560xf32, #tpu.memory_space<vmem_shared>>
        tpu.wait_indirect_dma semaphore(%arg9 : memref<!tpu.dma_semaphore, #tpu.memory_space<semaphore_mem>>) src(%dma_wait3A_2055 : memref<786560xf32, #tpu.memory_space<vmem_shared>>) dst(%dma_wait3A_2052 : memref<128xf32, #tpu.memory_space<vmem>>)
        %dma_wait3A_2056 = arith.constant 7040 : i32
        %dma_wait3A_2057 = tpu.memref_slice %arg7[%dma_wait3A_2056] : memref<24576xf32, #tpu.memory_space<vmem>> -> memref<128xf32, #tpu.memory_space<vmem>>
        %dma_wait3A_2058 = tpu.memref_slice %arg6[%add3A_552] : memref<49152xi32, #tpu.memory_space<vmem>> -> memref<128xi32, #tpu.memory_space<vmem>>
        %dma_wait3A_2059 = arith.constant 0 : i32
        %dma_wait3A_2060 = tpu.memref_slice %arg5[%dma_wait3A_2059] : memref<786560xf32, #tpu.memory_space<vmem_shared>> -> memref<786560xf32, #tpu.memory_space<vmem_shared>>
        tpu.wait_indirect_dma semaphore(%arg9 : memref<!tpu.dma_semaphore, #tpu.memory_space<semaphore_mem>>) src(%dma_wait3A_2060 : memref<786560xf32, #tpu.memory_space<vmem_shared>>) dst(%dma_wait3A_2057 : memref<128xf32, #tpu.memory_space<vmem>>)
        %dma_wait3A_2061 = arith.constant 7168 : i32
        %dma_wait3A_2062 = tpu.memref_slice %arg7[%dma_wait3A_2061] : memref<24576xf32, #tpu.memory_space<vmem>> -> memref<128xf32, #tpu.memory_space<vmem>>
        %dma_wait3A_2063 = tpu.memref_slice %arg6[%add3A_561] : memref<49152xi32, #tpu.memory_space<vmem>> -> memref<128xi32, #tpu.memory_space<vmem>>
        %dma_wait3A_2064 = arith.constant 0 : i32
        %dma_wait3A_2065 = tpu.memref_slice %arg5[%dma_wait3A_2064] : memref<786560xf32, #tpu.memory_space<vmem_shared>> -> memref<786560xf32, #tpu.memory_space<vmem_shared>>
        tpu.wait_indirect_dma semaphore(%arg9 : memref<!tpu.dma_semaphore, #tpu.memory_space<semaphore_mem>>) src(%dma_wait3A_2065 : memref<786560xf32, #tpu.memory_space<vmem_shared>>) dst(%dma_wait3A_2062 : memref<128xf32, #tpu.memory_space<vmem>>)
        %dma_wait3A_2066 = arith.constant 7296 : i32
        %dma_wait3A_2067 = tpu.memref_slice %arg7[%dma_wait3A_2066] : memref<24576xf32, #tpu.memory_space<vmem>> -> memref<128xf32, #tpu.memory_space<vmem>>
        %dma_wait3A_2068 = tpu.memref_slice %arg6[%add3A_570] : memref<49152xi32, #tpu.memory_space<vmem>> -> memref<128xi32, #tpu.memory_space<vmem>>
        %dma_wait3A_2069 = arith.constant 0 : i32
        %dma_wait3A_2070 = tpu.memref_slice %arg5[%dma_wait3A_2069] : memref<786560xf32, #tpu.memory_space<vmem_shared>> -> memref<786560xf32, #tpu.memory_space<vmem_shared>>
        tpu.wait_indirect_dma semaphore(%arg9 : memref<!tpu.dma_semaphore, #tpu.memory_space<semaphore_mem>>) src(%dma_wait3A_2070 : memref<786560xf32, #tpu.memory_space<vmem_shared>>) dst(%dma_wait3A_2067 : memref<128xf32, #tpu.memory_space<vmem>>)
        %dma_wait3A_2071 = arith.constant 7424 : i32
        %dma_wait3A_2072 = tpu.memref_slice %arg7[%dma_wait3A_2071] : memref<24576xf32, #tpu.memory_space<vmem>> -> memref<128xf32, #tpu.memory_space<vmem>>
        %dma_wait3A_2073 = tpu.memref_slice %arg6[%add3A_579] : memref<49152xi32, #tpu.memory_space<vmem>> -> memref<128xi32, #tpu.memory_space<vmem>>
        %dma_wait3A_2074 = arith.constant 0 : i32
        %dma_wait3A_2075 = tpu.memref_slice %arg5[%dma_wait3A_2074] : memref<786560xf32, #tpu.memory_space<vmem_shared>> -> memref<786560xf32, #tpu.memory_space<vmem_shared>>
        tpu.wait_indirect_dma semaphore(%arg9 : memref<!tpu.dma_semaphore, #tpu.memory_space<semaphore_mem>>) src(%dma_wait3A_2075 : memref<786560xf32, #tpu.memory_space<vmem_shared>>) dst(%dma_wait3A_2072 : memref<128xf32, #tpu.memory_space<vmem>>)
        %dma_wait3A_2076 = arith.constant 7552 : i32
        %dma_wait3A_2077 = tpu.memref_slice %arg7[%dma_wait3A_2076] : memref<24576xf32, #tpu.memory_space<vmem>> -> memref<128xf32, #tpu.memory_space<vmem>>
        %dma_wait3A_2078 = tpu.memref_slice %arg6[%add3A_588] : memref<49152xi32, #tpu.memory_space<vmem>> -> memref<128xi32, #tpu.memory_space<vmem>>
        %dma_wait3A_2079 = arith.constant 0 : i32
        %dma_wait3A_2080 = tpu.memref_slice %arg5[%dma_wait3A_2079] : memref<786560xf32, #tpu.memory_space<vmem_shared>> -> memref<786560xf32, #tpu.memory_space<vmem_shared>>
        tpu.wait_indirect_dma semaphore(%arg9 : memref<!tpu.dma_semaphore, #tpu.memory_space<semaphore_mem>>) src(%dma_wait3A_2080 : memref<786560xf32, #tpu.memory_space<vmem_shared>>) dst(%dma_wait3A_2077 : memref<128xf32, #tpu.memory_space<vmem>>)
        %dma_wait3A_2081 = arith.constant 7680 : i32
        %dma_wait3A_2082 = tpu.memref_slice %arg7[%dma_wait3A_2081] : memref<24576xf32, #tpu.memory_space<vmem>> -> memref<128xf32, #tpu.memory_space<vmem>>
        %dma_wait3A_2083 = tpu.memref_slice %arg6[%add3A_597] : memref<49152xi32, #tpu.memory_space<vmem>> -> memref<128xi32, #tpu.memory_space<vmem>>
        %dma_wait3A_2084 = arith.constant 0 : i32
        %dma_wait3A_2085 = tpu.memref_slice %arg5[%dma_wait3A_2084] : memref<786560xf32, #tpu.memory_space<vmem_shared>> -> memref<786560xf32, #tpu.memory_space<vmem_shared>>
        tpu.wait_indirect_dma semaphore(%arg9 : memref<!tpu.dma_semaphore, #tpu.memory_space<semaphore_mem>>) src(%dma_wait3A_2085 : memref<786560xf32, #tpu.memory_space<vmem_shared>>) dst(%dma_wait3A_2082 : memref<128xf32, #tpu.memory_space<vmem>>)
        %dma_wait3A_2086 = arith.constant 7808 : i32
        %dma_wait3A_2087 = tpu.memref_slice %arg7[%dma_wait3A_2086] : memref<24576xf32, #tpu.memory_space<vmem>> -> memref<128xf32, #tpu.memory_space<vmem>>
        %dma_wait3A_2088 = tpu.memref_slice %arg6[%add3A_606] : memref<49152xi32, #tpu.memory_space<vmem>> -> memref<128xi32, #tpu.memory_space<vmem>>
        %dma_wait3A_2089 = arith.constant 0 : i32
        %dma_wait3A_2090 = tpu.memref_slice %arg5[%dma_wait3A_2089] : memref<786560xf32, #tpu.memory_space<vmem_shared>> -> memref<786560xf32, #tpu.memory_space<vmem_shared>>
        tpu.wait_indirect_dma semaphore(%arg9 : memref<!tpu.dma_semaphore, #tpu.memory_space<semaphore_mem>>) src(%dma_wait3A_2090 : memref<786560xf32, #tpu.memory_space<vmem_shared>>) dst(%dma_wait3A_2087 : memref<128xf32, #tpu.memory_space<vmem>>)
        %dma_wait3A_2091 = arith.constant 7936 : i32
        %dma_wait3A_2092 = tpu.memref_slice %arg7[%dma_wait3A_2091] : memref<24576xf32, #tpu.memory_space<vmem>> -> memref<128xf32, #tpu.memory_space<vmem>>
        %dma_wait3A_2093 = tpu.memref_slice %arg6[%add3A_615] : memref<49152xi32, #tpu.memory_space<vmem>> -> memref<128xi32, #tpu.memory_space<vmem>>
        %dma_wait3A_2094 = arith.constant 0 : i32
        %dma_wait3A_2095 = tpu.memref_slice %arg5[%dma_wait3A_2094] : memref<786560xf32, #tpu.memory_space<vmem_shared>> -> memref<786560xf32, #tpu.memory_space<vmem_shared>>
        tpu.wait_indirect_dma semaphore(%arg9 : memref<!tpu.dma_semaphore, #tpu.memory_space<semaphore_mem>>) src(%dma_wait3A_2095 : memref<786560xf32, #tpu.memory_space<vmem_shared>>) dst(%dma_wait3A_2092 : memref<128xf32, #tpu.memory_space<vmem>>)
        %dma_wait3A_2096 = arith.constant 8064 : i32
        %dma_wait3A_2097 = tpu.memref_slice %arg7[%dma_wait3A_2096] : memref<24576xf32, #tpu.memory_space<vmem>> -> memref<128xf32, #tpu.memory_space<vmem>>
        %dma_wait3A_2098 = tpu.memref_slice %arg6[%add3A_624] : memref<49152xi32, #tpu.memory_space<vmem>> -> memref<128xi32, #tpu.memory_space<vmem>>
        %dma_wait3A_2099 = arith.constant 0 : i32
        %dma_wait3A_2100 = tpu.memref_slice %arg5[%dma_wait3A_2099] : memref<786560xf32, #tpu.memory_space<vmem_shared>> -> memref<786560xf32, #tpu.memory_space<vmem_shared>>
        tpu.wait_indirect_dma semaphore(%arg9 : memref<!tpu.dma_semaphore, #tpu.memory_space<semaphore_mem>>) src(%dma_wait3A_2100 : memref<786560xf32, #tpu.memory_space<vmem_shared>>) dst(%dma_wait3A_2097 : memref<128xf32, #tpu.memory_space<vmem>>)
        %dma_wait3A_2101 = arith.constant 8192 : i32
        %dma_wait3A_2102 = tpu.memref_slice %arg7[%dma_wait3A_2101] : memref<24576xf32, #tpu.memory_space<vmem>> -> memref<128xf32, #tpu.memory_space<vmem>>
        %dma_wait3A_2103 = tpu.memref_slice %arg6[%add3A_633] : memref<49152xi32, #tpu.memory_space<vmem>> -> memref<128xi32, #tpu.memory_space<vmem>>
        %dma_wait3A_2104 = arith.constant 0 : i32
        %dma_wait3A_2105 = tpu.memref_slice %arg5[%dma_wait3A_2104] : memref<786560xf32, #tpu.memory_space<vmem_shared>> -> memref<786560xf32, #tpu.memory_space<vmem_shared>>
        tpu.wait_indirect_dma semaphore(%arg9 : memref<!tpu.dma_semaphore, #tpu.memory_space<semaphore_mem>>) src(%dma_wait3A_2105 : memref<786560xf32, #tpu.memory_space<vmem_shared>>) dst(%dma_wait3A_2102 : memref<128xf32, #tpu.memory_space<vmem>>)
        %dma_wait3A_2106 = arith.constant 8320 : i32
        %dma_wait3A_2107 = tpu.memref_slice %arg7[%dma_wait3A_2106] : memref<24576xf32, #tpu.memory_space<vmem>> -> memref<128xf32, #tpu.memory_space<vmem>>
        %dma_wait3A_2108 = tpu.memref_slice %arg6[%add3A_642] : memref<49152xi32, #tpu.memory_space<vmem>> -> memref<128xi32, #tpu.memory_space<vmem>>
        %dma_wait3A_2109 = arith.constant 0 : i32
        %dma_wait3A_2110 = tpu.memref_slice %arg5[%dma_wait3A_2109] : memref<786560xf32, #tpu.memory_space<vmem_shared>> -> memref<786560xf32, #tpu.memory_space<vmem_shared>>
        tpu.wait_indirect_dma semaphore(%arg9 : memref<!tpu.dma_semaphore, #tpu.memory_space<semaphore_mem>>) src(%dma_wait3A_2110 : memref<786560xf32, #tpu.memory_space<vmem_shared>>) dst(%dma_wait3A_2107 : memref<128xf32, #tpu.memory_space<vmem>>)
        %dma_wait3A_2111 = arith.constant 8448 : i32
        %dma_wait3A_2112 = tpu.memref_slice %arg7[%dma_wait3A_2111] : memref<24576xf32, #tpu.memory_space<vmem>> -> memref<128xf32, #tpu.memory_space<vmem>>
        %dma_wait3A_2113 = tpu.memref_slice %arg6[%add3A_651] : memref<49152xi32, #tpu.memory_space<vmem>> -> memref<128xi32, #tpu.memory_space<vmem>>
        %dma_wait3A_2114 = arith.constant 0 : i32
        %dma_wait3A_2115 = tpu.memref_slice %arg5[%dma_wait3A_2114] : memref<786560xf32, #tpu.memory_space<vmem_shared>> -> memref<786560xf32, #tpu.memory_space<vmem_shared>>
        tpu.wait_indirect_dma semaphore(%arg9 : memref<!tpu.dma_semaphore, #tpu.memory_space<semaphore_mem>>) src(%dma_wait3A_2115 : memref<786560xf32, #tpu.memory_space<vmem_shared>>) dst(%dma_wait3A_2112 : memref<128xf32, #tpu.memory_space<vmem>>)
        %dma_wait3A_2116 = arith.constant 8576 : i32
        %dma_wait3A_2117 = tpu.memref_slice %arg7[%dma_wait3A_2116] : memref<24576xf32, #tpu.memory_space<vmem>> -> memref<128xf32, #tpu.memory_space<vmem>>
        %dma_wait3A_2118 = tpu.memref_slice %arg6[%add3A_660] : memref<49152xi32, #tpu.memory_space<vmem>> -> memref<128xi32, #tpu.memory_space<vmem>>
        %dma_wait3A_2119 = arith.constant 0 : i32
        %dma_wait3A_2120 = tpu.memref_slice %arg5[%dma_wait3A_2119] : memref<786560xf32, #tpu.memory_space<vmem_shared>> -> memref<786560xf32, #tpu.memory_space<vmem_shared>>
        tpu.wait_indirect_dma semaphore(%arg9 : memref<!tpu.dma_semaphore, #tpu.memory_space<semaphore_mem>>) src(%dma_wait3A_2120 : memref<786560xf32, #tpu.memory_space<vmem_shared>>) dst(%dma_wait3A_2117 : memref<128xf32, #tpu.memory_space<vmem>>)
        %dma_wait3A_2121 = arith.constant 8704 : i32
        %dma_wait3A_2122 = tpu.memref_slice %arg7[%dma_wait3A_2121] : memref<24576xf32, #tpu.memory_space<vmem>> -> memref<128xf32, #tpu.memory_space<vmem>>
        %dma_wait3A_2123 = tpu.memref_slice %arg6[%add3A_669] : memref<49152xi32, #tpu.memory_space<vmem>> -> memref<128xi32, #tpu.memory_space<vmem>>
        %dma_wait3A_2124 = arith.constant 0 : i32
        %dma_wait3A_2125 = tpu.memref_slice %arg5[%dma_wait3A_2124] : memref<786560xf32, #tpu.memory_space<vmem_shared>> -> memref<786560xf32, #tpu.memory_space<vmem_shared>>
        tpu.wait_indirect_dma semaphore(%arg9 : memref<!tpu.dma_semaphore, #tpu.memory_space<semaphore_mem>>) src(%dma_wait3A_2125 : memref<786560xf32, #tpu.memory_space<vmem_shared>>) dst(%dma_wait3A_2122 : memref<128xf32, #tpu.memory_space<vmem>>)
        %dma_wait3A_2126 = arith.constant 8832 : i32
        %dma_wait3A_2127 = tpu.memref_slice %arg7[%dma_wait3A_2126] : memref<24576xf32, #tpu.memory_space<vmem>> -> memref<128xf32, #tpu.memory_space<vmem>>
        %dma_wait3A_2128 = tpu.memref_slice %arg6[%add3A_678] : memref<49152xi32, #tpu.memory_space<vmem>> -> memref<128xi32, #tpu.memory_space<vmem>>
        %dma_wait3A_2129 = arith.constant 0 : i32
        %dma_wait3A_2130 = tpu.memref_slice %arg5[%dma_wait3A_2129] : memref<786560xf32, #tpu.memory_space<vmem_shared>> -> memref<786560xf32, #tpu.memory_space<vmem_shared>>
        tpu.wait_indirect_dma semaphore(%arg9 : memref<!tpu.dma_semaphore, #tpu.memory_space<semaphore_mem>>) src(%dma_wait3A_2130 : memref<786560xf32, #tpu.memory_space<vmem_shared>>) dst(%dma_wait3A_2127 : memref<128xf32, #tpu.memory_space<vmem>>)
        %dma_wait3A_2131 = arith.constant 8960 : i32
        %dma_wait3A_2132 = tpu.memref_slice %arg7[%dma_wait3A_2131] : memref<24576xf32, #tpu.memory_space<vmem>> -> memref<128xf32, #tpu.memory_space<vmem>>
        %dma_wait3A_2133 = tpu.memref_slice %arg6[%add3A_687] : memref<49152xi32, #tpu.memory_space<vmem>> -> memref<128xi32, #tpu.memory_space<vmem>>
        %dma_wait3A_2134 = arith.constant 0 : i32
        %dma_wait3A_2135 = tpu.memref_slice %arg5[%dma_wait3A_2134] : memref<786560xf32, #tpu.memory_space<vmem_shared>> -> memref<786560xf32, #tpu.memory_space<vmem_shared>>
        tpu.wait_indirect_dma semaphore(%arg9 : memref<!tpu.dma_semaphore, #tpu.memory_space<semaphore_mem>>) src(%dma_wait3A_2135 : memref<786560xf32, #tpu.memory_space<vmem_shared>>) dst(%dma_wait3A_2132 : memref<128xf32, #tpu.memory_space<vmem>>)
        %dma_wait3A_2136 = arith.constant 9088 : i32
        %dma_wait3A_2137 = tpu.memref_slice %arg7[%dma_wait3A_2136] : memref<24576xf32, #tpu.memory_space<vmem>> -> memref<128xf32, #tpu.memory_space<vmem>>
        %dma_wait3A_2138 = tpu.memref_slice %arg6[%add3A_696] : memref<49152xi32, #tpu.memory_space<vmem>> -> memref<128xi32, #tpu.memory_space<vmem>>
        %dma_wait3A_2139 = arith.constant 0 : i32
        %dma_wait3A_2140 = tpu.memref_slice %arg5[%dma_wait3A_2139] : memref<786560xf32, #tpu.memory_space<vmem_shared>> -> memref<786560xf32, #tpu.memory_space<vmem_shared>>
        tpu.wait_indirect_dma semaphore(%arg9 : memref<!tpu.dma_semaphore, #tpu.memory_space<semaphore_mem>>) src(%dma_wait3A_2140 : memref<786560xf32, #tpu.memory_space<vmem_shared>>) dst(%dma_wait3A_2137 : memref<128xf32, #tpu.memory_space<vmem>>)
        %dma_wait3A_2141 = arith.constant 9216 : i32
        %dma_wait3A_2142 = tpu.memref_slice %arg7[%dma_wait3A_2141] : memref<24576xf32, #tpu.memory_space<vmem>> -> memref<128xf32, #tpu.memory_space<vmem>>
        %dma_wait3A_2143 = tpu.memref_slice %arg6[%add3A_705] : memref<49152xi32, #tpu.memory_space<vmem>> -> memref<128xi32, #tpu.memory_space<vmem>>
        %dma_wait3A_2144 = arith.constant 0 : i32
        %dma_wait3A_2145 = tpu.memref_slice %arg5[%dma_wait3A_2144] : memref<786560xf32, #tpu.memory_space<vmem_shared>> -> memref<786560xf32, #tpu.memory_space<vmem_shared>>
        tpu.wait_indirect_dma semaphore(%arg9 : memref<!tpu.dma_semaphore, #tpu.memory_space<semaphore_mem>>) src(%dma_wait3A_2145 : memref<786560xf32, #tpu.memory_space<vmem_shared>>) dst(%dma_wait3A_2142 : memref<128xf32, #tpu.memory_space<vmem>>)
        %dma_wait3A_2146 = arith.constant 9344 : i32
        %dma_wait3A_2147 = tpu.memref_slice %arg7[%dma_wait3A_2146] : memref<24576xf32, #tpu.memory_space<vmem>> -> memref<128xf32, #tpu.memory_space<vmem>>
        %dma_wait3A_2148 = tpu.memref_slice %arg6[%add3A_714] : memref<49152xi32, #tpu.memory_space<vmem>> -> memref<128xi32, #tpu.memory_space<vmem>>
        %dma_wait3A_2149 = arith.constant 0 : i32
        %dma_wait3A_2150 = tpu.memref_slice %arg5[%dma_wait3A_2149] : memref<786560xf32, #tpu.memory_space<vmem_shared>> -> memref<786560xf32, #tpu.memory_space<vmem_shared>>
        tpu.wait_indirect_dma semaphore(%arg9 : memref<!tpu.dma_semaphore, #tpu.memory_space<semaphore_mem>>) src(%dma_wait3A_2150 : memref<786560xf32, #tpu.memory_space<vmem_shared>>) dst(%dma_wait3A_2147 : memref<128xf32, #tpu.memory_space<vmem>>)
        %dma_wait3A_2151 = arith.constant 9472 : i32
        %dma_wait3A_2152 = tpu.memref_slice %arg7[%dma_wait3A_2151] : memref<24576xf32, #tpu.memory_space<vmem>> -> memref<128xf32, #tpu.memory_space<vmem>>
        %dma_wait3A_2153 = tpu.memref_slice %arg6[%add3A_723] : memref<49152xi32, #tpu.memory_space<vmem>> -> memref<128xi32, #tpu.memory_space<vmem>>
        %dma_wait3A_2154 = arith.constant 0 : i32
        %dma_wait3A_2155 = tpu.memref_slice %arg5[%dma_wait3A_2154] : memref<786560xf32, #tpu.memory_space<vmem_shared>> -> memref<786560xf32, #tpu.memory_space<vmem_shared>>
        tpu.wait_indirect_dma semaphore(%arg9 : memref<!tpu.dma_semaphore, #tpu.memory_space<semaphore_mem>>) src(%dma_wait3A_2155 : memref<786560xf32, #tpu.memory_space<vmem_shared>>) dst(%dma_wait3A_2152 : memref<128xf32, #tpu.memory_space<vmem>>)
        %dma_wait3A_2156 = arith.constant 9600 : i32
        %dma_wait3A_2157 = tpu.memref_slice %arg7[%dma_wait3A_2156] : memref<24576xf32, #tpu.memory_space<vmem>> -> memref<128xf32, #tpu.memory_space<vmem>>
        %dma_wait3A_2158 = tpu.memref_slice %arg6[%add3A_732] : memref<49152xi32, #tpu.memory_space<vmem>> -> memref<128xi32, #tpu.memory_space<vmem>>
        %dma_wait3A_2159 = arith.constant 0 : i32
        %dma_wait3A_2160 = tpu.memref_slice %arg5[%dma_wait3A_2159] : memref<786560xf32, #tpu.memory_space<vmem_shared>> -> memref<786560xf32, #tpu.memory_space<vmem_shared>>
        tpu.wait_indirect_dma semaphore(%arg9 : memref<!tpu.dma_semaphore, #tpu.memory_space<semaphore_mem>>) src(%dma_wait3A_2160 : memref<786560xf32, #tpu.memory_space<vmem_shared>>) dst(%dma_wait3A_2157 : memref<128xf32, #tpu.memory_space<vmem>>)
        %dma_wait3A_2161 = arith.constant 9728 : i32
        %dma_wait3A_2162 = tpu.memref_slice %arg7[%dma_wait3A_2161] : memref<24576xf32, #tpu.memory_space<vmem>> -> memref<128xf32, #tpu.memory_space<vmem>>
        %dma_wait3A_2163 = tpu.memref_slice %arg6[%add3A_741] : memref<49152xi32, #tpu.memory_space<vmem>> -> memref<128xi32, #tpu.memory_space<vmem>>
        %dma_wait3A_2164 = arith.constant 0 : i32
        %dma_wait3A_2165 = tpu.memref_slice %arg5[%dma_wait3A_2164] : memref<786560xf32, #tpu.memory_space<vmem_shared>> -> memref<786560xf32, #tpu.memory_space<vmem_shared>>
        tpu.wait_indirect_dma semaphore(%arg9 : memref<!tpu.dma_semaphore, #tpu.memory_space<semaphore_mem>>) src(%dma_wait3A_2165 : memref<786560xf32, #tpu.memory_space<vmem_shared>>) dst(%dma_wait3A_2162 : memref<128xf32, #tpu.memory_space<vmem>>)
        %dma_wait3A_2166 = arith.constant 9856 : i32
        %dma_wait3A_2167 = tpu.memref_slice %arg7[%dma_wait3A_2166] : memref<24576xf32, #tpu.memory_space<vmem>> -> memref<128xf32, #tpu.memory_space<vmem>>
        %dma_wait3A_2168 = tpu.memref_slice %arg6[%add3A_750] : memref<49152xi32, #tpu.memory_space<vmem>> -> memref<128xi32, #tpu.memory_space<vmem>>
        %dma_wait3A_2169 = arith.constant 0 : i32
        %dma_wait3A_2170 = tpu.memref_slice %arg5[%dma_wait3A_2169] : memref<786560xf32, #tpu.memory_space<vmem_shared>> -> memref<786560xf32, #tpu.memory_space<vmem_shared>>
        tpu.wait_indirect_dma semaphore(%arg9 : memref<!tpu.dma_semaphore, #tpu.memory_space<semaphore_mem>>) src(%dma_wait3A_2170 : memref<786560xf32, #tpu.memory_space<vmem_shared>>) dst(%dma_wait3A_2167 : memref<128xf32, #tpu.memory_space<vmem>>)
        %dma_wait3A_2171 = arith.constant 9984 : i32
        %dma_wait3A_2172 = tpu.memref_slice %arg7[%dma_wait3A_2171] : memref<24576xf32, #tpu.memory_space<vmem>> -> memref<128xf32, #tpu.memory_space<vmem>>
        %dma_wait3A_2173 = tpu.memref_slice %arg6[%add3A_759] : memref<49152xi32, #tpu.memory_space<vmem>> -> memref<128xi32, #tpu.memory_space<vmem>>
        %dma_wait3A_2174 = arith.constant 0 : i32
        %dma_wait3A_2175 = tpu.memref_slice %arg5[%dma_wait3A_2174] : memref<786560xf32, #tpu.memory_space<vmem_shared>> -> memref<786560xf32, #tpu.memory_space<vmem_shared>>
        tpu.wait_indirect_dma semaphore(%arg9 : memref<!tpu.dma_semaphore, #tpu.memory_space<semaphore_mem>>) src(%dma_wait3A_2175 : memref<786560xf32, #tpu.memory_space<vmem_shared>>) dst(%dma_wait3A_2172 : memref<128xf32, #tpu.memory_space<vmem>>)
        %dma_wait3A_2176 = arith.constant 10112 : i32
        %dma_wait3A_2177 = tpu.memref_slice %arg7[%dma_wait3A_2176] : memref<24576xf32, #tpu.memory_space<vmem>> -> memref<128xf32, #tpu.memory_space<vmem>>
        %dma_wait3A_2178 = tpu.memref_slice %arg6[%add3A_768] : memref<49152xi32, #tpu.memory_space<vmem>> -> memref<128xi32, #tpu.memory_space<vmem>>
        %dma_wait3A_2179 = arith.constant 0 : i32
        %dma_wait3A_2180 = tpu.memref_slice %arg5[%dma_wait3A_2179] : memref<786560xf32, #tpu.memory_space<vmem_shared>> -> memref<786560xf32, #tpu.memory_space<vmem_shared>>
        tpu.wait_indirect_dma semaphore(%arg9 : memref<!tpu.dma_semaphore, #tpu.memory_space<semaphore_mem>>) src(%dma_wait3A_2180 : memref<786560xf32, #tpu.memory_space<vmem_shared>>) dst(%dma_wait3A_2177 : memref<128xf32, #tpu.memory_space<vmem>>)
        %dma_wait3A_2181 = arith.constant 10240 : i32
        %dma_wait3A_2182 = tpu.memref_slice %arg7[%dma_wait3A_2181] : memref<24576xf32, #tpu.memory_space<vmem>> -> memref<128xf32, #tpu.memory_space<vmem>>
        %dma_wait3A_2183 = tpu.memref_slice %arg6[%add3A_777] : memref<49152xi32, #tpu.memory_space<vmem>> -> memref<128xi32, #tpu.memory_space<vmem>>
        %dma_wait3A_2184 = arith.constant 0 : i32
        %dma_wait3A_2185 = tpu.memref_slice %arg5[%dma_wait3A_2184] : memref<786560xf32, #tpu.memory_space<vmem_shared>> -> memref<786560xf32, #tpu.memory_space<vmem_shared>>
        tpu.wait_indirect_dma semaphore(%arg9 : memref<!tpu.dma_semaphore, #tpu.memory_space<semaphore_mem>>) src(%dma_wait3A_2185 : memref<786560xf32, #tpu.memory_space<vmem_shared>>) dst(%dma_wait3A_2182 : memref<128xf32, #tpu.memory_space<vmem>>)
        %dma_wait3A_2186 = arith.constant 10368 : i32
        %dma_wait3A_2187 = tpu.memref_slice %arg7[%dma_wait3A_2186] : memref<24576xf32, #tpu.memory_space<vmem>> -> memref<128xf32, #tpu.memory_space<vmem>>
        %dma_wait3A_2188 = tpu.memref_slice %arg6[%add3A_786] : memref<49152xi32, #tpu.memory_space<vmem>> -> memref<128xi32, #tpu.memory_space<vmem>>
        %dma_wait3A_2189 = arith.constant 0 : i32
        %dma_wait3A_2190 = tpu.memref_slice %arg5[%dma_wait3A_2189] : memref<786560xf32, #tpu.memory_space<vmem_shared>> -> memref<786560xf32, #tpu.memory_space<vmem_shared>>
        tpu.wait_indirect_dma semaphore(%arg9 : memref<!tpu.dma_semaphore, #tpu.memory_space<semaphore_mem>>) src(%dma_wait3A_2190 : memref<786560xf32, #tpu.memory_space<vmem_shared>>) dst(%dma_wait3A_2187 : memref<128xf32, #tpu.memory_space<vmem>>)
        %dma_wait3A_2191 = arith.constant 10496 : i32
        %dma_wait3A_2192 = tpu.memref_slice %arg7[%dma_wait3A_2191] : memref<24576xf32, #tpu.memory_space<vmem>> -> memref<128xf32, #tpu.memory_space<vmem>>
        %dma_wait3A_2193 = tpu.memref_slice %arg6[%add3A_795] : memref<49152xi32, #tpu.memory_space<vmem>> -> memref<128xi32, #tpu.memory_space<vmem>>
        %dma_wait3A_2194 = arith.constant 0 : i32
        %dma_wait3A_2195 = tpu.memref_slice %arg5[%dma_wait3A_2194] : memref<786560xf32, #tpu.memory_space<vmem_shared>> -> memref<786560xf32, #tpu.memory_space<vmem_shared>>
        tpu.wait_indirect_dma semaphore(%arg9 : memref<!tpu.dma_semaphore, #tpu.memory_space<semaphore_mem>>) src(%dma_wait3A_2195 : memref<786560xf32, #tpu.memory_space<vmem_shared>>) dst(%dma_wait3A_2192 : memref<128xf32, #tpu.memory_space<vmem>>)
        %dma_wait3A_2196 = arith.constant 10624 : i32
        %dma_wait3A_2197 = tpu.memref_slice %arg7[%dma_wait3A_2196] : memref<24576xf32, #tpu.memory_space<vmem>> -> memref<128xf32, #tpu.memory_space<vmem>>
        %dma_wait3A_2198 = tpu.memref_slice %arg6[%add3A_804] : memref<49152xi32, #tpu.memory_space<vmem>> -> memref<128xi32, #tpu.memory_space<vmem>>
        %dma_wait3A_2199 = arith.constant 0 : i32
        %dma_wait3A_2200 = tpu.memref_slice %arg5[%dma_wait3A_2199] : memref<786560xf32, #tpu.memory_space<vmem_shared>> -> memref<786560xf32, #tpu.memory_space<vmem_shared>>
        tpu.wait_indirect_dma semaphore(%arg9 : memref<!tpu.dma_semaphore, #tpu.memory_space<semaphore_mem>>) src(%dma_wait3A_2200 : memref<786560xf32, #tpu.memory_space<vmem_shared>>) dst(%dma_wait3A_2197 : memref<128xf32, #tpu.memory_space<vmem>>)
        %dma_wait3A_2201 = arith.constant 10752 : i32
        %dma_wait3A_2202 = tpu.memref_slice %arg7[%dma_wait3A_2201] : memref<24576xf32, #tpu.memory_space<vmem>> -> memref<128xf32, #tpu.memory_space<vmem>>
        %dma_wait3A_2203 = tpu.memref_slice %arg6[%add3A_813] : memref<49152xi32, #tpu.memory_space<vmem>> -> memref<128xi32, #tpu.memory_space<vmem>>
        %dma_wait3A_2204 = arith.constant 0 : i32
        %dma_wait3A_2205 = tpu.memref_slice %arg5[%dma_wait3A_2204] : memref<786560xf32, #tpu.memory_space<vmem_shared>> -> memref<786560xf32, #tpu.memory_space<vmem_shared>>
        tpu.wait_indirect_dma semaphore(%arg9 : memref<!tpu.dma_semaphore, #tpu.memory_space<semaphore_mem>>) src(%dma_wait3A_2205 : memref<786560xf32, #tpu.memory_space<vmem_shared>>) dst(%dma_wait3A_2202 : memref<128xf32, #tpu.memory_space<vmem>>)
        %dma_wait3A_2206 = arith.constant 10880 : i32
        %dma_wait3A_2207 = tpu.memref_slice %arg7[%dma_wait3A_2206] : memref<24576xf32, #tpu.memory_space<vmem>> -> memref<128xf32, #tpu.memory_space<vmem>>
        %dma_wait3A_2208 = tpu.memref_slice %arg6[%add3A_822] : memref<49152xi32, #tpu.memory_space<vmem>> -> memref<128xi32, #tpu.memory_space<vmem>>
        %dma_wait3A_2209 = arith.constant 0 : i32
        %dma_wait3A_2210 = tpu.memref_slice %arg5[%dma_wait3A_2209] : memref<786560xf32, #tpu.memory_space<vmem_shared>> -> memref<786560xf32, #tpu.memory_space<vmem_shared>>
        tpu.wait_indirect_dma semaphore(%arg9 : memref<!tpu.dma_semaphore, #tpu.memory_space<semaphore_mem>>) src(%dma_wait3A_2210 : memref<786560xf32, #tpu.memory_space<vmem_shared>>) dst(%dma_wait3A_2207 : memref<128xf32, #tpu.memory_space<vmem>>)
        %dma_wait3A_2211 = arith.constant 11008 : i32
        %dma_wait3A_2212 = tpu.memref_slice %arg7[%dma_wait3A_2211] : memref<24576xf32, #tpu.memory_space<vmem>> -> memref<128xf32, #tpu.memory_space<vmem>>
        %dma_wait3A_2213 = tpu.memref_slice %arg6[%add3A_831] : memref<49152xi32, #tpu.memory_space<vmem>> -> memref<128xi32, #tpu.memory_space<vmem>>
        %dma_wait3A_2214 = arith.constant 0 : i32
        %dma_wait3A_2215 = tpu.memref_slice %arg5[%dma_wait3A_2214] : memref<786560xf32, #tpu.memory_space<vmem_shared>> -> memref<786560xf32, #tpu.memory_space<vmem_shared>>
        tpu.wait_indirect_dma semaphore(%arg9 : memref<!tpu.dma_semaphore, #tpu.memory_space<semaphore_mem>>) src(%dma_wait3A_2215 : memref<786560xf32, #tpu.memory_space<vmem_shared>>) dst(%dma_wait3A_2212 : memref<128xf32, #tpu.memory_space<vmem>>)
        %dma_wait3A_2216 = arith.constant 11136 : i32
        %dma_wait3A_2217 = tpu.memref_slice %arg7[%dma_wait3A_2216] : memref<24576xf32, #tpu.memory_space<vmem>> -> memref<128xf32, #tpu.memory_space<vmem>>
        %dma_wait3A_2218 = tpu.memref_slice %arg6[%add3A_840] : memref<49152xi32, #tpu.memory_space<vmem>> -> memref<128xi32, #tpu.memory_space<vmem>>
        %dma_wait3A_2219 = arith.constant 0 : i32
        %dma_wait3A_2220 = tpu.memref_slice %arg5[%dma_wait3A_2219] : memref<786560xf32, #tpu.memory_space<vmem_shared>> -> memref<786560xf32, #tpu.memory_space<vmem_shared>>
        tpu.wait_indirect_dma semaphore(%arg9 : memref<!tpu.dma_semaphore, #tpu.memory_space<semaphore_mem>>) src(%dma_wait3A_2220 : memref<786560xf32, #tpu.memory_space<vmem_shared>>) dst(%dma_wait3A_2217 : memref<128xf32, #tpu.memory_space<vmem>>)
        %dma_wait3A_2221 = arith.constant 11264 : i32
        %dma_wait3A_2222 = tpu.memref_slice %arg7[%dma_wait3A_2221] : memref<24576xf32, #tpu.memory_space<vmem>> -> memref<128xf32, #tpu.memory_space<vmem>>
        %dma_wait3A_2223 = tpu.memref_slice %arg6[%add3A_849] : memref<49152xi32, #tpu.memory_space<vmem>> -> memref<128xi32, #tpu.memory_space<vmem>>
        %dma_wait3A_2224 = arith.constant 0 : i32
        %dma_wait3A_2225 = tpu.memref_slice %arg5[%dma_wait3A_2224] : memref<786560xf32, #tpu.memory_space<vmem_shared>> -> memref<786560xf32, #tpu.memory_space<vmem_shared>>
        tpu.wait_indirect_dma semaphore(%arg9 : memref<!tpu.dma_semaphore, #tpu.memory_space<semaphore_mem>>) src(%dma_wait3A_2225 : memref<786560xf32, #tpu.memory_space<vmem_shared>>) dst(%dma_wait3A_2222 : memref<128xf32, #tpu.memory_space<vmem>>)
        %dma_wait3A_2226 = arith.constant 11392 : i32
        %dma_wait3A_2227 = tpu.memref_slice %arg7[%dma_wait3A_2226] : memref<24576xf32, #tpu.memory_space<vmem>> -> memref<128xf32, #tpu.memory_space<vmem>>
        %dma_wait3A_2228 = tpu.memref_slice %arg6[%add3A_858] : memref<49152xi32, #tpu.memory_space<vmem>> -> memref<128xi32, #tpu.memory_space<vmem>>
        %dma_wait3A_2229 = arith.constant 0 : i32
        %dma_wait3A_2230 = tpu.memref_slice %arg5[%dma_wait3A_2229] : memref<786560xf32, #tpu.memory_space<vmem_shared>> -> memref<786560xf32, #tpu.memory_space<vmem_shared>>
        tpu.wait_indirect_dma semaphore(%arg9 : memref<!tpu.dma_semaphore, #tpu.memory_space<semaphore_mem>>) src(%dma_wait3A_2230 : memref<786560xf32, #tpu.memory_space<vmem_shared>>) dst(%dma_wait3A_2227 : memref<128xf32, #tpu.memory_space<vmem>>)
        %dma_wait3A_2231 = arith.constant 11520 : i32
        %dma_wait3A_2232 = tpu.memref_slice %arg7[%dma_wait3A_2231] : memref<24576xf32, #tpu.memory_space<vmem>> -> memref<128xf32, #tpu.memory_space<vmem>>
        %dma_wait3A_2233 = tpu.memref_slice %arg6[%add3A_867] : memref<49152xi32, #tpu.memory_space<vmem>> -> memref<128xi32, #tpu.memory_space<vmem>>
        %dma_wait3A_2234 = arith.constant 0 : i32
        %dma_wait3A_2235 = tpu.memref_slice %arg5[%dma_wait3A_2234] : memref<786560xf32, #tpu.memory_space<vmem_shared>> -> memref<786560xf32, #tpu.memory_space<vmem_shared>>
        tpu.wait_indirect_dma semaphore(%arg9 : memref<!tpu.dma_semaphore, #tpu.memory_space<semaphore_mem>>) src(%dma_wait3A_2235 : memref<786560xf32, #tpu.memory_space<vmem_shared>>) dst(%dma_wait3A_2232 : memref<128xf32, #tpu.memory_space<vmem>>)
        %dma_wait3A_2236 = arith.constant 11648 : i32
        %dma_wait3A_2237 = tpu.memref_slice %arg7[%dma_wait3A_2236] : memref<24576xf32, #tpu.memory_space<vmem>> -> memref<128xf32, #tpu.memory_space<vmem>>
        %dma_wait3A_2238 = tpu.memref_slice %arg6[%add3A_876] : memref<49152xi32, #tpu.memory_space<vmem>> -> memref<128xi32, #tpu.memory_space<vmem>>
        %dma_wait3A_2239 = arith.constant 0 : i32
        %dma_wait3A_2240 = tpu.memref_slice %arg5[%dma_wait3A_2239] : memref<786560xf32, #tpu.memory_space<vmem_shared>> -> memref<786560xf32, #tpu.memory_space<vmem_shared>>
        tpu.wait_indirect_dma semaphore(%arg9 : memref<!tpu.dma_semaphore, #tpu.memory_space<semaphore_mem>>) src(%dma_wait3A_2240 : memref<786560xf32, #tpu.memory_space<vmem_shared>>) dst(%dma_wait3A_2237 : memref<128xf32, #tpu.memory_space<vmem>>)
        %dma_wait3A_2241 = arith.constant 11776 : i32
        %dma_wait3A_2242 = tpu.memref_slice %arg7[%dma_wait3A_2241] : memref<24576xf32, #tpu.memory_space<vmem>> -> memref<128xf32, #tpu.memory_space<vmem>>
        %dma_wait3A_2243 = tpu.memref_slice %arg6[%add3A_885] : memref<49152xi32, #tpu.memory_space<vmem>> -> memref<128xi32, #tpu.memory_space<vmem>>
        %dma_wait3A_2244 = arith.constant 0 : i32
        %dma_wait3A_2245 = tpu.memref_slice %arg5[%dma_wait3A_2244] : memref<786560xf32, #tpu.memory_space<vmem_shared>> -> memref<786560xf32, #tpu.memory_space<vmem_shared>>
        tpu.wait_indirect_dma semaphore(%arg9 : memref<!tpu.dma_semaphore, #tpu.memory_space<semaphore_mem>>) src(%dma_wait3A_2245 : memref<786560xf32, #tpu.memory_space<vmem_shared>>) dst(%dma_wait3A_2242 : memref<128xf32, #tpu.memory_space<vmem>>)
        %dma_wait3A_2246 = arith.constant 11904 : i32
        %dma_wait3A_2247 = tpu.memref_slice %arg7[%dma_wait3A_2246] : memref<24576xf32, #tpu.memory_space<vmem>> -> memref<128xf32, #tpu.memory_space<vmem>>
        %dma_wait3A_2248 = tpu.memref_slice %arg6[%add3A_894] : memref<49152xi32, #tpu.memory_space<vmem>> -> memref<128xi32, #tpu.memory_space<vmem>>
        %dma_wait3A_2249 = arith.constant 0 : i32
        %dma_wait3A_2250 = tpu.memref_slice %arg5[%dma_wait3A_2249] : memref<786560xf32, #tpu.memory_space<vmem_shared>> -> memref<786560xf32, #tpu.memory_space<vmem_shared>>
        tpu.wait_indirect_dma semaphore(%arg9 : memref<!tpu.dma_semaphore, #tpu.memory_space<semaphore_mem>>) src(%dma_wait3A_2250 : memref<786560xf32, #tpu.memory_space<vmem_shared>>) dst(%dma_wait3A_2247 : memref<128xf32, #tpu.memory_space<vmem>>)
        %dma_wait3A_2251 = arith.constant 12032 : i32
        %dma_wait3A_2252 = tpu.memref_slice %arg7[%dma_wait3A_2251] : memref<24576xf32, #tpu.memory_space<vmem>> -> memref<128xf32, #tpu.memory_space<vmem>>
        %dma_wait3A_2253 = tpu.memref_slice %arg6[%add3A_903] : memref<49152xi32, #tpu.memory_space<vmem>> -> memref<128xi32, #tpu.memory_space<vmem>>
        %dma_wait3A_2254 = arith.constant 0 : i32
        %dma_wait3A_2255 = tpu.memref_slice %arg5[%dma_wait3A_2254] : memref<786560xf32, #tpu.memory_space<vmem_shared>> -> memref<786560xf32, #tpu.memory_space<vmem_shared>>
        tpu.wait_indirect_dma semaphore(%arg9 : memref<!tpu.dma_semaphore, #tpu.memory_space<semaphore_mem>>) src(%dma_wait3A_2255 : memref<786560xf32, #tpu.memory_space<vmem_shared>>) dst(%dma_wait3A_2252 : memref<128xf32, #tpu.memory_space<vmem>>)
        %dma_wait3A_2256 = arith.constant 12160 : i32
        %dma_wait3A_2257 = tpu.memref_slice %arg7[%dma_wait3A_2256] : memref<24576xf32, #tpu.memory_space<vmem>> -> memref<128xf32, #tpu.memory_space<vmem>>
        %dma_wait3A_2258 = tpu.memref_slice %arg6[%add3A_912] : memref<49152xi32, #tpu.memory_space<vmem>> -> memref<128xi32, #tpu.memory_space<vmem>>
        %dma_wait3A_2259 = arith.constant 0 : i32
        %dma_wait3A_2260 = tpu.memref_slice %arg5[%dma_wait3A_2259] : memref<786560xf32, #tpu.memory_space<vmem_shared>> -> memref<786560xf32, #tpu.memory_space<vmem_shared>>
        tpu.wait_indirect_dma semaphore(%arg9 : memref<!tpu.dma_semaphore, #tpu.memory_space<semaphore_mem>>) src(%dma_wait3A_2260 : memref<786560xf32, #tpu.memory_space<vmem_shared>>) dst(%dma_wait3A_2257 : memref<128xf32, #tpu.memory_space<vmem>>)
        %dma_wait3A_2261 = arith.constant 12288 : i32
        %dma_wait3A_2262 = tpu.memref_slice %arg7[%dma_wait3A_2261] : memref<24576xf32, #tpu.memory_space<vmem>> -> memref<128xf32, #tpu.memory_space<vmem>>
        %dma_wait3A_2263 = tpu.memref_slice %arg6[%add3A_921] : memref<49152xi32, #tpu.memory_space<vmem>> -> memref<128xi32, #tpu.memory_space<vmem>>
        %dma_wait3A_2264 = arith.constant 0 : i32
        %dma_wait3A_2265 = tpu.memref_slice %arg5[%dma_wait3A_2264] : memref<786560xf32, #tpu.memory_space<vmem_shared>> -> memref<786560xf32, #tpu.memory_space<vmem_shared>>
        tpu.wait_indirect_dma semaphore(%arg9 : memref<!tpu.dma_semaphore, #tpu.memory_space<semaphore_mem>>) src(%dma_wait3A_2265 : memref<786560xf32, #tpu.memory_space<vmem_shared>>) dst(%dma_wait3A_2262 : memref<128xf32, #tpu.memory_space<vmem>>)
        %dma_wait3A_2266 = arith.constant 12416 : i32
        %dma_wait3A_2267 = tpu.memref_slice %arg7[%dma_wait3A_2266] : memref<24576xf32, #tpu.memory_space<vmem>> -> memref<128xf32, #tpu.memory_space<vmem>>
        %dma_wait3A_2268 = tpu.memref_slice %arg6[%add3A_930] : memref<49152xi32, #tpu.memory_space<vmem>> -> memref<128xi32, #tpu.memory_space<vmem>>
        %dma_wait3A_2269 = arith.constant 0 : i32
        %dma_wait3A_2270 = tpu.memref_slice %arg5[%dma_wait3A_2269] : memref<786560xf32, #tpu.memory_space<vmem_shared>> -> memref<786560xf32, #tpu.memory_space<vmem_shared>>
        tpu.wait_indirect_dma semaphore(%arg9 : memref<!tpu.dma_semaphore, #tpu.memory_space<semaphore_mem>>) src(%dma_wait3A_2270 : memref<786560xf32, #tpu.memory_space<vmem_shared>>) dst(%dma_wait3A_2267 : memref<128xf32, #tpu.memory_space<vmem>>)
        %dma_wait3A_2271 = arith.constant 12544 : i32
        %dma_wait3A_2272 = tpu.memref_slice %arg7[%dma_wait3A_2271] : memref<24576xf32, #tpu.memory_space<vmem>> -> memref<128xf32, #tpu.memory_space<vmem>>
        %dma_wait3A_2273 = tpu.memref_slice %arg6[%add3A_939] : memref<49152xi32, #tpu.memory_space<vmem>> -> memref<128xi32, #tpu.memory_space<vmem>>
        %dma_wait3A_2274 = arith.constant 0 : i32
        %dma_wait3A_2275 = tpu.memref_slice %arg5[%dma_wait3A_2274] : memref<786560xf32, #tpu.memory_space<vmem_shared>> -> memref<786560xf32, #tpu.memory_space<vmem_shared>>
        tpu.wait_indirect_dma semaphore(%arg9 : memref<!tpu.dma_semaphore, #tpu.memory_space<semaphore_mem>>) src(%dma_wait3A_2275 : memref<786560xf32, #tpu.memory_space<vmem_shared>>) dst(%dma_wait3A_2272 : memref<128xf32, #tpu.memory_space<vmem>>)
        %dma_wait3A_2276 = arith.constant 12672 : i32
        %dma_wait3A_2277 = tpu.memref_slice %arg7[%dma_wait3A_2276] : memref<24576xf32, #tpu.memory_space<vmem>> -> memref<128xf32, #tpu.memory_space<vmem>>
        %dma_wait3A_2278 = tpu.memref_slice %arg6[%add3A_948] : memref<49152xi32, #tpu.memory_space<vmem>> -> memref<128xi32, #tpu.memory_space<vmem>>
        %dma_wait3A_2279 = arith.constant 0 : i32
        %dma_wait3A_2280 = tpu.memref_slice %arg5[%dma_wait3A_2279] : memref<786560xf32, #tpu.memory_space<vmem_shared>> -> memref<786560xf32, #tpu.memory_space<vmem_shared>>
        tpu.wait_indirect_dma semaphore(%arg9 : memref<!tpu.dma_semaphore, #tpu.memory_space<semaphore_mem>>) src(%dma_wait3A_2280 : memref<786560xf32, #tpu.memory_space<vmem_shared>>) dst(%dma_wait3A_2277 : memref<128xf32, #tpu.memory_space<vmem>>)
        %dma_wait3A_2281 = arith.constant 12800 : i32
        %dma_wait3A_2282 = tpu.memref_slice %arg7[%dma_wait3A_2281] : memref<24576xf32, #tpu.memory_space<vmem>> -> memref<128xf32, #tpu.memory_space<vmem>>
        %dma_wait3A_2283 = tpu.memref_slice %arg6[%add3A_957] : memref<49152xi32, #tpu.memory_space<vmem>> -> memref<128xi32, #tpu.memory_space<vmem>>
        %dma_wait3A_2284 = arith.constant 0 : i32
        %dma_wait3A_2285 = tpu.memref_slice %arg5[%dma_wait3A_2284] : memref<786560xf32, #tpu.memory_space<vmem_shared>> -> memref<786560xf32, #tpu.memory_space<vmem_shared>>
        tpu.wait_indirect_dma semaphore(%arg9 : memref<!tpu.dma_semaphore, #tpu.memory_space<semaphore_mem>>) src(%dma_wait3A_2285 : memref<786560xf32, #tpu.memory_space<vmem_shared>>) dst(%dma_wait3A_2282 : memref<128xf32, #tpu.memory_space<vmem>>)
        %dma_wait3A_2286 = arith.constant 12928 : i32
        %dma_wait3A_2287 = tpu.memref_slice %arg7[%dma_wait3A_2286] : memref<24576xf32, #tpu.memory_space<vmem>> -> memref<128xf32, #tpu.memory_space<vmem>>
        %dma_wait3A_2288 = tpu.memref_slice %arg6[%add3A_966] : memref<49152xi32, #tpu.memory_space<vmem>> -> memref<128xi32, #tpu.memory_space<vmem>>
        %dma_wait3A_2289 = arith.constant 0 : i32
        %dma_wait3A_2290 = tpu.memref_slice %arg5[%dma_wait3A_2289] : memref<786560xf32, #tpu.memory_space<vmem_shared>> -> memref<786560xf32, #tpu.memory_space<vmem_shared>>
        tpu.wait_indirect_dma semaphore(%arg9 : memref<!tpu.dma_semaphore, #tpu.memory_space<semaphore_mem>>) src(%dma_wait3A_2290 : memref<786560xf32, #tpu.memory_space<vmem_shared>>) dst(%dma_wait3A_2287 : memref<128xf32, #tpu.memory_space<vmem>>)
        %dma_wait3A_2291 = arith.constant 13056 : i32
        %dma_wait3A_2292 = tpu.memref_slice %arg7[%dma_wait3A_2291] : memref<24576xf32, #tpu.memory_space<vmem>> -> memref<128xf32, #tpu.memory_space<vmem>>
        %dma_wait3A_2293 = tpu.memref_slice %arg6[%add3A_975] : memref<49152xi32, #tpu.memory_space<vmem>> -> memref<128xi32, #tpu.memory_space<vmem>>
        %dma_wait3A_2294 = arith.constant 0 : i32
        %dma_wait3A_2295 = tpu.memref_slice %arg5[%dma_wait3A_2294] : memref<786560xf32, #tpu.memory_space<vmem_shared>> -> memref<786560xf32, #tpu.memory_space<vmem_shared>>
        tpu.wait_indirect_dma semaphore(%arg9 : memref<!tpu.dma_semaphore, #tpu.memory_space<semaphore_mem>>) src(%dma_wait3A_2295 : memref<786560xf32, #tpu.memory_space<vmem_shared>>) dst(%dma_wait3A_2292 : memref<128xf32, #tpu.memory_space<vmem>>)
        %dma_wait3A_2296 = arith.constant 13184 : i32
        %dma_wait3A_2297 = tpu.memref_slice %arg7[%dma_wait3A_2296] : memref<24576xf32, #tpu.memory_space<vmem>> -> memref<128xf32, #tpu.memory_space<vmem>>
        %dma_wait3A_2298 = tpu.memref_slice %arg6[%add3A_984] : memref<49152xi32, #tpu.memory_space<vmem>> -> memref<128xi32, #tpu.memory_space<vmem>>
        %dma_wait3A_2299 = arith.constant 0 : i32
        %dma_wait3A_2300 = tpu.memref_slice %arg5[%dma_wait3A_2299] : memref<786560xf32, #tpu.memory_space<vmem_shared>> -> memref<786560xf32, #tpu.memory_space<vmem_shared>>
        tpu.wait_indirect_dma semaphore(%arg9 : memref<!tpu.dma_semaphore, #tpu.memory_space<semaphore_mem>>) src(%dma_wait3A_2300 : memref<786560xf32, #tpu.memory_space<vmem_shared>>) dst(%dma_wait3A_2297 : memref<128xf32, #tpu.memory_space<vmem>>)
        %dma_wait3A_2301 = arith.constant 13312 : i32
        %dma_wait3A_2302 = tpu.memref_slice %arg7[%dma_wait3A_2301] : memref<24576xf32, #tpu.memory_space<vmem>> -> memref<128xf32, #tpu.memory_space<vmem>>
        %dma_wait3A_2303 = tpu.memref_slice %arg6[%add3A_993] : memref<49152xi32, #tpu.memory_space<vmem>> -> memref<128xi32, #tpu.memory_space<vmem>>
        %dma_wait3A_2304 = arith.constant 0 : i32
        %dma_wait3A_2305 = tpu.memref_slice %arg5[%dma_wait3A_2304] : memref<786560xf32, #tpu.memory_space<vmem_shared>> -> memref<786560xf32, #tpu.memory_space<vmem_shared>>
        tpu.wait_indirect_dma semaphore(%arg9 : memref<!tpu.dma_semaphore, #tpu.memory_space<semaphore_mem>>) src(%dma_wait3A_2305 : memref<786560xf32, #tpu.memory_space<vmem_shared>>) dst(%dma_wait3A_2302 : memref<128xf32, #tpu.memory_space<vmem>>)
        %dma_wait3A_2306 = arith.constant 13440 : i32
        %dma_wait3A_2307 = tpu.memref_slice %arg7[%dma_wait3A_2306] : memref<24576xf32, #tpu.memory_space<vmem>> -> memref<128xf32, #tpu.memory_space<vmem>>
        %dma_wait3A_2308 = tpu.memref_slice %arg6[%add3A_1002] : memref<49152xi32, #tpu.memory_space<vmem>> -> memref<128xi32, #tpu.memory_space<vmem>>
        %dma_wait3A_2309 = arith.constant 0 : i32
        %dma_wait3A_2310 = tpu.memref_slice %arg5[%dma_wait3A_2309] : memref<786560xf32, #tpu.memory_space<vmem_shared>> -> memref<786560xf32, #tpu.memory_space<vmem_shared>>
        tpu.wait_indirect_dma semaphore(%arg9 : memref<!tpu.dma_semaphore, #tpu.memory_space<semaphore_mem>>) src(%dma_wait3A_2310 : memref<786560xf32, #tpu.memory_space<vmem_shared>>) dst(%dma_wait3A_2307 : memref<128xf32, #tpu.memory_space<vmem>>)
        %dma_wait3A_2311 = arith.constant 13568 : i32
        %dma_wait3A_2312 = tpu.memref_slice %arg7[%dma_wait3A_2311] : memref<24576xf32, #tpu.memory_space<vmem>> -> memref<128xf32, #tpu.memory_space<vmem>>
        %dma_wait3A_2313 = tpu.memref_slice %arg6[%add3A_1011] : memref<49152xi32, #tpu.memory_space<vmem>> -> memref<128xi32, #tpu.memory_space<vmem>>
        %dma_wait3A_2314 = arith.constant 0 : i32
        %dma_wait3A_2315 = tpu.memref_slice %arg5[%dma_wait3A_2314] : memref<786560xf32, #tpu.memory_space<vmem_shared>> -> memref<786560xf32, #tpu.memory_space<vmem_shared>>
        tpu.wait_indirect_dma semaphore(%arg9 : memref<!tpu.dma_semaphore, #tpu.memory_space<semaphore_mem>>) src(%dma_wait3A_2315 : memref<786560xf32, #tpu.memory_space<vmem_shared>>) dst(%dma_wait3A_2312 : memref<128xf32, #tpu.memory_space<vmem>>)
        %dma_wait3A_2316 = arith.constant 13696 : i32
        %dma_wait3A_2317 = tpu.memref_slice %arg7[%dma_wait3A_2316] : memref<24576xf32, #tpu.memory_space<vmem>> -> memref<128xf32, #tpu.memory_space<vmem>>
        %dma_wait3A_2318 = tpu.memref_slice %arg6[%add3A_1020] : memref<49152xi32, #tpu.memory_space<vmem>> -> memref<128xi32, #tpu.memory_space<vmem>>
        %dma_wait3A_2319 = arith.constant 0 : i32
        %dma_wait3A_2320 = tpu.memref_slice %arg5[%dma_wait3A_2319] : memref<786560xf32, #tpu.memory_space<vmem_shared>> -> memref<786560xf32, #tpu.memory_space<vmem_shared>>
        tpu.wait_indirect_dma semaphore(%arg9 : memref<!tpu.dma_semaphore, #tpu.memory_space<semaphore_mem>>) src(%dma_wait3A_2320 : memref<786560xf32, #tpu.memory_space<vmem_shared>>) dst(%dma_wait3A_2317 : memref<128xf32, #tpu.memory_space<vmem>>)
        %dma_wait3A_2321 = arith.constant 13824 : i32
        %dma_wait3A_2322 = tpu.memref_slice %arg7[%dma_wait3A_2321] : memref<24576xf32, #tpu.memory_space<vmem>> -> memref<128xf32, #tpu.memory_space<vmem>>
        %dma_wait3A_2323 = tpu.memref_slice %arg6[%add3A_1029] : memref<49152xi32, #tpu.memory_space<vmem>> -> memref<128xi32, #tpu.memory_space<vmem>>
        %dma_wait3A_2324 = arith.constant 0 : i32
        %dma_wait3A_2325 = tpu.memref_slice %arg5[%dma_wait3A_2324] : memref<786560xf32, #tpu.memory_space<vmem_shared>> -> memref<786560xf32, #tpu.memory_space<vmem_shared>>
        tpu.wait_indirect_dma semaphore(%arg9 : memref<!tpu.dma_semaphore, #tpu.memory_space<semaphore_mem>>) src(%dma_wait3A_2325 : memref<786560xf32, #tpu.memory_space<vmem_shared>>) dst(%dma_wait3A_2322 : memref<128xf32, #tpu.memory_space<vmem>>)
        %dma_wait3A_2326 = arith.constant 13952 : i32
        %dma_wait3A_2327 = tpu.memref_slice %arg7[%dma_wait3A_2326] : memref<24576xf32, #tpu.memory_space<vmem>> -> memref<128xf32, #tpu.memory_space<vmem>>
        %dma_wait3A_2328 = tpu.memref_slice %arg6[%add3A_1038] : memref<49152xi32, #tpu.memory_space<vmem>> -> memref<128xi32, #tpu.memory_space<vmem>>
        %dma_wait3A_2329 = arith.constant 0 : i32
        %dma_wait3A_2330 = tpu.memref_slice %arg5[%dma_wait3A_2329] : memref<786560xf32, #tpu.memory_space<vmem_shared>> -> memref<786560xf32, #tpu.memory_space<vmem_shared>>
        tpu.wait_indirect_dma semaphore(%arg9 : memref<!tpu.dma_semaphore, #tpu.memory_space<semaphore_mem>>) src(%dma_wait3A_2330 : memref<786560xf32, #tpu.memory_space<vmem_shared>>) dst(%dma_wait3A_2327 : memref<128xf32, #tpu.memory_space<vmem>>)
        %dma_wait3A_2331 = arith.constant 14080 : i32
        %dma_wait3A_2332 = tpu.memref_slice %arg7[%dma_wait3A_2331] : memref<24576xf32, #tpu.memory_space<vmem>> -> memref<128xf32, #tpu.memory_space<vmem>>
        %dma_wait3A_2333 = tpu.memref_slice %arg6[%add3A_1047] : memref<49152xi32, #tpu.memory_space<vmem>> -> memref<128xi32, #tpu.memory_space<vmem>>
        %dma_wait3A_2334 = arith.constant 0 : i32
        %dma_wait3A_2335 = tpu.memref_slice %arg5[%dma_wait3A_2334] : memref<786560xf32, #tpu.memory_space<vmem_shared>> -> memref<786560xf32, #tpu.memory_space<vmem_shared>>
        tpu.wait_indirect_dma semaphore(%arg9 : memref<!tpu.dma_semaphore, #tpu.memory_space<semaphore_mem>>) src(%dma_wait3A_2335 : memref<786560xf32, #tpu.memory_space<vmem_shared>>) dst(%dma_wait3A_2332 : memref<128xf32, #tpu.memory_space<vmem>>)
        %dma_wait3A_2336 = arith.constant 14208 : i32
        %dma_wait3A_2337 = tpu.memref_slice %arg7[%dma_wait3A_2336] : memref<24576xf32, #tpu.memory_space<vmem>> -> memref<128xf32, #tpu.memory_space<vmem>>
        %dma_wait3A_2338 = tpu.memref_slice %arg6[%add3A_1056] : memref<49152xi32, #tpu.memory_space<vmem>> -> memref<128xi32, #tpu.memory_space<vmem>>
        %dma_wait3A_2339 = arith.constant 0 : i32
        %dma_wait3A_2340 = tpu.memref_slice %arg5[%dma_wait3A_2339] : memref<786560xf32, #tpu.memory_space<vmem_shared>> -> memref<786560xf32, #tpu.memory_space<vmem_shared>>
        tpu.wait_indirect_dma semaphore(%arg9 : memref<!tpu.dma_semaphore, #tpu.memory_space<semaphore_mem>>) src(%dma_wait3A_2340 : memref<786560xf32, #tpu.memory_space<vmem_shared>>) dst(%dma_wait3A_2337 : memref<128xf32, #tpu.memory_space<vmem>>)
        %dma_wait3A_2341 = arith.constant 14336 : i32
        %dma_wait3A_2342 = tpu.memref_slice %arg7[%dma_wait3A_2341] : memref<24576xf32, #tpu.memory_space<vmem>> -> memref<128xf32, #tpu.memory_space<vmem>>
        %dma_wait3A_2343 = tpu.memref_slice %arg6[%add3A_1065] : memref<49152xi32, #tpu.memory_space<vmem>> -> memref<128xi32, #tpu.memory_space<vmem>>
        %dma_wait3A_2344 = arith.constant 0 : i32
        %dma_wait3A_2345 = tpu.memref_slice %arg5[%dma_wait3A_2344] : memref<786560xf32, #tpu.memory_space<vmem_shared>> -> memref<786560xf32, #tpu.memory_space<vmem_shared>>
        tpu.wait_indirect_dma semaphore(%arg9 : memref<!tpu.dma_semaphore, #tpu.memory_space<semaphore_mem>>) src(%dma_wait3A_2345 : memref<786560xf32, #tpu.memory_space<vmem_shared>>) dst(%dma_wait3A_2342 : memref<128xf32, #tpu.memory_space<vmem>>)
        %dma_wait3A_2346 = arith.constant 14464 : i32
        %dma_wait3A_2347 = tpu.memref_slice %arg7[%dma_wait3A_2346] : memref<24576xf32, #tpu.memory_space<vmem>> -> memref<128xf32, #tpu.memory_space<vmem>>
        %dma_wait3A_2348 = tpu.memref_slice %arg6[%add3A_1074] : memref<49152xi32, #tpu.memory_space<vmem>> -> memref<128xi32, #tpu.memory_space<vmem>>
        %dma_wait3A_2349 = arith.constant 0 : i32
        %dma_wait3A_2350 = tpu.memref_slice %arg5[%dma_wait3A_2349] : memref<786560xf32, #tpu.memory_space<vmem_shared>> -> memref<786560xf32, #tpu.memory_space<vmem_shared>>
        tpu.wait_indirect_dma semaphore(%arg9 : memref<!tpu.dma_semaphore, #tpu.memory_space<semaphore_mem>>) src(%dma_wait3A_2350 : memref<786560xf32, #tpu.memory_space<vmem_shared>>) dst(%dma_wait3A_2347 : memref<128xf32, #tpu.memory_space<vmem>>)
        %dma_wait3A_2351 = arith.constant 14592 : i32
        %dma_wait3A_2352 = tpu.memref_slice %arg7[%dma_wait3A_2351] : memref<24576xf32, #tpu.memory_space<vmem>> -> memref<128xf32, #tpu.memory_space<vmem>>
        %dma_wait3A_2353 = tpu.memref_slice %arg6[%add3A_1083] : memref<49152xi32, #tpu.memory_space<vmem>> -> memref<128xi32, #tpu.memory_space<vmem>>
        %dma_wait3A_2354 = arith.constant 0 : i32
        %dma_wait3A_2355 = tpu.memref_slice %arg5[%dma_wait3A_2354] : memref<786560xf32, #tpu.memory_space<vmem_shared>> -> memref<786560xf32, #tpu.memory_space<vmem_shared>>
        tpu.wait_indirect_dma semaphore(%arg9 : memref<!tpu.dma_semaphore, #tpu.memory_space<semaphore_mem>>) src(%dma_wait3A_2355 : memref<786560xf32, #tpu.memory_space<vmem_shared>>) dst(%dma_wait3A_2352 : memref<128xf32, #tpu.memory_space<vmem>>)
        %dma_wait3A_2356 = arith.constant 14720 : i32
        %dma_wait3A_2357 = tpu.memref_slice %arg7[%dma_wait3A_2356] : memref<24576xf32, #tpu.memory_space<vmem>> -> memref<128xf32, #tpu.memory_space<vmem>>
        %dma_wait3A_2358 = tpu.memref_slice %arg6[%add3A_1092] : memref<49152xi32, #tpu.memory_space<vmem>> -> memref<128xi32, #tpu.memory_space<vmem>>
        %dma_wait3A_2359 = arith.constant 0 : i32
        %dma_wait3A_2360 = tpu.memref_slice %arg5[%dma_wait3A_2359] : memref<786560xf32, #tpu.memory_space<vmem_shared>> -> memref<786560xf32, #tpu.memory_space<vmem_shared>>
        tpu.wait_indirect_dma semaphore(%arg9 : memref<!tpu.dma_semaphore, #tpu.memory_space<semaphore_mem>>) src(%dma_wait3A_2360 : memref<786560xf32, #tpu.memory_space<vmem_shared>>) dst(%dma_wait3A_2357 : memref<128xf32, #tpu.memory_space<vmem>>)
        %dma_wait3A_2361 = arith.constant 14848 : i32
        %dma_wait3A_2362 = tpu.memref_slice %arg7[%dma_wait3A_2361] : memref<24576xf32, #tpu.memory_space<vmem>> -> memref<128xf32, #tpu.memory_space<vmem>>
        %dma_wait3A_2363 = tpu.memref_slice %arg6[%add3A_1101] : memref<49152xi32, #tpu.memory_space<vmem>> -> memref<128xi32, #tpu.memory_space<vmem>>
        %dma_wait3A_2364 = arith.constant 0 : i32
        %dma_wait3A_2365 = tpu.memref_slice %arg5[%dma_wait3A_2364] : memref<786560xf32, #tpu.memory_space<vmem_shared>> -> memref<786560xf32, #tpu.memory_space<vmem_shared>>
        tpu.wait_indirect_dma semaphore(%arg9 : memref<!tpu.dma_semaphore, #tpu.memory_space<semaphore_mem>>) src(%dma_wait3A_2365 : memref<786560xf32, #tpu.memory_space<vmem_shared>>) dst(%dma_wait3A_2362 : memref<128xf32, #tpu.memory_space<vmem>>)
        %dma_wait3A_2366 = arith.constant 14976 : i32
        %dma_wait3A_2367 = tpu.memref_slice %arg7[%dma_wait3A_2366] : memref<24576xf32, #tpu.memory_space<vmem>> -> memref<128xf32, #tpu.memory_space<vmem>>
        %dma_wait3A_2368 = tpu.memref_slice %arg6[%add3A_1110] : memref<49152xi32, #tpu.memory_space<vmem>> -> memref<128xi32, #tpu.memory_space<vmem>>
        %dma_wait3A_2369 = arith.constant 0 : i32
        %dma_wait3A_2370 = tpu.memref_slice %arg5[%dma_wait3A_2369] : memref<786560xf32, #tpu.memory_space<vmem_shared>> -> memref<786560xf32, #tpu.memory_space<vmem_shared>>
        tpu.wait_indirect_dma semaphore(%arg9 : memref<!tpu.dma_semaphore, #tpu.memory_space<semaphore_mem>>) src(%dma_wait3A_2370 : memref<786560xf32, #tpu.memory_space<vmem_shared>>) dst(%dma_wait3A_2367 : memref<128xf32, #tpu.memory_space<vmem>>)
        %dma_wait3A_2371 = arith.constant 15104 : i32
        %dma_wait3A_2372 = tpu.memref_slice %arg7[%dma_wait3A_2371] : memref<24576xf32, #tpu.memory_space<vmem>> -> memref<128xf32, #tpu.memory_space<vmem>>
        %dma_wait3A_2373 = tpu.memref_slice %arg6[%add3A_1119] : memref<49152xi32, #tpu.memory_space<vmem>> -> memref<128xi32, #tpu.memory_space<vmem>>
        %dma_wait3A_2374 = arith.constant 0 : i32
        %dma_wait3A_2375 = tpu.memref_slice %arg5[%dma_wait3A_2374] : memref<786560xf32, #tpu.memory_space<vmem_shared>> -> memref<786560xf32, #tpu.memory_space<vmem_shared>>
        tpu.wait_indirect_dma semaphore(%arg9 : memref<!tpu.dma_semaphore, #tpu.memory_space<semaphore_mem>>) src(%dma_wait3A_2375 : memref<786560xf32, #tpu.memory_space<vmem_shared>>) dst(%dma_wait3A_2372 : memref<128xf32, #tpu.memory_space<vmem>>)
        %dma_wait3A_2376 = arith.constant 15232 : i32
        %dma_wait3A_2377 = tpu.memref_slice %arg7[%dma_wait3A_2376] : memref<24576xf32, #tpu.memory_space<vmem>> -> memref<128xf32, #tpu.memory_space<vmem>>
        %dma_wait3A_2378 = tpu.memref_slice %arg6[%add3A_1128] : memref<49152xi32, #tpu.memory_space<vmem>> -> memref<128xi32, #tpu.memory_space<vmem>>
        %dma_wait3A_2379 = arith.constant 0 : i32
        %dma_wait3A_2380 = tpu.memref_slice %arg5[%dma_wait3A_2379] : memref<786560xf32, #tpu.memory_space<vmem_shared>> -> memref<786560xf32, #tpu.memory_space<vmem_shared>>
        tpu.wait_indirect_dma semaphore(%arg9 : memref<!tpu.dma_semaphore, #tpu.memory_space<semaphore_mem>>) src(%dma_wait3A_2380 : memref<786560xf32, #tpu.memory_space<vmem_shared>>) dst(%dma_wait3A_2377 : memref<128xf32, #tpu.memory_space<vmem>>)
        %dma_wait3A_2381 = arith.constant 15360 : i32
        %dma_wait3A_2382 = tpu.memref_slice %arg7[%dma_wait3A_2381] : memref<24576xf32, #tpu.memory_space<vmem>> -> memref<128xf32, #tpu.memory_space<vmem>>
        %dma_wait3A_2383 = tpu.memref_slice %arg6[%add3A_1137] : memref<49152xi32, #tpu.memory_space<vmem>> -> memref<128xi32, #tpu.memory_space<vmem>>
        %dma_wait3A_2384 = arith.constant 0 : i32
        %dma_wait3A_2385 = tpu.memref_slice %arg5[%dma_wait3A_2384] : memref<786560xf32, #tpu.memory_space<vmem_shared>> -> memref<786560xf32, #tpu.memory_space<vmem_shared>>
        tpu.wait_indirect_dma semaphore(%arg9 : memref<!tpu.dma_semaphore, #tpu.memory_space<semaphore_mem>>) src(%dma_wait3A_2385 : memref<786560xf32, #tpu.memory_space<vmem_shared>>) dst(%dma_wait3A_2382 : memref<128xf32, #tpu.memory_space<vmem>>)
        %dma_wait3A_2386 = arith.constant 15488 : i32
        %dma_wait3A_2387 = tpu.memref_slice %arg7[%dma_wait3A_2386] : memref<24576xf32, #tpu.memory_space<vmem>> -> memref<128xf32, #tpu.memory_space<vmem>>
        %dma_wait3A_2388 = tpu.memref_slice %arg6[%add3A_1146] : memref<49152xi32, #tpu.memory_space<vmem>> -> memref<128xi32, #tpu.memory_space<vmem>>
        %dma_wait3A_2389 = arith.constant 0 : i32
        %dma_wait3A_2390 = tpu.memref_slice %arg5[%dma_wait3A_2389] : memref<786560xf32, #tpu.memory_space<vmem_shared>> -> memref<786560xf32, #tpu.memory_space<vmem_shared>>
        tpu.wait_indirect_dma semaphore(%arg9 : memref<!tpu.dma_semaphore, #tpu.memory_space<semaphore_mem>>) src(%dma_wait3A_2390 : memref<786560xf32, #tpu.memory_space<vmem_shared>>) dst(%dma_wait3A_2387 : memref<128xf32, #tpu.memory_space<vmem>>)
        %dma_wait3A_2391 = arith.constant 15616 : i32
        %dma_wait3A_2392 = tpu.memref_slice %arg7[%dma_wait3A_2391] : memref<24576xf32, #tpu.memory_space<vmem>> -> memref<128xf32, #tpu.memory_space<vmem>>
        %dma_wait3A_2393 = tpu.memref_slice %arg6[%add3A_1155] : memref<49152xi32, #tpu.memory_space<vmem>> -> memref<128xi32, #tpu.memory_space<vmem>>
        %dma_wait3A_2394 = arith.constant 0 : i32
        %dma_wait3A_2395 = tpu.memref_slice %arg5[%dma_wait3A_2394] : memref<786560xf32, #tpu.memory_space<vmem_shared>> -> memref<786560xf32, #tpu.memory_space<vmem_shared>>
        tpu.wait_indirect_dma semaphore(%arg9 : memref<!tpu.dma_semaphore, #tpu.memory_space<semaphore_mem>>) src(%dma_wait3A_2395 : memref<786560xf32, #tpu.memory_space<vmem_shared>>) dst(%dma_wait3A_2392 : memref<128xf32, #tpu.memory_space<vmem>>)
        %dma_wait3A_2396 = arith.constant 15744 : i32
        %dma_wait3A_2397 = tpu.memref_slice %arg7[%dma_wait3A_2396] : memref<24576xf32, #tpu.memory_space<vmem>> -> memref<128xf32, #tpu.memory_space<vmem>>
        %dma_wait3A_2398 = tpu.memref_slice %arg6[%add3A_1164] : memref<49152xi32, #tpu.memory_space<vmem>> -> memref<128xi32, #tpu.memory_space<vmem>>
        %dma_wait3A_2399 = arith.constant 0 : i32
        %dma_wait3A_2400 = tpu.memref_slice %arg5[%dma_wait3A_2399] : memref<786560xf32, #tpu.memory_space<vmem_shared>> -> memref<786560xf32, #tpu.memory_space<vmem_shared>>
        tpu.wait_indirect_dma semaphore(%arg9 : memref<!tpu.dma_semaphore, #tpu.memory_space<semaphore_mem>>) src(%dma_wait3A_2400 : memref<786560xf32, #tpu.memory_space<vmem_shared>>) dst(%dma_wait3A_2397 : memref<128xf32, #tpu.memory_space<vmem>>)
        %dma_wait3A_2401 = arith.constant 15872 : i32
        %dma_wait3A_2402 = tpu.memref_slice %arg7[%dma_wait3A_2401] : memref<24576xf32, #tpu.memory_space<vmem>> -> memref<128xf32, #tpu.memory_space<vmem>>
        %dma_wait3A_2403 = tpu.memref_slice %arg6[%add3A_1173] : memref<49152xi32, #tpu.memory_space<vmem>> -> memref<128xi32, #tpu.memory_space<vmem>>
        %dma_wait3A_2404 = arith.constant 0 : i32
        %dma_wait3A_2405 = tpu.memref_slice %arg5[%dma_wait3A_2404] : memref<786560xf32, #tpu.memory_space<vmem_shared>> -> memref<786560xf32, #tpu.memory_space<vmem_shared>>
        tpu.wait_indirect_dma semaphore(%arg9 : memref<!tpu.dma_semaphore, #tpu.memory_space<semaphore_mem>>) src(%dma_wait3A_2405 : memref<786560xf32, #tpu.memory_space<vmem_shared>>) dst(%dma_wait3A_2402 : memref<128xf32, #tpu.memory_space<vmem>>)
        %dma_wait3A_2406 = arith.constant 16000 : i32
        %dma_wait3A_2407 = tpu.memref_slice %arg7[%dma_wait3A_2406] : memref<24576xf32, #tpu.memory_space<vmem>> -> memref<128xf32, #tpu.memory_space<vmem>>
        %dma_wait3A_2408 = tpu.memref_slice %arg6[%add3A_1182] : memref<49152xi32, #tpu.memory_space<vmem>> -> memref<128xi32, #tpu.memory_space<vmem>>
        %dma_wait3A_2409 = arith.constant 0 : i32
        %dma_wait3A_2410 = tpu.memref_slice %arg5[%dma_wait3A_2409] : memref<786560xf32, #tpu.memory_space<vmem_shared>> -> memref<786560xf32, #tpu.memory_space<vmem_shared>>
        tpu.wait_indirect_dma semaphore(%arg9 : memref<!tpu.dma_semaphore, #tpu.memory_space<semaphore_mem>>) src(%dma_wait3A_2410 : memref<786560xf32, #tpu.memory_space<vmem_shared>>) dst(%dma_wait3A_2407 : memref<128xf32, #tpu.memory_space<vmem>>)
        %dma_wait3A_2411 = arith.constant 16128 : i32
        %dma_wait3A_2412 = tpu.memref_slice %arg7[%dma_wait3A_2411] : memref<24576xf32, #tpu.memory_space<vmem>> -> memref<128xf32, #tpu.memory_space<vmem>>
        %dma_wait3A_2413 = tpu.memref_slice %arg6[%add3A_1191] : memref<49152xi32, #tpu.memory_space<vmem>> -> memref<128xi32, #tpu.memory_space<vmem>>
        %dma_wait3A_2414 = arith.constant 0 : i32
        %dma_wait3A_2415 = tpu.memref_slice %arg5[%dma_wait3A_2414] : memref<786560xf32, #tpu.memory_space<vmem_shared>> -> memref<786560xf32, #tpu.memory_space<vmem_shared>>
        tpu.wait_indirect_dma semaphore(%arg9 : memref<!tpu.dma_semaphore, #tpu.memory_space<semaphore_mem>>) src(%dma_wait3A_2415 : memref<786560xf32, #tpu.memory_space<vmem_shared>>) dst(%dma_wait3A_2412 : memref<128xf32, #tpu.memory_space<vmem>>)
        %dma_wait3A_2416 = arith.constant 16256 : i32
        %dma_wait3A_2417 = tpu.memref_slice %arg7[%dma_wait3A_2416] : memref<24576xf32, #tpu.memory_space<vmem>> -> memref<128xf32, #tpu.memory_space<vmem>>
        %dma_wait3A_2418 = tpu.memref_slice %arg6[%add3A_1200] : memref<49152xi32, #tpu.memory_space<vmem>> -> memref<128xi32, #tpu.memory_space<vmem>>
        %dma_wait3A_2419 = arith.constant 0 : i32
        %dma_wait3A_2420 = tpu.memref_slice %arg5[%dma_wait3A_2419] : memref<786560xf32, #tpu.memory_space<vmem_shared>> -> memref<786560xf32, #tpu.memory_space<vmem_shared>>
        tpu.wait_indirect_dma semaphore(%arg9 : memref<!tpu.dma_semaphore, #tpu.memory_space<semaphore_mem>>) src(%dma_wait3A_2420 : memref<786560xf32, #tpu.memory_space<vmem_shared>>) dst(%dma_wait3A_2417 : memref<128xf32, #tpu.memory_space<vmem>>)
        %dma_wait3A_2421 = arith.constant 16384 : i32
        %dma_wait3A_2422 = tpu.memref_slice %arg7[%dma_wait3A_2421] : memref<24576xf32, #tpu.memory_space<vmem>> -> memref<128xf32, #tpu.memory_space<vmem>>
        %dma_wait3A_2423 = tpu.memref_slice %arg6[%add3A_1209] : memref<49152xi32, #tpu.memory_space<vmem>> -> memref<128xi32, #tpu.memory_space<vmem>>
        %dma_wait3A_2424 = arith.constant 0 : i32
        %dma_wait3A_2425 = tpu.memref_slice %arg5[%dma_wait3A_2424] : memref<786560xf32, #tpu.memory_space<vmem_shared>> -> memref<786560xf32, #tpu.memory_space<vmem_shared>>
        tpu.wait_indirect_dma semaphore(%arg9 : memref<!tpu.dma_semaphore, #tpu.memory_space<semaphore_mem>>) src(%dma_wait3A_2425 : memref<786560xf32, #tpu.memory_space<vmem_shared>>) dst(%dma_wait3A_2422 : memref<128xf32, #tpu.memory_space<vmem>>)
        %dma_wait3A_2426 = arith.constant 16512 : i32
        %dma_wait3A_2427 = tpu.memref_slice %arg7[%dma_wait3A_2426] : memref<24576xf32, #tpu.memory_space<vmem>> -> memref<128xf32, #tpu.memory_space<vmem>>
        %dma_wait3A_2428 = tpu.memref_slice %arg6[%add3A_1218] : memref<49152xi32, #tpu.memory_space<vmem>> -> memref<128xi32, #tpu.memory_space<vmem>>
        %dma_wait3A_2429 = arith.constant 0 : i32
        %dma_wait3A_2430 = tpu.memref_slice %arg5[%dma_wait3A_2429] : memref<786560xf32, #tpu.memory_space<vmem_shared>> -> memref<786560xf32, #tpu.memory_space<vmem_shared>>
        tpu.wait_indirect_dma semaphore(%arg9 : memref<!tpu.dma_semaphore, #tpu.memory_space<semaphore_mem>>) src(%dma_wait3A_2430 : memref<786560xf32, #tpu.memory_space<vmem_shared>>) dst(%dma_wait3A_2427 : memref<128xf32, #tpu.memory_space<vmem>>)
        %dma_wait3A_2431 = arith.constant 16640 : i32
        %dma_wait3A_2432 = tpu.memref_slice %arg7[%dma_wait3A_2431] : memref<24576xf32, #tpu.memory_space<vmem>> -> memref<128xf32, #tpu.memory_space<vmem>>
        %dma_wait3A_2433 = tpu.memref_slice %arg6[%add3A_1227] : memref<49152xi32, #tpu.memory_space<vmem>> -> memref<128xi32, #tpu.memory_space<vmem>>
        %dma_wait3A_2434 = arith.constant 0 : i32
        %dma_wait3A_2435 = tpu.memref_slice %arg5[%dma_wait3A_2434] : memref<786560xf32, #tpu.memory_space<vmem_shared>> -> memref<786560xf32, #tpu.memory_space<vmem_shared>>
        tpu.wait_indirect_dma semaphore(%arg9 : memref<!tpu.dma_semaphore, #tpu.memory_space<semaphore_mem>>) src(%dma_wait3A_2435 : memref<786560xf32, #tpu.memory_space<vmem_shared>>) dst(%dma_wait3A_2432 : memref<128xf32, #tpu.memory_space<vmem>>)
        %dma_wait3A_2436 = arith.constant 16768 : i32
        %dma_wait3A_2437 = tpu.memref_slice %arg7[%dma_wait3A_2436] : memref<24576xf32, #tpu.memory_space<vmem>> -> memref<128xf32, #tpu.memory_space<vmem>>
        %dma_wait3A_2438 = tpu.memref_slice %arg6[%add3A_1236] : memref<49152xi32, #tpu.memory_space<vmem>> -> memref<128xi32, #tpu.memory_space<vmem>>
        %dma_wait3A_2439 = arith.constant 0 : i32
        %dma_wait3A_2440 = tpu.memref_slice %arg5[%dma_wait3A_2439] : memref<786560xf32, #tpu.memory_space<vmem_shared>> -> memref<786560xf32, #tpu.memory_space<vmem_shared>>
        tpu.wait_indirect_dma semaphore(%arg9 : memref<!tpu.dma_semaphore, #tpu.memory_space<semaphore_mem>>) src(%dma_wait3A_2440 : memref<786560xf32, #tpu.memory_space<vmem_shared>>) dst(%dma_wait3A_2437 : memref<128xf32, #tpu.memory_space<vmem>>)
        %dma_wait3A_2441 = arith.constant 16896 : i32
        %dma_wait3A_2442 = tpu.memref_slice %arg7[%dma_wait3A_2441] : memref<24576xf32, #tpu.memory_space<vmem>> -> memref<128xf32, #tpu.memory_space<vmem>>
        %dma_wait3A_2443 = tpu.memref_slice %arg6[%add3A_1245] : memref<49152xi32, #tpu.memory_space<vmem>> -> memref<128xi32, #tpu.memory_space<vmem>>
        %dma_wait3A_2444 = arith.constant 0 : i32
        %dma_wait3A_2445 = tpu.memref_slice %arg5[%dma_wait3A_2444] : memref<786560xf32, #tpu.memory_space<vmem_shared>> -> memref<786560xf32, #tpu.memory_space<vmem_shared>>
        tpu.wait_indirect_dma semaphore(%arg9 : memref<!tpu.dma_semaphore, #tpu.memory_space<semaphore_mem>>) src(%dma_wait3A_2445 : memref<786560xf32, #tpu.memory_space<vmem_shared>>) dst(%dma_wait3A_2442 : memref<128xf32, #tpu.memory_space<vmem>>)
        %dma_wait3A_2446 = arith.constant 17024 : i32
        %dma_wait3A_2447 = tpu.memref_slice %arg7[%dma_wait3A_2446] : memref<24576xf32, #tpu.memory_space<vmem>> -> memref<128xf32, #tpu.memory_space<vmem>>
        %dma_wait3A_2448 = tpu.memref_slice %arg6[%add3A_1254] : memref<49152xi32, #tpu.memory_space<vmem>> -> memref<128xi32, #tpu.memory_space<vmem>>
        %dma_wait3A_2449 = arith.constant 0 : i32
        %dma_wait3A_2450 = tpu.memref_slice %arg5[%dma_wait3A_2449] : memref<786560xf32, #tpu.memory_space<vmem_shared>> -> memref<786560xf32, #tpu.memory_space<vmem_shared>>
        tpu.wait_indirect_dma semaphore(%arg9 : memref<!tpu.dma_semaphore, #tpu.memory_space<semaphore_mem>>) src(%dma_wait3A_2450 : memref<786560xf32, #tpu.memory_space<vmem_shared>>) dst(%dma_wait3A_2447 : memref<128xf32, #tpu.memory_space<vmem>>)
        %dma_wait3A_2451 = arith.constant 17152 : i32
        %dma_wait3A_2452 = tpu.memref_slice %arg7[%dma_wait3A_2451] : memref<24576xf32, #tpu.memory_space<vmem>> -> memref<128xf32, #tpu.memory_space<vmem>>
        %dma_wait3A_2453 = tpu.memref_slice %arg6[%add3A_1263] : memref<49152xi32, #tpu.memory_space<vmem>> -> memref<128xi32, #tpu.memory_space<vmem>>
        %dma_wait3A_2454 = arith.constant 0 : i32
        %dma_wait3A_2455 = tpu.memref_slice %arg5[%dma_wait3A_2454] : memref<786560xf32, #tpu.memory_space<vmem_shared>> -> memref<786560xf32, #tpu.memory_space<vmem_shared>>
        tpu.wait_indirect_dma semaphore(%arg9 : memref<!tpu.dma_semaphore, #tpu.memory_space<semaphore_mem>>) src(%dma_wait3A_2455 : memref<786560xf32, #tpu.memory_space<vmem_shared>>) dst(%dma_wait3A_2452 : memref<128xf32, #tpu.memory_space<vmem>>)
        %dma_wait3A_2456 = arith.constant 17280 : i32
        %dma_wait3A_2457 = tpu.memref_slice %arg7[%dma_wait3A_2456] : memref<24576xf32, #tpu.memory_space<vmem>> -> memref<128xf32, #tpu.memory_space<vmem>>
        %dma_wait3A_2458 = tpu.memref_slice %arg6[%add3A_1272] : memref<49152xi32, #tpu.memory_space<vmem>> -> memref<128xi32, #tpu.memory_space<vmem>>
        %dma_wait3A_2459 = arith.constant 0 : i32
        %dma_wait3A_2460 = tpu.memref_slice %arg5[%dma_wait3A_2459] : memref<786560xf32, #tpu.memory_space<vmem_shared>> -> memref<786560xf32, #tpu.memory_space<vmem_shared>>
        tpu.wait_indirect_dma semaphore(%arg9 : memref<!tpu.dma_semaphore, #tpu.memory_space<semaphore_mem>>) src(%dma_wait3A_2460 : memref<786560xf32, #tpu.memory_space<vmem_shared>>) dst(%dma_wait3A_2457 : memref<128xf32, #tpu.memory_space<vmem>>)
        %dma_wait3A_2461 = arith.constant 17408 : i32
        %dma_wait3A_2462 = tpu.memref_slice %arg7[%dma_wait3A_2461] : memref<24576xf32, #tpu.memory_space<vmem>> -> memref<128xf32, #tpu.memory_space<vmem>>
        %dma_wait3A_2463 = tpu.memref_slice %arg6[%add3A_1281] : memref<49152xi32, #tpu.memory_space<vmem>> -> memref<128xi32, #tpu.memory_space<vmem>>
        %dma_wait3A_2464 = arith.constant 0 : i32
        %dma_wait3A_2465 = tpu.memref_slice %arg5[%dma_wait3A_2464] : memref<786560xf32, #tpu.memory_space<vmem_shared>> -> memref<786560xf32, #tpu.memory_space<vmem_shared>>
        tpu.wait_indirect_dma semaphore(%arg9 : memref<!tpu.dma_semaphore, #tpu.memory_space<semaphore_mem>>) src(%dma_wait3A_2465 : memref<786560xf32, #tpu.memory_space<vmem_shared>>) dst(%dma_wait3A_2462 : memref<128xf32, #tpu.memory_space<vmem>>)
        %dma_wait3A_2466 = arith.constant 17536 : i32
        %dma_wait3A_2467 = tpu.memref_slice %arg7[%dma_wait3A_2466] : memref<24576xf32, #tpu.memory_space<vmem>> -> memref<128xf32, #tpu.memory_space<vmem>>
        %dma_wait3A_2468 = tpu.memref_slice %arg6[%add3A_1290] : memref<49152xi32, #tpu.memory_space<vmem>> -> memref<128xi32, #tpu.memory_space<vmem>>
        %dma_wait3A_2469 = arith.constant 0 : i32
        %dma_wait3A_2470 = tpu.memref_slice %arg5[%dma_wait3A_2469] : memref<786560xf32, #tpu.memory_space<vmem_shared>> -> memref<786560xf32, #tpu.memory_space<vmem_shared>>
        tpu.wait_indirect_dma semaphore(%arg9 : memref<!tpu.dma_semaphore, #tpu.memory_space<semaphore_mem>>) src(%dma_wait3A_2470 : memref<786560xf32, #tpu.memory_space<vmem_shared>>) dst(%dma_wait3A_2467 : memref<128xf32, #tpu.memory_space<vmem>>)
        %dma_wait3A_2471 = arith.constant 17664 : i32
        %dma_wait3A_2472 = tpu.memref_slice %arg7[%dma_wait3A_2471] : memref<24576xf32, #tpu.memory_space<vmem>> -> memref<128xf32, #tpu.memory_space<vmem>>
        %dma_wait3A_2473 = tpu.memref_slice %arg6[%add3A_1299] : memref<49152xi32, #tpu.memory_space<vmem>> -> memref<128xi32, #tpu.memory_space<vmem>>
        %dma_wait3A_2474 = arith.constant 0 : i32
        %dma_wait3A_2475 = tpu.memref_slice %arg5[%dma_wait3A_2474] : memref<786560xf32, #tpu.memory_space<vmem_shared>> -> memref<786560xf32, #tpu.memory_space<vmem_shared>>
        tpu.wait_indirect_dma semaphore(%arg9 : memref<!tpu.dma_semaphore, #tpu.memory_space<semaphore_mem>>) src(%dma_wait3A_2475 : memref<786560xf32, #tpu.memory_space<vmem_shared>>) dst(%dma_wait3A_2472 : memref<128xf32, #tpu.memory_space<vmem>>)
        %dma_wait3A_2476 = arith.constant 17792 : i32
        %dma_wait3A_2477 = tpu.memref_slice %arg7[%dma_wait3A_2476] : memref<24576xf32, #tpu.memory_space<vmem>> -> memref<128xf32, #tpu.memory_space<vmem>>
        %dma_wait3A_2478 = tpu.memref_slice %arg6[%add3A_1308] : memref<49152xi32, #tpu.memory_space<vmem>> -> memref<128xi32, #tpu.memory_space<vmem>>
        %dma_wait3A_2479 = arith.constant 0 : i32
        %dma_wait3A_2480 = tpu.memref_slice %arg5[%dma_wait3A_2479] : memref<786560xf32, #tpu.memory_space<vmem_shared>> -> memref<786560xf32, #tpu.memory_space<vmem_shared>>
        tpu.wait_indirect_dma semaphore(%arg9 : memref<!tpu.dma_semaphore, #tpu.memory_space<semaphore_mem>>) src(%dma_wait3A_2480 : memref<786560xf32, #tpu.memory_space<vmem_shared>>) dst(%dma_wait3A_2477 : memref<128xf32, #tpu.memory_space<vmem>>)
        %dma_wait3A_2481 = arith.constant 17920 : i32
        %dma_wait3A_2482 = tpu.memref_slice %arg7[%dma_wait3A_2481] : memref<24576xf32, #tpu.memory_space<vmem>> -> memref<128xf32, #tpu.memory_space<vmem>>
        %dma_wait3A_2483 = tpu.memref_slice %arg6[%add3A_1317] : memref<49152xi32, #tpu.memory_space<vmem>> -> memref<128xi32, #tpu.memory_space<vmem>>
        %dma_wait3A_2484 = arith.constant 0 : i32
        %dma_wait3A_2485 = tpu.memref_slice %arg5[%dma_wait3A_2484] : memref<786560xf32, #tpu.memory_space<vmem_shared>> -> memref<786560xf32, #tpu.memory_space<vmem_shared>>
        tpu.wait_indirect_dma semaphore(%arg9 : memref<!tpu.dma_semaphore, #tpu.memory_space<semaphore_mem>>) src(%dma_wait3A_2485 : memref<786560xf32, #tpu.memory_space<vmem_shared>>) dst(%dma_wait3A_2482 : memref<128xf32, #tpu.memory_space<vmem>>)
        %dma_wait3A_2486 = arith.constant 18048 : i32
        %dma_wait3A_2487 = tpu.memref_slice %arg7[%dma_wait3A_2486] : memref<24576xf32, #tpu.memory_space<vmem>> -> memref<128xf32, #tpu.memory_space<vmem>>
        %dma_wait3A_2488 = tpu.memref_slice %arg6[%add3A_1326] : memref<49152xi32, #tpu.memory_space<vmem>> -> memref<128xi32, #tpu.memory_space<vmem>>
        %dma_wait3A_2489 = arith.constant 0 : i32
        %dma_wait3A_2490 = tpu.memref_slice %arg5[%dma_wait3A_2489] : memref<786560xf32, #tpu.memory_space<vmem_shared>> -> memref<786560xf32, #tpu.memory_space<vmem_shared>>
        tpu.wait_indirect_dma semaphore(%arg9 : memref<!tpu.dma_semaphore, #tpu.memory_space<semaphore_mem>>) src(%dma_wait3A_2490 : memref<786560xf32, #tpu.memory_space<vmem_shared>>) dst(%dma_wait3A_2487 : memref<128xf32, #tpu.memory_space<vmem>>)
        %dma_wait3A_2491 = arith.constant 18176 : i32
        %dma_wait3A_2492 = tpu.memref_slice %arg7[%dma_wait3A_2491] : memref<24576xf32, #tpu.memory_space<vmem>> -> memref<128xf32, #tpu.memory_space<vmem>>
        %dma_wait3A_2493 = tpu.memref_slice %arg6[%add3A_1335] : memref<49152xi32, #tpu.memory_space<vmem>> -> memref<128xi32, #tpu.memory_space<vmem>>
        %dma_wait3A_2494 = arith.constant 0 : i32
        %dma_wait3A_2495 = tpu.memref_slice %arg5[%dma_wait3A_2494] : memref<786560xf32, #tpu.memory_space<vmem_shared>> -> memref<786560xf32, #tpu.memory_space<vmem_shared>>
        tpu.wait_indirect_dma semaphore(%arg9 : memref<!tpu.dma_semaphore, #tpu.memory_space<semaphore_mem>>) src(%dma_wait3A_2495 : memref<786560xf32, #tpu.memory_space<vmem_shared>>) dst(%dma_wait3A_2492 : memref<128xf32, #tpu.memory_space<vmem>>)
        %dma_wait3A_2496 = arith.constant 18304 : i32
        %dma_wait3A_2497 = tpu.memref_slice %arg7[%dma_wait3A_2496] : memref<24576xf32, #tpu.memory_space<vmem>> -> memref<128xf32, #tpu.memory_space<vmem>>
        %dma_wait3A_2498 = tpu.memref_slice %arg6[%add3A_1344] : memref<49152xi32, #tpu.memory_space<vmem>> -> memref<128xi32, #tpu.memory_space<vmem>>
        %dma_wait3A_2499 = arith.constant 0 : i32
        %dma_wait3A_2500 = tpu.memref_slice %arg5[%dma_wait3A_2499] : memref<786560xf32, #tpu.memory_space<vmem_shared>> -> memref<786560xf32, #tpu.memory_space<vmem_shared>>
        tpu.wait_indirect_dma semaphore(%arg9 : memref<!tpu.dma_semaphore, #tpu.memory_space<semaphore_mem>>) src(%dma_wait3A_2500 : memref<786560xf32, #tpu.memory_space<vmem_shared>>) dst(%dma_wait3A_2497 : memref<128xf32, #tpu.memory_space<vmem>>)
        %dma_wait3A_2501 = arith.constant 18432 : i32
        %dma_wait3A_2502 = tpu.memref_slice %arg7[%dma_wait3A_2501] : memref<24576xf32, #tpu.memory_space<vmem>> -> memref<128xf32, #tpu.memory_space<vmem>>
        %dma_wait3A_2503 = tpu.memref_slice %arg6[%add3A_1353] : memref<49152xi32, #tpu.memory_space<vmem>> -> memref<128xi32, #tpu.memory_space<vmem>>
        %dma_wait3A_2504 = arith.constant 0 : i32
        %dma_wait3A_2505 = tpu.memref_slice %arg5[%dma_wait3A_2504] : memref<786560xf32, #tpu.memory_space<vmem_shared>> -> memref<786560xf32, #tpu.memory_space<vmem_shared>>
        tpu.wait_indirect_dma semaphore(%arg9 : memref<!tpu.dma_semaphore, #tpu.memory_space<semaphore_mem>>) src(%dma_wait3A_2505 : memref<786560xf32, #tpu.memory_space<vmem_shared>>) dst(%dma_wait3A_2502 : memref<128xf32, #tpu.memory_space<vmem>>)
        %dma_wait3A_2506 = arith.constant 18560 : i32
        %dma_wait3A_2507 = tpu.memref_slice %arg7[%dma_wait3A_2506] : memref<24576xf32, #tpu.memory_space<vmem>> -> memref<128xf32, #tpu.memory_space<vmem>>
        %dma_wait3A_2508 = tpu.memref_slice %arg6[%add3A_1362] : memref<49152xi32, #tpu.memory_space<vmem>> -> memref<128xi32, #tpu.memory_space<vmem>>
        %dma_wait3A_2509 = arith.constant 0 : i32
        %dma_wait3A_2510 = tpu.memref_slice %arg5[%dma_wait3A_2509] : memref<786560xf32, #tpu.memory_space<vmem_shared>> -> memref<786560xf32, #tpu.memory_space<vmem_shared>>
        tpu.wait_indirect_dma semaphore(%arg9 : memref<!tpu.dma_semaphore, #tpu.memory_space<semaphore_mem>>) src(%dma_wait3A_2510 : memref<786560xf32, #tpu.memory_space<vmem_shared>>) dst(%dma_wait3A_2507 : memref<128xf32, #tpu.memory_space<vmem>>)
        %dma_wait3A_2511 = arith.constant 18688 : i32
        %dma_wait3A_2512 = tpu.memref_slice %arg7[%dma_wait3A_2511] : memref<24576xf32, #tpu.memory_space<vmem>> -> memref<128xf32, #tpu.memory_space<vmem>>
        %dma_wait3A_2513 = tpu.memref_slice %arg6[%add3A_1371] : memref<49152xi32, #tpu.memory_space<vmem>> -> memref<128xi32, #tpu.memory_space<vmem>>
        %dma_wait3A_2514 = arith.constant 0 : i32
        %dma_wait3A_2515 = tpu.memref_slice %arg5[%dma_wait3A_2514] : memref<786560xf32, #tpu.memory_space<vmem_shared>> -> memref<786560xf32, #tpu.memory_space<vmem_shared>>
        tpu.wait_indirect_dma semaphore(%arg9 : memref<!tpu.dma_semaphore, #tpu.memory_space<semaphore_mem>>) src(%dma_wait3A_2515 : memref<786560xf32, #tpu.memory_space<vmem_shared>>) dst(%dma_wait3A_2512 : memref<128xf32, #tpu.memory_space<vmem>>)
        %dma_wait3A_2516 = arith.constant 18816 : i32
        %dma_wait3A_2517 = tpu.memref_slice %arg7[%dma_wait3A_2516] : memref<24576xf32, #tpu.memory_space<vmem>> -> memref<128xf32, #tpu.memory_space<vmem>>
        %dma_wait3A_2518 = tpu.memref_slice %arg6[%add3A_1380] : memref<49152xi32, #tpu.memory_space<vmem>> -> memref<128xi32, #tpu.memory_space<vmem>>
        %dma_wait3A_2519 = arith.constant 0 : i32
        %dma_wait3A_2520 = tpu.memref_slice %arg5[%dma_wait3A_2519] : memref<786560xf32, #tpu.memory_space<vmem_shared>> -> memref<786560xf32, #tpu.memory_space<vmem_shared>>
        tpu.wait_indirect_dma semaphore(%arg9 : memref<!tpu.dma_semaphore, #tpu.memory_space<semaphore_mem>>) src(%dma_wait3A_2520 : memref<786560xf32, #tpu.memory_space<vmem_shared>>) dst(%dma_wait3A_2517 : memref<128xf32, #tpu.memory_space<vmem>>)
        %dma_wait3A_2521 = arith.constant 18944 : i32
        %dma_wait3A_2522 = tpu.memref_slice %arg7[%dma_wait3A_2521] : memref<24576xf32, #tpu.memory_space<vmem>> -> memref<128xf32, #tpu.memory_space<vmem>>
        %dma_wait3A_2523 = tpu.memref_slice %arg6[%add3A_1389] : memref<49152xi32, #tpu.memory_space<vmem>> -> memref<128xi32, #tpu.memory_space<vmem>>
        %dma_wait3A_2524 = arith.constant 0 : i32
        %dma_wait3A_2525 = tpu.memref_slice %arg5[%dma_wait3A_2524] : memref<786560xf32, #tpu.memory_space<vmem_shared>> -> memref<786560xf32, #tpu.memory_space<vmem_shared>>
        tpu.wait_indirect_dma semaphore(%arg9 : memref<!tpu.dma_semaphore, #tpu.memory_space<semaphore_mem>>) src(%dma_wait3A_2525 : memref<786560xf32, #tpu.memory_space<vmem_shared>>) dst(%dma_wait3A_2522 : memref<128xf32, #tpu.memory_space<vmem>>)
        %dma_wait3A_2526 = arith.constant 19072 : i32
        %dma_wait3A_2527 = tpu.memref_slice %arg7[%dma_wait3A_2526] : memref<24576xf32, #tpu.memory_space<vmem>> -> memref<128xf32, #tpu.memory_space<vmem>>
        %dma_wait3A_2528 = tpu.memref_slice %arg6[%add3A_1398] : memref<49152xi32, #tpu.memory_space<vmem>> -> memref<128xi32, #tpu.memory_space<vmem>>
        %dma_wait3A_2529 = arith.constant 0 : i32
        %dma_wait3A_2530 = tpu.memref_slice %arg5[%dma_wait3A_2529] : memref<786560xf32, #tpu.memory_space<vmem_shared>> -> memref<786560xf32, #tpu.memory_space<vmem_shared>>
        tpu.wait_indirect_dma semaphore(%arg9 : memref<!tpu.dma_semaphore, #tpu.memory_space<semaphore_mem>>) src(%dma_wait3A_2530 : memref<786560xf32, #tpu.memory_space<vmem_shared>>) dst(%dma_wait3A_2527 : memref<128xf32, #tpu.memory_space<vmem>>)
        %dma_wait3A_2531 = arith.constant 19200 : i32
        %dma_wait3A_2532 = tpu.memref_slice %arg7[%dma_wait3A_2531] : memref<24576xf32, #tpu.memory_space<vmem>> -> memref<128xf32, #tpu.memory_space<vmem>>
        %dma_wait3A_2533 = tpu.memref_slice %arg6[%add3A_1407] : memref<49152xi32, #tpu.memory_space<vmem>> -> memref<128xi32, #tpu.memory_space<vmem>>
        %dma_wait3A_2534 = arith.constant 0 : i32
        %dma_wait3A_2535 = tpu.memref_slice %arg5[%dma_wait3A_2534] : memref<786560xf32, #tpu.memory_space<vmem_shared>> -> memref<786560xf32, #tpu.memory_space<vmem_shared>>
        tpu.wait_indirect_dma semaphore(%arg9 : memref<!tpu.dma_semaphore, #tpu.memory_space<semaphore_mem>>) src(%dma_wait3A_2535 : memref<786560xf32, #tpu.memory_space<vmem_shared>>) dst(%dma_wait3A_2532 : memref<128xf32, #tpu.memory_space<vmem>>)
        %dma_wait3A_2536 = arith.constant 19328 : i32
        %dma_wait3A_2537 = tpu.memref_slice %arg7[%dma_wait3A_2536] : memref<24576xf32, #tpu.memory_space<vmem>> -> memref<128xf32, #tpu.memory_space<vmem>>
        %dma_wait3A_2538 = tpu.memref_slice %arg6[%add3A_1416] : memref<49152xi32, #tpu.memory_space<vmem>> -> memref<128xi32, #tpu.memory_space<vmem>>
        %dma_wait3A_2539 = arith.constant 0 : i32
        %dma_wait3A_2540 = tpu.memref_slice %arg5[%dma_wait3A_2539] : memref<786560xf32, #tpu.memory_space<vmem_shared>> -> memref<786560xf32, #tpu.memory_space<vmem_shared>>
        tpu.wait_indirect_dma semaphore(%arg9 : memref<!tpu.dma_semaphore, #tpu.memory_space<semaphore_mem>>) src(%dma_wait3A_2540 : memref<786560xf32, #tpu.memory_space<vmem_shared>>) dst(%dma_wait3A_2537 : memref<128xf32, #tpu.memory_space<vmem>>)
        %dma_wait3A_2541 = arith.constant 19456 : i32
        %dma_wait3A_2542 = tpu.memref_slice %arg7[%dma_wait3A_2541] : memref<24576xf32, #tpu.memory_space<vmem>> -> memref<128xf32, #tpu.memory_space<vmem>>
        %dma_wait3A_2543 = tpu.memref_slice %arg6[%add3A_1425] : memref<49152xi32, #tpu.memory_space<vmem>> -> memref<128xi32, #tpu.memory_space<vmem>>
        %dma_wait3A_2544 = arith.constant 0 : i32
        %dma_wait3A_2545 = tpu.memref_slice %arg5[%dma_wait3A_2544] : memref<786560xf32, #tpu.memory_space<vmem_shared>> -> memref<786560xf32, #tpu.memory_space<vmem_shared>>
        tpu.wait_indirect_dma semaphore(%arg9 : memref<!tpu.dma_semaphore, #tpu.memory_space<semaphore_mem>>) src(%dma_wait3A_2545 : memref<786560xf32, #tpu.memory_space<vmem_shared>>) dst(%dma_wait3A_2542 : memref<128xf32, #tpu.memory_space<vmem>>)
        %dma_wait3A_2546 = arith.constant 19584 : i32
        %dma_wait3A_2547 = tpu.memref_slice %arg7[%dma_wait3A_2546] : memref<24576xf32, #tpu.memory_space<vmem>> -> memref<128xf32, #tpu.memory_space<vmem>>
        %dma_wait3A_2548 = tpu.memref_slice %arg6[%add3A_1434] : memref<49152xi32, #tpu.memory_space<vmem>> -> memref<128xi32, #tpu.memory_space<vmem>>
        %dma_wait3A_2549 = arith.constant 0 : i32
        %dma_wait3A_2550 = tpu.memref_slice %arg5[%dma_wait3A_2549] : memref<786560xf32, #tpu.memory_space<vmem_shared>> -> memref<786560xf32, #tpu.memory_space<vmem_shared>>
        tpu.wait_indirect_dma semaphore(%arg9 : memref<!tpu.dma_semaphore, #tpu.memory_space<semaphore_mem>>) src(%dma_wait3A_2550 : memref<786560xf32, #tpu.memory_space<vmem_shared>>) dst(%dma_wait3A_2547 : memref<128xf32, #tpu.memory_space<vmem>>)
        %dma_wait3A_2551 = arith.constant 19712 : i32
        %dma_wait3A_2552 = tpu.memref_slice %arg7[%dma_wait3A_2551] : memref<24576xf32, #tpu.memory_space<vmem>> -> memref<128xf32, #tpu.memory_space<vmem>>
        %dma_wait3A_2553 = tpu.memref_slice %arg6[%add3A_1443] : memref<49152xi32, #tpu.memory_space<vmem>> -> memref<128xi32, #tpu.memory_space<vmem>>
        %dma_wait3A_2554 = arith.constant 0 : i32
        %dma_wait3A_2555 = tpu.memref_slice %arg5[%dma_wait3A_2554] : memref<786560xf32, #tpu.memory_space<vmem_shared>> -> memref<786560xf32, #tpu.memory_space<vmem_shared>>
        tpu.wait_indirect_dma semaphore(%arg9 : memref<!tpu.dma_semaphore, #tpu.memory_space<semaphore_mem>>) src(%dma_wait3A_2555 : memref<786560xf32, #tpu.memory_space<vmem_shared>>) dst(%dma_wait3A_2552 : memref<128xf32, #tpu.memory_space<vmem>>)
        %dma_wait3A_2556 = arith.constant 19840 : i32
        %dma_wait3A_2557 = tpu.memref_slice %arg7[%dma_wait3A_2556] : memref<24576xf32, #tpu.memory_space<vmem>> -> memref<128xf32, #tpu.memory_space<vmem>>
        %dma_wait3A_2558 = tpu.memref_slice %arg6[%add3A_1452] : memref<49152xi32, #tpu.memory_space<vmem>> -> memref<128xi32, #tpu.memory_space<vmem>>
        %dma_wait3A_2559 = arith.constant 0 : i32
        %dma_wait3A_2560 = tpu.memref_slice %arg5[%dma_wait3A_2559] : memref<786560xf32, #tpu.memory_space<vmem_shared>> -> memref<786560xf32, #tpu.memory_space<vmem_shared>>
        tpu.wait_indirect_dma semaphore(%arg9 : memref<!tpu.dma_semaphore, #tpu.memory_space<semaphore_mem>>) src(%dma_wait3A_2560 : memref<786560xf32, #tpu.memory_space<vmem_shared>>) dst(%dma_wait3A_2557 : memref<128xf32, #tpu.memory_space<vmem>>)
        %dma_wait3A_2561 = arith.constant 19968 : i32
        %dma_wait3A_2562 = tpu.memref_slice %arg7[%dma_wait3A_2561] : memref<24576xf32, #tpu.memory_space<vmem>> -> memref<128xf32, #tpu.memory_space<vmem>>
        %dma_wait3A_2563 = tpu.memref_slice %arg6[%add3A_1461] : memref<49152xi32, #tpu.memory_space<vmem>> -> memref<128xi32, #tpu.memory_space<vmem>>
        %dma_wait3A_2564 = arith.constant 0 : i32
        %dma_wait3A_2565 = tpu.memref_slice %arg5[%dma_wait3A_2564] : memref<786560xf32, #tpu.memory_space<vmem_shared>> -> memref<786560xf32, #tpu.memory_space<vmem_shared>>
        tpu.wait_indirect_dma semaphore(%arg9 : memref<!tpu.dma_semaphore, #tpu.memory_space<semaphore_mem>>) src(%dma_wait3A_2565 : memref<786560xf32, #tpu.memory_space<vmem_shared>>) dst(%dma_wait3A_2562 : memref<128xf32, #tpu.memory_space<vmem>>)
        %dma_wait3A_2566 = arith.constant 20096 : i32
        %dma_wait3A_2567 = tpu.memref_slice %arg7[%dma_wait3A_2566] : memref<24576xf32, #tpu.memory_space<vmem>> -> memref<128xf32, #tpu.memory_space<vmem>>
        %dma_wait3A_2568 = tpu.memref_slice %arg6[%add3A_1470] : memref<49152xi32, #tpu.memory_space<vmem>> -> memref<128xi32, #tpu.memory_space<vmem>>
        %dma_wait3A_2569 = arith.constant 0 : i32
        %dma_wait3A_2570 = tpu.memref_slice %arg5[%dma_wait3A_2569] : memref<786560xf32, #tpu.memory_space<vmem_shared>> -> memref<786560xf32, #tpu.memory_space<vmem_shared>>
        tpu.wait_indirect_dma semaphore(%arg9 : memref<!tpu.dma_semaphore, #tpu.memory_space<semaphore_mem>>) src(%dma_wait3A_2570 : memref<786560xf32, #tpu.memory_space<vmem_shared>>) dst(%dma_wait3A_2567 : memref<128xf32, #tpu.memory_space<vmem>>)
        %dma_wait3A_2571 = arith.constant 20224 : i32
        %dma_wait3A_2572 = tpu.memref_slice %arg7[%dma_wait3A_2571] : memref<24576xf32, #tpu.memory_space<vmem>> -> memref<128xf32, #tpu.memory_space<vmem>>
        %dma_wait3A_2573 = tpu.memref_slice %arg6[%add3A_1479] : memref<49152xi32, #tpu.memory_space<vmem>> -> memref<128xi32, #tpu.memory_space<vmem>>
        %dma_wait3A_2574 = arith.constant 0 : i32
        %dma_wait3A_2575 = tpu.memref_slice %arg5[%dma_wait3A_2574] : memref<786560xf32, #tpu.memory_space<vmem_shared>> -> memref<786560xf32, #tpu.memory_space<vmem_shared>>
        tpu.wait_indirect_dma semaphore(%arg9 : memref<!tpu.dma_semaphore, #tpu.memory_space<semaphore_mem>>) src(%dma_wait3A_2575 : memref<786560xf32, #tpu.memory_space<vmem_shared>>) dst(%dma_wait3A_2572 : memref<128xf32, #tpu.memory_space<vmem>>)
        %dma_wait3A_2576 = arith.constant 20352 : i32
        %dma_wait3A_2577 = tpu.memref_slice %arg7[%dma_wait3A_2576] : memref<24576xf32, #tpu.memory_space<vmem>> -> memref<128xf32, #tpu.memory_space<vmem>>
        %dma_wait3A_2578 = tpu.memref_slice %arg6[%add3A_1488] : memref<49152xi32, #tpu.memory_space<vmem>> -> memref<128xi32, #tpu.memory_space<vmem>>
        %dma_wait3A_2579 = arith.constant 0 : i32
        %dma_wait3A_2580 = tpu.memref_slice %arg5[%dma_wait3A_2579] : memref<786560xf32, #tpu.memory_space<vmem_shared>> -> memref<786560xf32, #tpu.memory_space<vmem_shared>>
        tpu.wait_indirect_dma semaphore(%arg9 : memref<!tpu.dma_semaphore, #tpu.memory_space<semaphore_mem>>) src(%dma_wait3A_2580 : memref<786560xf32, #tpu.memory_space<vmem_shared>>) dst(%dma_wait3A_2577 : memref<128xf32, #tpu.memory_space<vmem>>)
        %dma_wait3A_2581 = arith.constant 20480 : i32
        %dma_wait3A_2582 = tpu.memref_slice %arg7[%dma_wait3A_2581] : memref<24576xf32, #tpu.memory_space<vmem>> -> memref<128xf32, #tpu.memory_space<vmem>>
        %dma_wait3A_2583 = tpu.memref_slice %arg6[%add3A_1497] : memref<49152xi32, #tpu.memory_space<vmem>> -> memref<128xi32, #tpu.memory_space<vmem>>
        %dma_wait3A_2584 = arith.constant 0 : i32
        %dma_wait3A_2585 = tpu.memref_slice %arg5[%dma_wait3A_2584] : memref<786560xf32, #tpu.memory_space<vmem_shared>> -> memref<786560xf32, #tpu.memory_space<vmem_shared>>
        tpu.wait_indirect_dma semaphore(%arg9 : memref<!tpu.dma_semaphore, #tpu.memory_space<semaphore_mem>>) src(%dma_wait3A_2585 : memref<786560xf32, #tpu.memory_space<vmem_shared>>) dst(%dma_wait3A_2582 : memref<128xf32, #tpu.memory_space<vmem>>)
        %dma_wait3A_2586 = arith.constant 20608 : i32
        %dma_wait3A_2587 = tpu.memref_slice %arg7[%dma_wait3A_2586] : memref<24576xf32, #tpu.memory_space<vmem>> -> memref<128xf32, #tpu.memory_space<vmem>>
        %dma_wait3A_2588 = tpu.memref_slice %arg6[%add3A_1506] : memref<49152xi32, #tpu.memory_space<vmem>> -> memref<128xi32, #tpu.memory_space<vmem>>
        %dma_wait3A_2589 = arith.constant 0 : i32
        %dma_wait3A_2590 = tpu.memref_slice %arg5[%dma_wait3A_2589] : memref<786560xf32, #tpu.memory_space<vmem_shared>> -> memref<786560xf32, #tpu.memory_space<vmem_shared>>
        tpu.wait_indirect_dma semaphore(%arg9 : memref<!tpu.dma_semaphore, #tpu.memory_space<semaphore_mem>>) src(%dma_wait3A_2590 : memref<786560xf32, #tpu.memory_space<vmem_shared>>) dst(%dma_wait3A_2587 : memref<128xf32, #tpu.memory_space<vmem>>)
        %dma_wait3A_2591 = arith.constant 20736 : i32
        %dma_wait3A_2592 = tpu.memref_slice %arg7[%dma_wait3A_2591] : memref<24576xf32, #tpu.memory_space<vmem>> -> memref<128xf32, #tpu.memory_space<vmem>>
        %dma_wait3A_2593 = tpu.memref_slice %arg6[%add3A_1515] : memref<49152xi32, #tpu.memory_space<vmem>> -> memref<128xi32, #tpu.memory_space<vmem>>
        %dma_wait3A_2594 = arith.constant 0 : i32
        %dma_wait3A_2595 = tpu.memref_slice %arg5[%dma_wait3A_2594] : memref<786560xf32, #tpu.memory_space<vmem_shared>> -> memref<786560xf32, #tpu.memory_space<vmem_shared>>
        tpu.wait_indirect_dma semaphore(%arg9 : memref<!tpu.dma_semaphore, #tpu.memory_space<semaphore_mem>>) src(%dma_wait3A_2595 : memref<786560xf32, #tpu.memory_space<vmem_shared>>) dst(%dma_wait3A_2592 : memref<128xf32, #tpu.memory_space<vmem>>)
        %dma_wait3A_2596 = arith.constant 20864 : i32
        %dma_wait3A_2597 = tpu.memref_slice %arg7[%dma_wait3A_2596] : memref<24576xf32, #tpu.memory_space<vmem>> -> memref<128xf32, #tpu.memory_space<vmem>>
        %dma_wait3A_2598 = tpu.memref_slice %arg6[%add3A_1524] : memref<49152xi32, #tpu.memory_space<vmem>> -> memref<128xi32, #tpu.memory_space<vmem>>
        %dma_wait3A_2599 = arith.constant 0 : i32
        %dma_wait3A_2600 = tpu.memref_slice %arg5[%dma_wait3A_2599] : memref<786560xf32, #tpu.memory_space<vmem_shared>> -> memref<786560xf32, #tpu.memory_space<vmem_shared>>
        tpu.wait_indirect_dma semaphore(%arg9 : memref<!tpu.dma_semaphore, #tpu.memory_space<semaphore_mem>>) src(%dma_wait3A_2600 : memref<786560xf32, #tpu.memory_space<vmem_shared>>) dst(%dma_wait3A_2597 : memref<128xf32, #tpu.memory_space<vmem>>)
        %dma_wait3A_2601 = arith.constant 20992 : i32
        %dma_wait3A_2602 = tpu.memref_slice %arg7[%dma_wait3A_2601] : memref<24576xf32, #tpu.memory_space<vmem>> -> memref<128xf32, #tpu.memory_space<vmem>>
        %dma_wait3A_2603 = tpu.memref_slice %arg6[%add3A_1533] : memref<49152xi32, #tpu.memory_space<vmem>> -> memref<128xi32, #tpu.memory_space<vmem>>
        %dma_wait3A_2604 = arith.constant 0 : i32
        %dma_wait3A_2605 = tpu.memref_slice %arg5[%dma_wait3A_2604] : memref<786560xf32, #tpu.memory_space<vmem_shared>> -> memref<786560xf32, #tpu.memory_space<vmem_shared>>
        tpu.wait_indirect_dma semaphore(%arg9 : memref<!tpu.dma_semaphore, #tpu.memory_space<semaphore_mem>>) src(%dma_wait3A_2605 : memref<786560xf32, #tpu.memory_space<vmem_shared>>) dst(%dma_wait3A_2602 : memref<128xf32, #tpu.memory_space<vmem>>)
        %dma_wait3A_2606 = arith.constant 21120 : i32
        %dma_wait3A_2607 = tpu.memref_slice %arg7[%dma_wait3A_2606] : memref<24576xf32, #tpu.memory_space<vmem>> -> memref<128xf32, #tpu.memory_space<vmem>>
        %dma_wait3A_2608 = tpu.memref_slice %arg6[%add3A_1542] : memref<49152xi32, #tpu.memory_space<vmem>> -> memref<128xi32, #tpu.memory_space<vmem>>
        %dma_wait3A_2609 = arith.constant 0 : i32
        %dma_wait3A_2610 = tpu.memref_slice %arg5[%dma_wait3A_2609] : memref<786560xf32, #tpu.memory_space<vmem_shared>> -> memref<786560xf32, #tpu.memory_space<vmem_shared>>
        tpu.wait_indirect_dma semaphore(%arg9 : memref<!tpu.dma_semaphore, #tpu.memory_space<semaphore_mem>>) src(%dma_wait3A_2610 : memref<786560xf32, #tpu.memory_space<vmem_shared>>) dst(%dma_wait3A_2607 : memref<128xf32, #tpu.memory_space<vmem>>)
        %dma_wait3A_2611 = arith.constant 21248 : i32
        %dma_wait3A_2612 = tpu.memref_slice %arg7[%dma_wait3A_2611] : memref<24576xf32, #tpu.memory_space<vmem>> -> memref<128xf32, #tpu.memory_space<vmem>>
        %dma_wait3A_2613 = tpu.memref_slice %arg6[%add3A_1551] : memref<49152xi32, #tpu.memory_space<vmem>> -> memref<128xi32, #tpu.memory_space<vmem>>
        %dma_wait3A_2614 = arith.constant 0 : i32
        %dma_wait3A_2615 = tpu.memref_slice %arg5[%dma_wait3A_2614] : memref<786560xf32, #tpu.memory_space<vmem_shared>> -> memref<786560xf32, #tpu.memory_space<vmem_shared>>
        tpu.wait_indirect_dma semaphore(%arg9 : memref<!tpu.dma_semaphore, #tpu.memory_space<semaphore_mem>>) src(%dma_wait3A_2615 : memref<786560xf32, #tpu.memory_space<vmem_shared>>) dst(%dma_wait3A_2612 : memref<128xf32, #tpu.memory_space<vmem>>)
        %dma_wait3A_2616 = arith.constant 21376 : i32
        %dma_wait3A_2617 = tpu.memref_slice %arg7[%dma_wait3A_2616] : memref<24576xf32, #tpu.memory_space<vmem>> -> memref<128xf32, #tpu.memory_space<vmem>>
        %dma_wait3A_2618 = tpu.memref_slice %arg6[%add3A_1560] : memref<49152xi32, #tpu.memory_space<vmem>> -> memref<128xi32, #tpu.memory_space<vmem>>
        %dma_wait3A_2619 = arith.constant 0 : i32
        %dma_wait3A_2620 = tpu.memref_slice %arg5[%dma_wait3A_2619] : memref<786560xf32, #tpu.memory_space<vmem_shared>> -> memref<786560xf32, #tpu.memory_space<vmem_shared>>
        tpu.wait_indirect_dma semaphore(%arg9 : memref<!tpu.dma_semaphore, #tpu.memory_space<semaphore_mem>>) src(%dma_wait3A_2620 : memref<786560xf32, #tpu.memory_space<vmem_shared>>) dst(%dma_wait3A_2617 : memref<128xf32, #tpu.memory_space<vmem>>)
        %dma_wait3A_2621 = arith.constant 21504 : i32
        %dma_wait3A_2622 = tpu.memref_slice %arg7[%dma_wait3A_2621] : memref<24576xf32, #tpu.memory_space<vmem>> -> memref<128xf32, #tpu.memory_space<vmem>>
        %dma_wait3A_2623 = tpu.memref_slice %arg6[%add3A_1569] : memref<49152xi32, #tpu.memory_space<vmem>> -> memref<128xi32, #tpu.memory_space<vmem>>
        %dma_wait3A_2624 = arith.constant 0 : i32
        %dma_wait3A_2625 = tpu.memref_slice %arg5[%dma_wait3A_2624] : memref<786560xf32, #tpu.memory_space<vmem_shared>> -> memref<786560xf32, #tpu.memory_space<vmem_shared>>
        tpu.wait_indirect_dma semaphore(%arg9 : memref<!tpu.dma_semaphore, #tpu.memory_space<semaphore_mem>>) src(%dma_wait3A_2625 : memref<786560xf32, #tpu.memory_space<vmem_shared>>) dst(%dma_wait3A_2622 : memref<128xf32, #tpu.memory_space<vmem>>)
        %dma_wait3A_2626 = arith.constant 21632 : i32
        %dma_wait3A_2627 = tpu.memref_slice %arg7[%dma_wait3A_2626] : memref<24576xf32, #tpu.memory_space<vmem>> -> memref<128xf32, #tpu.memory_space<vmem>>
        %dma_wait3A_2628 = tpu.memref_slice %arg6[%add3A_1578] : memref<49152xi32, #tpu.memory_space<vmem>> -> memref<128xi32, #tpu.memory_space<vmem>>
        %dma_wait3A_2629 = arith.constant 0 : i32
        %dma_wait3A_2630 = tpu.memref_slice %arg5[%dma_wait3A_2629] : memref<786560xf32, #tpu.memory_space<vmem_shared>> -> memref<786560xf32, #tpu.memory_space<vmem_shared>>
        tpu.wait_indirect_dma semaphore(%arg9 : memref<!tpu.dma_semaphore, #tpu.memory_space<semaphore_mem>>) src(%dma_wait3A_2630 : memref<786560xf32, #tpu.memory_space<vmem_shared>>) dst(%dma_wait3A_2627 : memref<128xf32, #tpu.memory_space<vmem>>)
        %dma_wait3A_2631 = arith.constant 21760 : i32
        %dma_wait3A_2632 = tpu.memref_slice %arg7[%dma_wait3A_2631] : memref<24576xf32, #tpu.memory_space<vmem>> -> memref<128xf32, #tpu.memory_space<vmem>>
        %dma_wait3A_2633 = tpu.memref_slice %arg6[%add3A_1587] : memref<49152xi32, #tpu.memory_space<vmem>> -> memref<128xi32, #tpu.memory_space<vmem>>
        %dma_wait3A_2634 = arith.constant 0 : i32
        %dma_wait3A_2635 = tpu.memref_slice %arg5[%dma_wait3A_2634] : memref<786560xf32, #tpu.memory_space<vmem_shared>> -> memref<786560xf32, #tpu.memory_space<vmem_shared>>
        tpu.wait_indirect_dma semaphore(%arg9 : memref<!tpu.dma_semaphore, #tpu.memory_space<semaphore_mem>>) src(%dma_wait3A_2635 : memref<786560xf32, #tpu.memory_space<vmem_shared>>) dst(%dma_wait3A_2632 : memref<128xf32, #tpu.memory_space<vmem>>)
        %dma_wait3A_2636 = arith.constant 21888 : i32
        %dma_wait3A_2637 = tpu.memref_slice %arg7[%dma_wait3A_2636] : memref<24576xf32, #tpu.memory_space<vmem>> -> memref<128xf32, #tpu.memory_space<vmem>>
        %dma_wait3A_2638 = tpu.memref_slice %arg6[%add3A_1596] : memref<49152xi32, #tpu.memory_space<vmem>> -> memref<128xi32, #tpu.memory_space<vmem>>
        %dma_wait3A_2639 = arith.constant 0 : i32
        %dma_wait3A_2640 = tpu.memref_slice %arg5[%dma_wait3A_2639] : memref<786560xf32, #tpu.memory_space<vmem_shared>> -> memref<786560xf32, #tpu.memory_space<vmem_shared>>
        tpu.wait_indirect_dma semaphore(%arg9 : memref<!tpu.dma_semaphore, #tpu.memory_space<semaphore_mem>>) src(%dma_wait3A_2640 : memref<786560xf32, #tpu.memory_space<vmem_shared>>) dst(%dma_wait3A_2637 : memref<128xf32, #tpu.memory_space<vmem>>)
        %dma_wait3A_2641 = arith.constant 22016 : i32
        %dma_wait3A_2642 = tpu.memref_slice %arg7[%dma_wait3A_2641] : memref<24576xf32, #tpu.memory_space<vmem>> -> memref<128xf32, #tpu.memory_space<vmem>>
        %dma_wait3A_2643 = tpu.memref_slice %arg6[%add3A_1605] : memref<49152xi32, #tpu.memory_space<vmem>> -> memref<128xi32, #tpu.memory_space<vmem>>
        %dma_wait3A_2644 = arith.constant 0 : i32
        %dma_wait3A_2645 = tpu.memref_slice %arg5[%dma_wait3A_2644] : memref<786560xf32, #tpu.memory_space<vmem_shared>> -> memref<786560xf32, #tpu.memory_space<vmem_shared>>
        tpu.wait_indirect_dma semaphore(%arg9 : memref<!tpu.dma_semaphore, #tpu.memory_space<semaphore_mem>>) src(%dma_wait3A_2645 : memref<786560xf32, #tpu.memory_space<vmem_shared>>) dst(%dma_wait3A_2642 : memref<128xf32, #tpu.memory_space<vmem>>)
        %dma_wait3A_2646 = arith.constant 22144 : i32
        %dma_wait3A_2647 = tpu.memref_slice %arg7[%dma_wait3A_2646] : memref<24576xf32, #tpu.memory_space<vmem>> -> memref<128xf32, #tpu.memory_space<vmem>>
        %dma_wait3A_2648 = tpu.memref_slice %arg6[%add3A_1614] : memref<49152xi32, #tpu.memory_space<vmem>> -> memref<128xi32, #tpu.memory_space<vmem>>
        %dma_wait3A_2649 = arith.constant 0 : i32
        %dma_wait3A_2650 = tpu.memref_slice %arg5[%dma_wait3A_2649] : memref<786560xf32, #tpu.memory_space<vmem_shared>> -> memref<786560xf32, #tpu.memory_space<vmem_shared>>
        tpu.wait_indirect_dma semaphore(%arg9 : memref<!tpu.dma_semaphore, #tpu.memory_space<semaphore_mem>>) src(%dma_wait3A_2650 : memref<786560xf32, #tpu.memory_space<vmem_shared>>) dst(%dma_wait3A_2647 : memref<128xf32, #tpu.memory_space<vmem>>)
        %dma_wait3A_2651 = arith.constant 22272 : i32
        %dma_wait3A_2652 = tpu.memref_slice %arg7[%dma_wait3A_2651] : memref<24576xf32, #tpu.memory_space<vmem>> -> memref<128xf32, #tpu.memory_space<vmem>>
        %dma_wait3A_2653 = tpu.memref_slice %arg6[%add3A_1623] : memref<49152xi32, #tpu.memory_space<vmem>> -> memref<128xi32, #tpu.memory_space<vmem>>
        %dma_wait3A_2654 = arith.constant 0 : i32
        %dma_wait3A_2655 = tpu.memref_slice %arg5[%dma_wait3A_2654] : memref<786560xf32, #tpu.memory_space<vmem_shared>> -> memref<786560xf32, #tpu.memory_space<vmem_shared>>
        tpu.wait_indirect_dma semaphore(%arg9 : memref<!tpu.dma_semaphore, #tpu.memory_space<semaphore_mem>>) src(%dma_wait3A_2655 : memref<786560xf32, #tpu.memory_space<vmem_shared>>) dst(%dma_wait3A_2652 : memref<128xf32, #tpu.memory_space<vmem>>)
        %dma_wait3A_2656 = arith.constant 22400 : i32
        %dma_wait3A_2657 = tpu.memref_slice %arg7[%dma_wait3A_2656] : memref<24576xf32, #tpu.memory_space<vmem>> -> memref<128xf32, #tpu.memory_space<vmem>>
        %dma_wait3A_2658 = tpu.memref_slice %arg6[%add3A_1632] : memref<49152xi32, #tpu.memory_space<vmem>> -> memref<128xi32, #tpu.memory_space<vmem>>
        %dma_wait3A_2659 = arith.constant 0 : i32
        %dma_wait3A_2660 = tpu.memref_slice %arg5[%dma_wait3A_2659] : memref<786560xf32, #tpu.memory_space<vmem_shared>> -> memref<786560xf32, #tpu.memory_space<vmem_shared>>
        tpu.wait_indirect_dma semaphore(%arg9 : memref<!tpu.dma_semaphore, #tpu.memory_space<semaphore_mem>>) src(%dma_wait3A_2660 : memref<786560xf32, #tpu.memory_space<vmem_shared>>) dst(%dma_wait3A_2657 : memref<128xf32, #tpu.memory_space<vmem>>)
        %dma_wait3A_2661 = arith.constant 22528 : i32
        %dma_wait3A_2662 = tpu.memref_slice %arg7[%dma_wait3A_2661] : memref<24576xf32, #tpu.memory_space<vmem>> -> memref<128xf32, #tpu.memory_space<vmem>>
        %dma_wait3A_2663 = tpu.memref_slice %arg6[%add3A_1641] : memref<49152xi32, #tpu.memory_space<vmem>> -> memref<128xi32, #tpu.memory_space<vmem>>
        %dma_wait3A_2664 = arith.constant 0 : i32
        %dma_wait3A_2665 = tpu.memref_slice %arg5[%dma_wait3A_2664] : memref<786560xf32, #tpu.memory_space<vmem_shared>> -> memref<786560xf32, #tpu.memory_space<vmem_shared>>
        tpu.wait_indirect_dma semaphore(%arg9 : memref<!tpu.dma_semaphore, #tpu.memory_space<semaphore_mem>>) src(%dma_wait3A_2665 : memref<786560xf32, #tpu.memory_space<vmem_shared>>) dst(%dma_wait3A_2662 : memref<128xf32, #tpu.memory_space<vmem>>)
        %dma_wait3A_2666 = arith.constant 22656 : i32
        %dma_wait3A_2667 = tpu.memref_slice %arg7[%dma_wait3A_2666] : memref<24576xf32, #tpu.memory_space<vmem>> -> memref<128xf32, #tpu.memory_space<vmem>>
        %dma_wait3A_2668 = tpu.memref_slice %arg6[%add3A_1650] : memref<49152xi32, #tpu.memory_space<vmem>> -> memref<128xi32, #tpu.memory_space<vmem>>
        %dma_wait3A_2669 = arith.constant 0 : i32
        %dma_wait3A_2670 = tpu.memref_slice %arg5[%dma_wait3A_2669] : memref<786560xf32, #tpu.memory_space<vmem_shared>> -> memref<786560xf32, #tpu.memory_space<vmem_shared>>
        tpu.wait_indirect_dma semaphore(%arg9 : memref<!tpu.dma_semaphore, #tpu.memory_space<semaphore_mem>>) src(%dma_wait3A_2670 : memref<786560xf32, #tpu.memory_space<vmem_shared>>) dst(%dma_wait3A_2667 : memref<128xf32, #tpu.memory_space<vmem>>)
        %dma_wait3A_2671 = arith.constant 22784 : i32
        %dma_wait3A_2672 = tpu.memref_slice %arg7[%dma_wait3A_2671] : memref<24576xf32, #tpu.memory_space<vmem>> -> memref<128xf32, #tpu.memory_space<vmem>>
        %dma_wait3A_2673 = tpu.memref_slice %arg6[%add3A_1659] : memref<49152xi32, #tpu.memory_space<vmem>> -> memref<128xi32, #tpu.memory_space<vmem>>
        %dma_wait3A_2674 = arith.constant 0 : i32
        %dma_wait3A_2675 = tpu.memref_slice %arg5[%dma_wait3A_2674] : memref<786560xf32, #tpu.memory_space<vmem_shared>> -> memref<786560xf32, #tpu.memory_space<vmem_shared>>
        tpu.wait_indirect_dma semaphore(%arg9 : memref<!tpu.dma_semaphore, #tpu.memory_space<semaphore_mem>>) src(%dma_wait3A_2675 : memref<786560xf32, #tpu.memory_space<vmem_shared>>) dst(%dma_wait3A_2672 : memref<128xf32, #tpu.memory_space<vmem>>)
        %dma_wait3A_2676 = arith.constant 22912 : i32
        %dma_wait3A_2677 = tpu.memref_slice %arg7[%dma_wait3A_2676] : memref<24576xf32, #tpu.memory_space<vmem>> -> memref<128xf32, #tpu.memory_space<vmem>>
        %dma_wait3A_2678 = tpu.memref_slice %arg6[%add3A_1668] : memref<49152xi32, #tpu.memory_space<vmem>> -> memref<128xi32, #tpu.memory_space<vmem>>
        %dma_wait3A_2679 = arith.constant 0 : i32
        %dma_wait3A_2680 = tpu.memref_slice %arg5[%dma_wait3A_2679] : memref<786560xf32, #tpu.memory_space<vmem_shared>> -> memref<786560xf32, #tpu.memory_space<vmem_shared>>
        tpu.wait_indirect_dma semaphore(%arg9 : memref<!tpu.dma_semaphore, #tpu.memory_space<semaphore_mem>>) src(%dma_wait3A_2680 : memref<786560xf32, #tpu.memory_space<vmem_shared>>) dst(%dma_wait3A_2677 : memref<128xf32, #tpu.memory_space<vmem>>)
        %dma_wait3A_2681 = arith.constant 23040 : i32
        %dma_wait3A_2682 = tpu.memref_slice %arg7[%dma_wait3A_2681] : memref<24576xf32, #tpu.memory_space<vmem>> -> memref<128xf32, #tpu.memory_space<vmem>>
        %dma_wait3A_2683 = tpu.memref_slice %arg6[%add3A_1677] : memref<49152xi32, #tpu.memory_space<vmem>> -> memref<128xi32, #tpu.memory_space<vmem>>
        %dma_wait3A_2684 = arith.constant 0 : i32
        %dma_wait3A_2685 = tpu.memref_slice %arg5[%dma_wait3A_2684] : memref<786560xf32, #tpu.memory_space<vmem_shared>> -> memref<786560xf32, #tpu.memory_space<vmem_shared>>
        tpu.wait_indirect_dma semaphore(%arg9 : memref<!tpu.dma_semaphore, #tpu.memory_space<semaphore_mem>>) src(%dma_wait3A_2685 : memref<786560xf32, #tpu.memory_space<vmem_shared>>) dst(%dma_wait3A_2682 : memref<128xf32, #tpu.memory_space<vmem>>)
        %dma_wait3A_2686 = arith.constant 23168 : i32
        %dma_wait3A_2687 = tpu.memref_slice %arg7[%dma_wait3A_2686] : memref<24576xf32, #tpu.memory_space<vmem>> -> memref<128xf32, #tpu.memory_space<vmem>>
        %dma_wait3A_2688 = tpu.memref_slice %arg6[%add3A_1686] : memref<49152xi32, #tpu.memory_space<vmem>> -> memref<128xi32, #tpu.memory_space<vmem>>
        %dma_wait3A_2689 = arith.constant 0 : i32
        %dma_wait3A_2690 = tpu.memref_slice %arg5[%dma_wait3A_2689] : memref<786560xf32, #tpu.memory_space<vmem_shared>> -> memref<786560xf32, #tpu.memory_space<vmem_shared>>
        tpu.wait_indirect_dma semaphore(%arg9 : memref<!tpu.dma_semaphore, #tpu.memory_space<semaphore_mem>>) src(%dma_wait3A_2690 : memref<786560xf32, #tpu.memory_space<vmem_shared>>) dst(%dma_wait3A_2687 : memref<128xf32, #tpu.memory_space<vmem>>)
        %dma_wait3A_2691 = arith.constant 23296 : i32
        %dma_wait3A_2692 = tpu.memref_slice %arg7[%dma_wait3A_2691] : memref<24576xf32, #tpu.memory_space<vmem>> -> memref<128xf32, #tpu.memory_space<vmem>>
        %dma_wait3A_2693 = tpu.memref_slice %arg6[%add3A_1695] : memref<49152xi32, #tpu.memory_space<vmem>> -> memref<128xi32, #tpu.memory_space<vmem>>
        %dma_wait3A_2694 = arith.constant 0 : i32
        %dma_wait3A_2695 = tpu.memref_slice %arg5[%dma_wait3A_2694] : memref<786560xf32, #tpu.memory_space<vmem_shared>> -> memref<786560xf32, #tpu.memory_space<vmem_shared>>
        tpu.wait_indirect_dma semaphore(%arg9 : memref<!tpu.dma_semaphore, #tpu.memory_space<semaphore_mem>>) src(%dma_wait3A_2695 : memref<786560xf32, #tpu.memory_space<vmem_shared>>) dst(%dma_wait3A_2692 : memref<128xf32, #tpu.memory_space<vmem>>)
        %dma_wait3A_2696 = arith.constant 23424 : i32
        %dma_wait3A_2697 = tpu.memref_slice %arg7[%dma_wait3A_2696] : memref<24576xf32, #tpu.memory_space<vmem>> -> memref<128xf32, #tpu.memory_space<vmem>>
        %dma_wait3A_2698 = tpu.memref_slice %arg6[%add3A_1704] : memref<49152xi32, #tpu.memory_space<vmem>> -> memref<128xi32, #tpu.memory_space<vmem>>
        %dma_wait3A_2699 = arith.constant 0 : i32
        %dma_wait3A_2700 = tpu.memref_slice %arg5[%dma_wait3A_2699] : memref<786560xf32, #tpu.memory_space<vmem_shared>> -> memref<786560xf32, #tpu.memory_space<vmem_shared>>
        tpu.wait_indirect_dma semaphore(%arg9 : memref<!tpu.dma_semaphore, #tpu.memory_space<semaphore_mem>>) src(%dma_wait3A_2700 : memref<786560xf32, #tpu.memory_space<vmem_shared>>) dst(%dma_wait3A_2697 : memref<128xf32, #tpu.memory_space<vmem>>)
        %dma_wait3A_2701 = arith.constant 23552 : i32
        %dma_wait3A_2702 = tpu.memref_slice %arg7[%dma_wait3A_2701] : memref<24576xf32, #tpu.memory_space<vmem>> -> memref<128xf32, #tpu.memory_space<vmem>>
        %dma_wait3A_2703 = tpu.memref_slice %arg6[%add3A_1713] : memref<49152xi32, #tpu.memory_space<vmem>> -> memref<128xi32, #tpu.memory_space<vmem>>
        %dma_wait3A_2704 = arith.constant 0 : i32
        %dma_wait3A_2705 = tpu.memref_slice %arg5[%dma_wait3A_2704] : memref<786560xf32, #tpu.memory_space<vmem_shared>> -> memref<786560xf32, #tpu.memory_space<vmem_shared>>
        tpu.wait_indirect_dma semaphore(%arg9 : memref<!tpu.dma_semaphore, #tpu.memory_space<semaphore_mem>>) src(%dma_wait3A_2705 : memref<786560xf32, #tpu.memory_space<vmem_shared>>) dst(%dma_wait3A_2702 : memref<128xf32, #tpu.memory_space<vmem>>)
        %dma_wait3A_2706 = arith.constant 23680 : i32
        %dma_wait3A_2707 = tpu.memref_slice %arg7[%dma_wait3A_2706] : memref<24576xf32, #tpu.memory_space<vmem>> -> memref<128xf32, #tpu.memory_space<vmem>>
        %dma_wait3A_2708 = tpu.memref_slice %arg6[%add3A_1722] : memref<49152xi32, #tpu.memory_space<vmem>> -> memref<128xi32, #tpu.memory_space<vmem>>
        %dma_wait3A_2709 = arith.constant 0 : i32
        %dma_wait3A_2710 = tpu.memref_slice %arg5[%dma_wait3A_2709] : memref<786560xf32, #tpu.memory_space<vmem_shared>> -> memref<786560xf32, #tpu.memory_space<vmem_shared>>
        tpu.wait_indirect_dma semaphore(%arg9 : memref<!tpu.dma_semaphore, #tpu.memory_space<semaphore_mem>>) src(%dma_wait3A_2710 : memref<786560xf32, #tpu.memory_space<vmem_shared>>) dst(%dma_wait3A_2707 : memref<128xf32, #tpu.memory_space<vmem>>)
        %dma_wait3A_2711 = arith.constant 23808 : i32
        %dma_wait3A_2712 = tpu.memref_slice %arg7[%dma_wait3A_2711] : memref<24576xf32, #tpu.memory_space<vmem>> -> memref<128xf32, #tpu.memory_space<vmem>>
        %dma_wait3A_2713 = tpu.memref_slice %arg6[%add3A_1731] : memref<49152xi32, #tpu.memory_space<vmem>> -> memref<128xi32, #tpu.memory_space<vmem>>
        %dma_wait3A_2714 = arith.constant 0 : i32
        %dma_wait3A_2715 = tpu.memref_slice %arg5[%dma_wait3A_2714] : memref<786560xf32, #tpu.memory_space<vmem_shared>> -> memref<786560xf32, #tpu.memory_space<vmem_shared>>
        tpu.wait_indirect_dma semaphore(%arg9 : memref<!tpu.dma_semaphore, #tpu.memory_space<semaphore_mem>>) src(%dma_wait3A_2715 : memref<786560xf32, #tpu.memory_space<vmem_shared>>) dst(%dma_wait3A_2712 : memref<128xf32, #tpu.memory_space<vmem>>)
        %dma_wait3A_2716 = arith.constant 23936 : i32
        %dma_wait3A_2717 = tpu.memref_slice %arg7[%dma_wait3A_2716] : memref<24576xf32, #tpu.memory_space<vmem>> -> memref<128xf32, #tpu.memory_space<vmem>>
        %dma_wait3A_2718 = tpu.memref_slice %arg6[%add3A_1740] : memref<49152xi32, #tpu.memory_space<vmem>> -> memref<128xi32, #tpu.memory_space<vmem>>
        %dma_wait3A_2719 = arith.constant 0 : i32
        %dma_wait3A_2720 = tpu.memref_slice %arg5[%dma_wait3A_2719] : memref<786560xf32, #tpu.memory_space<vmem_shared>> -> memref<786560xf32, #tpu.memory_space<vmem_shared>>
        tpu.wait_indirect_dma semaphore(%arg9 : memref<!tpu.dma_semaphore, #tpu.memory_space<semaphore_mem>>) src(%dma_wait3A_2720 : memref<786560xf32, #tpu.memory_space<vmem_shared>>) dst(%dma_wait3A_2717 : memref<128xf32, #tpu.memory_space<vmem>>)
        %dma_wait3A_2721 = arith.constant 24064 : i32
        %dma_wait3A_2722 = tpu.memref_slice %arg7[%dma_wait3A_2721] : memref<24576xf32, #tpu.memory_space<vmem>> -> memref<128xf32, #tpu.memory_space<vmem>>
        %dma_wait3A_2723 = tpu.memref_slice %arg6[%add3A_1749] : memref<49152xi32, #tpu.memory_space<vmem>> -> memref<128xi32, #tpu.memory_space<vmem>>
        %dma_wait3A_2724 = arith.constant 0 : i32
        %dma_wait3A_2725 = tpu.memref_slice %arg5[%dma_wait3A_2724] : memref<786560xf32, #tpu.memory_space<vmem_shared>> -> memref<786560xf32, #tpu.memory_space<vmem_shared>>
        tpu.wait_indirect_dma semaphore(%arg9 : memref<!tpu.dma_semaphore, #tpu.memory_space<semaphore_mem>>) src(%dma_wait3A_2725 : memref<786560xf32, #tpu.memory_space<vmem_shared>>) dst(%dma_wait3A_2722 : memref<128xf32, #tpu.memory_space<vmem>>)
        %dma_wait3A_2726 = arith.constant 24192 : i32
        %dma_wait3A_2727 = tpu.memref_slice %arg7[%dma_wait3A_2726] : memref<24576xf32, #tpu.memory_space<vmem>> -> memref<128xf32, #tpu.memory_space<vmem>>
        %dma_wait3A_2728 = tpu.memref_slice %arg6[%add3A_1758] : memref<49152xi32, #tpu.memory_space<vmem>> -> memref<128xi32, #tpu.memory_space<vmem>>
        %dma_wait3A_2729 = arith.constant 0 : i32
        %dma_wait3A_2730 = tpu.memref_slice %arg5[%dma_wait3A_2729] : memref<786560xf32, #tpu.memory_space<vmem_shared>> -> memref<786560xf32, #tpu.memory_space<vmem_shared>>
        tpu.wait_indirect_dma semaphore(%arg9 : memref<!tpu.dma_semaphore, #tpu.memory_space<semaphore_mem>>) src(%dma_wait3A_2730 : memref<786560xf32, #tpu.memory_space<vmem_shared>>) dst(%dma_wait3A_2727 : memref<128xf32, #tpu.memory_space<vmem>>)
        %dma_wait3A_2731 = arith.constant 24320 : i32
        %dma_wait3A_2732 = tpu.memref_slice %arg7[%dma_wait3A_2731] : memref<24576xf32, #tpu.memory_space<vmem>> -> memref<128xf32, #tpu.memory_space<vmem>>
        %dma_wait3A_2733 = tpu.memref_slice %arg6[%add3A_1767] : memref<49152xi32, #tpu.memory_space<vmem>> -> memref<128xi32, #tpu.memory_space<vmem>>
        %dma_wait3A_2734 = arith.constant 0 : i32
        %dma_wait3A_2735 = tpu.memref_slice %arg5[%dma_wait3A_2734] : memref<786560xf32, #tpu.memory_space<vmem_shared>> -> memref<786560xf32, #tpu.memory_space<vmem_shared>>
        tpu.wait_indirect_dma semaphore(%arg9 : memref<!tpu.dma_semaphore, #tpu.memory_space<semaphore_mem>>) src(%dma_wait3A_2735 : memref<786560xf32, #tpu.memory_space<vmem_shared>>) dst(%dma_wait3A_2732 : memref<128xf32, #tpu.memory_space<vmem>>)
        %dma_wait3A_2736 = arith.constant 24448 : i32
        %dma_wait3A_2737 = tpu.memref_slice %arg7[%dma_wait3A_2736] : memref<24576xf32, #tpu.memory_space<vmem>> -> memref<128xf32, #tpu.memory_space<vmem>>
        %dma_wait3A_2738 = tpu.memref_slice %arg6[%add3A_1776] : memref<49152xi32, #tpu.memory_space<vmem>> -> memref<128xi32, #tpu.memory_space<vmem>>
        %dma_wait3A_2739 = arith.constant 0 : i32
        %dma_wait3A_2740 = tpu.memref_slice %arg5[%dma_wait3A_2739] : memref<786560xf32, #tpu.memory_space<vmem_shared>> -> memref<786560xf32, #tpu.memory_space<vmem_shared>>
        tpu.wait_indirect_dma semaphore(%arg9 : memref<!tpu.dma_semaphore, #tpu.memory_space<semaphore_mem>>) src(%dma_wait3A_2740 : memref<786560xf32, #tpu.memory_space<vmem_shared>>) dst(%dma_wait3A_2737 : memref<128xf32, #tpu.memory_space<vmem>>)
        %mul3A_2741 = arith.constant 49152 : i32
        %mul3A_2742 = arith.muli %arg1, %mul3A_2741 : i32
        %mul3A_2743 = arith.constant 24576 : i32
        %mul3A_2744 = arith.muli %scan3A_54, %mul3A_2743 : i32
        %add3A_2745 = arith.addi %mul3A_2742, %mul3A_2744 : i32
        "tpu.region"() ({
          %run_scoped3A = tpu.sem_alloc : memref<!tpu.dma_semaphore, #tpu.memory_space<semaphore_mem>>
          %dma_start3A_2746 = tpu.memref_slice %arg4[%select_n3A, %select_n3A_41, %add3A_2745] : memref<4x16x786432xf32, #tpu.memory_space<hbm>> -> memref<1x1x24576xf32, #tpu.memory_space<hbm>>
          %dma_start3A_2747 = tpu.memref_squeeze %dma_start3A_2746 : memref<1x1x24576xf32, #tpu.memory_space<hbm>> -> memref<24576xf32, #tpu.memory_space<hbm>>
          %dma_start3A_2748 = tpu.memref_slice %arg4[%select_n3A, %select_n3A_41, %add3A_2745] : memref<4x16x786432xf32, #tpu.memory_space<hbm>> -> memref<1x1x24576xf32, #tpu.memory_space<hbm>>
          %dma_start3A_2749 = tpu.memref_squeeze %dma_start3A_2748 : memref<1x1x24576xf32, #tpu.memory_space<hbm>> -> memref<24576xf32, #tpu.memory_space<hbm>>
          tpu.enqueue_dma source(%arg7 : memref<24576xf32, #tpu.memory_space<vmem>>) target(%dma_start3A_2749 : memref<24576xf32, #tpu.memory_space<hbm>>) target_semaphore(%run_scoped3A : memref<!tpu.dma_semaphore, #tpu.memory_space<semaphore_mem>>)
          %dma_wait3A_2750 = tpu.memref_slice %arg4[%select_n3A, %select_n3A_41, %add3A_2745] : memref<4x16x786432xf32, #tpu.memory_space<hbm>> -> memref<1x1x24576xf32, #tpu.memory_space<hbm>>
          %dma_wait3A_2751 = tpu.memref_squeeze %dma_wait3A_2750 : memref<1x1x24576xf32, #tpu.memory_space<hbm>> -> memref<24576xf32, #tpu.memory_space<hbm>>
          %dma_wait3A_2752 = tpu.memref_slice %arg4[%select_n3A, %select_n3A_41, %add3A_2745] : memref<4x16x786432xf32, #tpu.memory_space<hbm>> -> memref<1x1x24576xf32, #tpu.memory_space<hbm>>
          %dma_wait3A_2753 = tpu.memref_squeeze %dma_wait3A_2752 : memref<1x1x24576xf32, #tpu.memory_space<hbm>> -> memref<24576xf32, #tpu.memory_space<hbm>>
          tpu.wait_dma2 semaphore(%run_scoped3A : memref<!tpu.dma_semaphore, #tpu.memory_space<semaphore_mem>>) src(%arg7 : memref<24576xf32, #tpu.memory_space<vmem>>) dst(%dma_wait3A_2753 : memref<24576xf32, #tpu.memory_space<hbm>>)
          tpu.yield
        }) : () -> ()
      }
      %scan3A_52 = arith.constant 2 : i32
      %barrier3A_53 = arith.constant 0 : index
      tpu.barrier barrier_id(%barrier3A_53)
    }
    %scan3A_7 = arith.constant 32 : i32
    return
  }
}

</mosaic_0001>

<sc_bundles>
// kernel: kernel.3.cloned.1.call-start
scs
__scs_entry_jumppad:
0x0: {  	(pc) =	sbr.rel $0x88, $3  }
0x1: {  	(tag) =	ssettag $0x0;
	lr =	simm.s32 $0x1  }
0x2: {  	[smem:$0x3F9F] =	sst lr;
	_ =	strace $0xD0000000  }
0x3: {  	_ = 	snop  }
0x4: {  	_ = 	snop  }
0x5: {  	_ = 	snop  }
0x6: {  	_ = 	snop  }
0x7: {  	_ = 	snop  }
__scs_overlays_trampoline_lowered:
0x8: {  	[smem:$0x3FAE] =	sst s0  }
0x9: {  	[smem:$0x3FAF] =	sst s1  }
0xa: {  	[smem:$0x3FB0] =	sst s2  }
0xb: {  	[smem:$0x3FB1] =	sst s3  }
0xc: {  	[smem:$0x3FB2] =	sst s4  }
0xd: {  	[smem:$0x3FB3] =	sst s5  }
0xe: {  	[smem:$0x3FB4] =	sst s6  }
0xf: {  	[smem:$0x3FB5] =	sst s7  }
0x10: {  	[smem:$0x3FB6] =	sst s8  }
0x11: {  	[smem:$0x3FB7] =	sst s9;
	s0 =	simm.s32 @!p0 $0x0  }
0x12: {  	s1 =	sld [smem:$0x3F9D];
	s0 =	simm.s32 @p0 $0x1  }
0x13: {  	[smem:$0x3FB8] =	sst s0;
	s0 =	simm.s32 @!p1 $0x0  }
0x14: {  	s2 =	sld [smem:$0x3F9C];
	s0 =	simm.s32 @p1 $0x1  }
0x15: {  	[smem:$0x3FB9] =	sst s0;
	s0 =	simm.s32 @!p2 $0x0  }
0x16: {  	s3 =	sld [smem:$0x3FDB];
	s0 =	simm.s32 @p2 $0x1  }
0x17: {  	s4 =	simm.s32 $0x1BF5;
	[smem:$0x3FBB] =	sst s0  }
0x18: {  	s0 =	sld [smem:$0x3F9E];
	_ =	swait.ge [sflag:s4], $0x0  }
0x19: {  	s7 =	sld [smem:$0x3F9F]  }
0x1a: {  	s8 =	sadd.s32 $0xFFFFE003, lr  }
0x1b: {  	s9 =	sadd.s32 $0xFFFFFEF7, lr;
	s5 =	simm.s32 $0xFFFFFFFF;
	p2 =	slt.u32 s8, $0xFFFFF086  }
0x1c: {  	p1 =	slt.u32 s9, $0xF7A;
	s5 =	simm.s32 @!p2 $0x0  }
0x1d: {  	s5 =	simm.s32 @p1 $0x1;
	p0 =	seq.s32 s7, s2  }
0x1e: {  	s7 =	smul.u32 @!p0 $0xF7A, s2;
	p2 =	seq.s32 @!p0 s5, $0x0  }
0x1f: {  	s9 =	smul.u32 $0xF7A, s1;
	s8 =	simm.s32 @!p0 $0x1BF5;
	p2 =	por !p2, p0  }
0x20: {  	[sflag:s8] =	ssyncset.s32 @!p0 $0xFFFFF086;
	s6 =	sadd.s32 @!p0 s3, s7;
	s7 =	simm.s32 @!p0 $0x108  }
0x21: {  	s3 =	sadd.s32 s3, s9;
	s6 =	sadd.s32 @!p0 $0x88, s6;
	s7 =	simm.s32 @p2 $0x1082  }
0x22: {  	[simem:s7], [sflag:s8] =	dma.local @!p0 [hbm:s6], $0xF7A  }
0x23: {  	s9 =	sor.u32 $0xD0000000, s2;
	s6 =	simm.s32 $0x108;
	_ =	swait.ge @!p0 [sflag:s8], $0x0  }
0x24: {  	s3 =	sadd.s32 $0x88, s3;
	s6 =	simm.s32 @!p1 $0x1082;
	[sflag:s4] =	ssyncset.s32 $0xFFFFF086  }
0x25: {  	[simem:s6], [sflag:s4] =	dma.local [hbm:s3], $0xF7A  }
0x26: {  	[smem:$0x3F9F] =	sst s1;
	(tag) =	ssettag s2;
	_ =	strace s9  }
0x27: {  	s1 =	sld [smem:$0x3FAF]  }
0x28: {  	s2 =	sld [smem:$0x3FB0]  }
0x29: {  	s4 =	sld [smem:$0x3FB2]  }
0x2a: {  	p0 =	seq.s32 s5, $0x0;
	s5 =	sld [smem:$0x3FB3]  }
0x2b: {  	s6 =	sld [smem:$0x3FB4]  }
0x2c: {  	s7 =	sld [smem:$0x3FB5]  }
0x2d: {  	s3 =	simm.s32 $0x108;
	s8 =	sld [smem:$0x3FB6]  }
0x2e: {  	s3 =	simm.s32 @!p0 $0x1082;
	s9 =	sld [smem:$0x3FB7]  }
0x2f: {  	lr =	sadd.s32 s0, s3;
	s0 =	sld [smem:$0x3FAE]  }
0x30: {  	s3 =	sld [smem:$0x3FB1]  }
0x31: {  	[smem:$0x3FBA] =	sst s10  }
0x32: {  	s10 =	sld [smem:$0x3FB8];
	_ =	sdelay $0x3  }
0x33: {  	p0 =	seq.s32 s10, $0x1;
	s10 =	sld [smem:$0x3FBA];
	_ =	sdelay $0x3  }
0x34: {  	[smem:$0x3FBA] =	sst s10  }
0x35: {  	s10 =	sld [smem:$0x3FB9];
	_ =	sdelay $0x3  }
0x36: {  	p1 =	seq.s32 s10, $0x1;
	s10 =	sld [smem:$0x3FBA];
	_ =	sdelay $0x3  }
0x37: {  	[smem:$0x3FBA] =	sst s10  }
0x38: {  	s10 =	sld [smem:$0x3FBB]  }
0x39: {  	_ = 	snop;
	(pc) =	sbr.ind lr, $3  }
0x3a: {  	_ = 	snop  }
0x3b: {  	_ = 	snop  }
0x3c: {  	p2 =	seq.s32 s10, $0x1;
	s10 =	sld [smem:$0x3FBA]  }
0x3d: {  	_ =	shalt  }
0x3e: {  	_ =	shalt  }
0x3f: {  	_ =	shalt  }
0x40: {  	_ =	shalt  }
0x41: {  	_ =	shalt  }
0x42: {  	_ =	shalt  }
0x43: {  	_ =	shalt  }
0x44: {  	_ =	shalt  }
0x45: {  	_ =	shalt  }
0x46: {  	_ =	shalt  }
0x47: {  	_ =	shalt  }
0x48: {  	_ =	shalt  }
0x49: {  	_ =	shalt  }
0x4a: {  	_ =	shalt  }
0x4b: {  	_ =	shalt  }
0x4c: {  	_ =	shalt  }
0x4d: {  	_ =	shalt  }
0x4e: {  	_ =	shalt  }
0x4f: {  	_ =	shalt  }
0x50: {  	_ =	shalt  }
0x51: {  	_ =	shalt  }
0x52: {  	_ =	shalt  }
0x53: {  	_ =	shalt  }
0x54: {  	_ =	shalt  }
0x55: {  	_ =	shalt  }
0x56: {  	_ =	shalt  }
0x57: {  	_ =	shalt  }
0x58: {  	_ =	shalt  }
0x59: {  	_ =	shalt  }
0x5a: {  	_ =	shalt  }
0x5b: {  	_ =	shalt  }
0x5c: {  	_ =	shalt  }
0x5d: {  	_ =	shalt  }
0x5e: {  	_ =	shalt  }
0x5f: {  	_ =	shalt  }
0x60: {  	_ =	shalt  }
0x61: {  	_ =	shalt  }
0x62: {  	_ =	shalt  }
0x63: {  	_ =	shalt  }
0x64: {  	_ =	shalt  }
0x65: {  	_ =	shalt  }
0x66: {  	_ =	shalt  }
0x67: {  	_ =	shalt  }
0x68: {  	_ =	shalt  }
0x69: {  	_ =	shalt  }
0x6a: {  	_ =	shalt  }
0x6b: {  	_ =	shalt  }
0x6c: {  	_ =	shalt  }
0x6d: {  	_ =	shalt  }
0x6e: {  	_ =	shalt  }
0x6f: {  	_ =	shalt  }
0x70: {  	_ =	shalt  }
0x71: {  	_ =	shalt  }
0x72: {  	_ =	shalt  }
0x73: {  	_ =	shalt  }
0x74: {  	_ =	shalt  }
0x75: {  	_ =	shalt  }
0x76: {  	_ =	shalt  }
0x77: {  	_ =	shalt  }
0x78: {  	_ =	shalt  }
0x79: {  	_ =	shalt  }
0x7a: {  	_ =	shalt  }
0x7b: {  	_ =	shalt  }
0x7c: {  	_ =	shalt  }
0x7d: {  	_ =	shalt  }
0x7e: {  	_ =	shalt  }
0x7f: {  	_ =	shalt  }
0x80: {  	_ =	shalt  }
0x81: {  	_ =	shalt  }
0x82: {  	_ =	shalt  }
0x83: {  	_ =	shalt  }
0x84: {  	_ =	shalt  }
0x85: {  	_ =	shalt  }
0x86: {  	_ =	shalt  }
0x87: {  	_ =	shalt  }
.Lfunc_end0:
.L_simem_size_0:
called_computation_lowered:
.L_overlay_start_0:
0x88: {  	s2 =	sld [smem:$0x3FD9]  }
0x89: {  	s3 =	sld [smem:$0x3FFE];
	_ =	sdelay $0x1  }
0x8a: {  	s1 =	srdreg.scid  }
0x8b: {  	s0 =	sand.u32 $0x1, s1  }
0x8c: {  	s18 =	sshll.u32 s0, $0xA;
	s2 =	sadd.s32 s3, s2  }
0x8d: {  	s2 =	sadd.s32 s2, s18  }
0x8e: {  	[smem:$0x3FC6] =	sst s2  }
0x8f: {  	_ = 	snop  }
0x90: {  	s2 =	sld [smem:$0x3FC9]  }
0x91: {  	s19 =	sld [smem:$0x3FC8]  }
0x92: {  	s4 =	sld [smem:$0x3FD0];
	(tm) =	ssettm $0x1  }
0x93: {  	s5 =	sld [smem:$0x3FFB];
	_ =	sdelay $0x3  }
0x94: {  	_ =	strace s5  }
0x95: {  	s5 =	sld [smem:$0x3FFC];
	_ =	sdelay $0x3  }
0x96: {  	_ =	strace s5  }
0x97: {  	s5 =	sld [smem:$0x3FFD];
	_ =	sdelay $0x3  }
0x98: {  	_ =	strace s5  }
0x99: {  	_ =	strace $0x8FFFFFFF  }
0x9a: {  	s20 =	sld [smem:$0x3FDB];
	_ =	sdelay $0x1  }
0x9b: {  	s6 =	simm.s32 $_scs_section_size  }
0x9c: {  	s7 =	simm.s32 $_size__tile_overlayer_lowered;
	s8 =	simm.s32 $_tile_overlayer_lowered  }
0x9d: {  	s23 =	simm.s32 $0x1BFF;
	s22 =	sshll.u32 s8, $0x1;
	s5 =	sadd.s32 s6, s20  }
0x9e: {  	s9 =	simm.s32 $0x0;
	s21 =	sshll.u32 s7, $0x1;
	s7 =	sadd.s32 s22, s5  }
0x9f: {  	[timem:s9], [sflag:s23] =	dma.local [hbm:s7], s21  }
0xa0: {  	_ =	swait.ge [sflag:s23], s21  }
0xa1: {  	s6 =	ssub.s32 $0x0, s21;
	[sflag:s23] =	ssyncset.done $0x0  }
0xa2: {  	[sflag:s23] =	ssyncadd.s32 s6;
	_ =	sdelay $0x1  }
0xa3: {  	s24 =	simm.s32 $0x1B8B  }
0xa4: {  	_ =	swait.ge [sflag:s24], $0x1  }
0xa5: {  	[sflag:s24] =	ssyncset.done $0x0  }
0xa6: {  	s25 =	simm.s32 $0x1B8E;
	[sflag:s24] =	ssyncadd.s32 $0xFFFFFFFF  }
0xa7: {  	s26 =	simm.s32 $execute0_lowered;
	[smem:$0x3FD2] =	sst s25  }
0xa8: {  	s6 =	sshll.u32 s26, $0x1;
	_ =	strace $0x80000046;
	[dreg:$0x1] =	wrdreg $0xFFFFFFFF  }
0xa9: {  	s28 =	simm.s32 $_size_execute0_lowered;
	s5 =	sadd.s32 s5, s6;
	[dreg:$0x0] =	wrdreg $0x0  }
0xaa: {  	s6 =	sshll.u32 s28, $0x1;
	[dreg:$0x2] =	wrdreg s5  }
0xab: {  	[dreg:$0x3] =	wrdreg s6  }
0xac: {  	[dreg:$0x4] =	wrdreg $0xC0  }
0xad: {  	_ =	task [dreg:s9], $0x5FFFF  }
0xae: {  	[dreg:$0x1] =	wrdreg $0xFFFFFFFF  }
0xaf: {  	[dreg:$0x0] =	wrdreg $0x60  }
0xb0: {  	[dreg:$0x2] =	wrdreg s2  }
0xb1: {  	[dreg:$0x3] =	wrdreg s19  }
0xb2: {  	[dreg:$0x4] =	wrdreg s4  }
0xb3: {  	[dreg:$0x5] =	wrdreg $0x0  }
0xb4: {  	[dreg:$0x6] =	wrdreg $0x9  }
0xb5: {  	_ =	task.clear_ibuf [dreg:s9], $0x7FFFF;
	_ =	strace $0x90000046  }
0xb6: {  	s29 =	simm.s32 $0x9;
	_ =	strace $0x80000048  }
0xb7: {  	_ =	swait.ge [sflag:s29], $0x1  }
0xb8: {  	[sflag:s29] =	ssyncadd.s32 $0xFFFFFFFF  }
0xb9: {  	_ =	strace $0x90000048  }
0xba: {  	_ =	sfence  }
0xbb: {  	s30 =	sld [smem:$0x0];
	_ =	sdelay $0x2  }
0xbc: {  	s31 =	sshll.u32 s1, $0xD;
	s1 =	sshrl.u32 s1, $0x2  }
0xbd: {  	s3 =	sand.u32 $0x4000, s31;
	s1 =	sadd.s32 s1, s30  }
0xbe: {  	s0 =	sor.u32 s3, s0;
	s1 =	sshll.u32 s1, $0x11  }
0xbf: {  	s0 =	sor.u32 s1, s0  }
0xc0: {  	s0 =	sadd.s32 $0x8F2B, s0  }
0xc1: {  	[sflag:s0] =	ssyncadd.remote.s32 $0x1  }
0xc2: {  	_ =	sfence.sel $0xFFFF  }
0xc3: {  	[dreg:$0x0] =	wrdreg $0xFFFFFFFF;
	(pc) =	sbr.abs _section_cstart, $3  }
0xc4: {  	[dreg:$0x1] =	wrdreg $0xFFFFFFFF  }
0xc5: {  	_ =	task.clear_ibuf [dreg:s9], $0x2FFFF;
	_ =	strace $0x9FFFFFFF  }
0xc6: {  	(tm) =	ssettm $0x7FFFFFFF  }
0xc7: {  	_ =	shalt  }
tec
execute0_lowered:
.L_overlay_start_1:
0x0: {  	(tag) =	ssettag $0x1  }
0x1: {  	s0 =	rddreg [dreg:$0x1]  }
0x2: {  	s10 =	rddreg [dreg:$0x2]  }
0x3: {  	s1 =	srdreg.scid;
	s2 =	stileid.u32  }
0x4: {  	s3 =	rddreg [dreg:$0x3];
	s5 =	simm.s32 $0x0;
	s11 =	simm.s32 $0x2  }
0x5: {  	s12 =	simm.s32 $0x1;
	s14 =	simm.s32 $0x80;
	s15 =	simm.s32 $0x18008  }
0x6: {  	s21 =	simm.s32 $0x1D608;
	s22 =	simm.s32 $0x1D688;
	s23 =	simm.s32 $0x1D708  }
0x7: {  	s24 =	simm.s32 $0x1D788;
	s25 =	simm.s32 $0x1D808;
	s9 =	simm.s32 $0x1DB88  }
0x8: {  	s8 =	simm.s32 $0x1DD08;
	s13 =	simm.s32 $0x1DD88;
	s16 =	simm.s32 $0x1DE88  }
0x9: {  	s17 =	simm.s32 $0x1DF08;
	s18 =	simm.s32 $0x1DF88;
	s19 =	simm.s32 $0x400  }
0xa: {  	s1 =	sand.u32 $0x1, s1;
	s6 =	smul.u32 $0xC000, s2;
	[smem:$0x7FF] =	sst s5  }
0xb: {  	s29 =	sadd.s32 $0xC0000, s3;
	p0 =	sne.s32 s2, $0x0;
	s4 =	ssub.s32 $0x2, s1  }
0xc: {  	s30 =	sshll.u32 s1, $0x5;
	s28 =	sshrl.u32 s4, $0x1;
	[dreg:$0x5] =	wrdreg s6  }
0xd: {  	s6 =	sshrl.u32 s6, $0x3;
	_ =	strace $0x80000047;
	[dreg:$0x7] =	wrdreg s29  }
0xe: {  	s4 =	ssub.s32 s4, s28;
	s0 =	sadd.s32 s0, s6;
	[dreg:$0x8] =	wrdreg s30  }
0xf: {  	p1 =	seq.s32 s2, $0x0;
	[dreg:$0x6] =	wrdreg s0;
	s31 =	smax.u32 s4, $0x1  }
0x10: {  	s1 =	simm.s32 $0x1DE08;
	s0 =	sshrl.u32 @p1 s3, $0x3;
	[dreg:$0x9] =	wrdreg s31  }
0x11: {  	s4 =	simm.s32 $0x1DC88;
	[dreg:$0xa] =	wrdreg s0;
	s0 =	simm.s32 $0x0  }
.LBB2_1:
0x12: {  	[dreg:$0xb] =	wrdreg s0  }
0x13: {  	s2 =	simm.s32 $0x0;
	s5 =	rddreg [dreg:$0x6];
	s6 =	simm.s32 $0xC008  }
0x14: {  	[tilespmem:s6], [sflag:$0x2] =	stream.linear.gather [hbm4b:s5+s2], $0xC000, $0x38;
	[tilespmem:$0x1E088] =	vst v63  }
0x15: {  	_ =	swait.ge [sflag:s11], $0xC000  }
0x16: {  	[sflag:s11] =	ssyncset.done $0x0  }
0x17: {  	v0 =	vimm.f32 @!p0 $0.0e+00;
	[sflag:s11] =	ssyncadd.s32 $0xFFFF4000  }
0x18: {  	[tilespmem:$0x1E008] =	vst @!p0 v0  }
0x19: {  	[tilespmem:$0x1E018] =	vst @!p0 v0  }
0x1a: {  	[tilespmem:$0x1E028] =	vst @!p0 v0  }
0x1b: {  	[tilespmem:$0x1E038] =	vst @!p0 v0  }
0x1c: {  	[tilespmem:$0x1E048] =	vst @!p0 v0  }
0x1d: {  	[tilespmem:$0x1E058] =	vst @!p0 v0  }
0x1e: {  	[tilespmem:$0x1E068] =	vst @!p0 v0  }
0x1f: {  	s26 =	simm.s32 @!p0 $0x1E008;
	s2 =	rddreg [dreg:$0x7];
	[tilespmem:$0x1E078] =	vst @!p0 v0  }
0x20: {  	[spmem:s2] =	stream.linear.scatter @!p0 [tilespmem:s26], [sflag:$0x2], $0x80, $0x38;
	[tilespmem:$0x1E088] =	vst v63  }
0x21: {  	s26 =	simm.s32 @!p0 $0x2  }
0x22: {  	_ =	swait.ge @!p0 [sflag:s26], $0x80  }
0x23: {  	[sflag:s26] =	ssyncset.done @!p0 $0x0  }
0x24: {  	s0 =	simm.s32 $0x0;
	[sflag:s26] =	ssyncadd.s32 @!p0 $0xFFFFFF80  }
.LBB2_2:
0x25: {  	s2 =	rddreg [dreg:$0x8]  }
0x26: {  	s28 =	sand.u32 $0xF, s0;
	s26 =	sadd.s32 s2, s0  }
0x27: {  	p3 =	sne.s32 s28, $0x0;
	p2 =	seq.s32 s26, $0x0  }
0x28: {  	p2 =	por !p2, !p3  }
0x29: {  	s29 =	simm.s32 $0x1;
	p2 =	por !p2, !p2  }
0x2a: {  	s28 =	sshrl.u32 s28, $0x3;
	s26 =	sshrl.u32 s26, $0x4;
	s29 =	simm.s32 @!p2 $0x0  }
0x2b: {  	s28 =	smul.u32 $0x600000, s28;
	s26 =	ssub.s32 s26, s29  }
0x2c: {  	s26 =	smul.u32 $0xC00000, s26  }
0x2d: {  	s29 =	sshll.u32 @p1 s0, $0x7  }
0x2e: {  	s29 =	sand.u32 @p1 $0x380, s29;
	s30 =	sadd.s32 @p1 s28, s26  }
0x2f: {  	s31 =	simm.s32 @p1 $0x1;
	s6 =	simm.s32 @p1 $0x80;
	s30 =	sor.u32 @p1 s29, s30  }
0x30: {  	s5 =	simm.s32 @p1 $0x1C02;
	s2 =	rddreg [dreg:$0x0];
	s30 =	sshrl.u32 @p1 s30, $0x3  }
0x31: {  	s7 =	rddreg [dreg:$0xa];
	s30 =	sadd.s32 @p1 s2, s30;
	s2 =	simm.s32 @p1 $0x10  }
0x32: {  	[spmem:s7@s2], [sflag:s5] =	dma.strided @p1 [hbm:s30@s6], $0x18000, s31, $0x10   }
0x33: {  	p2 =	por $0x1, $0x1;
	[dreg:$0xc] =	wrdreg s0  }
0x34: {  	s2 =	sshll.u32 @!p1 s0, $0x7;
	s5 =	simm.s32 @p1 $0x2;
	s6 =	simm.s32 $0x1D888  }
0x35: {  	s30 =	simm.s32 $0x1D908;
	s2 =	sand.u32 @!p1 $0x380, s2;
	_ =	swait.ge @p1 [sflag:s5], $0x18000  }
0x36: {  	s7 =	simm.s32 $0x1D988;
	s2 =	smov.u32 @p1 s29;
	[sflag:s5] =	ssyncset.done @p1 $0x0  }
0x37: {  	s31 =	simm.s32 $0x1DA08;
	s2 =	sor.u32 s2, s28;
	[sflag:s5] =	ssyncadd.s32 @p1 $0xFFFE8000  }
0x38: {  	s0 =	simm.s32 $0x1DC08;
	s2 =	sadd.s32 s26, s2;
	[bflag:$0x0] =	sbarrier.arrive $0xFFFF  }
0x39: {  	s29 =	simm.s32 $0x1DA88;
	s2 =	sshrl.u32 s2, $0x3;
	s26 =	rddreg [dreg:$0x5]  }
0x3a: {  	s28 =	simm.s32 $0x0;
	s5 =	simm.s32 $0x1DB08;
	s26 =	sadd.s32 s2, s26  }
.LBB2_3:
0x3b: {  	s2 =	sadd.s32 $0xC008, s28  }
0x3c: {  	[tilespmem:s15], [sflag:$0x1] =	stream.indirect.gather [spmem:s3], $0x1, s2, s14, $0xb8;
	[tilespmem:$0x1E088] =	vst v63  }
0x3d: {  	s20 =	simm.s32 $0x18088;
	s2 =	sadd.s32 $0xC088, s28  }
0x3e: {  	[tilespmem:s20], [sflag:$0x1] =	stream.indirect.gather [spmem:s3], $0x1, s2, s14, $0xb8;
	[tilespmem:$0x1E088] =	vst v63  }
0x3f: {  	s2 =	sadd.s32 $0xC108, s28;
	s20 =	simm.s32 $0x18108  }
0x40: {  	[tilespmem:s20], [sflag:$0x1] =	stream.indirect.gather [spmem:s3], $0x1, s2, s14, $0xb8;
	[tilespmem:$0x1E088] =	vst v63  }
0x41: {  	s2 =	sadd.s32 $0xC188, s28;
	s20 =	simm.s32 $0x18188  }
0x42: {  	[tilespmem:s20], [sflag:$0x1] =	stream.indirect.gather [spmem:s3], $0x1, s2, s14, $0xb8;
	[tilespmem:$0x1E088] =	vst v63  }
0x43: {  	s2 =	sadd.s32 $0xC208, s28;
	s20 =	simm.s32 $0x18208  }
0x44: {  	[tilespmem:s20], [sflag:$0x1] =	stream.indirect.gather [spmem:s3], $0x1, s2, s14, $0xb8;
	[tilespmem:$0x1E088] =	vst v63  }
0x45: {  	s2 =	sadd.s32 $0xC288, s28;
	s20 =	simm.s32 $0x18288  }
0x46: {  	[tilespmem:s20], [sflag:$0x1] =	stream.indirect.gather [spmem:s3], $0x1, s2, s14, $0xb8;
	[tilespmem:$0x1E088] =	vst v63  }
0x47: {  	s2 =	sadd.s32 $0xC308, s28;
	s20 =	simm.s32 $0x18308  }
0x48: {  	[tilespmem:s20], [sflag:$0x1] =	stream.indirect.gather [spmem:s3], $0x1, s2, s14, $0xb8;
	[tilespmem:$0x1E088] =	vst v63  }
0x49: {  	s2 =	sadd.s32 $0xC388, s28;
	s20 =	simm.s32 $0x18388  }
0x4a: {  	[tilespmem:s20], [sflag:$0x1] =	stream.indirect.gather [spmem:s3], $0x1, s2, s14, $0xb8;
	[tilespmem:$0x1E088] =	vst v63  }
0x4b: {  	s2 =	sadd.s32 $0xC408, s28;
	s20 =	simm.s32 $0x18408  }
0x4c: {  	[tilespmem:s20], [sflag:$0x1] =	stream.indirect.gather [spmem:s3], $0x1, s2, s14, $0xb8;
	[tilespmem:$0x1E088] =	vst v63  }
0x4d: {  	s2 =	sadd.s32 $0xC488, s28;
	s20 =	simm.s32 $0x18488  }
0x4e: {  	[tilespmem:s20], [sflag:$0x1] =	stream.indirect.gather [spmem:s3], $0x1, s2, s14, $0xb8;
	[tilespmem:$0x1E088] =	vst v63  }
0x4f: {  	s2 =	sadd.s32 $0xC508, s28;
	s20 =	simm.s32 $0x18508  }
0x50: {  	[tilespmem:s20], [sflag:$0x1] =	stream.indirect.gather [spmem:s3], $0x1, s2, s14, $0xb8;
	[tilespmem:$0x1E088] =	vst v63  }
0x51: {  	s2 =	sadd.s32 $0xC588, s28;
	s20 =	simm.s32 $0x18588  }
0x52: {  	[tilespmem:s20], [sflag:$0x1] =	stream.indirect.gather [spmem:s3], $0x1, s2, s14, $0xb8;
	[tilespmem:$0x1E088] =	vst v63  }
0x53: {  	s2 =	sadd.s32 $0xC608, s28;
	s20 =	simm.s32 $0x18608  }
0x54: {  	[tilespmem:s20], [sflag:$0x1] =	stream.indirect.gather [spmem:s3], $0x1, s2, s14, $0xb8;
	[tilespmem:$0x1E088] =	vst v63  }
0x55: {  	s2 =	sadd.s32 $0xC688, s28;
	s20 =	simm.s32 $0x18688  }
0x56: {  	[tilespmem:s20], [sflag:$0x1] =	stream.indirect.gather [spmem:s3], $0x1, s2, s14, $0xb8;
	[tilespmem:$0x1E088] =	vst v63  }
0x57: {  	s2 =	sadd.s32 $0xC708, s28;
	s20 =	simm.s32 $0x18708  }
0x58: {  	[tilespmem:s20], [sflag:$0x1] =	stream.indirect.gather [spmem:s3], $0x1, s2, s14, $0xb8;
	[tilespmem:$0x1E088] =	vst v63  }
0x59: {  	s2 =	sadd.s32 $0xC788, s28;
	s20 =	simm.s32 $0x18788  }
0x5a: {  	[tilespmem:s20], [sflag:$0x1] =	stream.indirect.gather [spmem:s3], $0x1, s2, s14, $0xb8;
	[tilespmem:$0x1E088] =	vst v63  }
0x5b: {  	s2 =	sadd.s32 $0xC808, s28;
	s20 =	simm.s32 $0x18808  }
0x5c: {  	[tilespmem:s20], [sflag:$0x1] =	stream.indirect.gather [spmem:s3], $0x1, s2, s14, $0xb8;
	[tilespmem:$0x1E088] =	vst v63  }
0x5d: {  	s2 =	sadd.s32 $0xC888, s28;
	s20 =	simm.s32 $0x18888  }
0x5e: {  	[tilespmem:s20], [sflag:$0x1] =	stream.indirect.gather [spmem:s3], $0x1, s2, s14, $0xb8;
	[tilespmem:$0x1E088] =	vst v63  }
0x5f: {  	s2 =	sadd.s32 $0xC908, s28;
	s20 =	simm.s32 $0x18908  }
0x60: {  	[tilespmem:s20], [sflag:$0x1] =	stream.indirect.gather [spmem:s3], $0x1, s2, s14, $0xb8;
	[tilespmem:$0x1E088] =	vst v63  }
0x61: {  	s2 =	sadd.s32 $0xC988, s28;
	s20 =	simm.s32 $0x18988  }
0x62: {  	[tilespmem:s20], [sflag:$0x1] =	stream.indirect.gather [spmem:s3], $0x1, s2, s14, $0xb8;
	[tilespmem:$0x1E088] =	vst v63  }
0x63: {  	s2 =	sadd.s32 $0xCA08, s28;
	s20 =	simm.s32 $0x18A08  }
0x64: {  	[tilespmem:s20], [sflag:$0x1] =	stream.indirect.gather [spmem:s3], $0x1, s2, s14, $0xb8;
	[tilespmem:$0x1E088] =	vst v63  }
0x65: {  	s2 =	sadd.s32 $0xCA88, s28;
	s20 =	simm.s32 $0x18A88  }
0x66: {  	[tilespmem:s20], [sflag:$0x1] =	stream.indirect.gather [spmem:s3], $0x1, s2, s14, $0xb8;
	[tilespmem:$0x1E088] =	vst v63  }
0x67: {  	s2 =	sadd.s32 $0xCB08, s28;
	s20 =	simm.s32 $0x18B08  }
0x68: {  	[tilespmem:s20], [sflag:$0x1] =	stream.indirect.gather [spmem:s3], $0x1, s2, s14, $0xb8;
	[tilespmem:$0x1E088] =	vst v63  }
0x69: {  	s2 =	sadd.s32 $0xCB88, s28;
	s20 =	simm.s32 $0x18B88  }
0x6a: {  	[tilespmem:s20], [sflag:$0x1] =	stream.indirect.gather [spmem:s3], $0x1, s2, s14, $0xb8;
	[tilespmem:$0x1E088] =	vst v63  }
0x6b: {  	s2 =	sadd.s32 $0xCC08, s28;
	s20 =	simm.s32 $0x18C08  }
0x6c: {  	[tilespmem:s20], [sflag:$0x1] =	stream.indirect.gather [spmem:s3], $0x1, s2, s14, $0xb8;
	[tilespmem:$0x1E088] =	vst v63  }
0x6d: {  	s2 =	sadd.s32 $0xCC88, s28;
	s20 =	simm.s32 $0x18C88  }
0x6e: {  	[tilespmem:s20], [sflag:$0x1] =	stream.indirect.gather [spmem:s3], $0x1, s2, s14, $0xb8;
	[tilespmem:$0x1E088] =	vst v63  }
0x6f: {  	s2 =	sadd.s32 $0xCD08, s28;
	s20 =	simm.s32 $0x18D08  }
0x70: {  	[tilespmem:s20], [sflag:$0x1] =	stream.indirect.gather [spmem:s3], $0x1, s2, s14, $0xb8;
	[tilespmem:$0x1E088] =	vst v63  }
0x71: {  	s2 =	sadd.s32 $0xCD88, s28;
	s20 =	simm.s32 $0x18D88  }
0x72: {  	[tilespmem:s20], [sflag:$0x1] =	stream.indirect.gather [spmem:s3], $0x1, s2, s14, $0xb8;
	[tilespmem:$0x1E088] =	vst v63  }
0x73: {  	s2 =	sadd.s32 $0xCE08, s28;
	s20 =	simm.s32 $0x18E08  }
0x74: {  	[tilespmem:s20], [sflag:$0x1] =	stream.indirect.gather [spmem:s3], $0x1, s2, s14, $0xb8;
	[tilespmem:$0x1E088] =	vst v63  }
0x75: {  	s2 =	sadd.s32 $0xCE88, s28;
	s20 =	simm.s32 $0x18E88  }
0x76: {  	[tilespmem:s20], [sflag:$0x1] =	stream.indirect.gather [spmem:s3], $0x1, s2, s14, $0xb8;
	[tilespmem:$0x1E088] =	vst v63  }
0x77: {  	s2 =	sadd.s32 $0xCF08, s28;
	s20 =	simm.s32 $0x18F08  }
0x78: {  	[tilespmem:s20], [sflag:$0x1] =	stream.indirect.gather [spmem:s3], $0x1, s2, s14, $0xb8;
	[tilespmem:$0x1E088] =	vst v63  }
0x79: {  	s2 =	sadd.s32 $0xCF88, s28;
	s20 =	simm.s32 $0x18F88  }
0x7a: {  	[tilespmem:s20], [sflag:$0x1] =	stream.indirect.gather [spmem:s3], $0x1, s2, s14, $0xb8;
	[tilespmem:$0x1E088] =	vst v63  }
0x7b: {  	s2 =	sadd.s32 $0xD008, s28;
	s20 =	simm.s32 $0x19008  }
0x7c: {  	[tilespmem:s20], [sflag:$0x1] =	stream.indirect.gather [spmem:s3], $0x1, s2, s14, $0xb8;
	[tilespmem:$0x1E088] =	vst v63  }
0x7d: {  	s2 =	sadd.s32 $0xD088, s28;
	s20 =	simm.s32 $0x19088  }
0x7e: {  	[tilespmem:s20], [sflag:$0x1] =	stream.indirect.gather [spmem:s3], $0x1, s2, s14, $0xb8;
	[tilespmem:$0x1E088] =	vst v63  }
0x7f: {  	s2 =	sadd.s32 $0xD108, s28;
	s20 =	simm.s32 $0x19108  }
0x80: {  	[tilespmem:s20], [sflag:$0x1] =	stream.indirect.gather [spmem:s3], $0x1, s2, s14, $0xb8;
	[tilespmem:$0x1E088] =	vst v63  }
0x81: {  	s2 =	sadd.s32 $0xD188, s28;
	s20 =	simm.s32 $0x19188  }
0x82: {  	[tilespmem:s20], [sflag:$0x1] =	stream.indirect.gather [spmem:s3], $0x1, s2, s14, $0xb8;
	[tilespmem:$0x1E088] =	vst v63  }
0x83: {  	s2 =	sadd.s32 $0xD208, s28;
	s20 =	simm.s32 $0x19208  }
0x84: {  	[tilespmem:s20], [sflag:$0x1] =	stream.indirect.gather [spmem:s3], $0x1, s2, s14, $0xb8;
	[tilespmem:$0x1E088] =	vst v63  }
0x85: {  	s2 =	sadd.s32 $0xD288, s28;
	s20 =	simm.s32 $0x19288  }
0x86: {  	[tilespmem:s20], [sflag:$0x1] =	stream.indirect.gather [spmem:s3], $0x1, s2, s14, $0xb8;
	[tilespmem:$0x1E088] =	vst v63  }
0x87: {  	s2 =	sadd.s32 $0xD308, s28;
	s20 =	simm.s32 $0x19308  }
0x88: {  	[tilespmem:s20], [sflag:$0x1] =	stream.indirect.gather [spmem:s3], $0x1, s2, s14, $0xb8;
	[tilespmem:$0x1E088] =	vst v63  }
0x89: {  	s2 =	sadd.s32 $0xD388, s28;
	s20 =	simm.s32 $0x19388  }
0x8a: {  	[tilespmem:s20], [sflag:$0x1] =	stream.indirect.gather [spmem:s3], $0x1, s2, s14, $0xb8;
	[tilespmem:$0x1E088] =	vst v63  }
0x8b: {  	s2 =	sadd.s32 $0xD408, s28;
	s20 =	simm.s32 $0x19408  }
0x8c: {  	[tilespmem:s20], [sflag:$0x1] =	stream.indirect.gather [spmem:s3], $0x1, s2, s14, $0xb8;
	[tilespmem:$0x1E088] =	vst v63  }
0x8d: {  	s2 =	sadd.s32 $0xD488, s28;
	s20 =	simm.s32 $0x19488  }
0x8e: {  	[tilespmem:s20], [sflag:$0x1] =	stream.indirect.gather [spmem:s3], $0x1, s2, s14, $0xb8;
	[tilespmem:$0x1E088] =	vst v63  }
0x8f: {  	s2 =	sadd.s32 $0xD508, s28;
	s20 =	simm.s32 $0x19508  }
0x90: {  	[tilespmem:s20], [sflag:$0x1] =	stream.indirect.gather [spmem:s3], $0x1, s2, s14, $0xb8;
	[tilespmem:$0x1E088] =	vst v63  }
0x91: {  	s2 =	sadd.s32 $0xD588, s28;
	s20 =	simm.s32 $0x19588  }
0x92: {  	[tilespmem:s20], [sflag:$0x1] =	stream.indirect.gather [spmem:s3], $0x1, s2, s14, $0xb8;
	[tilespmem:$0x1E088] =	vst v63  }
0x93: {  	s2 =	sadd.s32 $0xD608, s28;
	s20 =	simm.s32 $0x19608  }
0x94: {  	[tilespmem:s20], [sflag:$0x1] =	stream.indirect.gather [spmem:s3], $0x1, s2, s14, $0xb8;
	[tilespmem:$0x1E088] =	vst v63  }
0x95: {  	s2 =	sadd.s32 $0xD688, s28;
	s20 =	simm.s32 $0x19688  }
0x96: {  	[tilespmem:s20], [sflag:$0x1] =	stream.indirect.gather [spmem:s3], $0x1, s2, s14, $0xb8;
	[tilespmem:$0x1E088] =	vst v63  }
0x97: {  	s2 =	sadd.s32 $0xD708, s28;
	s20 =	simm.s32 $0x19708  }
0x98: {  	[tilespmem:s20], [sflag:$0x1] =	stream.indirect.gather [spmem:s3], $0x1, s2, s14, $0xb8;
	[tilespmem:$0x1E088] =	vst v63  }
0x99: {  	s2 =	sadd.s32 $0xD788, s28;
	s20 =	simm.s32 $0x19788  }
0x9a: {  	[tilespmem:s20], [sflag:$0x1] =	stream.indirect.gather [spmem:s3], $0x1, s2, s14, $0xb8;
	[tilespmem:$0x1E088] =	vst v63  }
0x9b: {  	s2 =	sadd.s32 $0xD808, s28;
	s20 =	simm.s32 $0x19808  }
0x9c: {  	[tilespmem:s20], [sflag:$0x1] =	stream.indirect.gather [spmem:s3], $0x1, s2, s14, $0xb8;
	[tilespmem:$0x1E088] =	vst v63  }
0x9d: {  	s2 =	sadd.s32 $0xD888, s28;
	s20 =	simm.s32 $0x19888  }
0x9e: {  	[tilespmem:s20], [sflag:$0x1] =	stream.indirect.gather [spmem:s3], $0x1, s2, s14, $0xb8;
	[tilespmem:$0x1E088] =	vst v63  }
0x9f: {  	s2 =	sadd.s32 $0xD908, s28;
	s20 =	simm.s32 $0x19908  }
0xa0: {  	[tilespmem:s20], [sflag:$0x1] =	stream.indirect.gather [spmem:s3], $0x1, s2, s14, $0xb8;
	[tilespmem:$0x1E088] =	vst v63  }
0xa1: {  	s2 =	sadd.s32 $0xD988, s28;
	s20 =	simm.s32 $0x19988  }
0xa2: {  	[tilespmem:s20], [sflag:$0x1] =	stream.indirect.gather [spmem:s3], $0x1, s2, s14, $0xb8;
	[tilespmem:$0x1E088] =	vst v63  }
0xa3: {  	s2 =	sadd.s32 $0xDA08, s28;
	s20 =	simm.s32 $0x19A08  }
0xa4: {  	[tilespmem:s20], [sflag:$0x1] =	stream.indirect.gather [spmem:s3], $0x1, s2, s14, $0xb8;
	[tilespmem:$0x1E088] =	vst v63  }
0xa5: {  	s2 =	sadd.s32 $0xDA88, s28;
	s20 =	simm.s32 $0x19A88  }
0xa6: {  	[tilespmem:s20], [sflag:$0x1] =	stream.indirect.gather [spmem:s3], $0x1, s2, s14, $0xb8;
	[tilespmem:$0x1E088] =	vst v63  }
0xa7: {  	s2 =	sadd.s32 $0xDB08, s28;
	s20 =	simm.s32 $0x19B08  }
0xa8: {  	[tilespmem:s20], [sflag:$0x1] =	stream.indirect.gather [spmem:s3], $0x1, s2, s14, $0xb8;
	[tilespmem:$0x1E088] =	vst v63  }
0xa9: {  	s2 =	sadd.s32 $0xDB88, s28;
	s20 =	simm.s32 $0x19B88  }
0xaa: {  	[tilespmem:s20], [sflag:$0x1] =	stream.indirect.gather [spmem:s3], $0x1, s2, s14, $0xb8;
	[tilespmem:$0x1E088] =	vst v63  }
0xab: {  	s2 =	sadd.s32 $0xDC08, s28;
	s20 =	simm.s32 $0x19C08  }
0xac: {  	[tilespmem:s20], [sflag:$0x1] =	stream.indirect.gather [spmem:s3], $0x1, s2, s14, $0xb8;
	[tilespmem:$0x1E088] =	vst v63  }
0xad: {  	s2 =	sadd.s32 $0xDC88, s28;
	s20 =	simm.s32 $0x19C88  }
0xae: {  	[tilespmem:s20], [sflag:$0x1] =	stream.indirect.gather [spmem:s3], $0x1, s2, s14, $0xb8;
	[tilespmem:$0x1E088] =	vst v63  }
0xaf: {  	s2 =	sadd.s32 $0xDD08, s28;
	s20 =	simm.s32 $0x19D08  }
0xb0: {  	[tilespmem:s20], [sflag:$0x1] =	stream.indirect.gather [spmem:s3], $0x1, s2, s14, $0xb8;
	[tilespmem:$0x1E088] =	vst v63  }
0xb1: {  	s2 =	sadd.s32 $0xDD88, s28;
	s20 =	simm.s32 $0x19D88  }
0xb2: {  	[tilespmem:s20], [sflag:$0x1] =	stream.indirect.gather [spmem:s3], $0x1, s2, s14, $0xb8;
	[tilespmem:$0x1E088] =	vst v63  }
0xb3: {  	s2 =	sadd.s32 $0xDE08, s28;
	s20 =	simm.s32 $0x19E08  }
0xb4: {  	[tilespmem:s20], [sflag:$0x1] =	stream.indirect.gather [spmem:s3], $0x1, s2, s14, $0xb8;
	[tilespmem:$0x1E088] =	vst v63  }
0xb5: {  	s2 =	sadd.s32 $0xDE88, s28;
	s20 =	simm.s32 $0x19E88  }
0xb6: {  	[tilespmem:s20], [sflag:$0x1] =	stream.indirect.gather [spmem:s3], $0x1, s2, s14, $0xb8;
	[tilespmem:$0x1E088] =	vst v63  }
0xb7: {  	s2 =	sadd.s32 $0xDF08, s28;
	s20 =	simm.s32 $0x19F08  }
0xb8: {  	[tilespmem:s20], [sflag:$0x1] =	stream.indirect.gather [spmem:s3], $0x1, s2, s14, $0xb8;
	[tilespmem:$0x1E088] =	vst v63  }
0xb9: {  	s2 =	sadd.s32 $0xDF88, s28;
	s20 =	simm.s32 $0x19F88  }
0xba: {  	[tilespmem:s20], [sflag:$0x1] =	stream.indirect.gather [spmem:s3], $0x1, s2, s14, $0xb8;
	[tilespmem:$0x1E088] =	vst v63  }
0xbb: {  	s2 =	sadd.s32 $0xE008, s28;
	s20 =	simm.s32 $0x1A008  }
0xbc: {  	[tilespmem:s20], [sflag:$0x1] =	stream.indirect.gather [spmem:s3], $0x1, s2, s14, $0xb8;
	[tilespmem:$0x1E088] =	vst v63  }
0xbd: {  	s2 =	sadd.s32 $0xE088, s28;
	s20 =	simm.s32 $0x1A088  }
0xbe: {  	[tilespmem:s20], [sflag:$0x1] =	stream.indirect.gather [spmem:s3], $0x1, s2, s14, $0xb8;
	[tilespmem:$0x1E088] =	vst v63  }
0xbf: {  	s2 =	sadd.s32 $0xE108, s28;
	s20 =	simm.s32 $0x1A108  }
0xc0: {  	[tilespmem:s20], [sflag:$0x1] =	stream.indirect.gather [spmem:s3], $0x1, s2, s14, $0xb8;
	[tilespmem:$0x1E088] =	vst v63  }
0xc1: {  	s2 =	sadd.s32 $0xE188, s28;
	s20 =	simm.s32 $0x1A188  }
0xc2: {  	[tilespmem:s20], [sflag:$0x1] =	stream.indirect.gather [spmem:s3], $0x1, s2, s14, $0xb8;
	[tilespmem:$0x1E088] =	vst v63  }
0xc3: {  	s2 =	sadd.s32 $0xE208, s28;
	s20 =	simm.s32 $0x1A208  }
0xc4: {  	[tilespmem:s20], [sflag:$0x1] =	stream.indirect.gather [spmem:s3], $0x1, s2, s14, $0xb8;
	[tilespmem:$0x1E088] =	vst v63  }
0xc5: {  	s2 =	sadd.s32 $0xE288, s28;
	s20 =	simm.s32 $0x1A288  }
0xc6: {  	[tilespmem:s20], [sflag:$0x1] =	stream.indirect.gather [spmem:s3], $0x1, s2, s14, $0xb8;
	[tilespmem:$0x1E088] =	vst v63  }
0xc7: {  	s2 =	sadd.s32 $0xE308, s28;
	s20 =	simm.s32 $0x1A308  }
0xc8: {  	[tilespmem:s20], [sflag:$0x1] =	stream.indirect.gather [spmem:s3], $0x1, s2, s14, $0xb8;
	[tilespmem:$0x1E088] =	vst v63  }
0xc9: {  	s2 =	sadd.s32 $0xE388, s28;
	s20 =	simm.s32 $0x1A388  }
0xca: {  	[tilespmem:s20], [sflag:$0x1] =	stream.indirect.gather [spmem:s3], $0x1, s2, s14, $0xb8;
	[tilespmem:$0x1E088] =	vst v63  }
0xcb: {  	s2 =	sadd.s32 $0xE408, s28;
	s20 =	simm.s32 $0x1A408  }
0xcc: {  	[tilespmem:s20], [sflag:$0x1] =	stream.indirect.gather [spmem:s3], $0x1, s2, s14, $0xb8;
	[tilespmem:$0x1E088] =	vst v63  }
0xcd: {  	s2 =	sadd.s32 $0xE488, s28;
	s20 =	simm.s32 $0x1A488  }
0xce: {  	[tilespmem:s20], [sflag:$0x1] =	stream.indirect.gather [spmem:s3], $0x1, s2, s14, $0xb8;
	[tilespmem:$0x1E088] =	vst v63  }
0xcf: {  	s2 =	sadd.s32 $0xE508, s28;
	s20 =	simm.s32 $0x1A508  }
0xd0: {  	[tilespmem:s20], [sflag:$0x1] =	stream.indirect.gather [spmem:s3], $0x1, s2, s14, $0xb8;
	[tilespmem:$0x1E088] =	vst v63  }
0xd1: {  	s2 =	sadd.s32 $0xE588, s28;
	s20 =	simm.s32 $0x1A588  }
0xd2: {  	[tilespmem:s20], [sflag:$0x1] =	stream.indirect.gather [spmem:s3], $0x1, s2, s14, $0xb8;
	[tilespmem:$0x1E088] =	vst v63  }
0xd3: {  	s2 =	sadd.s32 $0xE608, s28;
	s20 =	simm.s32 $0x1A608  }
0xd4: {  	[tilespmem:s20], [sflag:$0x1] =	stream.indirect.gather [spmem:s3], $0x1, s2, s14, $0xb8;
	[tilespmem:$0x1E088] =	vst v63  }
0xd5: {  	s2 =	sadd.s32 $0xE688, s28;
	s20 =	simm.s32 $0x1A688  }
0xd6: {  	[tilespmem:s20], [sflag:$0x1] =	stream.indirect.gather [spmem:s3], $0x1, s2, s14, $0xb8;
	[tilespmem:$0x1E088] =	vst v63  }
0xd7: {  	s2 =	sadd.s32 $0xE708, s28;
	s20 =	simm.s32 $0x1A708  }
0xd8: {  	[tilespmem:s20], [sflag:$0x1] =	stream.indirect.gather [spmem:s3], $0x1, s2, s14, $0xb8;
	[tilespmem:$0x1E088] =	vst v63  }
0xd9: {  	s2 =	sadd.s32 $0xE788, s28;
	s20 =	simm.s32 $0x1A788  }
0xda: {  	[tilespmem:s20], [sflag:$0x1] =	stream.indirect.gather [spmem:s3], $0x1, s2, s14, $0xb8;
	[tilespmem:$0x1E088] =	vst v63  }
0xdb: {  	s2 =	sadd.s32 $0xE808, s28;
	s20 =	simm.s32 $0x1A808  }
0xdc: {  	[tilespmem:s20], [sflag:$0x1] =	stream.indirect.gather [spmem:s3], $0x1, s2, s14, $0xb8;
	[tilespmem:$0x1E088] =	vst v63  }
0xdd: {  	s2 =	sadd.s32 $0xE888, s28;
	s20 =	simm.s32 $0x1A888  }
0xde: {  	[tilespmem:s20], [sflag:$0x1] =	stream.indirect.gather [spmem:s3], $0x1, s2, s14, $0xb8;
	[tilespmem:$0x1E088] =	vst v63  }
0xdf: {  	s2 =	sadd.s32 $0xE908, s28;
	s20 =	simm.s32 $0x1A908  }
0xe0: {  	[tilespmem:s20], [sflag:$0x1] =	stream.indirect.gather [spmem:s3], $0x1, s2, s14, $0xb8;
	[tilespmem:$0x1E088] =	vst v63  }
0xe1: {  	s2 =	sadd.s32 $0xE988, s28;
	s20 =	simm.s32 $0x1A988  }
0xe2: {  	[tilespmem:s20], [sflag:$0x1] =	stream.indirect.gather [spmem:s3], $0x1, s2, s14, $0xb8;
	[tilespmem:$0x1E088] =	vst v63  }
0xe3: {  	s2 =	sadd.s32 $0xEA08, s28;
	s20 =	simm.s32 $0x1AA08  }
0xe4: {  	[tilespmem:s20], [sflag:$0x1] =	stream.indirect.gather [spmem:s3], $0x1, s2, s14, $0xb8;
	[tilespmem:$0x1E088] =	vst v63  }
0xe5: {  	s2 =	sadd.s32 $0xEA88, s28;
	s20 =	simm.s32 $0x1AA88  }
0xe6: {  	[tilespmem:s20], [sflag:$0x1] =	stream.indirect.gather [spmem:s3], $0x1, s2, s14, $0xb8;
	[tilespmem:$0x1E088] =	vst v63  }
0xe7: {  	s2 =	sadd.s32 $0xEB08, s28;
	s20 =	simm.s32 $0x1AB08  }
0xe8: {  	[tilespmem:s20], [sflag:$0x1] =	stream.indirect.gather [spmem:s3], $0x1, s2, s14, $0xb8;
	[tilespmem:$0x1E088] =	vst v63  }
0xe9: {  	s2 =	sadd.s32 $0xEB88, s28;
	s20 =	simm.s32 $0x1AB88  }
0xea: {  	[tilespmem:s20], [sflag:$0x1] =	stream.indirect.gather [spmem:s3], $0x1, s2, s14, $0xb8;
	[tilespmem:$0x1E088] =	vst v63  }
0xeb: {  	s2 =	sadd.s32 $0xEC08, s28;
	s20 =	simm.s32 $0x1AC08  }
0xec: {  	[tilespmem:s20], [sflag:$0x1] =	stream.indirect.gather [spmem:s3], $0x1, s2, s14, $0xb8;
	[tilespmem:$0x1E088] =	vst v63  }
0xed: {  	s2 =	sadd.s32 $0xEC88, s28;
	s20 =	simm.s32 $0x1AC88  }
0xee: {  	[tilespmem:s20], [sflag:$0x1] =	stream.indirect.gather [spmem:s3], $0x1, s2, s14, $0xb8;
	[tilespmem:$0x1E088] =	vst v63  }
0xef: {  	s2 =	sadd.s32 $0xED08, s28;
	s20 =	simm.s32 $0x1AD08  }
0xf0: {  	[tilespmem:s20], [sflag:$0x1] =	stream.indirect.gather [spmem:s3], $0x1, s2, s14, $0xb8;
	[tilespmem:$0x1E088] =	vst v63  }
0xf1: {  	s2 =	sadd.s32 $0xED88, s28;
	s20 =	simm.s32 $0x1AD88  }
0xf2: {  	[tilespmem:s20], [sflag:$0x1] =	stream.indirect.gather [spmem:s3], $0x1, s2, s14, $0xb8;
	[tilespmem:$0x1E088] =	vst v63  }
0xf3: {  	s2 =	sadd.s32 $0xEE08, s28;
	s20 =	simm.s32 $0x1AE08  }
0xf4: {  	[tilespmem:s20], [sflag:$0x1] =	stream.indirect.gather [spmem:s3], $0x1, s2, s14, $0xb8;
	[tilespmem:$0x1E088] =	vst v63  }
0xf5: {  	s2 =	sadd.s32 $0xEE88, s28;
	s20 =	simm.s32 $0x1AE88  }
0xf6: {  	[tilespmem:s20], [sflag:$0x1] =	stream.indirect.gather [spmem:s3], $0x1, s2, s14, $0xb8;
	[tilespmem:$0x1E088] =	vst v63  }
0xf7: {  	s2 =	sadd.s32 $0xEF08, s28;
	s20 =	simm.s32 $0x1AF08  }
0xf8: {  	[tilespmem:s20], [sflag:$0x1] =	stream.indirect.gather [spmem:s3], $0x1, s2, s14, $0xb8;
	[tilespmem:$0x1E088] =	vst v63  }
0xf9: {  	s2 =	sadd.s32 $0xEF88, s28;
	s20 =	simm.s32 $0x1AF88  }
0xfa: {  	[tilespmem:s20], [sflag:$0x1] =	stream.indirect.gather [spmem:s3], $0x1, s2, s14, $0xb8;
	[tilespmem:$0x1E088] =	vst v63  }
0xfb: {  	s2 =	sadd.s32 $0xF008, s28;
	s20 =	simm.s32 $0x1B008  }
0xfc: {  	[tilespmem:s20], [sflag:$0x1] =	stream.indirect.gather [spmem:s3], $0x1, s2, s14, $0xb8;
	[tilespmem:$0x1E088] =	vst v63  }
0xfd: {  	s2 =	sadd.s32 $0xF088, s28;
	s20 =	simm.s32 $0x1B088  }
0xfe: {  	[tilespmem:s20], [sflag:$0x1] =	stream.indirect.gather [spmem:s3], $0x1, s2, s14, $0xb8;
	[tilespmem:$0x1E088] =	vst v63  }
0xff: {  	s2 =	sadd.s32 $0xF108, s28;
	s20 =	simm.s32 $0x1B108  }
0x100: {  	[tilespmem:s20], [sflag:$0x1] =	stream.indirect.gather [spmem:s3], $0x1, s2, s14, $0xb8;
	[tilespmem:$0x1E088] =	vst v63  }
0x101: {  	s2 =	sadd.s32 $0xF188, s28;
	s20 =	simm.s32 $0x1B188  }
0x102: {  	[tilespmem:s20], [sflag:$0x1] =	stream.indirect.gather [spmem:s3], $0x1, s2, s14, $0xb8;
	[tilespmem:$0x1E088] =	vst v63  }
0x103: {  	s2 =	sadd.s32 $0xF208, s28;
	s20 =	simm.s32 $0x1B208  }
0x104: {  	[tilespmem:s20], [sflag:$0x1] =	stream.indirect.gather [spmem:s3], $0x1, s2, s14, $0xb8;
	[tilespmem:$0x1E088] =	vst v63  }
0x105: {  	s2 =	sadd.s32 $0xF288, s28;
	s20 =	simm.s32 $0x1B288  }
0x106: {  	[tilespmem:s20], [sflag:$0x1] =	stream.indirect.gather [spmem:s3], $0x1, s2, s14, $0xb8;
	[tilespmem:$0x1E088] =	vst v63  }
0x107: {  	s2 =	sadd.s32 $0xF308, s28;
	s20 =	simm.s32 $0x1B308  }
0x108: {  	[tilespmem:s20], [sflag:$0x1] =	stream.indirect.gather [spmem:s3], $0x1, s2, s14, $0xb8;
	[tilespmem:$0x1E088] =	vst v63  }
0x109: {  	s2 =	sadd.s32 $0xF388, s28;
	s20 =	simm.s32 $0x1B388  }
0x10a: {  	[tilespmem:s20], [sflag:$0x1] =	stream.indirect.gather [spmem:s3], $0x1, s2, s14, $0xb8;
	[tilespmem:$0x1E088] =	vst v63  }
0x10b: {  	s2 =	sadd.s32 $0xF408, s28;
	s20 =	simm.s32 $0x1B408  }
0x10c: {  	[tilespmem:s20], [sflag:$0x1] =	stream.indirect.gather [spmem:s3], $0x1, s2, s14, $0xb8;
	[tilespmem:$0x1E088] =	vst v63  }
0x10d: {  	s2 =	sadd.s32 $0xF488, s28;
	s20 =	simm.s32 $0x1B488  }
0x10e: {  	[tilespmem:s20], [sflag:$0x1] =	stream.indirect.gather [spmem:s3], $0x1, s2, s14, $0xb8;
	[tilespmem:$0x1E088] =	vst v63  }
0x10f: {  	s2 =	sadd.s32 $0xF508, s28;
	s20 =	simm.s32 $0x1B508  }
0x110: {  	[tilespmem:s20], [sflag:$0x1] =	stream.indirect.gather [spmem:s3], $0x1, s2, s14, $0xb8;
	[tilespmem:$0x1E088] =	vst v63  }
0x111: {  	s2 =	sadd.s32 $0xF588, s28;
	s20 =	simm.s32 $0x1B588  }
0x112: {  	[tilespmem:s20], [sflag:$0x1] =	stream.indirect.gather [spmem:s3], $0x1, s2, s14, $0xb8;
	[tilespmem:$0x1E088] =	vst v63  }
0x113: {  	s2 =	sadd.s32 $0xF608, s28;
	s20 =	simm.s32 $0x1B608  }
0x114: {  	[tilespmem:s20], [sflag:$0x1] =	stream.indirect.gather [spmem:s3], $0x1, s2, s14, $0xb8;
	[tilespmem:$0x1E088] =	vst v63  }
0x115: {  	s2 =	sadd.s32 $0xF688, s28;
	s20 =	simm.s32 $0x1B688  }
0x116: {  	[tilespmem:s20], [sflag:$0x1] =	stream.indirect.gather [spmem:s3], $0x1, s2, s14, $0xb8;
	[tilespmem:$0x1E088] =	vst v63  }
0x117: {  	s2 =	sadd.s32 $0xF708, s28;
	s20 =	simm.s32 $0x1B708  }
0x118: {  	[tilespmem:s20], [sflag:$0x1] =	stream.indirect.gather [spmem:s3], $0x1, s2, s14, $0xb8;
	[tilespmem:$0x1E088] =	vst v63  }
0x119: {  	s2 =	sadd.s32 $0xF788, s28;
	s20 =	simm.s32 $0x1B788  }
0x11a: {  	[tilespmem:s20], [sflag:$0x1] =	stream.indirect.gather [spmem:s3], $0x1, s2, s14, $0xb8;
	[tilespmem:$0x1E088] =	vst v63  }
0x11b: {  	s2 =	sadd.s32 $0xF808, s28;
	s20 =	simm.s32 $0x1B808  }
0x11c: {  	[tilespmem:s20], [sflag:$0x1] =	stream.indirect.gather [spmem:s3], $0x1, s2, s14, $0xb8;
	[tilespmem:$0x1E088] =	vst v63  }
0x11d: {  	s2 =	sadd.s32 $0xF888, s28;
	s20 =	simm.s32 $0x1B888  }
0x11e: {  	[tilespmem:s20], [sflag:$0x1] =	stream.indirect.gather [spmem:s3], $0x1, s2, s14, $0xb8;
	[tilespmem:$0x1E088] =	vst v63  }
0x11f: {  	s2 =	sadd.s32 $0xF908, s28;
	s20 =	simm.s32 $0x1B908  }
0x120: {  	[tilespmem:s20], [sflag:$0x1] =	stream.indirect.gather [spmem:s3], $0x1, s2, s14, $0xb8;
	[tilespmem:$0x1E088] =	vst v63  }
0x121: {  	s2 =	sadd.s32 $0xF988, s28;
	s20 =	simm.s32 $0x1B988  }
0x122: {  	[tilespmem:s20], [sflag:$0x1] =	stream.indirect.gather [spmem:s3], $0x1, s2, s14, $0xb8;
	[tilespmem:$0x1E088] =	vst v63  }
0x123: {  	s2 =	sadd.s32 $0xFA08, s28;
	s20 =	simm.s32 $0x1BA08  }
0x124: {  	[tilespmem:s20], [sflag:$0x1] =	stream.indirect.gather [spmem:s3], $0x1, s2, s14, $0xb8;
	[tilespmem:$0x1E088] =	vst v63  }
0x125: {  	s2 =	sadd.s32 $0xFA88, s28;
	s20 =	simm.s32 $0x1BA88  }
0x126: {  	[tilespmem:s20], [sflag:$0x1] =	stream.indirect.gather [spmem:s3], $0x1, s2, s14, $0xb8;
	[tilespmem:$0x1E088] =	vst v63  }
0x127: {  	s2 =	sadd.s32 $0xFB08, s28;
	s20 =	simm.s32 $0x1BB08  }
0x128: {  	[tilespmem:s20], [sflag:$0x1] =	stream.indirect.gather [spmem:s3], $0x1, s2, s14, $0xb8;
	[tilespmem:$0x1E088] =	vst v63  }
0x129: {  	s2 =	sadd.s32 $0xFB88, s28;
	s20 =	simm.s32 $0x1BB88  }
0x12a: {  	[tilespmem:s20], [sflag:$0x1] =	stream.indirect.gather [spmem:s3], $0x1, s2, s14, $0xb8;
	[tilespmem:$0x1E088] =	vst v63  }
0x12b: {  	s2 =	sadd.s32 $0xFC08, s28;
	s20 =	simm.s32 $0x1BC08  }
0x12c: {  	[tilespmem:s20], [sflag:$0x1] =	stream.indirect.gather [spmem:s3], $0x1, s2, s14, $0xb8;
	[tilespmem:$0x1E088] =	vst v63  }
0x12d: {  	s2 =	sadd.s32 $0xFC88, s28;
	s20 =	simm.s32 $0x1BC88  }
0x12e: {  	[tilespmem:s20], [sflag:$0x1] =	stream.indirect.gather [spmem:s3], $0x1, s2, s14, $0xb8;
	[tilespmem:$0x1E088] =	vst v63  }
0x12f: {  	s2 =	sadd.s32 $0xFD08, s28;
	s20 =	simm.s32 $0x1BD08  }
0x130: {  	[tilespmem:s20], [sflag:$0x1] =	stream.indirect.gather [spmem:s3], $0x1, s2, s14, $0xb8;
	[tilespmem:$0x1E088] =	vst v63  }
0x131: {  	s2 =	sadd.s32 $0xFD88, s28;
	s20 =	simm.s32 $0x1BD88  }
0x132: {  	[tilespmem:s20], [sflag:$0x1] =	stream.indirect.gather [spmem:s3], $0x1, s2, s14, $0xb8;
	[tilespmem:$0x1E088] =	vst v63  }
0x133: {  	s2 =	sadd.s32 $0xFE08, s28;
	s20 =	simm.s32 $0x1BE08  }
0x134: {  	[tilespmem:s20], [sflag:$0x1] =	stream.indirect.gather [spmem:s3], $0x1, s2, s14, $0xb8;
	[tilespmem:$0x1E088] =	vst v63  }
0x135: {  	s2 =	sadd.s32 $0xFE88, s28;
	s20 =	simm.s32 $0x1BE88  }
0x136: {  	[tilespmem:s20], [sflag:$0x1] =	stream.indirect.gather [spmem:s3], $0x1, s2, s14, $0xb8;
	[tilespmem:$0x1E088] =	vst v63  }
0x137: {  	s2 =	sadd.s32 $0xFF08, s28;
	s20 =	simm.s32 $0x1BF08  }
0x138: {  	[tilespmem:s20], [sflag:$0x1] =	stream.indirect.gather [spmem:s3], $0x1, s2, s14, $0xb8;
	[tilespmem:$0x1E088] =	vst v63  }
0x139: {  	s2 =	sadd.s32 $0xFF88, s28;
	s20 =	simm.s32 $0x1BF88  }
0x13a: {  	[tilespmem:s20], [sflag:$0x1] =	stream.indirect.gather [spmem:s3], $0x1, s2, s14, $0xb8;
	[tilespmem:$0x1E088] =	vst v63  }
0x13b: {  	s2 =	sadd.s32 $0x10008, s28;
	s20 =	simm.s32 $0x1C008  }
0x13c: {  	[tilespmem:s20], [sflag:$0x1] =	stream.indirect.gather [spmem:s3], $0x1, s2, s14, $0xb8;
	[tilespmem:$0x1E088] =	vst v63  }
0x13d: {  	s2 =	sadd.s32 $0x10088, s28;
	s20 =	simm.s32 $0x1C088  }
0x13e: {  	[tilespmem:s20], [sflag:$0x1] =	stream.indirect.gather [spmem:s3], $0x1, s2, s14, $0xb8;
	[tilespmem:$0x1E088] =	vst v63  }
0x13f: {  	s2 =	sadd.s32 $0x10108, s28;
	s20 =	simm.s32 $0x1C108  }
0x140: {  	[tilespmem:s20], [sflag:$0x1] =	stream.indirect.gather [spmem:s3], $0x1, s2, s14, $0xb8;
	[tilespmem:$0x1E088] =	vst v63  }
0x141: {  	s2 =	sadd.s32 $0x10188, s28;
	s20 =	simm.s32 $0x1C188  }
0x142: {  	[tilespmem:s20], [sflag:$0x1] =	stream.indirect.gather [spmem:s3], $0x1, s2, s14, $0xb8;
	[tilespmem:$0x1E088] =	vst v63  }
0x143: {  	s2 =	sadd.s32 $0x10208, s28;
	s20 =	simm.s32 $0x1C208  }
0x144: {  	[tilespmem:s20], [sflag:$0x1] =	stream.indirect.gather [spmem:s3], $0x1, s2, s14, $0xb8;
	[tilespmem:$0x1E088] =	vst v63  }
0x145: {  	s2 =	sadd.s32 $0x10288, s28;
	s20 =	simm.s32 $0x1C288  }
0x146: {  	[tilespmem:s20], [sflag:$0x1] =	stream.indirect.gather [spmem:s3], $0x1, s2, s14, $0xb8;
	[tilespmem:$0x1E088] =	vst v63  }
0x147: {  	s2 =	sadd.s32 $0x10308, s28;
	s20 =	simm.s32 $0x1C308  }
0x148: {  	[tilespmem:s20], [sflag:$0x1] =	stream.indirect.gather [spmem:s3], $0x1, s2, s14, $0xb8;
	[tilespmem:$0x1E088] =	vst v63  }
0x149: {  	s2 =	sadd.s32 $0x10388, s28;
	s20 =	simm.s32 $0x1C388  }
0x14a: {  	[tilespmem:s20], [sflag:$0x1] =	stream.indirect.gather [spmem:s3], $0x1, s2, s14, $0xb8;
	[tilespmem:$0x1E088] =	vst v63  }
0x14b: {  	s2 =	sadd.s32 $0x10408, s28;
	s20 =	simm.s32 $0x1C408  }
0x14c: {  	[tilespmem:s20], [sflag:$0x1] =	stream.indirect.gather [spmem:s3], $0x1, s2, s14, $0xb8;
	[tilespmem:$0x1E088] =	vst v63  }
0x14d: {  	s2 =	sadd.s32 $0x10488, s28;
	s20 =	simm.s32 $0x1C488  }
0x14e: {  	[tilespmem:s20], [sflag:$0x1] =	stream.indirect.gather [spmem:s3], $0x1, s2, s14, $0xb8;
	[tilespmem:$0x1E088] =	vst v63  }
0x14f: {  	s2 =	sadd.s32 $0x10508, s28;
	s20 =	simm.s32 $0x1C508  }
0x150: {  	[tilespmem:s20], [sflag:$0x1] =	stream.indirect.gather [spmem:s3], $0x1, s2, s14, $0xb8;
	[tilespmem:$0x1E088] =	vst v63  }
0x151: {  	s2 =	sadd.s32 $0x10588, s28;
	s20 =	simm.s32 $0x1C588  }
0x152: {  	[tilespmem:s20], [sflag:$0x1] =	stream.indirect.gather [spmem:s3], $0x1, s2, s14, $0xb8;
	[tilespmem:$0x1E088] =	vst v63  }
0x153: {  	s2 =	sadd.s32 $0x10608, s28;
	s20 =	simm.s32 $0x1C608  }
0x154: {  	[tilespmem:s20], [sflag:$0x1] =	stream.indirect.gather [spmem:s3], $0x1, s2, s14, $0xb8;
	[tilespmem:$0x1E088] =	vst v63  }
0x155: {  	s2 =	sadd.s32 $0x10688, s28;
	s20 =	simm.s32 $0x1C688  }
0x156: {  	[tilespmem:s20], [sflag:$0x1] =	stream.indirect.gather [spmem:s3], $0x1, s2, s14, $0xb8;
	[tilespmem:$0x1E088] =	vst v63  }
0x157: {  	s2 =	sadd.s32 $0x10708, s28;
	s20 =	simm.s32 $0x1C708  }
0x158: {  	[tilespmem:s20], [sflag:$0x1] =	stream.indirect.gather [spmem:s3], $0x1, s2, s14, $0xb8;
	[tilespmem:$0x1E088] =	vst v63  }
0x159: {  	s2 =	sadd.s32 $0x10788, s28;
	s20 =	simm.s32 $0x1C788  }
0x15a: {  	[tilespmem:s20], [sflag:$0x1] =	stream.indirect.gather [spmem:s3], $0x1, s2, s14, $0xb8;
	[tilespmem:$0x1E088] =	vst v63  }
0x15b: {  	s2 =	sadd.s32 $0x10808, s28;
	s20 =	simm.s32 $0x1C808  }
0x15c: {  	[tilespmem:s20], [sflag:$0x1] =	stream.indirect.gather [spmem:s3], $0x1, s2, s14, $0xb8;
	[tilespmem:$0x1E088] =	vst v63  }
0x15d: {  	s2 =	sadd.s32 $0x10888, s28;
	s20 =	simm.s32 $0x1C888  }
0x15e: {  	[tilespmem:s20], [sflag:$0x1] =	stream.indirect.gather [spmem:s3], $0x1, s2, s14, $0xb8;
	[tilespmem:$0x1E088] =	vst v63  }
0x15f: {  	s2 =	sadd.s32 $0x10908, s28;
	s20 =	simm.s32 $0x1C908  }
0x160: {  	[tilespmem:s20], [sflag:$0x1] =	stream.indirect.gather [spmem:s3], $0x1, s2, s14, $0xb8;
	[tilespmem:$0x1E088] =	vst v63  }
0x161: {  	s2 =	sadd.s32 $0x10988, s28;
	s20 =	simm.s32 $0x1C988  }
0x162: {  	[tilespmem:s20], [sflag:$0x1] =	stream.indirect.gather [spmem:s3], $0x1, s2, s14, $0xb8;
	[tilespmem:$0x1E088] =	vst v63  }
0x163: {  	s2 =	sadd.s32 $0x10A08, s28;
	s20 =	simm.s32 $0x1CA08  }
0x164: {  	[tilespmem:s20], [sflag:$0x1] =	stream.indirect.gather [spmem:s3], $0x1, s2, s14, $0xb8;
	[tilespmem:$0x1E088] =	vst v63  }
0x165: {  	s2 =	sadd.s32 $0x10A88, s28;
	s20 =	simm.s32 $0x1CA88  }
0x166: {  	[tilespmem:s20], [sflag:$0x1] =	stream.indirect.gather [spmem:s3], $0x1, s2, s14, $0xb8;
	[tilespmem:$0x1E088] =	vst v63  }
0x167: {  	s2 =	sadd.s32 $0x10B08, s28;
	s20 =	simm.s32 $0x1CB08  }
0x168: {  	[tilespmem:s20], [sflag:$0x1] =	stream.indirect.gather [spmem:s3], $0x1, s2, s14, $0xb8;
	[tilespmem:$0x1E088] =	vst v63  }
0x169: {  	s2 =	sadd.s32 $0x10B88, s28;
	s20 =	simm.s32 $0x1CB88  }
0x16a: {  	[tilespmem:s20], [sflag:$0x1] =	stream.indirect.gather [spmem:s3], $0x1, s2, s14, $0xb8;
	[tilespmem:$0x1E088] =	vst v63  }
0x16b: {  	s2 =	sadd.s32 $0x10C08, s28;
	s20 =	simm.s32 $0x1CC08  }
0x16c: {  	[tilespmem:s20], [sflag:$0x1] =	stream.indirect.gather [spmem:s3], $0x1, s2, s14, $0xb8;
	[tilespmem:$0x1E088] =	vst v63  }
0x16d: {  	s2 =	sadd.s32 $0x10C88, s28;
	s20 =	simm.s32 $0x1CC88  }
0x16e: {  	[tilespmem:s20], [sflag:$0x1] =	stream.indirect.gather [spmem:s3], $0x1, s2, s14, $0xb8;
	[tilespmem:$0x1E088] =	vst v63  }
0x16f: {  	s2 =	sadd.s32 $0x10D08, s28;
	s20 =	simm.s32 $0x1CD08  }
0x170: {  	[tilespmem:s20], [sflag:$0x1] =	stream.indirect.gather [spmem:s3], $0x1, s2, s14, $0xb8;
	[tilespmem:$0x1E088] =	vst v63  }
0x171: {  	s2 =	sadd.s32 $0x10D88, s28;
	s20 =	simm.s32 $0x1CD88  }
0x172: {  	[tilespmem:s20], [sflag:$0x1] =	stream.indirect.gather [spmem:s3], $0x1, s2, s14, $0xb8;
	[tilespmem:$0x1E088] =	vst v63  }
0x173: {  	s2 =	sadd.s32 $0x10E08, s28;
	s20 =	simm.s32 $0x1CE08  }
0x174: {  	[tilespmem:s20], [sflag:$0x1] =	stream.indirect.gather [spmem:s3], $0x1, s2, s14, $0xb8;
	[tilespmem:$0x1E088] =	vst v63  }
0x175: {  	s2 =	sadd.s32 $0x10E88, s28;
	s20 =	simm.s32 $0x1CE88  }
0x176: {  	[tilespmem:s20], [sflag:$0x1] =	stream.indirect.gather [spmem:s3], $0x1, s2, s14, $0xb8;
	[tilespmem:$0x1E088] =	vst v63  }
0x177: {  	s2 =	sadd.s32 $0x10F08, s28;
	s20 =	simm.s32 $0x1CF08  }
0x178: {  	[tilespmem:s20], [sflag:$0x1] =	stream.indirect.gather [spmem:s3], $0x1, s2, s14, $0xb8;
	[tilespmem:$0x1E088] =	vst v63  }
0x179: {  	s2 =	sadd.s32 $0x10F88, s28;
	s20 =	simm.s32 $0x1CF88  }
0x17a: {  	[tilespmem:s20], [sflag:$0x1] =	stream.indirect.gather [spmem:s3], $0x1, s2, s14, $0xb8;
	[tilespmem:$0x1E088] =	vst v63  }
0x17b: {  	s2 =	sadd.s32 $0x11008, s28;
	s20 =	simm.s32 $0x1D008  }
0x17c: {  	[tilespmem:s20], [sflag:$0x1] =	stream.indirect.gather [spmem:s3], $0x1, s2, s14, $0xb8;
	[tilespmem:$0x1E088] =	vst v63  }
0x17d: {  	s2 =	sadd.s32 $0x11088, s28;
	s20 =	simm.s32 $0x1D088  }
0x17e: {  	[tilespmem:s20], [sflag:$0x1] =	stream.indirect.gather [spmem:s3], $0x1, s2, s14, $0xb8;
	[tilespmem:$0x1E088] =	vst v63  }
0x17f: {  	s2 =	sadd.s32 $0x11108, s28;
	s20 =	simm.s32 $0x1D108  }
0x180: {  	[tilespmem:s20], [sflag:$0x1] =	stream.indirect.gather [spmem:s3], $0x1, s2, s14, $0xb8;
	[tilespmem:$0x1E088] =	vst v63  }
0x181: {  	s2 =	sadd.s32 $0x11188, s28;
	s20 =	simm.s32 $0x1D188  }
0x182: {  	[tilespmem:s20], [sflag:$0x1] =	stream.indirect.gather [spmem:s3], $0x1, s2, s14, $0xb8;
	[tilespmem:$0x1E088] =	vst v63  }
0x183: {  	s2 =	sadd.s32 $0x11208, s28;
	s20 =	simm.s32 $0x1D208  }
0x184: {  	[tilespmem:s20], [sflag:$0x1] =	stream.indirect.gather [spmem:s3], $0x1, s2, s14, $0xb8;
	[tilespmem:$0x1E088] =	vst v63  }
0x185: {  	s2 =	sadd.s32 $0x11288, s28;
	s20 =	simm.s32 $0x1D288  }
0x186: {  	[tilespmem:s20], [sflag:$0x1] =	stream.indirect.gather [spmem:s3], $0x1, s2, s14, $0xb8;
	[tilespmem:$0x1E088] =	vst v63  }
0x187: {  	s2 =	sadd.s32 $0x11308, s28;
	s20 =	simm.s32 $0x1D308  }
0x188: {  	[tilespmem:s20], [sflag:$0x1] =	stream.indirect.gather [spmem:s3], $0x1, s2, s14, $0xb8;
	[tilespmem:$0x1E088] =	vst v63  }
0x189: {  	s2 =	sadd.s32 $0x11388, s28;
	s20 =	simm.s32 $0x1D388  }
0x18a: {  	[tilespmem:s20], [sflag:$0x1] =	stream.indirect.gather [spmem:s3], $0x1, s2, s14, $0xb8;
	[tilespmem:$0x1E088] =	vst v63  }
0x18b: {  	s2 =	sadd.s32 $0x11408, s28;
	s20 =	simm.s32 $0x1D408  }
0x18c: {  	[tilespmem:s20], [sflag:$0x1] =	stream.indirect.gather [spmem:s3], $0x1, s2, s14, $0xb8;
	[tilespmem:$0x1E088] =	vst v63  }
0x18d: {  	s2 =	sadd.s32 $0x11488, s28;
	s20 =	simm.s32 $0x1D488  }
0x18e: {  	[tilespmem:s20], [sflag:$0x1] =	stream.indirect.gather [spmem:s3], $0x1, s2, s14, $0xb8;
	[tilespmem:$0x1E088] =	vst v63  }
0x18f: {  	s2 =	sadd.s32 $0x11508, s28;
	s20 =	simm.s32 $0x1D508  }
0x190: {  	[tilespmem:s20], [sflag:$0x1] =	stream.indirect.gather [spmem:s3], $0x1, s2, s14, $0xb8;
	[tilespmem:$0x1E088] =	vst v63  }
0x191: {  	s2 =	sadd.s32 $0x11588, s28;
	s20 =	simm.s32 $0x1D588  }
0x192: {  	[tilespmem:s20], [sflag:$0x1] =	stream.indirect.gather [spmem:s3], $0x1, s2, s14, $0xb8;
	[tilespmem:$0x1E088] =	vst v63  }
0x193: {  	s20 =	sadd.s32 $0x11608, s28  }
0x194: {  	[tilespmem:s21], [sflag:$0x1] =	stream.indirect.gather [spmem:s3], $0x1, s20, s14, $0xb8;
	[tilespmem:$0x1E088] =	vst v63  }
0x195: {  	s20 =	sadd.s32 $0x11688, s28  }
0x196: {  	[tilespmem:s22], [sflag:$0x1] =	stream.indirect.gather [spmem:s3], $0x1, s20, s14, $0xb8;
	[tilespmem:$0x1E088] =	vst v63  }
0x197: {  	s20 =	sadd.s32 $0x11708, s28  }
0x198: {  	[tilespmem:s23], [sflag:$0x1] =	stream.indirect.gather [spmem:s3], $0x1, s20, s14, $0xb8;
	[tilespmem:$0x1E088] =	vst v63  }
0x199: {  	s20 =	sadd.s32 $0x11788, s28  }
0x19a: {  	[tilespmem:s24], [sflag:$0x1] =	stream.indirect.gather [spmem:s3], $0x1, s20, s14, $0xb8;
	[tilespmem:$0x1E088] =	vst v63  }
0x19b: {  	s20 =	sadd.s32 $0x11808, s28  }
0x19c: {  	[tilespmem:s25], [sflag:$0x1] =	stream.indirect.gather [spmem:s3], $0x1, s20, s14, $0xb8;
	[tilespmem:$0x1E088] =	vst v63  }
0x19d: {  	s20 =	sadd.s32 $0x11888, s28  }
0x19e: {  	[tilespmem:s6], [sflag:$0x1] =	stream.indirect.gather [spmem:s3], $0x1, s20, s14, $0xb8;
	[tilespmem:$0x1E088] =	vst v63  }
0x19f: {  	s20 =	sadd.s32 $0x11908, s28  }
0x1a0: {  	[tilespmem:s30], [sflag:$0x1] =	stream.indirect.gather [spmem:s3], $0x1, s20, s14, $0xb8;
	[tilespmem:$0x1E088] =	vst v63  }
0x1a1: {  	s20 =	sadd.s32 $0x11988, s28  }
0x1a2: {  	[tilespmem:s7], [sflag:$0x1] =	stream.indirect.gather [spmem:s3], $0x1, s20, s14, $0xb8;
	[tilespmem:$0x1E088] =	vst v63  }
0x1a3: {  	s20 =	sadd.s32 $0x11A08, s28  }
0x1a4: {  	[tilespmem:s31], [sflag:$0x1] =	stream.indirect.gather [spmem:s3], $0x1, s20, s14, $0xb8;
	[tilespmem:$0x1E088] =	vst v63  }
0x1a5: {  	s20 =	sadd.s32 $0x11A88, s28  }
0x1a6: {  	[tilespmem:s29], [sflag:$0x1] =	stream.indirect.gather [spmem:s3], $0x1, s20, s14, $0xb8;
	[tilespmem:$0x1E088] =	vst v63  }
0x1a7: {  	s20 =	sadd.s32 $0x11B08, s28  }
0x1a8: {  	[tilespmem:s5], [sflag:$0x1] =	stream.indirect.gather [spmem:s3], $0x1, s20, s14, $0xb8;
	[tilespmem:$0x1E088] =	vst v63  }
0x1a9: {  	s20 =	sadd.s32 $0x11B88, s28  }
0x1aa: {  	[tilespmem:s9], [sflag:$0x1] =	stream.indirect.gather [spmem:s3], $0x1, s20, s14, $0xb8;
	[tilespmem:$0x1E088] =	vst v63  }
0x1ab: {  	s20 =	sadd.s32 $0x11C08, s28  }
0x1ac: {  	[tilespmem:s0], [sflag:$0x1] =	stream.indirect.gather [spmem:s3], $0x1, s20, s14, $0xb8;
	[tilespmem:$0x1E088] =	vst v63  }
0x1ad: {  	s20 =	sadd.s32 $0x11C88, s28  }
0x1ae: {  	[tilespmem:s4], [sflag:$0x1] =	stream.indirect.gather [spmem:s3], $0x1, s20, s14, $0xb8;
	[tilespmem:$0x1E088] =	vst v63  }
0x1af: {  	s20 =	sadd.s32 $0x11D08, s28  }
0x1b0: {  	[tilespmem:s8], [sflag:$0x1] =	stream.indirect.gather [spmem:s3], $0x1, s20, s14, $0xb8;
	[tilespmem:$0x1E088] =	vst v63  }
0x1b1: {  	s20 =	sadd.s32 $0x11D88, s28  }
0x1b2: {  	[tilespmem:s13], [sflag:$0x1] =	stream.indirect.gather [spmem:s3], $0x1, s20, s14, $0xb8;
	[tilespmem:$0x1E088] =	vst v63  }
0x1b3: {  	s20 =	sadd.s32 $0x11E08, s28  }
0x1b4: {  	[tilespmem:s1], [sflag:$0x1] =	stream.indirect.gather [spmem:s3], $0x1, s20, s14, $0xb8;
	[tilespmem:$0x1E088] =	vst v63  }
0x1b5: {  	s20 =	sadd.s32 $0x11E88, s28  }
0x1b6: {  	[tilespmem:s16], [sflag:$0x1] =	stream.indirect.gather [spmem:s3], $0x1, s20, s14, $0xb8;
	[tilespmem:$0x1E088] =	vst v63  }
0x1b7: {  	s20 =	sadd.s32 $0x11F08, s28  }
0x1b8: {  	[tilespmem:s17], [sflag:$0x1] =	stream.indirect.gather [spmem:s3], $0x1, s20, s14, $0xb8;
	[tilespmem:$0x1E088] =	vst v63  }
0x1b9: {  	s20 =	sadd.s32 $0x11F88, s28  }
0x1ba: {  	[tilespmem:s18], [sflag:$0x1] =	stream.indirect.gather [spmem:s3], $0x1, s20, s14, $0xb8;
	[tilespmem:$0x1E088] =	vst v63  }
0x1bb: {  	_ =	swait.ge [sflag:s12], $0x80  }
0x1bc: {  	[sflag:s12] =	ssyncset.done $0x0  }
0x1bd: {  	[sflag:s12] =	ssyncadd.s32 $0xFFFFFF80  }
0x1be: {  	_ =	swait.ge [sflag:s12], $0x80  }
0x1bf: {  	[sflag:s12] =	ssyncset.done $0x0  }
0x1c0: {  	[sflag:s12] =	ssyncadd.s32 $0xFFFFFF80  }
0x1c1: {  	_ =	swait.ge [sflag:s12], $0x80  }
0x1c2: {  	[sflag:s12] =	ssyncset.done $0x0  }
0x1c3: {  	[sflag:s12] =	ssyncadd.s32 $0xFFFFFF80  }
0x1c4: {  	_ =	swait.ge [sflag:s12], $0x80  }
0x1c5: {  	[sflag:s12] =	ssyncset.done $0x0  }
0x1c6: {  	[sflag:s12] =	ssyncadd.s32 $0xFFFFFF80  }
0x1c7: {  	_ =	swait.ge [sflag:s12], $0x80  }
0x1c8: {  	[sflag:s12] =	ssyncset.done $0x0  }
0x1c9: {  	[sflag:s12] =	ssyncadd.s32 $0xFFFFFF80  }
0x1ca: {  	_ =	swait.ge [sflag:s12], $0x80  }
0x1cb: {  	[sflag:s12] =	ssyncset.done $0x0  }
0x1cc: {  	[sflag:s12] =	ssyncadd.s32 $0xFFFFFF80  }
0x1cd: {  	_ =	swait.ge [sflag:s12], $0x80  }
0x1ce: {  	[sflag:s12] =	ssyncset.done $0x0  }
0x1cf: {  	[sflag:s12] =	ssyncadd.s32 $0xFFFFFF80  }
0x1d0: {  	_ =	swait.ge [sflag:s12], $0x80  }
0x1d1: {  	[sflag:s12] =	ssyncset.done $0x0  }
0x1d2: {  	[sflag:s12] =	ssyncadd.s32 $0xFFFFFF80  }
0x1d3: {  	_ =	swait.ge [sflag:s12], $0x80  }
0x1d4: {  	[sflag:s12] =	ssyncset.done $0x0  }
0x1d5: {  	[sflag:s12] =	ssyncadd.s32 $0xFFFFFF80  }
0x1d6: {  	_ =	swait.ge [sflag:s12], $0x80  }
0x1d7: {  	[sflag:s12] =	ssyncset.done $0x0  }
0x1d8: {  	[sflag:s12] =	ssyncadd.s32 $0xFFFFFF80  }
0x1d9: {  	_ =	swait.ge [sflag:s12], $0x80  }
0x1da: {  	[sflag:s12] =	ssyncset.done $0x0  }
0x1db: {  	[sflag:s12] =	ssyncadd.s32 $0xFFFFFF80  }
0x1dc: {  	_ =	swait.ge [sflag:s12], $0x80  }
0x1dd: {  	[sflag:s12] =	ssyncset.done $0x0  }
0x1de: {  	[sflag:s12] =	ssyncadd.s32 $0xFFFFFF80  }
0x1df: {  	_ =	swait.ge [sflag:s12], $0x80  }
0x1e0: {  	[sflag:s12] =	ssyncset.done $0x0  }
0x1e1: {  	[sflag:s12] =	ssyncadd.s32 $0xFFFFFF80  }
0x1e2: {  	_ =	swait.ge [sflag:s12], $0x80  }
0x1e3: {  	[sflag:s12] =	ssyncset.done $0x0  }
0x1e4: {  	[sflag:s12] =	ssyncadd.s32 $0xFFFFFF80  }
0x1e5: {  	_ =	swait.ge [sflag:s12], $0x80  }
0x1e6: {  	[sflag:s12] =	ssyncset.done $0x0  }
0x1e7: {  	[sflag:s12] =	ssyncadd.s32 $0xFFFFFF80  }
0x1e8: {  	_ =	swait.ge [sflag:s12], $0x80  }
0x1e9: {  	[sflag:s12] =	ssyncset.done $0x0  }
0x1ea: {  	[sflag:s12] =	ssyncadd.s32 $0xFFFFFF80  }
0x1eb: {  	_ =	swait.ge [sflag:s12], $0x80  }
0x1ec: {  	[sflag:s12] =	ssyncset.done $0x0  }
0x1ed: {  	[sflag:s12] =	ssyncadd.s32 $0xFFFFFF80  }
0x1ee: {  	_ =	swait.ge [sflag:s12], $0x80  }
0x1ef: {  	[sflag:s12] =	ssyncset.done $0x0  }
0x1f0: {  	[sflag:s12] =	ssyncadd.s32 $0xFFFFFF80  }
0x1f1: {  	_ =	swait.ge [sflag:s12], $0x80  }
0x1f2: {  	[sflag:s12] =	ssyncset.done $0x0  }
0x1f3: {  	[sflag:s12] =	ssyncadd.s32 $0xFFFFFF80  }
0x1f4: {  	_ =	swait.ge [sflag:s12], $0x80  }
0x1f5: {  	[sflag:s12] =	ssyncset.done $0x0  }
0x1f6: {  	[sflag:s12] =	ssyncadd.s32 $0xFFFFFF80  }
0x1f7: {  	_ =	swait.ge [sflag:s12], $0x80  }
0x1f8: {  	[sflag:s12] =	ssyncset.done $0x0  }
0x1f9: {  	[sflag:s12] =	ssyncadd.s32 $0xFFFFFF80  }
0x1fa: {  	_ =	swait.ge [sflag:s12], $0x80  }
0x1fb: {  	[sflag:s12] =	ssyncset.done $0x0  }
0x1fc: {  	[sflag:s12] =	ssyncadd.s32 $0xFFFFFF80  }
0x1fd: {  	_ =	swait.ge [sflag:s12], $0x80  }
0x1fe: {  	[sflag:s12] =	ssyncset.done $0x0  }
0x1ff: {  	[sflag:s12] =	ssyncadd.s32 $0xFFFFFF80  }
0x200: {  	_ =	swait.ge [sflag:s12], $0x80  }
0x201: {  	[sflag:s12] =	ssyncset.done $0x0  }
0x202: {  	[sflag:s12] =	ssyncadd.s32 $0xFFFFFF80  }
0x203: {  	_ =	swait.ge [sflag:s12], $0x80  }
0x204: {  	[sflag:s12] =	ssyncset.done $0x0  }
0x205: {  	[sflag:s12] =	ssyncadd.s32 $0xFFFFFF80  }
0x206: {  	_ =	swait.ge [sflag:s12], $0x80  }
0x207: {  	[sflag:s12] =	ssyncset.done $0x0  }
0x208: {  	[sflag:s12] =	ssyncadd.s32 $0xFFFFFF80  }
0x209: {  	_ =	swait.ge [sflag:s12], $0x80  }
0x20a: {  	[sflag:s12] =	ssyncset.done $0x0  }
0x20b: {  	[sflag:s12] =	ssyncadd.s32 $0xFFFFFF80  }
0x20c: {  	_ =	swait.ge [sflag:s12], $0x80  }
0x20d: {  	[sflag:s12] =	ssyncset.done $0x0  }
0x20e: {  	[sflag:s12] =	ssyncadd.s32 $0xFFFFFF80  }
0x20f: {  	_ =	swait.ge [sflag:s12], $0x80  }
0x210: {  	[sflag:s12] =	ssyncset.done $0x0  }
0x211: {  	[sflag:s12] =	ssyncadd.s32 $0xFFFFFF80  }
0x212: {  	_ =	swait.ge [sflag:s12], $0x80  }
0x213: {  	[sflag:s12] =	ssyncset.done $0x0  }
0x214: {  	[sflag:s12] =	ssyncadd.s32 $0xFFFFFF80  }
0x215: {  	_ =	swait.ge [sflag:s12], $0x80  }
0x216: {  	[sflag:s12] =	ssyncset.done $0x0  }
0x217: {  	[sflag:s12] =	ssyncadd.s32 $0xFFFFFF80  }
0x218: {  	_ =	swait.ge [sflag:s12], $0x80  }
0x219: {  	[sflag:s12] =	ssyncset.done $0x0  }
0x21a: {  	[sflag:s12] =	ssyncadd.s32 $0xFFFFFF80  }
0x21b: {  	_ =	swait.ge [sflag:s12], $0x80  }
0x21c: {  	[sflag:s12] =	ssyncset.done $0x0  }
0x21d: {  	[sflag:s12] =	ssyncadd.s32 $0xFFFFFF80  }
0x21e: {  	_ =	swait.ge [sflag:s12], $0x80  }
0x21f: {  	[sflag:s12] =	ssyncset.done $0x0  }
0x220: {  	[sflag:s12] =	ssyncadd.s32 $0xFFFFFF80  }
0x221: {  	_ =	swait.ge [sflag:s12], $0x80  }
0x222: {  	[sflag:s12] =	ssyncset.done $0x0  }
0x223: {  	[sflag:s12] =	ssyncadd.s32 $0xFFFFFF80  }
0x224: {  	_ =	swait.ge [sflag:s12], $0x80  }
0x225: {  	[sflag:s12] =	ssyncset.done $0x0  }
0x226: {  	[sflag:s12] =	ssyncadd.s32 $0xFFFFFF80  }
0x227: {  	_ =	swait.ge [sflag:s12], $0x80  }
0x228: {  	[sflag:s12] =	ssyncset.done $0x0  }
0x229: {  	[sflag:s12] =	ssyncadd.s32 $0xFFFFFF80  }
0x22a: {  	_ =	swait.ge [sflag:s12], $0x80  }
0x22b: {  	[sflag:s12] =	ssyncset.done $0x0  }
0x22c: {  	[sflag:s12] =	ssyncadd.s32 $0xFFFFFF80  }
0x22d: {  	_ =	swait.ge [sflag:s12], $0x80  }
0x22e: {  	[sflag:s12] =	ssyncset.done $0x0  }
0x22f: {  	[sflag:s12] =	ssyncadd.s32 $0xFFFFFF80  }
0x230: {  	_ =	swait.ge [sflag:s12], $0x80  }
0x231: {  	[sflag:s12] =	ssyncset.done $0x0  }
0x232: {  	[sflag:s12] =	ssyncadd.s32 $0xFFFFFF80  }
0x233: {  	_ =	swait.ge [sflag:s12], $0x80  }
0x234: {  	[sflag:s12] =	ssyncset.done $0x0  }
0x235: {  	[sflag:s12] =	ssyncadd.s32 $0xFFFFFF80  }
0x236: {  	_ =	swait.ge [sflag:s12], $0x80  }
0x237: {  	[sflag:s12] =	ssyncset.done $0x0  }
0x238: {  	[sflag:s12] =	ssyncadd.s32 $0xFFFFFF80  }
0x239: {  	_ =	swait.ge [sflag:s12], $0x80  }
0x23a: {  	[sflag:s12] =	ssyncset.done $0x0  }
0x23b: {  	[sflag:s12] =	ssyncadd.s32 $0xFFFFFF80  }
0x23c: {  	_ =	swait.ge [sflag:s12], $0x80  }
0x23d: {  	[sflag:s12] =	ssyncset.done $0x0  }
0x23e: {  	[sflag:s12] =	ssyncadd.s32 $0xFFFFFF80  }
0x23f: {  	_ =	swait.ge [sflag:s12], $0x80  }
0x240: {  	[sflag:s12] =	ssyncset.done $0x0  }
0x241: {  	[sflag:s12] =	ssyncadd.s32 $0xFFFFFF80  }
0x242: {  	_ =	swait.ge [sflag:s12], $0x80  }
0x243: {  	[sflag:s12] =	ssyncset.done $0x0  }
0x244: {  	[sflag:s12] =	ssyncadd.s32 $0xFFFFFF80  }
0x245: {  	_ =	swait.ge [sflag:s12], $0x80  }
0x246: {  	[sflag:s12] =	ssyncset.done $0x0  }
0x247: {  	[sflag:s12] =	ssyncadd.s32 $0xFFFFFF80  }
0x248: {  	_ =	swait.ge [sflag:s12], $0x80  }
0x249: {  	[sflag:s12] =	ssyncset.done $0x0  }
0x24a: {  	[sflag:s12] =	ssyncadd.s32 $0xFFFFFF80  }
0x24b: {  	_ =	swait.ge [sflag:s12], $0x80  }
0x24c: {  	[sflag:s12] =	ssyncset.done $0x0  }
0x24d: {  	[sflag:s12] =	ssyncadd.s32 $0xFFFFFF80  }
0x24e: {  	_ =	swait.ge [sflag:s12], $0x80  }
0x24f: {  	[sflag:s12] =	ssyncset.done $0x0  }
0x250: {  	[sflag:s12] =	ssyncadd.s32 $0xFFFFFF80  }
0x251: {  	_ =	swait.ge [sflag:s12], $0x80  }
0x252: {  	[sflag:s12] =	ssyncset.done $0x0  }
0x253: {  	[sflag:s12] =	ssyncadd.s32 $0xFFFFFF80  }
0x254: {  	_ =	swait.ge [sflag:s12], $0x80  }
0x255: {  	[sflag:s12] =	ssyncset.done $0x0  }
0x256: {  	[sflag:s12] =	ssyncadd.s32 $0xFFFFFF80  }
0x257: {  	_ =	swait.ge [sflag:s12], $0x80  }
0x258: {  	[sflag:s12] =	ssyncset.done $0x0  }
0x259: {  	[sflag:s12] =	ssyncadd.s32 $0xFFFFFF80  }
0x25a: {  	_ =	swait.ge [sflag:s12], $0x80  }
0x25b: {  	[sflag:s12] =	ssyncset.done $0x0  }
0x25c: {  	[sflag:s12] =	ssyncadd.s32 $0xFFFFFF80  }
0x25d: {  	_ =	swait.ge [sflag:s12], $0x80  }
0x25e: {  	[sflag:s12] =	ssyncset.done $0x0  }
0x25f: {  	[sflag:s12] =	ssyncadd.s32 $0xFFFFFF80  }
0x260: {  	_ =	swait.ge [sflag:s12], $0x80  }
0x261: {  	[sflag:s12] =	ssyncset.done $0x0  }
0x262: {  	[sflag:s12] =	ssyncadd.s32 $0xFFFFFF80  }
0x263: {  	_ =	swait.ge [sflag:s12], $0x80  }
0x264: {  	[sflag:s12] =	ssyncset.done $0x0  }
0x265: {  	[sflag:s12] =	ssyncadd.s32 $0xFFFFFF80  }
0x266: {  	_ =	swait.ge [sflag:s12], $0x80  }
0x267: {  	[sflag:s12] =	ssyncset.done $0x0  }
0x268: {  	[sflag:s12] =	ssyncadd.s32 $0xFFFFFF80  }
0x269: {  	_ =	swait.ge [sflag:s12], $0x80  }
0x26a: {  	[sflag:s12] =	ssyncset.done $0x0  }
0x26b: {  	[sflag:s12] =	ssyncadd.s32 $0xFFFFFF80  }
0x26c: {  	_ =	swait.ge [sflag:s12], $0x80  }
0x26d: {  	[sflag:s12] =	ssyncset.done $0x0  }
0x26e: {  	[sflag:s12] =	ssyncadd.s32 $0xFFFFFF80  }
0x26f: {  	_ =	swait.ge [sflag:s12], $0x80  }
0x270: {  	[sflag:s12] =	ssyncset.done $0x0  }
0x271: {  	[sflag:s12] =	ssyncadd.s32 $0xFFFFFF80  }
0x272: {  	_ =	swait.ge [sflag:s12], $0x80  }
0x273: {  	[sflag:s12] =	ssyncset.done $0x0  }
0x274: {  	[sflag:s12] =	ssyncadd.s32 $0xFFFFFF80  }
0x275: {  	_ =	swait.ge [sflag:s12], $0x80  }
0x276: {  	[sflag:s12] =	ssyncset.done $0x0  }
0x277: {  	[sflag:s12] =	ssyncadd.s32 $0xFFFFFF80  }
0x278: {  	_ =	swait.ge [sflag:s12], $0x80  }
0x279: {  	[sflag:s12] =	ssyncset.done $0x0  }
0x27a: {  	[sflag:s12] =	ssyncadd.s32 $0xFFFFFF80  }
0x27b: {  	_ =	swait.ge [sflag:s12], $0x80  }
0x27c: {  	[sflag:s12] =	ssyncset.done $0x0  }
0x27d: {  	[sflag:s12] =	ssyncadd.s32 $0xFFFFFF80  }
0x27e: {  	_ =	swait.ge [sflag:s12], $0x80  }
0x27f: {  	[sflag:s12] =	ssyncset.done $0x0  }
0x280: {  	[sflag:s12] =	ssyncadd.s32 $0xFFFFFF80  }
0x281: {  	_ =	swait.ge [sflag:s12], $0x80  }
0x282: {  	[sflag:s12] =	ssyncset.done $0x0  }
0x283: {  	[sflag:s12] =	ssyncadd.s32 $0xFFFFFF80  }
0x284: {  	_ =	swait.ge [sflag:s12], $0x80  }
0x285: {  	[sflag:s12] =	ssyncset.done $0x0  }
0x286: {  	[sflag:s12] =	ssyncadd.s32 $0xFFFFFF80  }
0x287: {  	_ =	swait.ge [sflag:s12], $0x80  }
0x288: {  	[sflag:s12] =	ssyncset.done $0x0  }
0x289: {  	[sflag:s12] =	ssyncadd.s32 $0xFFFFFF80  }
0x28a: {  	_ =	swait.ge [sflag:s12], $0x80  }
0x28b: {  	[sflag:s12] =	ssyncset.done $0x0  }
0x28c: {  	[sflag:s12] =	ssyncadd.s32 $0xFFFFFF80  }
0x28d: {  	_ =	swait.ge [sflag:s12], $0x80  }
0x28e: {  	[sflag:s12] =	ssyncset.done $0x0  }
0x28f: {  	[sflag:s12] =	ssyncadd.s32 $0xFFFFFF80  }
0x290: {  	_ =	swait.ge [sflag:s12], $0x80  }
0x291: {  	[sflag:s12] =	ssyncset.done $0x0  }
0x292: {  	[sflag:s12] =	ssyncadd.s32 $0xFFFFFF80  }
0x293: {  	_ =	swait.ge [sflag:s12], $0x80  }
0x294: {  	[sflag:s12] =	ssyncset.done $0x0  }
0x295: {  	[sflag:s12] =	ssyncadd.s32 $0xFFFFFF80  }
0x296: {  	_ =	swait.ge [sflag:s12], $0x80  }
0x297: {  	[sflag:s12] =	ssyncset.done $0x0  }
0x298: {  	[sflag:s12] =	ssyncadd.s32 $0xFFFFFF80  }
0x299: {  	_ =	swait.ge [sflag:s12], $0x80  }
0x29a: {  	[sflag:s12] =	ssyncset.done $0x0  }
0x29b: {  	[sflag:s12] =	ssyncadd.s32 $0xFFFFFF80  }
0x29c: {  	_ =	swait.ge [sflag:s12], $0x80  }
0x29d: {  	[sflag:s12] =	ssyncset.done $0x0  }
0x29e: {  	[sflag:s12] =	ssyncadd.s32 $0xFFFFFF80  }
0x29f: {  	_ =	swait.ge [sflag:s12], $0x80  }
0x2a0: {  	[sflag:s12] =	ssyncset.done $0x0  }
0x2a1: {  	[sflag:s12] =	ssyncadd.s32 $0xFFFFFF80  }
0x2a2: {  	_ =	swait.ge [sflag:s12], $0x80  }
0x2a3: {  	[sflag:s12] =	ssyncset.done $0x0  }
0x2a4: {  	[sflag:s12] =	ssyncadd.s32 $0xFFFFFF80  }
0x2a5: {  	_ =	swait.ge [sflag:s12], $0x80  }
0x2a6: {  	[sflag:s12] =	ssyncset.done $0x0  }
0x2a7: {  	[sflag:s12] =	ssyncadd.s32 $0xFFFFFF80  }
0x2a8: {  	_ =	swait.ge [sflag:s12], $0x80  }
0x2a9: {  	[sflag:s12] =	ssyncset.done $0x0  }
0x2aa: {  	[sflag:s12] =	ssyncadd.s32 $0xFFFFFF80  }
0x2ab: {  	_ =	swait.ge [sflag:s12], $0x80  }
0x2ac: {  	[sflag:s12] =	ssyncset.done $0x0  }
0x2ad: {  	[sflag:s12] =	ssyncadd.s32 $0xFFFFFF80  }
0x2ae: {  	_ =	swait.ge [sflag:s12], $0x80  }
0x2af: {  	[sflag:s12] =	ssyncset.done $0x0  }
0x2b0: {  	[sflag:s12] =	ssyncadd.s32 $0xFFFFFF80  }
0x2b1: {  	_ =	swait.ge [sflag:s12], $0x80  }
0x2b2: {  	[sflag:s12] =	ssyncset.done $0x0  }
0x2b3: {  	[sflag:s12] =	ssyncadd.s32 $0xFFFFFF80  }
0x2b4: {  	_ =	swait.ge [sflag:s12], $0x80  }
0x2b5: {  	[sflag:s12] =	ssyncset.done $0x0  }
0x2b6: {  	[sflag:s12] =	ssyncadd.s32 $0xFFFFFF80  }
0x2b7: {  	_ =	swait.ge [sflag:s12], $0x80  }
0x2b8: {  	[sflag:s12] =	ssyncset.done $0x0  }
0x2b9: {  	[sflag:s12] =	ssyncadd.s32 $0xFFFFFF80  }
0x2ba: {  	_ =	swait.ge [sflag:s12], $0x80  }
0x2bb: {  	[sflag:s12] =	ssyncset.done $0x0  }
0x2bc: {  	[sflag:s12] =	ssyncadd.s32 $0xFFFFFF80  }
0x2bd: {  	_ =	swait.ge [sflag:s12], $0x80  }
0x2be: {  	[sflag:s12] =	ssyncset.done $0x0  }
0x2bf: {  	[sflag:s12] =	ssyncadd.s32 $0xFFFFFF80  }
0x2c0: {  	_ =	swait.ge [sflag:s12], $0x80  }
0x2c1: {  	[sflag:s12] =	ssyncset.done $0x0  }
0x2c2: {  	[sflag:s12] =	ssyncadd.s32 $0xFFFFFF80  }
0x2c3: {  	_ =	swait.ge [sflag:s12], $0x80  }
0x2c4: {  	[sflag:s12] =	ssyncset.done $0x0  }
0x2c5: {  	[sflag:s12] =	ssyncadd.s32 $0xFFFFFF80  }
0x2c6: {  	_ =	swait.ge [sflag:s12], $0x80  }
0x2c7: {  	[sflag:s12] =	ssyncset.done $0x0  }
0x2c8: {  	[sflag:s12] =	ssyncadd.s32 $0xFFFFFF80  }
0x2c9: {  	_ =	swait.ge [sflag:s12], $0x80  }
0x2ca: {  	[sflag:s12] =	ssyncset.done $0x0  }
0x2cb: {  	[sflag:s12] =	ssyncadd.s32 $0xFFFFFF80  }
0x2cc: {  	_ =	swait.ge [sflag:s12], $0x80  }
0x2cd: {  	[sflag:s12] =	ssyncset.done $0x0  }
0x2ce: {  	[sflag:s12] =	ssyncadd.s32 $0xFFFFFF80  }
0x2cf: {  	_ =	swait.ge [sflag:s12], $0x80  }
0x2d0: {  	[sflag:s12] =	ssyncset.done $0x0  }
0x2d1: {  	[sflag:s12] =	ssyncadd.s32 $0xFFFFFF80  }
0x2d2: {  	_ =	swait.ge [sflag:s12], $0x80  }
0x2d3: {  	[sflag:s12] =	ssyncset.done $0x0  }
0x2d4: {  	[sflag:s12] =	ssyncadd.s32 $0xFFFFFF80  }
0x2d5: {  	_ =	swait.ge [sflag:s12], $0x80  }
0x2d6: {  	[sflag:s12] =	ssyncset.done $0x0  }
0x2d7: {  	[sflag:s12] =	ssyncadd.s32 $0xFFFFFF80  }
0x2d8: {  	_ =	swait.ge [sflag:s12], $0x80  }
0x2d9: {  	[sflag:s12] =	ssyncset.done $0x0  }
0x2da: {  	[sflag:s12] =	ssyncadd.s32 $0xFFFFFF80  }
0x2db: {  	_ =	swait.ge [sflag:s12], $0x80  }
0x2dc: {  	[sflag:s12] =	ssyncset.done $0x0  }
0x2dd: {  	[sflag:s12] =	ssyncadd.s32 $0xFFFFFF80  }
0x2de: {  	_ =	swait.ge [sflag:s12], $0x80  }
0x2df: {  	[sflag:s12] =	ssyncset.done $0x0  }
0x2e0: {  	[sflag:s12] =	ssyncadd.s32 $0xFFFFFF80  }
0x2e1: {  	_ =	swait.ge [sflag:s12], $0x80  }
0x2e2: {  	[sflag:s12] =	ssyncset.done $0x0  }
0x2e3: {  	[sflag:s12] =	ssyncadd.s32 $0xFFFFFF80  }
0x2e4: {  	_ =	swait.ge [sflag:s12], $0x80  }
0x2e5: {  	[sflag:s12] =	ssyncset.done $0x0  }
0x2e6: {  	[sflag:s12] =	ssyncadd.s32 $0xFFFFFF80  }
0x2e7: {  	_ =	swait.ge [sflag:s12], $0x80  }
0x2e8: {  	[sflag:s12] =	ssyncset.done $0x0  }
0x2e9: {  	[sflag:s12] =	ssyncadd.s32 $0xFFFFFF80  }
0x2ea: {  	_ =	swait.ge [sflag:s12], $0x80  }
0x2eb: {  	[sflag:s12] =	ssyncset.done $0x0  }
0x2ec: {  	[sflag:s12] =	ssyncadd.s32 $0xFFFFFF80  }
0x2ed: {  	_ =	swait.ge [sflag:s12], $0x80  }
0x2ee: {  	[sflag:s12] =	ssyncset.done $0x0  }
0x2ef: {  	[sflag:s12] =	ssyncadd.s32 $0xFFFFFF80  }
0x2f0: {  	_ =	swait.ge [sflag:s12], $0x80  }
0x2f1: {  	[sflag:s12] =	ssyncset.done $0x0  }
0x2f2: {  	[sflag:s12] =	ssyncadd.s32 $0xFFFFFF80  }
0x2f3: {  	_ =	swait.ge [sflag:s12], $0x80  }
0x2f4: {  	[sflag:s12] =	ssyncset.done $0x0  }
0x2f5: {  	[sflag:s12] =	ssyncadd.s32 $0xFFFFFF80  }
0x2f6: {  	_ =	swait.ge [sflag:s12], $0x80  }
0x2f7: {  	[sflag:s12] =	ssyncset.done $0x0  }
0x2f8: {  	[sflag:s12] =	ssyncadd.s32 $0xFFFFFF80  }
0x2f9: {  	_ =	swait.ge [sflag:s12], $0x80  }
0x2fa: {  	[sflag:s12] =	ssyncset.done $0x0  }
0x2fb: {  	[sflag:s12] =	ssyncadd.s32 $0xFFFFFF80  }
0x2fc: {  	_ =	swait.ge [sflag:s12], $0x80  }
0x2fd: {  	[sflag:s12] =	ssyncset.done $0x0  }
0x2fe: {  	[sflag:s12] =	ssyncadd.s32 $0xFFFFFF80  }
0x2ff: {  	_ =	swait.ge [sflag:s12], $0x80  }
0x300: {  	[sflag:s12] =	ssyncset.done $0x0  }
0x301: {  	[sflag:s12] =	ssyncadd.s32 $0xFFFFFF80  }
0x302: {  	_ =	swait.ge [sflag:s12], $0x80  }
0x303: {  	[sflag:s12] =	ssyncset.done $0x0  }
0x304: {  	[sflag:s12] =	ssyncadd.s32 $0xFFFFFF80  }
0x305: {  	_ =	swait.ge [sflag:s12], $0x80  }
0x306: {  	[sflag:s12] =	ssyncset.done $0x0  }
0x307: {  	[sflag:s12] =	ssyncadd.s32 $0xFFFFFF80  }
0x308: {  	_ =	swait.ge [sflag:s12], $0x80  }
0x309: {  	[sflag:s12] =	ssyncset.done $0x0  }
0x30a: {  	[sflag:s12] =	ssyncadd.s32 $0xFFFFFF80  }
0x30b: {  	_ =	swait.ge [sflag:s12], $0x80  }
0x30c: {  	[sflag:s12] =	ssyncset.done $0x0  }
0x30d: {  	[sflag:s12] =	ssyncadd.s32 $0xFFFFFF80  }
0x30e: {  	_ =	swait.ge [sflag:s12], $0x80  }
0x30f: {  	[sflag:s12] =	ssyncset.done $0x0  }
0x310: {  	[sflag:s12] =	ssyncadd.s32 $0xFFFFFF80  }
0x311: {  	_ =	swait.ge [sflag:s12], $0x80  }
0x312: {  	[sflag:s12] =	ssyncset.done $0x0  }
0x313: {  	[sflag:s12] =	ssyncadd.s32 $0xFFFFFF80  }
0x314: {  	_ =	swait.ge [sflag:s12], $0x80  }
0x315: {  	[sflag:s12] =	ssyncset.done $0x0  }
0x316: {  	[sflag:s12] =	ssyncadd.s32 $0xFFFFFF80  }
0x317: {  	_ =	swait.ge [sflag:s12], $0x80  }
0x318: {  	[sflag:s12] =	ssyncset.done $0x0  }
0x319: {  	[sflag:s12] =	ssyncadd.s32 $0xFFFFFF80  }
0x31a: {  	_ =	swait.ge [sflag:s12], $0x80  }
0x31b: {  	[sflag:s12] =	ssyncset.done $0x0  }
0x31c: {  	[sflag:s12] =	ssyncadd.s32 $0xFFFFFF80  }
0x31d: {  	_ =	swait.ge [sflag:s12], $0x80  }
0x31e: {  	[sflag:s12] =	ssyncset.done $0x0  }
0x31f: {  	[sflag:s12] =	ssyncadd.s32 $0xFFFFFF80  }
0x320: {  	_ =	swait.ge [sflag:s12], $0x80  }
0x321: {  	[sflag:s12] =	ssyncset.done $0x0  }
0x322: {  	[sflag:s12] =	ssyncadd.s32 $0xFFFFFF80  }
0x323: {  	_ =	swait.ge [sflag:s12], $0x80  }
0x324: {  	[sflag:s12] =	ssyncset.done $0x0  }
0x325: {  	[sflag:s12] =	ssyncadd.s32 $0xFFFFFF80  }
0x326: {  	_ =	swait.ge [sflag:s12], $0x80  }
0x327: {  	[sflag:s12] =	ssyncset.done $0x0  }
0x328: {  	[sflag:s12] =	ssyncadd.s32 $0xFFFFFF80  }
0x329: {  	_ =	swait.ge [sflag:s12], $0x80  }
0x32a: {  	[sflag:s12] =	ssyncset.done $0x0  }
0x32b: {  	[sflag:s12] =	ssyncadd.s32 $0xFFFFFF80  }
0x32c: {  	_ =	swait.ge [sflag:s12], $0x80  }
0x32d: {  	[sflag:s12] =	ssyncset.done $0x0  }
0x32e: {  	[sflag:s12] =	ssyncadd.s32 $0xFFFFFF80  }
0x32f: {  	_ =	swait.ge [sflag:s12], $0x80  }
0x330: {  	[sflag:s12] =	ssyncset.done $0x0  }
0x331: {  	[sflag:s12] =	ssyncadd.s32 $0xFFFFFF80  }
0x332: {  	_ =	swait.ge [sflag:s12], $0x80  }
0x333: {  	[sflag:s12] =	ssyncset.done $0x0  }
0x334: {  	[sflag:s12] =	ssyncadd.s32 $0xFFFFFF80  }
0x335: {  	_ =	swait.ge [sflag:s12], $0x80  }
0x336: {  	[sflag:s12] =	ssyncset.done $0x0  }
0x337: {  	[sflag:s12] =	ssyncadd.s32 $0xFFFFFF80  }
0x338: {  	_ =	swait.ge [sflag:s12], $0x80  }
0x339: {  	[sflag:s12] =	ssyncset.done $0x0  }
0x33a: {  	[sflag:s12] =	ssyncadd.s32 $0xFFFFFF80  }
0x33b: {  	_ =	swait.ge [sflag:s12], $0x80  }
0x33c: {  	[sflag:s12] =	ssyncset.done $0x0  }
0x33d: {  	[sflag:s12] =	ssyncadd.s32 $0xFFFFFF80  }
0x33e: {  	_ =	swait.ge [sflag:s12], $0x80  }
0x33f: {  	[sflag:s12] =	ssyncset.done $0x0  }
0x340: {  	[sflag:s12] =	ssyncadd.s32 $0xFFFFFF80  }
0x341: {  	_ =	swait.ge [sflag:s12], $0x80  }
0x342: {  	[sflag:s12] =	ssyncset.done $0x0  }
0x343: {  	[sflag:s12] =	ssyncadd.s32 $0xFFFFFF80  }
0x344: {  	_ =	swait.ge [sflag:s12], $0x80  }
0x345: {  	[sflag:s12] =	ssyncset.done $0x0  }
0x346: {  	[sflag:s12] =	ssyncadd.s32 $0xFFFFFF80  }
0x347: {  	_ =	swait.ge [sflag:s12], $0x80  }
0x348: {  	[sflag:s12] =	ssyncset.done $0x0  }
0x349: {  	[sflag:s12] =	ssyncadd.s32 $0xFFFFFF80  }
0x34a: {  	_ =	swait.ge [sflag:s12], $0x80  }
0x34b: {  	[sflag:s12] =	ssyncset.done $0x0  }
0x34c: {  	[sflag:s12] =	ssyncadd.s32 $0xFFFFFF80  }
0x34d: {  	_ =	swait.ge [sflag:s12], $0x80  }
0x34e: {  	[sflag:s12] =	ssyncset.done $0x0  }
0x34f: {  	[sflag:s12] =	ssyncadd.s32 $0xFFFFFF80  }
0x350: {  	_ =	swait.ge [sflag:s12], $0x80  }
0x351: {  	[sflag:s12] =	ssyncset.done $0x0  }
0x352: {  	[sflag:s12] =	ssyncadd.s32 $0xFFFFFF80  }
0x353: {  	_ =	swait.ge [sflag:s12], $0x80  }
0x354: {  	[sflag:s12] =	ssyncset.done $0x0  }
0x355: {  	[sflag:s12] =	ssyncadd.s32 $0xFFFFFF80  }
0x356: {  	_ =	swait.ge [sflag:s12], $0x80  }
0x357: {  	[sflag:s12] =	ssyncset.done $0x0  }
0x358: {  	[sflag:s12] =	ssyncadd.s32 $0xFFFFFF80  }
0x359: {  	_ =	swait.ge [sflag:s12], $0x80  }
0x35a: {  	[sflag:s12] =	ssyncset.done $0x0  }
0x35b: {  	[sflag:s12] =	ssyncadd.s32 $0xFFFFFF80  }
0x35c: {  	_ =	swait.ge [sflag:s12], $0x80  }
0x35d: {  	[sflag:s12] =	ssyncset.done $0x0  }
0x35e: {  	[sflag:s12] =	ssyncadd.s32 $0xFFFFFF80  }
0x35f: {  	_ =	swait.ge [sflag:s12], $0x80  }
0x360: {  	[sflag:s12] =	ssyncset.done $0x0  }
0x361: {  	[sflag:s12] =	ssyncadd.s32 $0xFFFFFF80  }
0x362: {  	_ =	swait.ge [sflag:s12], $0x80  }
0x363: {  	[sflag:s12] =	ssyncset.done $0x0  }
0x364: {  	[sflag:s12] =	ssyncadd.s32 $0xFFFFFF80  }
0x365: {  	_ =	swait.ge [sflag:s12], $0x80  }
0x366: {  	[sflag:s12] =	ssyncset.done $0x0  }
0x367: {  	[sflag:s12] =	ssyncadd.s32 $0xFFFFFF80  }
0x368: {  	_ =	swait.ge [sflag:s12], $0x80  }
0x369: {  	[sflag:s12] =	ssyncset.done $0x0  }
0x36a: {  	[sflag:s12] =	ssyncadd.s32 $0xFFFFFF80  }
0x36b: {  	_ =	swait.ge [sflag:s12], $0x80  }
0x36c: {  	[sflag:s12] =	ssyncset.done $0x0  }
0x36d: {  	[sflag:s12] =	ssyncadd.s32 $0xFFFFFF80  }
0x36e: {  	_ =	swait.ge [sflag:s12], $0x80  }
0x36f: {  	[sflag:s12] =	ssyncset.done $0x0  }
0x370: {  	[sflag:s12] =	ssyncadd.s32 $0xFFFFFF80  }
0x371: {  	_ =	swait.ge [sflag:s12], $0x80  }
0x372: {  	[sflag:s12] =	ssyncset.done $0x0  }
0x373: {  	[sflag:s12] =	ssyncadd.s32 $0xFFFFFF80  }
0x374: {  	_ =	swait.ge [sflag:s12], $0x80  }
0x375: {  	[sflag:s12] =	ssyncset.done $0x0  }
0x376: {  	[sflag:s12] =	ssyncadd.s32 $0xFFFFFF80  }
0x377: {  	_ =	swait.ge [sflag:s12], $0x80  }
0x378: {  	[sflag:s12] =	ssyncset.done $0x0  }
0x379: {  	[sflag:s12] =	ssyncadd.s32 $0xFFFFFF80  }
0x37a: {  	_ =	swait.ge [sflag:s12], $0x80  }
0x37b: {  	[sflag:s12] =	ssyncset.done $0x0  }
0x37c: {  	[sflag:s12] =	ssyncadd.s32 $0xFFFFFF80  }
0x37d: {  	_ =	swait.ge [sflag:s12], $0x80  }
0x37e: {  	[sflag:s12] =	ssyncset.done $0x0  }
0x37f: {  	[sflag:s12] =	ssyncadd.s32 $0xFFFFFF80  }
0x380: {  	_ =	swait.ge [sflag:s12], $0x80  }
0x381: {  	[sflag:s12] =	ssyncset.done $0x0  }
0x382: {  	[sflag:s12] =	ssyncadd.s32 $0xFFFFFF80  }
0x383: {  	_ =	swait.ge [sflag:s12], $0x80  }
0x384: {  	[sflag:s12] =	ssyncset.done $0x0  }
0x385: {  	[sflag:s12] =	ssyncadd.s32 $0xFFFFFF80  }
0x386: {  	_ =	swait.ge [sflag:s12], $0x80  }
0x387: {  	[sflag:s12] =	ssyncset.done $0x0  }
0x388: {  	[sflag:s12] =	ssyncadd.s32 $0xFFFFFF80  }
0x389: {  	_ =	swait.ge [sflag:s12], $0x80  }
0x38a: {  	[sflag:s12] =	ssyncset.done $0x0  }
0x38b: {  	[sflag:s12] =	ssyncadd.s32 $0xFFFFFF80  }
0x38c: {  	_ =	swait.ge [sflag:s12], $0x80  }
0x38d: {  	[sflag:s12] =	ssyncset.done $0x0  }
0x38e: {  	[sflag:s12] =	ssyncadd.s32 $0xFFFFFF80  }
0x38f: {  	_ =	swait.ge [sflag:s12], $0x80  }
0x390: {  	[sflag:s12] =	ssyncset.done $0x0  }
0x391: {  	[sflag:s12] =	ssyncadd.s32 $0xFFFFFF80  }
0x392: {  	_ =	swait.ge [sflag:s12], $0x80  }
0x393: {  	[sflag:s12] =	ssyncset.done $0x0  }
0x394: {  	[sflag:s12] =	ssyncadd.s32 $0xFFFFFF80  }
0x395: {  	_ =	swait.ge [sflag:s12], $0x80  }
0x396: {  	[sflag:s12] =	ssyncset.done $0x0  }
0x397: {  	[sflag:s12] =	ssyncadd.s32 $0xFFFFFF80  }
0x398: {  	_ =	swait.ge [sflag:s12], $0x80  }
0x399: {  	[sflag:s12] =	ssyncset.done $0x0  }
0x39a: {  	[sflag:s12] =	ssyncadd.s32 $0xFFFFFF80  }
0x39b: {  	_ =	swait.ge [sflag:s12], $0x80  }
0x39c: {  	[sflag:s12] =	ssyncset.done $0x0  }
0x39d: {  	[sflag:s12] =	ssyncadd.s32 $0xFFFFFF80  }
0x39e: {  	_ =	swait.ge [sflag:s12], $0x80  }
0x39f: {  	[sflag:s12] =	ssyncset.done $0x0  }
0x3a0: {  	[sflag:s12] =	ssyncadd.s32 $0xFFFFFF80  }
0x3a1: {  	_ =	swait.ge [sflag:s12], $0x80  }
0x3a2: {  	[sflag:s12] =	ssyncset.done $0x0  }
0x3a3: {  	[sflag:s12] =	ssyncadd.s32 $0xFFFFFF80  }
0x3a4: {  	_ =	swait.ge [sflag:s12], $0x80  }
0x3a5: {  	[sflag:s12] =	ssyncset.done $0x0  }
0x3a6: {  	[sflag:s12] =	ssyncadd.s32 $0xFFFFFF80  }
0x3a7: {  	_ =	swait.ge [sflag:s12], $0x80  }
0x3a8: {  	[sflag:s12] =	ssyncset.done $0x0  }
0x3a9: {  	[sflag:s12] =	ssyncadd.s32 $0xFFFFFF80  }
0x3aa: {  	_ =	swait.ge [sflag:s12], $0x80  }
0x3ab: {  	[sflag:s12] =	ssyncset.done $0x0  }
0x3ac: {  	[sflag:s12] =	ssyncadd.s32 $0xFFFFFF80  }
0x3ad: {  	_ =	swait.ge [sflag:s12], $0x80  }
0x3ae: {  	[sflag:s12] =	ssyncset.done $0x0  }
0x3af: {  	[sflag:s12] =	ssyncadd.s32 $0xFFFFFF80  }
0x3b0: {  	_ =	swait.ge [sflag:s12], $0x80  }
0x3b1: {  	[sflag:s12] =	ssyncset.done $0x0  }
0x3b2: {  	[sflag:s12] =	ssyncadd.s32 $0xFFFFFF80  }
0x3b3: {  	_ =	swait.ge [sflag:s12], $0x80  }
0x3b4: {  	[sflag:s12] =	ssyncset.done $0x0  }
0x3b5: {  	[sflag:s12] =	ssyncadd.s32 $0xFFFFFF80  }
0x3b6: {  	_ =	swait.ge [sflag:s12], $0x80  }
0x3b7: {  	[sflag:s12] =	ssyncset.done $0x0  }
0x3b8: {  	[sflag:s12] =	ssyncadd.s32 $0xFFFFFF80  }
0x3b9: {  	_ =	swait.ge [sflag:s12], $0x80  }
0x3ba: {  	[sflag:s12] =	ssyncset.done $0x0  }
0x3bb: {  	[sflag:s12] =	ssyncadd.s32 $0xFFFFFF80  }
0x3bc: {  	_ =	swait.ge [sflag:s12], $0x80  }
0x3bd: {  	[sflag:s12] =	ssyncset.done $0x0  }
0x3be: {  	[sflag:s12] =	ssyncadd.s32 $0xFFFFFF80  }
0x3bf: {  	_ =	swait.ge [sflag:s12], $0x80  }
0x3c0: {  	[sflag:s12] =	ssyncset.done $0x0  }
0x3c1: {  	[sflag:s12] =	ssyncadd.s32 $0xFFFFFF80  }
0x3c2: {  	_ =	swait.ge [sflag:s12], $0x80  }
0x3c3: {  	[sflag:s12] =	ssyncset.done $0x0  }
0x3c4: {  	[sflag:s12] =	ssyncadd.s32 $0xFFFFFF80  }
0x3c5: {  	_ =	swait.ge [sflag:s12], $0x80  }
0x3c6: {  	[sflag:s12] =	ssyncset.done $0x0  }
0x3c7: {  	[sflag:s12] =	ssyncadd.s32 $0xFFFFFF80  }
0x3c8: {  	_ =	swait.ge [sflag:s12], $0x80  }
0x3c9: {  	[sflag:s12] =	ssyncset.done $0x0  }
0x3ca: {  	[sflag:s12] =	ssyncadd.s32 $0xFFFFFF80  }
0x3cb: {  	_ =	swait.ge [sflag:s12], $0x80  }
0x3cc: {  	[sflag:s12] =	ssyncset.done $0x0  }
0x3cd: {  	[sflag:s12] =	ssyncadd.s32 $0xFFFFFF80  }
0x3ce: {  	_ =	swait.ge [sflag:s12], $0x80  }
0x3cf: {  	[sflag:s12] =	ssyncset.done $0x0  }
0x3d0: {  	[sflag:s12] =	ssyncadd.s32 $0xFFFFFF80  }
0x3d1: {  	_ =	swait.ge [sflag:s12], $0x80  }
0x3d2: {  	[sflag:s12] =	ssyncset.done $0x0  }
0x3d3: {  	[sflag:s12] =	ssyncadd.s32 $0xFFFFFF80  }
0x3d4: {  	_ =	swait.ge [sflag:s12], $0x80  }
0x3d5: {  	[sflag:s12] =	ssyncset.done $0x0  }
0x3d6: {  	[sflag:s12] =	ssyncadd.s32 $0xFFFFFF80  }
0x3d7: {  	_ =	swait.ge [sflag:s12], $0x80  }
0x3d8: {  	[sflag:s12] =	ssyncset.done $0x0  }
0x3d9: {  	[sflag:s12] =	ssyncadd.s32 $0xFFFFFF80  }
0x3da: {  	_ =	swait.ge [sflag:s12], $0x80  }
0x3db: {  	[sflag:s12] =	ssyncset.done $0x0  }
0x3dc: {  	[sflag:s12] =	ssyncadd.s32 $0xFFFFFF80  }
0x3dd: {  	_ =	swait.ge [sflag:s12], $0x80  }
0x3de: {  	[sflag:s12] =	ssyncset.done $0x0  }
0x3df: {  	[sflag:s12] =	ssyncadd.s32 $0xFFFFFF80  }
0x3e0: {  	_ =	swait.ge [sflag:s12], $0x80  }
0x3e1: {  	[sflag:s12] =	ssyncset.done $0x0  }
0x3e2: {  	[sflag:s12] =	ssyncadd.s32 $0xFFFFFF80  }
0x3e3: {  	_ =	swait.ge [sflag:s12], $0x80  }
0x3e4: {  	[sflag:s12] =	ssyncset.done $0x0  }
0x3e5: {  	[sflag:s12] =	ssyncadd.s32 $0xFFFFFF80  }
0x3e6: {  	_ =	swait.ge [sflag:s12], $0x80  }
0x3e7: {  	[sflag:s12] =	ssyncset.done $0x0  }
0x3e8: {  	[sflag:s12] =	ssyncadd.s32 $0xFFFFFF80  }
0x3e9: {  	_ =	swait.ge [sflag:s12], $0x80  }
0x3ea: {  	[sflag:s12] =	ssyncset.done $0x0  }
0x3eb: {  	[sflag:s12] =	ssyncadd.s32 $0xFFFFFF80  }
0x3ec: {  	_ =	swait.ge [sflag:s12], $0x80  }
0x3ed: {  	[sflag:s12] =	ssyncset.done $0x0  }
0x3ee: {  	[sflag:s12] =	ssyncadd.s32 $0xFFFFFF80  }
0x3ef: {  	_ =	swait.ge [sflag:s12], $0x80  }
0x3f0: {  	[sflag:s12] =	ssyncset.done $0x0  }
0x3f1: {  	[sflag:s12] =	ssyncadd.s32 $0xFFFFFF80  }
0x3f2: {  	_ =	swait.ge [sflag:s12], $0x80  }
0x3f3: {  	[sflag:s12] =	ssyncset.done $0x0  }
0x3f4: {  	[sflag:s12] =	ssyncadd.s32 $0xFFFFFF80  }
0x3f5: {  	_ =	swait.ge [sflag:s12], $0x80  }
0x3f6: {  	[sflag:s12] =	ssyncset.done $0x0  }
0x3f7: {  	[sflag:s12] =	ssyncadd.s32 $0xFFFFFF80  }
0x3f8: {  	s20 =	sadd.s32 s26, s28;
	_ =	swait.ge [sflag:s12], $0x80  }
0x3f9: {  	p3 =	por p2, p2;
	s2 =	sand.u32 $0x1FFFE070, s20;
	[sflag:s12] =	ssyncset.done $0x0  }
.Ltmp0:
0x3fa: {  	s2 =	sadd.s32 s10, s2;
	[sflag:s12] =	ssyncadd.s32 $0xFFFFFF80;
	(pc) =	sbr.rel @p3 .LBB2_3-.Ltmp0, $4  }
0x3fb: {  	[hbm4b:s2+s14] =	stream.strided.scatter [tilespmem:s15], [sflag:$0x2], $0x6000, s19, s14, $0x38;
	[tilespmem:$0x1E088] =	vst v63  }
0x3fc: {  	_ =	swait.ge [sflag:s11], $0x6000  }
0x3fd: {  	[sflag:s11] =	ssyncset.done $0x0  }
0x3fe: {  	p2 =	por $0x0, $0x0;
	s28 =	simm.s32 $0x6000;
	[sflag:s11] =	ssyncadd.s32 $0xFFFFA000  }
0x3ff: {  	s0 =	rddreg [dreg:$0xc]  }
0x400: {  	s0 =	sadd.s32 $0x1, s0  }
0x401: {  	p2 =	sne.s32 s0, $0x20  }
.Ltmp1:
0x402: {  	_ = 	snop;
	(pc) =	sbr.rel @p2 .LBB2_2-.Ltmp1, $2  }
0x403: {  	_ =	sdelay $0x1  }
0x404: {  	[bflag:$0x0] =	sbarrier.arrive $0xFFFF;
	_ =	sdelay $0x1  }
0x405: {  	s0 =	rddreg [dreg:$0xb]  }
0x406: {  	s2 =	rddreg [dreg:$0x9];
	s0 =	sadd.s32 $0x1, s0  }
0x407: {  	p2 =	sne.s32 s0, s2  }
.Ltmp2:
0x408: {  	_ = 	snop;
	(pc) =	sbr.rel @p2 .LBB2_1-.Ltmp2, $1  }
0x409: {  	_ =	sdelay $0x3  }
0x40a: {  	_ =	sfence.sel $0x180000  }
0x40b: {  	[bflag:$0x0] =	sbarrier.arrive $0xFFFF  }
0x40c: {  	_ =	strace $0x90000047  }
0x40d: {  	[bflag:$0x2] =	sbarrier.arrive $0xFFFF  }
0x40e: {  	s0 =	rddreg [dreg:$0x4]  }
0x40f: {  	s0 =	sadd.s32 @!p0 $0x100000, s0  }
0x410: {  	[sflag:s0] =	ssyncadd.tile.s32 @!p0 $0x1;
	_ =	shalt  }
.Lfunc_end2:
_tile_overlayer_lowered:
.L_overlay_start_2:
0x411: {  	(tag) =	ssettag $0x2  }
0x412: {  	s0 =	rddreg [dreg:$0x0];
	s2 =	stileid.u32  }
0x413: {  	s1 =	rddreg [dreg:$0x1];
	p0 =	sne.s32 s2, $0x0  }
0x414: {  	s3 =	rddreg [dreg:$0x2];
	[bflag:$0x3] =	sbarrier.arrive $0xFFFF;
	s2 =	simm.s32 @!p0 $0x1C02  }
0x415: {  	[timem:s3], [sflag:s2] =	dma.local @!p0 [hbm:s0], s1  }
0x416: {  	s0 =	simm.s32 @!p0 $0x2  }
0x417: {  	_ =	swait.ge @!p0 [sflag:s0], s1  }
0x418: {  	s1 =	ssub.s32 @!p0 $0x0, s1;
	[sflag:s0] =	ssyncset.done @!p0 $0x0  }
0x419: {  	[sflag:s0] =	ssyncadd.s32 @!p0 s1  }
0x41a: {  	[bflag:$0x3] =	sbarrier.arrive $0xFFFF  }
0x41b: {  	_ =	shalt  }

</sc_bundles>
